<compile_context>
chip_gen: v7x
topology: tpu7x:2x2x1
jax: 0.10.2.dev20260603
libtpu: 0.0.44.dev20260713+nightly
codegen_flags: <defaults>
</compile_context>

<pallas_src>
import functools

import jax
import jax.numpy as jnp
from jax import lax
from jax.experimental import pallas as pl
from jax.experimental.pallas import tpu as pltpu
from jax.experimental.pallas import tpu_sc as plsc

K_SEL = 120
N_REAL = 81900
N_PAD = 81920
NB = 128
QN = 900
CN = 91
NW = 32
BPW = NB // NW
CAP_A = 8208
CAP_B = 4112
INT_MIN = -(2 ** 31)
UH = 8
NV = N_PAD // 16


def _sc_body(keys_hbm, boxes_hbm, scale_hbm, sc_out, lb_out, bx_out,
             data, ca_k, ca_i, cb_k, cb_i, histL, hist1,
             win_k, win_i, srt_k, srt_i, boxbuf, scalebuf, cnts,
             sc_buf, lb_buf, bx_buf):
    wid = lax.axis_index("s") * 2 + lax.axis_index("c")
    iota = lax.broadcasted_iota(jnp.int32, (16,), 0)
    iota17 = iota * 17
    zeros16 = jnp.zeros((16,), jnp.int32)
    ones16 = jnp.ones((16,), jnp.int32)

    def zero_hist():
        def zh(m, c):
            for u in range(UH):
                histL[pl.ds((m * UH + u) * 16, 16)] = zeros16
            return c
        lax.fori_loop(0, 4352 // (16 * UH), zh, 0)

    def select_digit(k_need):
        def rb(g, c):
            acc = zeros16
            gbase = g * 272 + iota17
            for j in range(16):
                acc = acc + plsc.load_gather(histL, [gbase + j])
            hist1[pl.ds(g * 16, 16)] = acc
            return c
        lax.fori_loop(0, 16, rb, 0)

        def sb(t, carry):
            bsel, acc = carry
            g = 15 - t
            v = hist1[pl.ds(g * 16, 16)]
            suff = lax.rev(plsc.cumsum(lax.rev(v, (0,))), (0,))
            cnt_ge = acc + suff
            dv = jnp.where(cnt_ge >= k_need, g * 16 + iota, -1)
            bsel = jnp.maximum(bsel, jnp.max(dv))
            return bsel, acc + jnp.sum(v)
        bsel, _ = lax.fori_loop(0, 16, sb, (jnp.int32(-1), jnp.int32(0)))

        def cgb(g, acc):
            v = hist1[pl.ds(g * 16, 16)]
            return acc + jnp.sum(jnp.where((g * 16 + iota) > bsel, v, 0))
        cntgt = lax.fori_loop(0, 16, cgb, jnp.int32(0))
        return bsel, cntgt

    def mid_round(src_k, n_src, shift, base, k_r):
        zero_hist()
        himax = base + ((1 << (shift + 8)) - 1)

        def hb(i, c):
            kv = src_k[pl.ds(i * 16, 16)]
            m = (kv <= himax) & ((i * 16 + iota) < n_src)
            d = (kv >> shift) & 0xFF
            plsc.addupdate_scatter(histL, [d * 17 + iota], ones16, mask=m)
            return c
        lax.fori_loop(0, (n_src + 15) // 16, hb, 0)
        bsel, cg = select_digit(k_r)
        return base + (bsel << shift), cg

    def mid_collect(src_k, src_i, dst_k, dst_i, n_src, base, cap):
        def cb(i, coff):
            kv = src_k[pl.ds(i * 16, 16)]
            iv = src_i[pl.ds(i * 16, 16)]
            em = ((kv >= base) & ((i * 16 + iota) < n_src)
                  & (coff < cap - 16))
            plsc.store_compressed(dst_k.at[pl.ds(coff, 16)], kv, mask=em)
            plsc.store_compressed(dst_i.at[pl.ds(coff, 16)], iv, mask=em)
            return coff + jnp.sum(em)
        return lax.fori_loop(0, (n_src + 15) // 16, cb, jnp.int32(0))

    def per_batch(t, carry):
        b = wid * BPW + t
        pltpu.sync_copy(keys_hbm.at[pl.ds(b * N_PAD, N_PAD)], data)
        pltpu.sync_copy(boxes_hbm.at[pl.ds(b * (QN * 4), QN * 4)],
                        boxbuf.at[pl.ds(0, QN * 4)])
        pltpu.sync_copy(scale_hbm.at[pl.ds(b * 32, 32)], scalebuf)

        win_k[pl.ds(112, 16)] = jnp.full((16,), INT_MIN, jnp.int32)
        win_i[pl.ds(112, 16)] = N_PAD + iota

        zero_hist()

        @plsc.parallel_loop(0, NV, 1, unroll=UH)
        def _h1(i):
            kv = data[pl.ds(i * 16, 16)]
            d = (kv >> 24) + 128
            plsc.addupdate_scatter(histL, [d * 17 + iota], ones16)

        b1, cg1 = select_digit(jnp.int32(K_SEL))
        base = (b1 - 128) << 24

        @plsc.parallel_loop(0, NV, 1, unroll=UH)
        def _p1(i):
            em = data[pl.ds(i * 16, 16)] >= base
            pc = plsc.all_reduce_population_count(em)
            plsc.store_scatter(cnts, [iota * 0 + i], pc, mask=(iota == 0))

        def pb(g, acc):
            v = cnts[pl.ds(g * 16, 16)]
            incl = plsc.cumsum(v)
            cnts[pl.ds(g * 16, 16)] = incl - v + acc
            return acc + incl[15]
        c1n = lax.fori_loop(0, NV // 16, pb, jnp.int32(0))
        c1n = jnp.minimum(c1n, CAP_A - 16)

        @plsc.parallel_loop(0, NV, 1, unroll=UH)
        def _p2(i):
            kv = data[pl.ds(i * 16, 16)]
            coff = cnts[pl.ds(i, 16)][0]
            em = (kv >= base) & (coff < CAP_A - 16)
            plsc.store_compressed(ca_k.at[pl.ds(coff, 16)], kv, mask=em)
            plsc.store_compressed(ca_i.at[pl.ds(coff, 16)], i * 16 + iota,
                                  mask=em)

        k2 = K_SEL - cg1
        base, cg2 = mid_round(ca_k, c1n, 16, base, k2)
        c2n = mid_collect(ca_k, ca_i, cb_k, cb_i, c1n, base, CAP_B)
        k3 = k2 - cg2
        base, cg3 = mid_round(cb_k, c2n, 8, base, k3)
        c3n = mid_collect(cb_k, cb_i, ca_k, ca_i, c2n, base, CAP_A)
        k4 = k3 - cg3
        tkey, cg4 = mid_round(ca_k, c3n, 0, base, k4)
        k5 = k4 - cg4

        def fb(i, carry):
            woff, cseen = carry
            kv = ca_k[pl.ds(i * 16, 16)]
            iv = ca_i[pl.ds(i * 16, 16)]
            valid = (i * 16 + iota) < c3n
            wm = (kv > tkey) & valid
            plsc.store_compressed(win_k.at[pl.ds(woff, 16)], kv, mask=wm)
            plsc.store_compressed(win_i.at[pl.ds(woff, 16)], iv, mask=wm)
            woff = woff + jnp.sum(wm)
            em = (kv == tkey) & valid
            r = cseen + plsc.cumsum(em.astype(jnp.int32)) - 1
            tm = em & (r < k5)
            plsc.store_compressed(win_k.at[pl.ds(woff, 16)], kv, mask=tm)
            plsc.store_compressed(win_i.at[pl.ds(woff, 16)], iv, mask=tm)
            return woff + jnp.sum(tm), cseen + jnp.sum(em)
        lax.fori_loop(0, (c3n + 15) // 16, fb,
                      (jnp.int32(0), jnp.int32(0)))

        def rank_i(i, c):
            ki = win_k[pl.ds(i * 16, 16)]
            ii = win_i[pl.ds(i * 16, 16)]

            def rank_m(m, acc):
                for u in range(4):
                    mm = m * 4 + u
                    idxv = ((mm >> 4) << 4) + ((iota + mm) & 15)
                    kr = plsc.load_gather(win_k, [idxv])
                    ir = plsc.load_gather(win_i, [idxv])
                    beat = (kr > ki) | ((kr == ki) & (ir < ii))
                    acc = acc + beat.astype(jnp.int32)
                return acc
            pos = lax.fori_loop(0, 32, rank_m, zeros16)
            plsc.store_scatter(srt_k, [pos], ki)
            plsc.store_scatter(srt_i, [pos], ii)
            return c
        lax.fori_loop(0, 8, rank_i, 0)

        W = scalebuf[pl.ds(0, 16)]
        H = scalebuf[pl.ds(16, 16)]

        def out_v(v, c):
            kk = srt_k[pl.ds(v * 16, 16)]
            id2 = srt_i[pl.ds(v * 16, 16)]
            bits = jnp.where(kk >= 0, kk, kk ^ 0x7FFFFFFF)
            val = plsc.bitcast(bits, jnp.float32)
            sc_buf[pl.ds(v * 16, 16)] = 1.0 / (1.0 + jnp.exp(-val))
            lb_buf[pl.ds(v * 16, 16)] = id2 % CN
            q4 = jnp.minimum(id2 // CN, QN - 1) * 4
            cx = plsc.load_gather(boxbuf, [q4])
            cy = plsc.load_gather(boxbuf, [q4 + 1])
            w = plsc.load_gather(boxbuf, [q4 + 2])
            h = plsc.load_gather(boxbuf, [q4 + 3])
            bx_buf[pl.ds(v * 16, 16)] = (cx - 0.5 * w) * W
            bx_buf[pl.ds(128 + v * 16, 16)] = (cy - 0.5 * h) * H
            bx_buf[pl.ds(256 + v * 16, 16)] = (cx + 0.5 * w) * W
            bx_buf[pl.ds(384 + v * 16, 16)] = (cy + 0.5 * h) * H
            return c
        lax.fori_loop(0, 8, out_v, 0)

        pltpu.sync_copy(sc_buf, sc_out.at[pl.ds(b * 128, 128)])
        pltpu.sync_copy(lb_buf, lb_out.at[pl.ds(b * 128, 128)])
        pltpu.sync_copy(bx_buf, bx_out.at[pl.ds(b * 512, 512)])
        return carry

    lax.fori_loop(0, BPW, per_batch, 0)


@jax.jit
def _post_process_sc(keys_flat, boxes_flat, scale_flat):
    mesh = plsc.VectorSubcoreMesh(core_axis_name="c", subcore_axis_name="s")
    f = pl.kernel(
        _sc_body,
        out_type=(
            jax.ShapeDtypeStruct((NB * 128,), jnp.float32),
            jax.ShapeDtypeStruct((NB * 128,), jnp.int32),
            jax.ShapeDtypeStruct((NB * 512,), jnp.float32),
        ),
        mesh=mesh,
        compiler_params=pltpu.CompilerParams(needs_layout_passes=False),
        scratch_types=[
            pltpu.VMEM((N_PAD,), jnp.int32),
            pltpu.VMEM((CAP_A,), jnp.int32),
            pltpu.VMEM((CAP_A,), jnp.int32),
            pltpu.VMEM((CAP_B,), jnp.int32),
            pltpu.VMEM((CAP_B,), jnp.int32),
            pltpu.VMEM((4352,), jnp.int32),
            pltpu.VMEM((256,), jnp.int32),
            pltpu.VMEM((160,), jnp.int32),
            pltpu.VMEM((160,), jnp.int32),
            pltpu.VMEM((128,), jnp.int32),
            pltpu.VMEM((128,), jnp.int32),
            pltpu.VMEM((3616,), jnp.float32),
            pltpu.VMEM((32,), jnp.float32),
            pltpu.VMEM((NV + 16,), jnp.int32),
            pltpu.VMEM((128,), jnp.float32),
            pltpu.VMEM((128,), jnp.int32),
            pltpu.VMEM((512,), jnp.float32),
        ],
    )
    return f(keys_flat, boxes_flat, scale_flat)


def kernel(pred_logits, pred_boxes, target_sizes):
    B, Q, C = pred_logits.shape
    flat = pred_logits.reshape(B, Q * C)
    bits = lax.bitcast_convert_type(flat, jnp.int32)
    keys = jnp.where(bits >= 0, bits, bits ^ 0x7FFFFFFF)
    keys = jnp.pad(keys, ((0, 0), (0, N_PAD - N_REAL)),
                   constant_values=INT_MIN)
    ts = target_sizes.astype(jnp.float32)
    scale = jnp.concatenate(
        [jnp.tile(ts[:, 1:2], (1, 16)), jnp.tile(ts[:, 0:1], (1, 16))], axis=1)
    sc_f, lb_f, bx_f = _post_process_sc(
        keys.reshape(-1), pred_boxes.reshape(-1), scale.reshape(-1))
    scores = sc_f.reshape(B, 128)[:, :K_SEL]
    labels = lb_f.reshape(B, 128)[:, :K_SEL]
    boxes = bx_f.reshape(B, 4, 128)[:, :, :K_SEL].transpose(0, 2, 1)
    return scores, labels, boxes

# --- scband reference (transcript-rebuilt; emitter-appended) ---
"""Pipeline reference for scband-post-process-3315714752848 (READ-ONLY COPY).

The authoritative reference and input builder live on the scoring server;
editing this copy changes nothing except your own understanding.
"""

import jax, jax.numpy as jnp
import numpy as np

K_TOP = 120

def box_cxcywh_to_xyxy(b):
    cx, cy, w, h = b[..., 0], b[..., 1], b[..., 2], b[..., 3]
    return jnp.stack([cx - 0.5 * w, cy - 0.5 * h, cx + 0.5 * w, cy + 0.5 * h], axis=-1)

def setup_inputs(seed: int = 0) -> dict:
    key = jax.random.key(seed)
    k1, k2, k3 = jax.random.split(key, 3)
    pred_logits = jax.random.normal(k1, (128, 900, 91), dtype=jnp.float32)
    pred_boxes = jax.random.uniform(k2, (128, 900, 4), dtype=jnp.float32)
    target_sizes = jax.random.randint(k3, (128, 2), 0, 1333, dtype=jnp.int64) if jax.config.read('jax_enable_x64') else jax.random.randint(k3, (128, 2), 0, 1333, dtype=jnp.int32)
    return {"pred_logits": pred_logits, "pred_boxes": pred_boxes, "target_sizes": target_sizes}

def reference(pred_logits, pred_boxes, target_sizes):
    B, Q, C = pred_logits.shape
    prob = jax.nn.sigmoid(pred_logits)
    flat = prob.reshape(B, Q * C)
    topk_values, topk_indexes = jax.lax.top_k(flat, K_TOP)
    scores = topk_values
    topk_boxes = topk_indexes // C
    labels = topk_indexes % C
    boxes = box_cxcywh_to_xyxy(pred_boxes)
    gather_idx = jnp.broadcast_to(topk_boxes[:, :, None], (B, K_TOP, 4))
    boxes = jnp.take_along_axis(boxes, gather_idx, axis=1)
    ts = target_sizes.astype(jnp.float32)
    img_h = ts[:, 0]
    img_w = ts[:, 1]
    scale_fct = jnp.stack([img_w, img_h, img_w, img_h], axis=1)
    boxes = boxes * scale_fct[:, None, :]
    return scores, labels, boxes

if __name__ == "__main__":
    import jax
    _d = setup_inputs()
    print(jax.jit(kernel)(*tuple(_d.values())))

</pallas_src>

<mosaic_0001>
#map = affine_map<(d0, d1) -> (0)>
module attributes {stable_mosaic.version = 14 : i64} {
  func.func @_sc_body(%arg0: i32, %arg1: i32, %arg2: memref<10485760xi32, #tpu.memory_space<hbm>>, %arg3: memref<460800xf32, #tpu.memory_space<hbm>>, %arg4: memref<4096xf32, #tpu.memory_space<hbm>>, %arg5: memref<16384xf32, #tpu.memory_space<hbm>>, %arg6: memref<16384xi32, #tpu.memory_space<hbm>>, %arg7: memref<65536xf32, #tpu.memory_space<hbm>>, %arg8: memref<81920xi32, #tpu.memory_space<vmem>>, %arg9: memref<8208xi32, #tpu.memory_space<vmem>>, %arg10: memref<8208xi32, #tpu.memory_space<vmem>>, %arg11: memref<4112xi32, #tpu.memory_space<vmem>>, %arg12: memref<4112xi32, #tpu.memory_space<vmem>>, %arg13: memref<4352xi32, #tpu.memory_space<vmem>>, %arg14: memref<256xi32, #tpu.memory_space<vmem>>, %arg15: memref<160xi32, #tpu.memory_space<vmem>>, %arg16: memref<160xi32, #tpu.memory_space<vmem>>, %arg17: memref<128xi32, #tpu.memory_space<vmem>>, %arg18: memref<128xi32, #tpu.memory_space<vmem>>, %arg19: memref<3616xf32, #tpu.memory_space<vmem>>, %arg20: memref<32xf32, #tpu.memory_space<vmem>>, %arg21: memref<5136xi32, #tpu.memory_space<vmem>>, %arg22: memref<128xf32, #tpu.memory_space<vmem>>, %arg23: memref<128xi32, #tpu.memory_space<vmem>>, %arg24: memref<512xf32, #tpu.memory_space<vmem>>) attributes {dimension_semantics = [#tpu.dimension_semantics<core_parallel>, #tpu.dimension_semantics<subcore_parallel>], iteration_bounds = array<i64: 2, 16>, scalar_prefetch = 0 : i64, scratch_operands = 17 : i64, tpu.core_type = #tpu.core_type<sc_vector_subcore>, window_params = [{transform_indices = #map}, {transform_indices = #map}, {transform_indices = #map}, {transform_indices = #map}, {transform_indices = #map}, {transform_indices = #map}]} {
    %mul3A = arith.constant 2 : i32
    %mul3A_0 = arith.muli %arg1, %mul3A : i32
    %add3A = arith.addi %mul3A_0, %arg0 : i32
    %iota3A = tpu.iota {dimensions = array<i32: 0>} : vector<16xi32>
    %mul3A_1 = arith.constant 17 : i32
    %mul3A_2 = vector.broadcast %mul3A_1 : i32 to vector<16xi32>
    %mul3A_3 = arith.muli %iota3A, %mul3A_2 : vector<16xi32>
    %broadcast_in_dim3A = arith.constant 0 : i32
    %broadcast_in_dim3A_4 = vector.broadcast %broadcast_in_dim3A : i32 to vector<16xi32>
    %broadcast_in_dim3A_5 = arith.constant 1 : i32
    %broadcast_in_dim3A_6 = vector.broadcast %broadcast_in_dim3A_5 : i32 to vector<16xi32>
    %scan3A = arith.constant 0 : i32
    %scan3A_7 = arith.constant 0 : i32
    %scan3A_8 = arith.constant 4 : i32
    %scan3A_9 = arith.addi %scan3A_7, %scan3A_8 : i32
    %scan3A_10 = arith.constant 1 : i32
    scf.for %scan3A_12 = %scan3A_7 to %scan3A_9 step %scan3A_10  : i32 {
      %mul3A_13 = arith.constant 4 : i32
      %mul3A_14 = arith.muli %add3A, %mul3A_13 : i32
      %add3A_15 = arith.addi %mul3A_14, %scan3A_12 : i32
      %mul3A_16 = arith.constant 81920 : i32
      %mul3A_17 = arith.muli %add3A_15, %mul3A_16 : i32
      "tpu.region"() ({
        %run_scoped3A = tpu.sem_alloc : memref<!tpu.dma_semaphore, #tpu.memory_space<semaphore_mem>>
        %dma_start3A = tpu.memref_slice %arg2[%mul3A_17] : memref<10485760xi32, #tpu.memory_space<hbm>> -> memref<81920xi32, #tpu.memory_space<hbm>>
        %dma_start3A_413 = tpu.memref_slice %arg2[%mul3A_17] : memref<10485760xi32, #tpu.memory_space<hbm>> -> memref<81920xi32, #tpu.memory_space<hbm>>
        tpu.enqueue_dma source(%dma_start3A_413 : memref<81920xi32, #tpu.memory_space<hbm>>) target(%arg8 : memref<81920xi32, #tpu.memory_space<vmem>>) target_semaphore(%run_scoped3A : memref<!tpu.dma_semaphore, #tpu.memory_space<semaphore_mem>>)
        %dma_wait3A = tpu.memref_slice %arg2[%mul3A_17] : memref<10485760xi32, #tpu.memory_space<hbm>> -> memref<81920xi32, #tpu.memory_space<hbm>>
        %dma_wait3A_414 = tpu.memref_slice %arg2[%mul3A_17] : memref<10485760xi32, #tpu.memory_space<hbm>> -> memref<81920xi32, #tpu.memory_space<hbm>>
        tpu.wait_dma2 semaphore(%run_scoped3A : memref<!tpu.dma_semaphore, #tpu.memory_space<semaphore_mem>>) src(%dma_wait3A_414 : memref<81920xi32, #tpu.memory_space<hbm>>) dst(%arg8 : memref<81920xi32, #tpu.memory_space<vmem>>)
        tpu.yield
      }) : () -> ()
      %mul3A_18 = arith.constant 3600 : i32
      %mul3A_19 = arith.muli %add3A_15, %mul3A_18 : i32
      "tpu.region"() ({
        %run_scoped3A = tpu.sem_alloc : memref<!tpu.dma_semaphore, #tpu.memory_space<semaphore_mem>>
        %dma_start3A = arith.constant 0 : i32
        %dma_start3A_413 = tpu.memref_slice %arg19[%dma_start3A] : memref<3616xf32, #tpu.memory_space<vmem>> -> memref<3600xf32, #tpu.memory_space<vmem>>
        %dma_start3A_414 = tpu.memref_slice %arg3[%mul3A_19] : memref<460800xf32, #tpu.memory_space<hbm>> -> memref<3600xf32, #tpu.memory_space<hbm>>
        %dma_start3A_415 = arith.constant 0 : i32
        %dma_start3A_416 = tpu.memref_slice %arg19[%dma_start3A_415] : memref<3616xf32, #tpu.memory_space<vmem>> -> memref<3600xf32, #tpu.memory_space<vmem>>
        %dma_start3A_417 = tpu.memref_slice %arg3[%mul3A_19] : memref<460800xf32, #tpu.memory_space<hbm>> -> memref<3600xf32, #tpu.memory_space<hbm>>
        tpu.enqueue_dma source(%dma_start3A_417 : memref<3600xf32, #tpu.memory_space<hbm>>) target(%dma_start3A_416 : memref<3600xf32, #tpu.memory_space<vmem>>) target_semaphore(%run_scoped3A : memref<!tpu.dma_semaphore, #tpu.memory_space<semaphore_mem>>)
        %dma_wait3A = arith.constant 0 : i32
        %dma_wait3A_418 = tpu.memref_slice %arg19[%dma_wait3A] : memref<3616xf32, #tpu.memory_space<vmem>> -> memref<3600xf32, #tpu.memory_space<vmem>>
        %dma_wait3A_419 = tpu.memref_slice %arg3[%mul3A_19] : memref<460800xf32, #tpu.memory_space<hbm>> -> memref<3600xf32, #tpu.memory_space<hbm>>
        %dma_wait3A_420 = arith.constant 0 : i32
        %dma_wait3A_421 = tpu.memref_slice %arg19[%dma_wait3A_420] : memref<3616xf32, #tpu.memory_space<vmem>> -> memref<3600xf32, #tpu.memory_space<vmem>>
        %dma_wait3A_422 = tpu.memref_slice %arg3[%mul3A_19] : memref<460800xf32, #tpu.memory_space<hbm>> -> memref<3600xf32, #tpu.memory_space<hbm>>
        tpu.wait_dma2 semaphore(%run_scoped3A : memref<!tpu.dma_semaphore, #tpu.memory_space<semaphore_mem>>) src(%dma_wait3A_422 : memref<3600xf32, #tpu.memory_space<hbm>>) dst(%dma_wait3A_421 : memref<3600xf32, #tpu.memory_space<vmem>>)
        tpu.yield
      }) : () -> ()
      %mul3A_20 = arith.constant 32 : i32
      %mul3A_21 = arith.muli %add3A_15, %mul3A_20 : i32
      "tpu.region"() ({
        %run_scoped3A = tpu.sem_alloc : memref<!tpu.dma_semaphore, #tpu.memory_space<semaphore_mem>>
        %dma_start3A = tpu.memref_slice %arg4[%mul3A_21] : memref<4096xf32, #tpu.memory_space<hbm>> -> memref<32xf32, #tpu.memory_space<hbm>>
        %dma_start3A_413 = tpu.memref_slice %arg4[%mul3A_21] : memref<4096xf32, #tpu.memory_space<hbm>> -> memref<32xf32, #tpu.memory_space<hbm>>
        tpu.enqueue_dma source(%dma_start3A_413 : memref<32xf32, #tpu.memory_space<hbm>>) target(%arg20 : memref<32xf32, #tpu.memory_space<vmem>>) target_semaphore(%run_scoped3A : memref<!tpu.dma_semaphore, #tpu.memory_space<semaphore_mem>>)
        %dma_wait3A = tpu.memref_slice %arg4[%mul3A_21] : memref<4096xf32, #tpu.memory_space<hbm>> -> memref<32xf32, #tpu.memory_space<hbm>>
        %dma_wait3A_414 = tpu.memref_slice %arg4[%mul3A_21] : memref<4096xf32, #tpu.memory_space<hbm>> -> memref<32xf32, #tpu.memory_space<hbm>>
        tpu.wait_dma2 semaphore(%run_scoped3A : memref<!tpu.dma_semaphore, #tpu.memory_space<semaphore_mem>>) src(%dma_wait3A_414 : memref<32xf32, #tpu.memory_space<hbm>>) dst(%arg20 : memref<32xf32, #tpu.memory_space<vmem>>)
        tpu.yield
      }) : () -> ()
      %broadcast_in_dim3A_22 = arith.constant -2147483648 : i32
      %broadcast_in_dim3A_23 = vector.broadcast %broadcast_in_dim3A_22 : i32 to vector<16xi32>
      %swap3A = arith.constant 112 : index
      %swap3A_24 = tpu.vector_load %arg15[%swap3A] {strides = array<i32>} : memref<160xi32, #tpu.memory_space<vmem>>, vector<16xi32>,
      tpu.vector_store %arg15[%swap3A], %broadcast_in_dim3A_23 {strides = array<i32>} : memref<160xi32, #tpu.memory_space<vmem>>, vector<16xi32>,
      %add3A_25 = arith.constant 81920 : i32
      %add3A_26 = vector.broadcast %add3A_25 : i32 to vector<16xi32>
      %add3A_27 = arith.addi %add3A_26, %iota3A : vector<16xi32>
      %swap3A_28 = arith.constant 112 : index
      %swap3A_29 = tpu.vector_load %arg16[%swap3A_28] {strides = array<i32>} : memref<160xi32, #tpu.memory_space<vmem>>, vector<16xi32>,
      tpu.vector_store %arg16[%swap3A_28], %add3A_27 {strides = array<i32>} : memref<160xi32, #tpu.memory_space<vmem>>, vector<16xi32>,
      %scan3A_30 = arith.constant 0 : i32
      %scan3A_31 = arith.constant 0 : i32
      %scan3A_32 = arith.constant 34 : i32
      %scan3A_33 = arith.addi %scan3A_31, %scan3A_32 : i32
      %scan3A_34 = arith.constant 1 : i32
      scf.for %scan3A_413 = %scan3A_31 to %scan3A_33 step %scan3A_34  : i32 {
        %mul3A_414 = arith.constant 8 : i32
        %mul3A_415 = arith.muli %scan3A_413, %mul3A_414 : i32
        %add3A_416 = arith.constant 0 : i32
        %add3A_417 = arith.addi %mul3A_415, %add3A_416 : i32
        %mul3A_418 = arith.constant 16 : i32
        %mul3A_419 = arith.muli %add3A_417, %mul3A_418 : i32
        %swap3A_420 = arith.index_cast %mul3A_419 : i32 to index
        %swap3A_421 = tpu.vector_load %arg13[%swap3A_420] {strides = array<i32>} : memref<4352xi32, #tpu.memory_space<vmem>>, vector<16xi32>,
        tpu.vector_store %arg13[%swap3A_420], %broadcast_in_dim3A_4 {strides = array<i32>} : memref<4352xi32, #tpu.memory_space<vmem>>, vector<16xi32>,
        %mul3A_422 = arith.constant 8 : i32
        %mul3A_423 = arith.muli %scan3A_413, %mul3A_422 : i32
        %add3A_424 = arith.constant 1 : i32
        %add3A_425 = arith.addi %mul3A_423, %add3A_424 : i32
        %mul3A_426 = arith.constant 16 : i32
        %mul3A_427 = arith.muli %add3A_425, %mul3A_426 : i32
        %swap3A_428 = arith.index_cast %mul3A_427 : i32 to index
        %swap3A_429 = tpu.vector_load %arg13[%swap3A_428] {strides = array<i32>} : memref<4352xi32, #tpu.memory_space<vmem>>, vector<16xi32>,
        tpu.vector_store %arg13[%swap3A_428], %broadcast_in_dim3A_4 {strides = array<i32>} : memref<4352xi32, #tpu.memory_space<vmem>>, vector<16xi32>,
        %mul3A_430 = arith.constant 8 : i32
        %mul3A_431 = arith.muli %scan3A_413, %mul3A_430 : i32
        %add3A_432 = arith.constant 2 : i32
        %add3A_433 = arith.addi %mul3A_431, %add3A_432 : i32
        %mul3A_434 = arith.constant 16 : i32
        %mul3A_435 = arith.muli %add3A_433, %mul3A_434 : i32
        %swap3A_436 = arith.index_cast %mul3A_435 : i32 to index
        %swap3A_437 = tpu.vector_load %arg13[%swap3A_436] {strides = array<i32>} : memref<4352xi32, #tpu.memory_space<vmem>>, vector<16xi32>,
        tpu.vector_store %arg13[%swap3A_436], %broadcast_in_dim3A_4 {strides = array<i32>} : memref<4352xi32, #tpu.memory_space<vmem>>, vector<16xi32>,
        %mul3A_438 = arith.constant 8 : i32
        %mul3A_439 = arith.muli %scan3A_413, %mul3A_438 : i32
        %add3A_440 = arith.constant 3 : i32
        %add3A_441 = arith.addi %mul3A_439, %add3A_440 : i32
        %mul3A_442 = arith.constant 16 : i32
        %mul3A_443 = arith.muli %add3A_441, %mul3A_442 : i32
        %swap3A_444 = arith.index_cast %mul3A_443 : i32 to index
        %swap3A_445 = tpu.vector_load %arg13[%swap3A_444] {strides = array<i32>} : memref<4352xi32, #tpu.memory_space<vmem>>, vector<16xi32>,
        tpu.vector_store %arg13[%swap3A_444], %broadcast_in_dim3A_4 {strides = array<i32>} : memref<4352xi32, #tpu.memory_space<vmem>>, vector<16xi32>,
        %mul3A_446 = arith.constant 8 : i32
        %mul3A_447 = arith.muli %scan3A_413, %mul3A_446 : i32
        %add3A_448 = arith.constant 4 : i32
        %add3A_449 = arith.addi %mul3A_447, %add3A_448 : i32
        %mul3A_450 = arith.constant 16 : i32
        %mul3A_451 = arith.muli %add3A_449, %mul3A_450 : i32
        %swap3A_452 = arith.index_cast %mul3A_451 : i32 to index
        %swap3A_453 = tpu.vector_load %arg13[%swap3A_452] {strides = array<i32>} : memref<4352xi32, #tpu.memory_space<vmem>>, vector<16xi32>,
        tpu.vector_store %arg13[%swap3A_452], %broadcast_in_dim3A_4 {strides = array<i32>} : memref<4352xi32, #tpu.memory_space<vmem>>, vector<16xi32>,
        %mul3A_454 = arith.constant 8 : i32
        %mul3A_455 = arith.muli %scan3A_413, %mul3A_454 : i32
        %add3A_456 = arith.constant 5 : i32
        %add3A_457 = arith.addi %mul3A_455, %add3A_456 : i32
        %mul3A_458 = arith.constant 16 : i32
        %mul3A_459 = arith.muli %add3A_457, %mul3A_458 : i32
        %swap3A_460 = arith.index_cast %mul3A_459 : i32 to index
        %swap3A_461 = tpu.vector_load %arg13[%swap3A_460] {strides = array<i32>} : memref<4352xi32, #tpu.memory_space<vmem>>, vector<16xi32>,
        tpu.vector_store %arg13[%swap3A_460], %broadcast_in_dim3A_4 {strides = array<i32>} : memref<4352xi32, #tpu.memory_space<vmem>>, vector<16xi32>,
        %mul3A_462 = arith.constant 8 : i32
        %mul3A_463 = arith.muli %scan3A_413, %mul3A_462 : i32
        %add3A_464 = arith.constant 6 : i32
        %add3A_465 = arith.addi %mul3A_463, %add3A_464 : i32
        %mul3A_466 = arith.constant 16 : i32
        %mul3A_467 = arith.muli %add3A_465, %mul3A_466 : i32
        %swap3A_468 = arith.index_cast %mul3A_467 : i32 to index
        %swap3A_469 = tpu.vector_load %arg13[%swap3A_468] {strides = array<i32>} : memref<4352xi32, #tpu.memory_space<vmem>>, vector<16xi32>,
        tpu.vector_store %arg13[%swap3A_468], %broadcast_in_dim3A_4 {strides = array<i32>} : memref<4352xi32, #tpu.memory_space<vmem>>, vector<16xi32>,
        %mul3A_470 = arith.constant 8 : i32
        %mul3A_471 = arith.muli %scan3A_413, %mul3A_470 : i32
        %add3A_472 = arith.constant 7 : i32
        %add3A_473 = arith.addi %mul3A_471, %add3A_472 : i32
        %mul3A_474 = arith.constant 16 : i32
        %mul3A_475 = arith.muli %add3A_473, %mul3A_474 : i32
        %swap3A_476 = arith.index_cast %mul3A_475 : i32 to index
        %swap3A_477 = tpu.vector_load %arg13[%swap3A_476] {strides = array<i32>} : memref<4352xi32, #tpu.memory_space<vmem>>, vector<16xi32>,
        tpu.vector_store %arg13[%swap3A_476], %broadcast_in_dim3A_4 {strides = array<i32>} : memref<4352xi32, #tpu.memory_space<vmem>>, vector<16xi32>,
      }
      %scan3A_35 = arith.constant 34 : i32
      %parallel_loop3A = arith.constant 0 : i32
      %parallel_loop3A_36 = arith.constant 5120 : i32
      %parallel_loop3A_37 = arith.constant 1 : i32
      scf.for %parallel_loop3A_413 = %parallel_loop3A to %parallel_loop3A_36 step %parallel_loop3A_37  : i32 {
        %parallel_loop3A_414 = arith.constant 16 : i32
        %parallel_loop3A_415 = arith.muli %parallel_loop3A_413, %parallel_loop3A_414 : i32
        %parallel_loop3A_416 = arith.index_cast %parallel_loop3A_415 : i32 to index
        %parallel_loop3A_417 = tpu.vector_load %arg8[%parallel_loop3A_416] {strides = array<i32>} : memref<81920xi32, #tpu.memory_space<vmem>>, vector<16xi32>,
        %parallel_loop3A_418 = arith.constant 24 : i32
        %parallel_loop3A_419 = vector.broadcast %parallel_loop3A_418 : i32 to vector<16xi32>
        %parallel_loop3A_420 = arith.shrsi %parallel_loop3A_417, %parallel_loop3A_419 : vector<16xi32>
        %parallel_loop3A_421 = arith.constant 128 : i32
        %parallel_loop3A_422 = vector.broadcast %parallel_loop3A_421 : i32 to vector<16xi32>
        %parallel_loop3A_423 = arith.addi %parallel_loop3A_420, %parallel_loop3A_422 : vector<16xi32>
        %parallel_loop3A_424 = arith.constant 17 : i32
        %parallel_loop3A_425 = vector.broadcast %parallel_loop3A_424 : i32 to vector<16xi32>
        %parallel_loop3A_426 = arith.muli %parallel_loop3A_423, %parallel_loop3A_425 : vector<16xi32>
        %parallel_loop3A_427 = arith.addi %parallel_loop3A_426, %iota3A : vector<16xi32>
        tpu.vector_store_idx %arg13[%parallel_loop3A_427], %broadcast_in_dim3A_6 {add = true} : memref<4352xi32, #tpu.memory_space<vmem>>[vector<16xi32>], vector<16xi32>,
      } {sc.loop_unroll_factor = 8 : i64, sc.parallel_access}
      %scan3A_38 = arith.constant 0 : i32
      %scan3A_39 = arith.constant 0 : i32
      %scan3A_40 = arith.constant 16 : i32
      %scan3A_41 = arith.addi %scan3A_39, %scan3A_40 : i32
      %scan3A_42 = arith.constant 1 : i32
      scf.for %scan3A_413 = %scan3A_39 to %scan3A_41 step %scan3A_42  : i32 {
        %mul3A_414 = arith.constant 272 : i32
        %mul3A_415 = arith.muli %scan3A_413, %mul3A_414 : i32
        %add3A_416 = vector.broadcast %mul3A_415 : i32 to vector<16xi32>
        %add3A_417 = arith.addi %add3A_416, %mul3A_3 : vector<16xi32>
        %add3A_418 = arith.constant 0 : i32
        %add3A_419 = vector.broadcast %add3A_418 : i32 to vector<16xi32>
        %add3A_420 = arith.addi %add3A_417, %add3A_419 : vector<16xi32>
        %gather3A = tpu.vector_load_idx %arg13[%add3A_420] : memref<4352xi32, #tpu.memory_space<vmem>>[vector<16xi32>], vector<16xi32>,
        %add3A_421 = arith.addi %broadcast_in_dim3A_4, %gather3A : vector<16xi32>
        %add3A_422 = arith.constant 1 : i32
        %add3A_423 = vector.broadcast %add3A_422 : i32 to vector<16xi32>
        %add3A_424 = arith.addi %add3A_417, %add3A_423 : vector<16xi32>
        %gather3A_425 = tpu.vector_load_idx %arg13[%add3A_424] : memref<4352xi32, #tpu.memory_space<vmem>>[vector<16xi32>], vector<16xi32>,
        %add3A_426 = arith.addi %add3A_421, %gather3A_425 : vector<16xi32>
        %add3A_427 = arith.constant 2 : i32
        %add3A_428 = vector.broadcast %add3A_427 : i32 to vector<16xi32>
        %add3A_429 = arith.addi %add3A_417, %add3A_428 : vector<16xi32>
        %gather3A_430 = tpu.vector_load_idx %arg13[%add3A_429] : memref<4352xi32, #tpu.memory_space<vmem>>[vector<16xi32>], vector<16xi32>,
        %add3A_431 = arith.addi %add3A_426, %gather3A_430 : vector<16xi32>
        %add3A_432 = arith.constant 3 : i32
        %add3A_433 = vector.broadcast %add3A_432 : i32 to vector<16xi32>
        %add3A_434 = arith.addi %add3A_417, %add3A_433 : vector<16xi32>
        %gather3A_435 = tpu.vector_load_idx %arg13[%add3A_434] : memref<4352xi32, #tpu.memory_space<vmem>>[vector<16xi32>], vector<16xi32>,
        %add3A_436 = arith.addi %add3A_431, %gather3A_435 : vector<16xi32>
        %add3A_437 = arith.constant 4 : i32
        %add3A_438 = vector.broadcast %add3A_437 : i32 to vector<16xi32>
        %add3A_439 = arith.addi %add3A_417, %add3A_438 : vector<16xi32>
        %gather3A_440 = tpu.vector_load_idx %arg13[%add3A_439] : memref<4352xi32, #tpu.memory_space<vmem>>[vector<16xi32>], vector<16xi32>,
        %add3A_441 = arith.addi %add3A_436, %gather3A_440 : vector<16xi32>
        %add3A_442 = arith.constant 5 : i32
        %add3A_443 = vector.broadcast %add3A_442 : i32 to vector<16xi32>
        %add3A_444 = arith.addi %add3A_417, %add3A_443 : vector<16xi32>
        %gather3A_445 = tpu.vector_load_idx %arg13[%add3A_444] : memref<4352xi32, #tpu.memory_space<vmem>>[vector<16xi32>], vector<16xi32>,
        %add3A_446 = arith.addi %add3A_441, %gather3A_445 : vector<16xi32>
        %add3A_447 = arith.constant 6 : i32
        %add3A_448 = vector.broadcast %add3A_447 : i32 to vector<16xi32>
        %add3A_449 = arith.addi %add3A_417, %add3A_448 : vector<16xi32>
        %gather3A_450 = tpu.vector_load_idx %arg13[%add3A_449] : memref<4352xi32, #tpu.memory_space<vmem>>[vector<16xi32>], vector<16xi32>,
        %add3A_451 = arith.addi %add3A_446, %gather3A_450 : vector<16xi32>
        %add3A_452 = arith.constant 7 : i32
        %add3A_453 = vector.broadcast %add3A_452 : i32 to vector<16xi32>
        %add3A_454 = arith.addi %add3A_417, %add3A_453 : vector<16xi32>
        %gather3A_455 = tpu.vector_load_idx %arg13[%add3A_454] : memref<4352xi32, #tpu.memory_space<vmem>>[vector<16xi32>], vector<16xi32>,
        %add3A_456 = arith.addi %add3A_451, %gather3A_455 : vector<16xi32>
        %add3A_457 = arith.constant 8 : i32
        %add3A_458 = vector.broadcast %add3A_457 : i32 to vector<16xi32>
        %add3A_459 = arith.addi %add3A_417, %add3A_458 : vector<16xi32>
        %gather3A_460 = tpu.vector_load_idx %arg13[%add3A_459] : memref<4352xi32, #tpu.memory_space<vmem>>[vector<16xi32>], vector<16xi32>,
        %add3A_461 = arith.addi %add3A_456, %gather3A_460 : vector<16xi32>
        %add3A_462 = arith.constant 9 : i32
        %add3A_463 = vector.broadcast %add3A_462 : i32 to vector<16xi32>
        %add3A_464 = arith.addi %add3A_417, %add3A_463 : vector<16xi32>
        %gather3A_465 = tpu.vector_load_idx %arg13[%add3A_464] : memref<4352xi32, #tpu.memory_space<vmem>>[vector<16xi32>], vector<16xi32>,
        %add3A_466 = arith.addi %add3A_461, %gather3A_465 : vector<16xi32>
        %add3A_467 = arith.constant 10 : i32
        %add3A_468 = vector.broadcast %add3A_467 : i32 to vector<16xi32>
        %add3A_469 = arith.addi %add3A_417, %add3A_468 : vector<16xi32>
        %gather3A_470 = tpu.vector_load_idx %arg13[%add3A_469] : memref<4352xi32, #tpu.memory_space<vmem>>[vector<16xi32>], vector<16xi32>,
        %add3A_471 = arith.addi %add3A_466, %gather3A_470 : vector<16xi32>
        %add3A_472 = arith.constant 11 : i32
        %add3A_473 = vector.broadcast %add3A_472 : i32 to vector<16xi32>
        %add3A_474 = arith.addi %add3A_417, %add3A_473 : vector<16xi32>
        %gather3A_475 = tpu.vector_load_idx %arg13[%add3A_474] : memref<4352xi32, #tpu.memory_space<vmem>>[vector<16xi32>], vector<16xi32>,
        %add3A_476 = arith.addi %add3A_471, %gather3A_475 : vector<16xi32>
        %add3A_477 = arith.constant 12 : i32
        %add3A_478 = vector.broadcast %add3A_477 : i32 to vector<16xi32>
        %add3A_479 = arith.addi %add3A_417, %add3A_478 : vector<16xi32>
        %gather3A_480 = tpu.vector_load_idx %arg13[%add3A_479] : memref<4352xi32, #tpu.memory_space<vmem>>[vector<16xi32>], vector<16xi32>,
        %add3A_481 = arith.addi %add3A_476, %gather3A_480 : vector<16xi32>
        %add3A_482 = arith.constant 13 : i32
        %add3A_483 = vector.broadcast %add3A_482 : i32 to vector<16xi32>
        %add3A_484 = arith.addi %add3A_417, %add3A_483 : vector<16xi32>
        %gather3A_485 = tpu.vector_load_idx %arg13[%add3A_484] : memref<4352xi32, #tpu.memory_space<vmem>>[vector<16xi32>], vector<16xi32>,
        %add3A_486 = arith.addi %add3A_481, %gather3A_485 : vector<16xi32>
        %add3A_487 = arith.constant 14 : i32
        %add3A_488 = vector.broadcast %add3A_487 : i32 to vector<16xi32>
        %add3A_489 = arith.addi %add3A_417, %add3A_488 : vector<16xi32>
        %gather3A_490 = tpu.vector_load_idx %arg13[%add3A_489] : memref<4352xi32, #tpu.memory_space<vmem>>[vector<16xi32>], vector<16xi32>,
        %add3A_491 = arith.addi %add3A_486, %gather3A_490 : vector<16xi32>
        %add3A_492 = arith.constant 15 : i32
        %add3A_493 = vector.broadcast %add3A_492 : i32 to vector<16xi32>
        %add3A_494 = arith.addi %add3A_417, %add3A_493 : vector<16xi32>
        %gather3A_495 = tpu.vector_load_idx %arg13[%add3A_494] : memref<4352xi32, #tpu.memory_space<vmem>>[vector<16xi32>], vector<16xi32>,
        %add3A_496 = arith.addi %add3A_491, %gather3A_495 : vector<16xi32>
        %mul3A_497 = arith.constant 16 : i32
        %mul3A_498 = arith.muli %scan3A_413, %mul3A_497 : i32
        %swap3A_499 = arith.index_cast %mul3A_498 : i32 to index
        %swap3A_500 = tpu.vector_load %arg14[%swap3A_499] {strides = array<i32>} : memref<256xi32, #tpu.memory_space<vmem>>, vector<16xi32>,
        tpu.vector_store %arg14[%swap3A_499], %add3A_496 {strides = array<i32>} : memref<256xi32, #tpu.memory_space<vmem>>, vector<16xi32>,
      }
      %scan3A_43 = arith.constant 16 : i32
      %scan3A_44 = arith.constant 120 : i32
      %scan3A_45 = arith.constant -1 : i32
      %scan3A_46 = arith.constant 0 : i32
      %scan3A_47 = arith.constant 0 : i32
      %scan3A_48 = arith.constant 16 : i32
      %scan3A_49 = arith.addi %scan3A_47, %scan3A_48 : i32
      %scan3A_50 = arith.constant 1 : i32
      %scan3A_51:2 = scf.for %scan3A_413 = %scan3A_47 to %scan3A_49 step %scan3A_50 iter_args(%scan3A_414 = %scan3A_45, %scan3A_415 = %scan3A_46) -> (i32, i32)  : i32 {
        %sub3A_416 = arith.constant 15 : i32
        %sub3A_417 = arith.subi %sub3A_416, %scan3A_413 : i32
        %mul3A_418 = arith.constant 16 : i32
        %mul3A_419 = arith.muli %sub3A_417, %mul3A_418 : i32
        %get3A_420 = arith.index_cast %mul3A_419 : i32 to index
        %get3A_421 = tpu.vector_load %arg14[%get3A_420] {strides = array<i32>} : memref<256xi32, #tpu.memory_space<vmem>>, vector<16xi32>,
        %rev3A = arith.constant 15 : i32
        %rev3A_422 = vector.broadcast %rev3A : i32 to vector<16xi32>
        %rev3A_423 = tpu.iota {dimensions = array<i32: 0>} : vector<16xi32>
        %rev3A_424 = arith.subi %rev3A_422, %rev3A_423 : vector<16xi32>
        %rev3A_425 = tpu.dynamic_gather %get3A_421[%rev3A_424] in [0] : vector<16xi32>, vector<16xi32> -> vector<16xi32>
        %broadcast_in_dim3A_426 = arith.constant true
        %broadcast_in_dim3A_427 = vector.broadcast %broadcast_in_dim3A_426 : i1 to vector<16xi1>
        %masked_cumsum3A = tpu.scan <sum>, %rev3A_425 masked %broadcast_in_dim3A_427 : vector<16xi32>, vector<16xi1> -> vector<16xi32>
        %rev3A_428 = arith.constant 15 : i32
        %rev3A_429 = vector.broadcast %rev3A_428 : i32 to vector<16xi32>
        %rev3A_430 = tpu.iota {dimensions = array<i32: 0>} : vector<16xi32>
        %rev3A_431 = arith.subi %rev3A_429, %rev3A_430 : vector<16xi32>
        %rev3A_432 = tpu.dynamic_gather %masked_cumsum3A[%rev3A_431] in [0] : vector<16xi32>, vector<16xi32> -> vector<16xi32>
        %add3A_433 = vector.broadcast %scan3A_415 : i32 to vector<16xi32>
        %add3A_434 = arith.addi %add3A_433, %rev3A_432 : vector<16xi32>
        %ge3A = vector.broadcast %scan3A_44 : i32 to vector<16xi32>
        %ge3A_435 = arith.cmpi sge, %add3A_434, %ge3A : vector<16xi32>
        %mul3A_436 = arith.constant 16 : i32
        %mul3A_437 = arith.muli %sub3A_417, %mul3A_436 : i32
        %add3A_438 = vector.broadcast %mul3A_437 : i32 to vector<16xi32>
        %add3A_439 = arith.addi %add3A_438, %iota3A : vector<16xi32>
        %jit3A_440 = arith.constant -1 : i32
        %broadcast_in_dim3A_441 = vector.broadcast %jit3A_440 : i32 to vector<16xi32>
        %select_n3A_442 = arith.select %ge3A_435, %add3A_439, %broadcast_in_dim3A_441 : vector<16xi1>, vector<16xi32>
        %reduce_max3A = arith.constant true
        %reduce_max3A_443 = vector.broadcast %reduce_max3A : i1 to vector<16xi1>
        %reduce_max3A_444 = arith.constant -2147483648 : i32
        %reduce_max3A_445 = vector.broadcast %reduce_max3A_444 : i32 to vector<16xi32>
        %reduce_max3A_446 = arith.xori %select_n3A_442, %reduce_max3A_445 : vector<16xi32>
        %reduce_max3A_447 = tpu.scan <max>, %reduce_max3A_446 masked %reduce_max3A_443 : vector<16xi32>, vector<16xi1> -> vector<16xi32>
        %reduce_max3A_448 = arith.xori %reduce_max3A_447, %reduce_max3A_445 : vector<16xi32>
        %reduce_max3A_449 = vector.extract %reduce_max3A_448[15] : i32 from vector<16xi32>
        %max3A = arith.maxsi %scan3A_414, %reduce_max3A_449 : i32
        %reduce_sum3A = arith.constant true
        %reduce_sum3A_450 = vector.broadcast %reduce_sum3A : i1 to vector<16xi1>
        %reduce_sum3A_451 = tpu.scan <sum>, %get3A_421 masked %reduce_sum3A_450 : vector<16xi32>, vector<16xi1> -> vector<16xi32>
        %reduce_sum3A_452 = vector.extract %reduce_sum3A_451[15] : i32 from vector<16xi32>
        %add3A_453 = arith.addi %scan3A_415, %reduce_sum3A_452 : i32
        scf.yield %max3A, %add3A_453 : i32, i32
      }
      %scan3A_52 = arith.constant 16 : i32
      %scan3A_53 = arith.constant 0 : i32
      %scan3A_54 = arith.constant 0 : i32
      %scan3A_55 = arith.constant 16 : i32
      %scan3A_56 = arith.addi %scan3A_54, %scan3A_55 : i32
      %scan3A_57 = arith.constant 1 : i32
      %scan3A_58 = scf.for %scan3A_413 = %scan3A_54 to %scan3A_56 step %scan3A_57 iter_args(%scan3A_414 = %scan3A_53) -> (i32)  : i32 {
        %mul3A_415 = arith.constant 16 : i32
        %mul3A_416 = arith.muli %scan3A_413, %mul3A_415 : i32
        %get3A_417 = arith.index_cast %mul3A_416 : i32 to index
        %get3A_418 = tpu.vector_load %arg14[%get3A_417] {strides = array<i32>} : memref<256xi32, #tpu.memory_space<vmem>>, vector<16xi32>,
        %mul3A_419 = arith.constant 16 : i32
        %mul3A_420 = arith.muli %scan3A_413, %mul3A_419 : i32
        %add3A_421 = vector.broadcast %mul3A_420 : i32 to vector<16xi32>
        %add3A_422 = arith.addi %add3A_421, %iota3A : vector<16xi32>
        %gt3A = vector.broadcast %scan3A_51#0 : i32 to vector<16xi32>
        %gt3A_423 = arith.cmpi sgt, %add3A_422, %gt3A : vector<16xi32>
        %jit3A_424 = arith.constant 0 : i32
        %broadcast_in_dim3A_425 = vector.broadcast %jit3A_424 : i32 to vector<16xi32>
        %select_n3A_426 = arith.select %gt3A_423, %get3A_418, %broadcast_in_dim3A_425 : vector<16xi1>, vector<16xi32>
        %reduce_sum3A = arith.constant true
        %reduce_sum3A_427 = vector.broadcast %reduce_sum3A : i1 to vector<16xi1>
        %reduce_sum3A_428 = tpu.scan <sum>, %select_n3A_426 masked %reduce_sum3A_427 : vector<16xi32>, vector<16xi1> -> vector<16xi32>
        %reduce_sum3A_429 = vector.extract %reduce_sum3A_428[15] : i32 from vector<16xi32>
        %add3A_430 = arith.addi %scan3A_414, %reduce_sum3A_429 : i32
        scf.yield %add3A_430 : i32
      }
      %scan3A_59 = arith.constant 16 : i32
      %sub3A = arith.constant 128 : i32
      %sub3A_60 = arith.subi %scan3A_51#0, %sub3A : i32
      %shift_left3A = arith.constant 24 : i32
      %shift_left3A_61 = arith.shli %sub3A_60, %shift_left3A : i32
      %parallel_loop3A_62 = arith.constant 0 : i32
      %parallel_loop3A_63 = arith.constant 5120 : i32
      %parallel_loop3A_64 = arith.constant 1 : i32
      scf.for %parallel_loop3A_413 = %parallel_loop3A_62 to %parallel_loop3A_63 step %parallel_loop3A_64  : i32 {
        %parallel_loop3A_414 = arith.constant 16 : i32
        %parallel_loop3A_415 = arith.muli %parallel_loop3A_413, %parallel_loop3A_414 : i32
        %parallel_loop3A_416 = arith.index_cast %parallel_loop3A_415 : i32 to index
        %parallel_loop3A_417 = tpu.vector_load %arg8[%parallel_loop3A_416] {strides = array<i32>} : memref<81920xi32, #tpu.memory_space<vmem>>, vector<16xi32>,
        %parallel_loop3A_418 = vector.broadcast %shift_left3A_61 : i32 to vector<16xi32>
        %parallel_loop3A_419 = arith.cmpi sge, %parallel_loop3A_417, %parallel_loop3A_418 : vector<16xi32>
        %parallel_loop3A_420 = tpu.all_reduce %parallel_loop3A_419 {dim = 0 : i64, kind = #tpu.reduction_kind<sum>} : vector<16xi1> -> vector<16xi32>
        %parallel_loop3A_421 = arith.constant 0 : i32
        %parallel_loop3A_422 = vector.broadcast %parallel_loop3A_421 : i32 to vector<16xi32>
        %parallel_loop3A_423 = arith.muli %iota3A, %parallel_loop3A_422 : vector<16xi32>
        %parallel_loop3A_424 = vector.broadcast %parallel_loop3A_413 : i32 to vector<16xi32>
        %parallel_loop3A_425 = arith.addi %parallel_loop3A_423, %parallel_loop3A_424 : vector<16xi32>
        %parallel_loop3A_426 = arith.constant 0 : i32
        %parallel_loop3A_427 = vector.broadcast %parallel_loop3A_426 : i32 to vector<16xi32>
        %parallel_loop3A_428 = arith.cmpi eq, %iota3A, %parallel_loop3A_427 : vector<16xi32>
        tpu.vector_store_idx %arg21[%parallel_loop3A_425], %parallel_loop3A_420 masked %parallel_loop3A_428 : memref<5136xi32, #tpu.memory_space<vmem>>[vector<16xi32>], vector<16xi32>, vector<16xi1>
      } {sc.loop_unroll_factor = 8 : i64, sc.parallel_access}
      %scan3A_65 = arith.constant 0 : i32
      %scan3A_66 = arith.constant 0 : i32
      %scan3A_67 = arith.constant 320 : i32
      %scan3A_68 = arith.addi %scan3A_66, %scan3A_67 : i32
      %scan3A_69 = arith.constant 1 : i32
      %scan3A_70 = scf.for %scan3A_413 = %scan3A_66 to %scan3A_68 step %scan3A_69 iter_args(%scan3A_414 = %scan3A_65) -> (i32)  : i32 {
        %mul3A_415 = arith.constant 16 : i32
        %mul3A_416 = arith.muli %scan3A_413, %mul3A_415 : i32
        %get3A_417 = arith.index_cast %mul3A_416 : i32 to index
        %get3A_418 = tpu.vector_load %arg21[%get3A_417] {strides = array<i32>} : memref<5136xi32, #tpu.memory_space<vmem>>, vector<16xi32>,
        %broadcast_in_dim3A_419 = arith.constant true
        %broadcast_in_dim3A_420 = vector.broadcast %broadcast_in_dim3A_419 : i1 to vector<16xi1>
        %masked_cumsum3A = tpu.scan <sum>, %get3A_418 masked %broadcast_in_dim3A_420 : vector<16xi32>, vector<16xi1> -> vector<16xi32>
        %sub3A_421 = arith.subi %masked_cumsum3A, %get3A_418 : vector<16xi32>
        %add3A_422 = vector.broadcast %scan3A_414 : i32 to vector<16xi32>
        %add3A_423 = arith.addi %sub3A_421, %add3A_422 : vector<16xi32>
        %mul3A_424 = arith.constant 16 : i32
        %mul3A_425 = arith.muli %scan3A_413, %mul3A_424 : i32
        %swap3A_426 = arith.index_cast %mul3A_425 : i32 to index
        %swap3A_427 = tpu.vector_load %arg21[%swap3A_426] {strides = array<i32>} : memref<5136xi32, #tpu.memory_space<vmem>>, vector<16xi32>,
        tpu.vector_store %arg21[%swap3A_426], %add3A_423 {strides = array<i32>} : memref<5136xi32, #tpu.memory_space<vmem>>, vector<16xi32>,
        %slice3A = vector.extract_strided_slice %masked_cumsum3A {offsets = [15], sizes = [1], strides = [1]} : vector<16xi32> to vector<1xi32>
        %squeeze3A = vector.extract %slice3A[0] : i32 from vector<1xi32>
        %add3A_428 = arith.addi %scan3A_414, %squeeze3A : i32
        scf.yield %add3A_428 : i32
      }
      %scan3A_71 = arith.constant 320 : i32
      %min3A = arith.constant 8192 : i32
      %min3A_72 = arith.minsi %scan3A_70, %min3A : i32
      %parallel_loop3A_73 = arith.constant 0 : i32
      %parallel_loop3A_74 = arith.constant 5120 : i32
      %parallel_loop3A_75 = arith.constant 1 : i32
      scf.for %parallel_loop3A_413 = %parallel_loop3A_73 to %parallel_loop3A_74 step %parallel_loop3A_75  : i32 {
        %parallel_loop3A_414 = arith.constant 16 : i32
        %parallel_loop3A_415 = arith.muli %parallel_loop3A_413, %parallel_loop3A_414 : i32
        %parallel_loop3A_416 = arith.index_cast %parallel_loop3A_415 : i32 to index
        %parallel_loop3A_417 = tpu.vector_load %arg8[%parallel_loop3A_416] {strides = array<i32>} : memref<81920xi32, #tpu.memory_space<vmem>>, vector<16xi32>,
        %parallel_loop3A_418 = arith.index_cast %parallel_loop3A_413 : i32 to index
        %parallel_loop3A_419 = tpu.vector_load %arg21[%parallel_loop3A_418] {strides = array<i32>} : memref<5136xi32, #tpu.memory_space<vmem>>, vector<16xi32>,
        %parallel_loop3A_420 = vector.extract_strided_slice %parallel_loop3A_419 {offsets = [0], sizes = [1], strides = [1]} : vector<16xi32> to vector<1xi32>
        %parallel_loop3A_421 = vector.extract %parallel_loop3A_420[0] : i32 from vector<1xi32>
        %parallel_loop3A_422 = vector.broadcast %shift_left3A_61 : i32 to vector<16xi32>
        %parallel_loop3A_423 = arith.cmpi sge, %parallel_loop3A_417, %parallel_loop3A_422 : vector<16xi32>
        %parallel_loop3A_424 = arith.constant 8192 : i32
        %parallel_loop3A_425 = arith.cmpi slt, %parallel_loop3A_421, %parallel_loop3A_424 : i32
        %parallel_loop3A_426 = vector.broadcast %parallel_loop3A_425 : i1 to vector<16xi1>
        %parallel_loop3A_427 = arith.andi %parallel_loop3A_423, %parallel_loop3A_426 : vector<16xi1>
        %parallel_loop3A_428 = arith.index_cast %parallel_loop3A_421 : i32 to index
        %parallel_loop3A_429 = tpu.vector_load %arg9[%parallel_loop3A_428] masked %parallel_loop3A_427 {strides = array<i32>} : memref<8208xi32, #tpu.memory_space<vmem>>, vector<16xi32>, vector<16xi1>
        tpu.vector_store %arg9[%parallel_loop3A_428], %parallel_loop3A_417 masked %parallel_loop3A_427 {strides = array<i32>} : memref<8208xi32, #tpu.memory_space<vmem>>, vector<16xi32>, vector<16xi1>
        %parallel_loop3A_430 = arith.constant 16 : i32
        %parallel_loop3A_431 = arith.muli %parallel_loop3A_413, %parallel_loop3A_430 : i32
        %parallel_loop3A_432 = vector.broadcast %parallel_loop3A_431 : i32 to vector<16xi32>
        %parallel_loop3A_433 = arith.addi %parallel_loop3A_432, %iota3A : vector<16xi32>
        %parallel_loop3A_434 = arith.index_cast %parallel_loop3A_421 : i32 to index
        %parallel_loop3A_435 = tpu.vector_load %arg10[%parallel_loop3A_434] masked %parallel_loop3A_427 {strides = array<i32>} : memref<8208xi32, #tpu.memory_space<vmem>>, vector<16xi32>, vector<16xi1>
        tpu.vector_store %arg10[%parallel_loop3A_434], %parallel_loop3A_433 masked %parallel_loop3A_427 {strides = array<i32>} : memref<8208xi32, #tpu.memory_space<vmem>>, vector<16xi32>, vector<16xi1>
      } {sc.loop_unroll_factor = 8 : i64, sc.parallel_access}
      %sub3A_76 = arith.constant 120 : i32
      %sub3A_77 = arith.subi %sub3A_76, %scan3A_58 : i32
      %scan3A_78 = arith.constant 0 : i32
      %scan3A_79 = arith.constant 0 : i32
      %scan3A_80 = arith.constant 34 : i32
      %scan3A_81 = arith.addi %scan3A_79, %scan3A_80 : i32
      %scan3A_82 = arith.constant 1 : i32
      scf.for %scan3A_413 = %scan3A_79 to %scan3A_81 step %scan3A_82  : i32 {
        %mul3A_414 = arith.constant 8 : i32
        %mul3A_415 = arith.muli %scan3A_413, %mul3A_414 : i32
        %add3A_416 = arith.constant 0 : i32
        %add3A_417 = arith.addi %mul3A_415, %add3A_416 : i32
        %mul3A_418 = arith.constant 16 : i32
        %mul3A_419 = arith.muli %add3A_417, %mul3A_418 : i32
        %swap3A_420 = arith.index_cast %mul3A_419 : i32 to index
        %swap3A_421 = tpu.vector_load %arg13[%swap3A_420] {strides = array<i32>} : memref<4352xi32, #tpu.memory_space<vmem>>, vector<16xi32>,
        tpu.vector_store %arg13[%swap3A_420], %broadcast_in_dim3A_4 {strides = array<i32>} : memref<4352xi32, #tpu.memory_space<vmem>>, vector<16xi32>,
        %mul3A_422 = arith.constant 8 : i32
        %mul3A_423 = arith.muli %scan3A_413, %mul3A_422 : i32
        %add3A_424 = arith.constant 1 : i32
        %add3A_425 = arith.addi %mul3A_423, %add3A_424 : i32
        %mul3A_426 = arith.constant 16 : i32
        %mul3A_427 = arith.muli %add3A_425, %mul3A_426 : i32
        %swap3A_428 = arith.index_cast %mul3A_427 : i32 to index
        %swap3A_429 = tpu.vector_load %arg13[%swap3A_428] {strides = array<i32>} : memref<4352xi32, #tpu.memory_space<vmem>>, vector<16xi32>,
        tpu.vector_store %arg13[%swap3A_428], %broadcast_in_dim3A_4 {strides = array<i32>} : memref<4352xi32, #tpu.memory_space<vmem>>, vector<16xi32>,
        %mul3A_430 = arith.constant 8 : i32
        %mul3A_431 = arith.muli %scan3A_413, %mul3A_430 : i32
        %add3A_432 = arith.constant 2 : i32
        %add3A_433 = arith.addi %mul3A_431, %add3A_432 : i32
        %mul3A_434 = arith.constant 16 : i32
        %mul3A_435 = arith.muli %add3A_433, %mul3A_434 : i32
        %swap3A_436 = arith.index_cast %mul3A_435 : i32 to index
        %swap3A_437 = tpu.vector_load %arg13[%swap3A_436] {strides = array<i32>} : memref<4352xi32, #tpu.memory_space<vmem>>, vector<16xi32>,
        tpu.vector_store %arg13[%swap3A_436], %broadcast_in_dim3A_4 {strides = array<i32>} : memref<4352xi32, #tpu.memory_space<vmem>>, vector<16xi32>,
        %mul3A_438 = arith.constant 8 : i32
        %mul3A_439 = arith.muli %scan3A_413, %mul3A_438 : i32
        %add3A_440 = arith.constant 3 : i32
        %add3A_441 = arith.addi %mul3A_439, %add3A_440 : i32
        %mul3A_442 = arith.constant 16 : i32
        %mul3A_443 = arith.muli %add3A_441, %mul3A_442 : i32
        %swap3A_444 = arith.index_cast %mul3A_443 : i32 to index
        %swap3A_445 = tpu.vector_load %arg13[%swap3A_444] {strides = array<i32>} : memref<4352xi32, #tpu.memory_space<vmem>>, vector<16xi32>,
        tpu.vector_store %arg13[%swap3A_444], %broadcast_in_dim3A_4 {strides = array<i32>} : memref<4352xi32, #tpu.memory_space<vmem>>, vector<16xi32>,
        %mul3A_446 = arith.constant 8 : i32
        %mul3A_447 = arith.muli %scan3A_413, %mul3A_446 : i32
        %add3A_448 = arith.constant 4 : i32
        %add3A_449 = arith.addi %mul3A_447, %add3A_448 : i32
        %mul3A_450 = arith.constant 16 : i32
        %mul3A_451 = arith.muli %add3A_449, %mul3A_450 : i32
        %swap3A_452 = arith.index_cast %mul3A_451 : i32 to index
        %swap3A_453 = tpu.vector_load %arg13[%swap3A_452] {strides = array<i32>} : memref<4352xi32, #tpu.memory_space<vmem>>, vector<16xi32>,
        tpu.vector_store %arg13[%swap3A_452], %broadcast_in_dim3A_4 {strides = array<i32>} : memref<4352xi32, #tpu.memory_space<vmem>>, vector<16xi32>,
        %mul3A_454 = arith.constant 8 : i32
        %mul3A_455 = arith.muli %scan3A_413, %mul3A_454 : i32
        %add3A_456 = arith.constant 5 : i32
        %add3A_457 = arith.addi %mul3A_455, %add3A_456 : i32
        %mul3A_458 = arith.constant 16 : i32
        %mul3A_459 = arith.muli %add3A_457, %mul3A_458 : i32
        %swap3A_460 = arith.index_cast %mul3A_459 : i32 to index
        %swap3A_461 = tpu.vector_load %arg13[%swap3A_460] {strides = array<i32>} : memref<4352xi32, #tpu.memory_space<vmem>>, vector<16xi32>,
        tpu.vector_store %arg13[%swap3A_460], %broadcast_in_dim3A_4 {strides = array<i32>} : memref<4352xi32, #tpu.memory_space<vmem>>, vector<16xi32>,
        %mul3A_462 = arith.constant 8 : i32
        %mul3A_463 = arith.muli %scan3A_413, %mul3A_462 : i32
        %add3A_464 = arith.constant 6 : i32
        %add3A_465 = arith.addi %mul3A_463, %add3A_464 : i32
        %mul3A_466 = arith.constant 16 : i32
        %mul3A_467 = arith.muli %add3A_465, %mul3A_466 : i32
        %swap3A_468 = arith.index_cast %mul3A_467 : i32 to index
        %swap3A_469 = tpu.vector_load %arg13[%swap3A_468] {strides = array<i32>} : memref<4352xi32, #tpu.memory_space<vmem>>, vector<16xi32>,
        tpu.vector_store %arg13[%swap3A_468], %broadcast_in_dim3A_4 {strides = array<i32>} : memref<4352xi32, #tpu.memory_space<vmem>>, vector<16xi32>,
        %mul3A_470 = arith.constant 8 : i32
        %mul3A_471 = arith.muli %scan3A_413, %mul3A_470 : i32
        %add3A_472 = arith.constant 7 : i32
        %add3A_473 = arith.addi %mul3A_471, %add3A_472 : i32
        %mul3A_474 = arith.constant 16 : i32
        %mul3A_475 = arith.muli %add3A_473, %mul3A_474 : i32
        %swap3A_476 = arith.index_cast %mul3A_475 : i32 to index
        %swap3A_477 = tpu.vector_load %arg13[%swap3A_476] {strides = array<i32>} : memref<4352xi32, #tpu.memory_space<vmem>>, vector<16xi32>,
        tpu.vector_store %arg13[%swap3A_476], %broadcast_in_dim3A_4 {strides = array<i32>} : memref<4352xi32, #tpu.memory_space<vmem>>, vector<16xi32>,
      }
      %scan3A_83 = arith.constant 34 : i32
      %add3A_84 = arith.constant 16777215 : i32
      %add3A_85 = arith.addi %shift_left3A_61, %add3A_84 : i32
      %add3A_86 = arith.constant 15 : i32
      %add3A_87 = arith.addi %min3A_72, %add3A_86 : i32
      %jit3A = arith.constant 16 : i32
      %div3A = arith.divsi %add3A_87, %jit3A : i32
      %sign3A = arith.constant 0 : i32
      %sign3A_88 = arith.cmpi sgt, %add3A_87, %sign3A : i32
      %sign3A_89 = arith.extui %sign3A_88 : i1 to i32
      %sign3A_90 = arith.constant 0 : i32
      %sign3A_91 = arith.cmpi slt, %add3A_87, %sign3A_90 : i32
      %sign3A_92 = arith.extui %sign3A_91 : i1 to i32
      %sign3A_93 = arith.subi %sign3A_89, %sign3A_92 : i32
      %sign3A_94 = arith.constant 0 : i32
      %sign3A_95 = arith.cmpi sgt, %jit3A, %sign3A_94 : i32
      %sign3A_96 = arith.extui %sign3A_95 : i1 to i32
      %sign3A_97 = arith.constant 0 : i32
      %sign3A_98 = arith.cmpi slt, %jit3A, %sign3A_97 : i32
      %sign3A_99 = arith.extui %sign3A_98 : i1 to i32
      %sign3A_100 = arith.subi %sign3A_96, %sign3A_99 : i32
      %ne3A = arith.cmpi ne, %sign3A_93, %sign3A_100 : i32
      %rem3A = arith.remsi %add3A_87, %jit3A : i32
      %ne3A_101 = arith.constant 0 : i32
      %ne3A_102 = arith.cmpi ne, %rem3A, %ne3A_101 : i32
      %and3A = arith.andi %ne3A, %ne3A_102 : i1
      %sub3A_103 = arith.constant 1 : i32
      %sub3A_104 = arith.subi %div3A, %sub3A_103 : i32
      %select_n3A = arith.select %and3A, %sub3A_104, %div3A : i32
      %while3A = arith.constant 0 : i32
      %while3A_105 = arith.constant 0 : i32
      %while3A_106 = arith.subi %select_n3A, %while3A_105 : i32
      %while3A_107 = arith.addi %while3A_105, %while3A_106 : i32
      %while3A_108 = arith.constant 1 : i32
      %while3A_109 = arith.divsi %while3A_106, %while3A_108 : i32
      %while3A_110 = arith.muli %while3A_109, %while3A_108 : i32
      %while3A_111 = arith.addi %while3A_105, %while3A_110 : i32
      %while3A_112 = arith.constant 1 : i32
      scf.for %while3A_413 = %while3A_105 to %while3A_111 step %while3A_112  : i32 {
        %mul3A_414 = arith.constant 16 : i32
        %mul3A_415 = arith.muli %while3A_413, %mul3A_414 : i32
        %get3A_416 = arith.index_cast %mul3A_415 : i32 to index
        %get3A_417 = tpu.vector_load %arg9[%get3A_416] {strides = array<i32>} : memref<8208xi32, #tpu.memory_space<vmem>>, vector<16xi32>,
        %le3A = vector.broadcast %add3A_85 : i32 to vector<16xi32>
        %le3A_418 = arith.cmpi sle, %get3A_417, %le3A : vector<16xi32>
        %mul3A_419 = arith.constant 16 : i32
        %mul3A_420 = arith.muli %while3A_413, %mul3A_419 : i32
        %add3A_421 = vector.broadcast %mul3A_420 : i32 to vector<16xi32>
        %add3A_422 = arith.addi %add3A_421, %iota3A : vector<16xi32>
        %lt3A = vector.broadcast %min3A_72 : i32 to vector<16xi32>
        %lt3A_423 = arith.cmpi slt, %add3A_422, %lt3A : vector<16xi32>
        %and3A_424 = arith.andi %le3A_418, %lt3A_423 : vector<16xi1>
        %shift_right_arithmetic3A = arith.constant 16 : i32
        %shift_right_arithmetic3A_425 = vector.broadcast %shift_right_arithmetic3A : i32 to vector<16xi32>
        %shift_right_arithmetic3A_426 = arith.shrsi %get3A_417, %shift_right_arithmetic3A_425 : vector<16xi32>
        %and3A_427 = arith.constant 255 : i32
        %and3A_428 = vector.broadcast %and3A_427 : i32 to vector<16xi32>
        %and3A_429 = arith.andi %shift_right_arithmetic3A_426, %and3A_428 : vector<16xi32>
        %mul3A_430 = arith.constant 17 : i32
        %mul3A_431 = vector.broadcast %mul3A_430 : i32 to vector<16xi32>
        %mul3A_432 = arith.muli %and3A_429, %mul3A_431 : vector<16xi32>
        %add3A_433 = arith.addi %mul3A_432, %iota3A : vector<16xi32>
        tpu.vector_store_idx %arg13[%add3A_433], %broadcast_in_dim3A_6 masked %and3A_424 {add = true} : memref<4352xi32, #tpu.memory_space<vmem>>[vector<16xi32>], vector<16xi32>, vector<16xi1>
      }
      %while3A_113 = arith.constant 1 : i32
      scf.for %while3A_413 = %while3A_111 to %while3A_107 step %while3A_113  : i32 {
        %mul3A_414 = arith.constant 16 : i32
        %mul3A_415 = arith.muli %while3A_413, %mul3A_414 : i32
        %get3A_416 = arith.index_cast %mul3A_415 : i32 to index
        %get3A_417 = tpu.vector_load %arg9[%get3A_416] {strides = array<i32>} : memref<8208xi32, #tpu.memory_space<vmem>>, vector<16xi32>,
        %le3A = vector.broadcast %add3A_85 : i32 to vector<16xi32>
        %le3A_418 = arith.cmpi sle, %get3A_417, %le3A : vector<16xi32>
        %mul3A_419 = arith.constant 16 : i32
        %mul3A_420 = arith.muli %while3A_413, %mul3A_419 : i32
        %add3A_421 = vector.broadcast %mul3A_420 : i32 to vector<16xi32>
        %add3A_422 = arith.addi %add3A_421, %iota3A : vector<16xi32>
        %lt3A = vector.broadcast %min3A_72 : i32 to vector<16xi32>
        %lt3A_423 = arith.cmpi slt, %add3A_422, %lt3A : vector<16xi32>
        %and3A_424 = arith.andi %le3A_418, %lt3A_423 : vector<16xi1>
        %shift_right_arithmetic3A = arith.constant 16 : i32
        %shift_right_arithmetic3A_425 = vector.broadcast %shift_right_arithmetic3A : i32 to vector<16xi32>
        %shift_right_arithmetic3A_426 = arith.shrsi %get3A_417, %shift_right_arithmetic3A_425 : vector<16xi32>
        %and3A_427 = arith.constant 255 : i32
        %and3A_428 = vector.broadcast %and3A_427 : i32 to vector<16xi32>
        %and3A_429 = arith.andi %shift_right_arithmetic3A_426, %and3A_428 : vector<16xi32>
        %mul3A_430 = arith.constant 17 : i32
        %mul3A_431 = vector.broadcast %mul3A_430 : i32 to vector<16xi32>
        %mul3A_432 = arith.muli %and3A_429, %mul3A_431 : vector<16xi32>
        %add3A_433 = arith.addi %mul3A_432, %iota3A : vector<16xi32>
        tpu.vector_store_idx %arg13[%add3A_433], %broadcast_in_dim3A_6 masked %and3A_424 {add = true} : memref<4352xi32, #tpu.memory_space<vmem>>[vector<16xi32>], vector<16xi32>, vector<16xi1>
      }
      %scan3A_114 = arith.constant 0 : i32
      %scan3A_115 = arith.constant 0 : i32
      %scan3A_116 = arith.constant 16 : i32
      %scan3A_117 = arith.addi %scan3A_115, %scan3A_116 : i32
      %scan3A_118 = arith.constant 1 : i32
      scf.for %scan3A_413 = %scan3A_115 to %scan3A_117 step %scan3A_118  : i32 {
        %mul3A_414 = arith.constant 272 : i32
        %mul3A_415 = arith.muli %scan3A_413, %mul3A_414 : i32
        %add3A_416 = vector.broadcast %mul3A_415 : i32 to vector<16xi32>
        %add3A_417 = arith.addi %add3A_416, %mul3A_3 : vector<16xi32>
        %add3A_418 = arith.constant 0 : i32
        %add3A_419 = vector.broadcast %add3A_418 : i32 to vector<16xi32>
        %add3A_420 = arith.addi %add3A_417, %add3A_419 : vector<16xi32>
        %gather3A = tpu.vector_load_idx %arg13[%add3A_420] : memref<4352xi32, #tpu.memory_space<vmem>>[vector<16xi32>], vector<16xi32>,
        %add3A_421 = arith.addi %broadcast_in_dim3A_4, %gather3A : vector<16xi32>
        %add3A_422 = arith.constant 1 : i32
        %add3A_423 = vector.broadcast %add3A_422 : i32 to vector<16xi32>
        %add3A_424 = arith.addi %add3A_417, %add3A_423 : vector<16xi32>
        %gather3A_425 = tpu.vector_load_idx %arg13[%add3A_424] : memref<4352xi32, #tpu.memory_space<vmem>>[vector<16xi32>], vector<16xi32>,
        %add3A_426 = arith.addi %add3A_421, %gather3A_425 : vector<16xi32>
        %add3A_427 = arith.constant 2 : i32
        %add3A_428 = vector.broadcast %add3A_427 : i32 to vector<16xi32>
        %add3A_429 = arith.addi %add3A_417, %add3A_428 : vector<16xi32>
        %gather3A_430 = tpu.vector_load_idx %arg13[%add3A_429] : memref<4352xi32, #tpu.memory_space<vmem>>[vector<16xi32>], vector<16xi32>,
        %add3A_431 = arith.addi %add3A_426, %gather3A_430 : vector<16xi32>
        %add3A_432 = arith.constant 3 : i32
        %add3A_433 = vector.broadcast %add3A_432 : i32 to vector<16xi32>
        %add3A_434 = arith.addi %add3A_417, %add3A_433 : vector<16xi32>
        %gather3A_435 = tpu.vector_load_idx %arg13[%add3A_434] : memref<4352xi32, #tpu.memory_space<vmem>>[vector<16xi32>], vector<16xi32>,
        %add3A_436 = arith.addi %add3A_431, %gather3A_435 : vector<16xi32>
        %add3A_437 = arith.constant 4 : i32
        %add3A_438 = vector.broadcast %add3A_437 : i32 to vector<16xi32>
        %add3A_439 = arith.addi %add3A_417, %add3A_438 : vector<16xi32>
        %gather3A_440 = tpu.vector_load_idx %arg13[%add3A_439] : memref<4352xi32, #tpu.memory_space<vmem>>[vector<16xi32>], vector<16xi32>,
        %add3A_441 = arith.addi %add3A_436, %gather3A_440 : vector<16xi32>
        %add3A_442 = arith.constant 5 : i32
        %add3A_443 = vector.broadcast %add3A_442 : i32 to vector<16xi32>
        %add3A_444 = arith.addi %add3A_417, %add3A_443 : vector<16xi32>
        %gather3A_445 = tpu.vector_load_idx %arg13[%add3A_444] : memref<4352xi32, #tpu.memory_space<vmem>>[vector<16xi32>], vector<16xi32>,
        %add3A_446 = arith.addi %add3A_441, %gather3A_445 : vector<16xi32>
        %add3A_447 = arith.constant 6 : i32
        %add3A_448 = vector.broadcast %add3A_447 : i32 to vector<16xi32>
        %add3A_449 = arith.addi %add3A_417, %add3A_448 : vector<16xi32>
        %gather3A_450 = tpu.vector_load_idx %arg13[%add3A_449] : memref<4352xi32, #tpu.memory_space<vmem>>[vector<16xi32>], vector<16xi32>,
        %add3A_451 = arith.addi %add3A_446, %gather3A_450 : vector<16xi32>
        %add3A_452 = arith.constant 7 : i32
        %add3A_453 = vector.broadcast %add3A_452 : i32 to vector<16xi32>
        %add3A_454 = arith.addi %add3A_417, %add3A_453 : vector<16xi32>
        %gather3A_455 = tpu.vector_load_idx %arg13[%add3A_454] : memref<4352xi32, #tpu.memory_space<vmem>>[vector<16xi32>], vector<16xi32>,
        %add3A_456 = arith.addi %add3A_451, %gather3A_455 : vector<16xi32>
        %add3A_457 = arith.constant 8 : i32
        %add3A_458 = vector.broadcast %add3A_457 : i32 to vector<16xi32>
        %add3A_459 = arith.addi %add3A_417, %add3A_458 : vector<16xi32>
        %gather3A_460 = tpu.vector_load_idx %arg13[%add3A_459] : memref<4352xi32, #tpu.memory_space<vmem>>[vector<16xi32>], vector<16xi32>,
        %add3A_461 = arith.addi %add3A_456, %gather3A_460 : vector<16xi32>
        %add3A_462 = arith.constant 9 : i32
        %add3A_463 = vector.broadcast %add3A_462 : i32 to vector<16xi32>
        %add3A_464 = arith.addi %add3A_417, %add3A_463 : vector<16xi32>
        %gather3A_465 = tpu.vector_load_idx %arg13[%add3A_464] : memref<4352xi32, #tpu.memory_space<vmem>>[vector<16xi32>], vector<16xi32>,
        %add3A_466 = arith.addi %add3A_461, %gather3A_465 : vector<16xi32>
        %add3A_467 = arith.constant 10 : i32
        %add3A_468 = vector.broadcast %add3A_467 : i32 to vector<16xi32>
        %add3A_469 = arith.addi %add3A_417, %add3A_468 : vector<16xi32>
        %gather3A_470 = tpu.vector_load_idx %arg13[%add3A_469] : memref<4352xi32, #tpu.memory_space<vmem>>[vector<16xi32>], vector<16xi32>,
        %add3A_471 = arith.addi %add3A_466, %gather3A_470 : vector<16xi32>
        %add3A_472 = arith.constant 11 : i32
        %add3A_473 = vector.broadcast %add3A_472 : i32 to vector<16xi32>
        %add3A_474 = arith.addi %add3A_417, %add3A_473 : vector<16xi32>
        %gather3A_475 = tpu.vector_load_idx %arg13[%add3A_474] : memref<4352xi32, #tpu.memory_space<vmem>>[vector<16xi32>], vector<16xi32>,
        %add3A_476 = arith.addi %add3A_471, %gather3A_475 : vector<16xi32>
        %add3A_477 = arith.constant 12 : i32
        %add3A_478 = vector.broadcast %add3A_477 : i32 to vector<16xi32>
        %add3A_479 = arith.addi %add3A_417, %add3A_478 : vector<16xi32>
        %gather3A_480 = tpu.vector_load_idx %arg13[%add3A_479] : memref<4352xi32, #tpu.memory_space<vmem>>[vector<16xi32>], vector<16xi32>,
        %add3A_481 = arith.addi %add3A_476, %gather3A_480 : vector<16xi32>
        %add3A_482 = arith.constant 13 : i32
        %add3A_483 = vector.broadcast %add3A_482 : i32 to vector<16xi32>
        %add3A_484 = arith.addi %add3A_417, %add3A_483 : vector<16xi32>
        %gather3A_485 = tpu.vector_load_idx %arg13[%add3A_484] : memref<4352xi32, #tpu.memory_space<vmem>>[vector<16xi32>], vector<16xi32>,
        %add3A_486 = arith.addi %add3A_481, %gather3A_485 : vector<16xi32>
        %add3A_487 = arith.constant 14 : i32
        %add3A_488 = vector.broadcast %add3A_487 : i32 to vector<16xi32>
        %add3A_489 = arith.addi %add3A_417, %add3A_488 : vector<16xi32>
        %gather3A_490 = tpu.vector_load_idx %arg13[%add3A_489] : memref<4352xi32, #tpu.memory_space<vmem>>[vector<16xi32>], vector<16xi32>,
        %add3A_491 = arith.addi %add3A_486, %gather3A_490 : vector<16xi32>
        %add3A_492 = arith.constant 15 : i32
        %add3A_493 = vector.broadcast %add3A_492 : i32 to vector<16xi32>
        %add3A_494 = arith.addi %add3A_417, %add3A_493 : vector<16xi32>
        %gather3A_495 = tpu.vector_load_idx %arg13[%add3A_494] : memref<4352xi32, #tpu.memory_space<vmem>>[vector<16xi32>], vector<16xi32>,
        %add3A_496 = arith.addi %add3A_491, %gather3A_495 : vector<16xi32>
        %mul3A_497 = arith.constant 16 : i32
        %mul3A_498 = arith.muli %scan3A_413, %mul3A_497 : i32
        %swap3A_499 = arith.index_cast %mul3A_498 : i32 to index
        %swap3A_500 = tpu.vector_load %arg14[%swap3A_499] {strides = array<i32>} : memref<256xi32, #tpu.memory_space<vmem>>, vector<16xi32>,
        tpu.vector_store %arg14[%swap3A_499], %add3A_496 {strides = array<i32>} : memref<256xi32, #tpu.memory_space<vmem>>, vector<16xi32>,
      }
      %scan3A_119 = arith.constant 16 : i32
      %scan3A_120 = arith.constant -1 : i32
      %scan3A_121 = arith.constant 0 : i32
      %scan3A_122 = arith.constant 0 : i32
      %scan3A_123 = arith.constant 16 : i32
      %scan3A_124 = arith.addi %scan3A_122, %scan3A_123 : i32
      %scan3A_125 = arith.constant 1 : i32
      %scan3A_126:2 = scf.for %scan3A_413 = %scan3A_122 to %scan3A_124 step %scan3A_125 iter_args(%scan3A_414 = %scan3A_120, %scan3A_415 = %scan3A_121) -> (i32, i32)  : i32 {
        %sub3A_416 = arith.constant 15 : i32
        %sub3A_417 = arith.subi %sub3A_416, %scan3A_413 : i32
        %mul3A_418 = arith.constant 16 : i32
        %mul3A_419 = arith.muli %sub3A_417, %mul3A_418 : i32
        %get3A_420 = arith.index_cast %mul3A_419 : i32 to index
        %get3A_421 = tpu.vector_load %arg14[%get3A_420] {strides = array<i32>} : memref<256xi32, #tpu.memory_space<vmem>>, vector<16xi32>,
        %rev3A = arith.constant 15 : i32
        %rev3A_422 = vector.broadcast %rev3A : i32 to vector<16xi32>
        %rev3A_423 = tpu.iota {dimensions = array<i32: 0>} : vector<16xi32>
        %rev3A_424 = arith.subi %rev3A_422, %rev3A_423 : vector<16xi32>
        %rev3A_425 = tpu.dynamic_gather %get3A_421[%rev3A_424] in [0] : vector<16xi32>, vector<16xi32> -> vector<16xi32>
        %broadcast_in_dim3A_426 = arith.constant true
        %broadcast_in_dim3A_427 = vector.broadcast %broadcast_in_dim3A_426 : i1 to vector<16xi1>
        %masked_cumsum3A = tpu.scan <sum>, %rev3A_425 masked %broadcast_in_dim3A_427 : vector<16xi32>, vector<16xi1> -> vector<16xi32>
        %rev3A_428 = arith.constant 15 : i32
        %rev3A_429 = vector.broadcast %rev3A_428 : i32 to vector<16xi32>
        %rev3A_430 = tpu.iota {dimensions = array<i32: 0>} : vector<16xi32>
        %rev3A_431 = arith.subi %rev3A_429, %rev3A_430 : vector<16xi32>
        %rev3A_432 = tpu.dynamic_gather %masked_cumsum3A[%rev3A_431] in [0] : vector<16xi32>, vector<16xi32> -> vector<16xi32>
        %add3A_433 = vector.broadcast %scan3A_415 : i32 to vector<16xi32>
        %add3A_434 = arith.addi %add3A_433, %rev3A_432 : vector<16xi32>
        %ge3A = vector.broadcast %sub3A_77 : i32 to vector<16xi32>
        %ge3A_435 = arith.cmpi sge, %add3A_434, %ge3A : vector<16xi32>
        %mul3A_436 = arith.constant 16 : i32
        %mul3A_437 = arith.muli %sub3A_417, %mul3A_436 : i32
        %add3A_438 = vector.broadcast %mul3A_437 : i32 to vector<16xi32>
        %add3A_439 = arith.addi %add3A_438, %iota3A : vector<16xi32>
        %jit3A_440 = arith.constant -1 : i32
        %broadcast_in_dim3A_441 = vector.broadcast %jit3A_440 : i32 to vector<16xi32>
        %select_n3A_442 = arith.select %ge3A_435, %add3A_439, %broadcast_in_dim3A_441 : vector<16xi1>, vector<16xi32>
        %reduce_max3A = arith.constant true
        %reduce_max3A_443 = vector.broadcast %reduce_max3A : i1 to vector<16xi1>
        %reduce_max3A_444 = arith.constant -2147483648 : i32
        %reduce_max3A_445 = vector.broadcast %reduce_max3A_444 : i32 to vector<16xi32>
        %reduce_max3A_446 = arith.xori %select_n3A_442, %reduce_max3A_445 : vector<16xi32>
        %reduce_max3A_447 = tpu.scan <max>, %reduce_max3A_446 masked %reduce_max3A_443 : vector<16xi32>, vector<16xi1> -> vector<16xi32>
        %reduce_max3A_448 = arith.xori %reduce_max3A_447, %reduce_max3A_445 : vector<16xi32>
        %reduce_max3A_449 = vector.extract %reduce_max3A_448[15] : i32 from vector<16xi32>
        %max3A = arith.maxsi %scan3A_414, %reduce_max3A_449 : i32
        %reduce_sum3A = arith.constant true
        %reduce_sum3A_450 = vector.broadcast %reduce_sum3A : i1 to vector<16xi1>
        %reduce_sum3A_451 = tpu.scan <sum>, %get3A_421 masked %reduce_sum3A_450 : vector<16xi32>, vector<16xi1> -> vector<16xi32>
        %reduce_sum3A_452 = vector.extract %reduce_sum3A_451[15] : i32 from vector<16xi32>
        %add3A_453 = arith.addi %scan3A_415, %reduce_sum3A_452 : i32
        scf.yield %max3A, %add3A_453 : i32, i32
      }
      %scan3A_127 = arith.constant 16 : i32
      %scan3A_128 = arith.constant 0 : i32
      %scan3A_129 = arith.constant 0 : i32
      %scan3A_130 = arith.constant 16 : i32
      %scan3A_131 = arith.addi %scan3A_129, %scan3A_130 : i32
      %scan3A_132 = arith.constant 1 : i32
      %scan3A_133 = scf.for %scan3A_413 = %scan3A_129 to %scan3A_131 step %scan3A_132 iter_args(%scan3A_414 = %scan3A_128) -> (i32)  : i32 {
        %mul3A_415 = arith.constant 16 : i32
        %mul3A_416 = arith.muli %scan3A_413, %mul3A_415 : i32
        %get3A_417 = arith.index_cast %mul3A_416 : i32 to index
        %get3A_418 = tpu.vector_load %arg14[%get3A_417] {strides = array<i32>} : memref<256xi32, #tpu.memory_space<vmem>>, vector<16xi32>,
        %mul3A_419 = arith.constant 16 : i32
        %mul3A_420 = arith.muli %scan3A_413, %mul3A_419 : i32
        %add3A_421 = vector.broadcast %mul3A_420 : i32 to vector<16xi32>
        %add3A_422 = arith.addi %add3A_421, %iota3A : vector<16xi32>
        %gt3A = vector.broadcast %scan3A_126#0 : i32 to vector<16xi32>
        %gt3A_423 = arith.cmpi sgt, %add3A_422, %gt3A : vector<16xi32>
        %jit3A_424 = arith.constant 0 : i32
        %broadcast_in_dim3A_425 = vector.broadcast %jit3A_424 : i32 to vector<16xi32>
        %select_n3A_426 = arith.select %gt3A_423, %get3A_418, %broadcast_in_dim3A_425 : vector<16xi1>, vector<16xi32>
        %reduce_sum3A = arith.constant true
        %reduce_sum3A_427 = vector.broadcast %reduce_sum3A : i1 to vector<16xi1>
        %reduce_sum3A_428 = tpu.scan <sum>, %select_n3A_426 masked %reduce_sum3A_427 : vector<16xi32>, vector<16xi1> -> vector<16xi32>
        %reduce_sum3A_429 = vector.extract %reduce_sum3A_428[15] : i32 from vector<16xi32>
        %add3A_430 = arith.addi %scan3A_414, %reduce_sum3A_429 : i32
        scf.yield %add3A_430 : i32
      }
      %scan3A_134 = arith.constant 16 : i32
      %shift_left3A_135 = arith.constant 16 : i32
      %shift_left3A_136 = arith.shli %scan3A_126#0, %shift_left3A_135 : i32
      %add3A_137 = arith.addi %shift_left3A_61, %shift_left3A_136 : i32
      %add3A_138 = arith.constant 15 : i32
      %add3A_139 = arith.addi %min3A_72, %add3A_138 : i32
      %jit3A_140 = arith.constant 16 : i32
      %div3A_141 = arith.divsi %add3A_139, %jit3A_140 : i32
      %sign3A_142 = arith.constant 0 : i32
      %sign3A_143 = arith.cmpi sgt, %add3A_139, %sign3A_142 : i32
      %sign3A_144 = arith.extui %sign3A_143 : i1 to i32
      %sign3A_145 = arith.constant 0 : i32
      %sign3A_146 = arith.cmpi slt, %add3A_139, %sign3A_145 : i32
      %sign3A_147 = arith.extui %sign3A_146 : i1 to i32
      %sign3A_148 = arith.subi %sign3A_144, %sign3A_147 : i32
      %sign3A_149 = arith.constant 0 : i32
      %sign3A_150 = arith.cmpi sgt, %jit3A_140, %sign3A_149 : i32
      %sign3A_151 = arith.extui %sign3A_150 : i1 to i32
      %sign3A_152 = arith.constant 0 : i32
      %sign3A_153 = arith.cmpi slt, %jit3A_140, %sign3A_152 : i32
      %sign3A_154 = arith.extui %sign3A_153 : i1 to i32
      %sign3A_155 = arith.subi %sign3A_151, %sign3A_154 : i32
      %ne3A_156 = arith.cmpi ne, %sign3A_148, %sign3A_155 : i32
      %rem3A_157 = arith.remsi %add3A_139, %jit3A_140 : i32
      %ne3A_158 = arith.constant 0 : i32
      %ne3A_159 = arith.cmpi ne, %rem3A_157, %ne3A_158 : i32
      %and3A_160 = arith.andi %ne3A_156, %ne3A_159 : i1
      %sub3A_161 = arith.constant 1 : i32
      %sub3A_162 = arith.subi %div3A_141, %sub3A_161 : i32
      %select_n3A_163 = arith.select %and3A_160, %sub3A_162, %div3A_141 : i32
      %while3A_164 = arith.constant 0 : i32
      %while3A_165 = arith.constant 0 : i32
      %while3A_166 = arith.subi %select_n3A_163, %while3A_164 : i32
      %while3A_167 = arith.addi %while3A_164, %while3A_166 : i32
      %while3A_168 = arith.constant 1 : i32
      %while3A_169 = arith.divsi %while3A_166, %while3A_168 : i32
      %while3A_170 = arith.muli %while3A_169, %while3A_168 : i32
      %while3A_171 = arith.addi %while3A_164, %while3A_170 : i32
      %while3A_172 = arith.constant 1 : i32
      %while3A_173 = scf.for %while3A_413 = %while3A_164 to %while3A_171 step %while3A_172 iter_args(%while3A_414 = %while3A_165) -> (i32)  : i32 {
        %mul3A_415 = arith.constant 16 : i32
        %mul3A_416 = arith.muli %while3A_413, %mul3A_415 : i32
        %get3A_417 = arith.index_cast %mul3A_416 : i32 to index
        %get3A_418 = tpu.vector_load %arg9[%get3A_417] {strides = array<i32>} : memref<8208xi32, #tpu.memory_space<vmem>>, vector<16xi32>,
        %mul3A_419 = arith.constant 16 : i32
        %mul3A_420 = arith.muli %while3A_413, %mul3A_419 : i32
        %get3A_421 = arith.index_cast %mul3A_420 : i32 to index
        %get3A_422 = tpu.vector_load %arg10[%get3A_421] {strides = array<i32>} : memref<8208xi32, #tpu.memory_space<vmem>>, vector<16xi32>,
        %ge3A = vector.broadcast %add3A_137 : i32 to vector<16xi32>
        %ge3A_423 = arith.cmpi sge, %get3A_418, %ge3A : vector<16xi32>
        %mul3A_424 = arith.constant 16 : i32
        %mul3A_425 = arith.muli %while3A_413, %mul3A_424 : i32
        %add3A_426 = vector.broadcast %mul3A_425 : i32 to vector<16xi32>
        %add3A_427 = arith.addi %add3A_426, %iota3A : vector<16xi32>
        %lt3A = vector.broadcast %min3A_72 : i32 to vector<16xi32>
        %lt3A_428 = arith.cmpi slt, %add3A_427, %lt3A : vector<16xi32>
        %and3A_429 = arith.andi %ge3A_423, %lt3A_428 : vector<16xi1>
        %lt3A_430 = arith.constant 4096 : i32
        %lt3A_431 = arith.cmpi slt, %while3A_414, %lt3A_430 : i32
        %and3A_432 = vector.broadcast %lt3A_431 : i1 to vector<16xi1>
        %and3A_433 = arith.andi %and3A_429, %and3A_432 : vector<16xi1>
        %swap3A_434 = arith.index_cast %while3A_414 : i32 to index
        %swap3A_435 = tpu.vector_load %arg11[%swap3A_434] masked %and3A_433 {strides = array<i32>} : memref<4112xi32, #tpu.memory_space<vmem>>, vector<16xi32>, vector<16xi1>
        tpu.vector_store %arg11[%swap3A_434], %get3A_418 masked %and3A_433 {strides = array<i32>} : memref<4112xi32, #tpu.memory_space<vmem>>, vector<16xi32>, vector<16xi1>
        %swap3A_436 = arith.index_cast %while3A_414 : i32 to index
        %swap3A_437 = tpu.vector_load %arg12[%swap3A_436] masked %and3A_433 {strides = array<i32>} : memref<4112xi32, #tpu.memory_space<vmem>>, vector<16xi32>, vector<16xi1>
        tpu.vector_store %arg12[%swap3A_436], %get3A_422 masked %and3A_433 {strides = array<i32>} : memref<4112xi32, #tpu.memory_space<vmem>>, vector<16xi32>, vector<16xi1>
        %convert_element_type3A = arith.extui %and3A_433 : vector<16xi1> to vector<16xi32>
        %reduce_sum3A = arith.constant true
        %reduce_sum3A_438 = vector.broadcast %reduce_sum3A : i1 to vector<16xi1>
        %reduce_sum3A_439 = tpu.scan <sum>, %convert_element_type3A masked %reduce_sum3A_438 : vector<16xi32>, vector<16xi1> -> vector<16xi32>
        %reduce_sum3A_440 = vector.extract %reduce_sum3A_439[15] : i32 from vector<16xi32>
        %add3A_441 = arith.addi %while3A_414, %reduce_sum3A_440 : i32
        scf.yield %add3A_441 : i32
      }
      %while3A_174 = arith.constant 1 : i32
      %while3A_175 = scf.for %while3A_413 = %while3A_171 to %while3A_167 step %while3A_174 iter_args(%while3A_414 = %while3A_173) -> (i32)  : i32 {
        %mul3A_415 = arith.constant 16 : i32
        %mul3A_416 = arith.muli %while3A_413, %mul3A_415 : i32
        %get3A_417 = arith.index_cast %mul3A_416 : i32 to index
        %get3A_418 = tpu.vector_load %arg9[%get3A_417] {strides = array<i32>} : memref<8208xi32, #tpu.memory_space<vmem>>, vector<16xi32>,
        %mul3A_419 = arith.constant 16 : i32
        %mul3A_420 = arith.muli %while3A_413, %mul3A_419 : i32
        %get3A_421 = arith.index_cast %mul3A_420 : i32 to index
        %get3A_422 = tpu.vector_load %arg10[%get3A_421] {strides = array<i32>} : memref<8208xi32, #tpu.memory_space<vmem>>, vector<16xi32>,
        %ge3A = vector.broadcast %add3A_137 : i32 to vector<16xi32>
        %ge3A_423 = arith.cmpi sge, %get3A_418, %ge3A : vector<16xi32>
        %mul3A_424 = arith.constant 16 : i32
        %mul3A_425 = arith.muli %while3A_413, %mul3A_424 : i32
        %add3A_426 = vector.broadcast %mul3A_425 : i32 to vector<16xi32>
        %add3A_427 = arith.addi %add3A_426, %iota3A : vector<16xi32>
        %lt3A = vector.broadcast %min3A_72 : i32 to vector<16xi32>
        %lt3A_428 = arith.cmpi slt, %add3A_427, %lt3A : vector<16xi32>
        %and3A_429 = arith.andi %ge3A_423, %lt3A_428 : vector<16xi1>
        %lt3A_430 = arith.constant 4096 : i32
        %lt3A_431 = arith.cmpi slt, %while3A_414, %lt3A_430 : i32
        %and3A_432 = vector.broadcast %lt3A_431 : i1 to vector<16xi1>
        %and3A_433 = arith.andi %and3A_429, %and3A_432 : vector<16xi1>
        %swap3A_434 = arith.index_cast %while3A_414 : i32 to index
        %swap3A_435 = tpu.vector_load %arg11[%swap3A_434] masked %and3A_433 {strides = array<i32>} : memref<4112xi32, #tpu.memory_space<vmem>>, vector<16xi32>, vector<16xi1>
        tpu.vector_store %arg11[%swap3A_434], %get3A_418 masked %and3A_433 {strides = array<i32>} : memref<4112xi32, #tpu.memory_space<vmem>>, vector<16xi32>, vector<16xi1>
        %swap3A_436 = arith.index_cast %while3A_414 : i32 to index
        %swap3A_437 = tpu.vector_load %arg12[%swap3A_436] masked %and3A_433 {strides = array<i32>} : memref<4112xi32, #tpu.memory_space<vmem>>, vector<16xi32>, vector<16xi1>
        tpu.vector_store %arg12[%swap3A_436], %get3A_422 masked %and3A_433 {strides = array<i32>} : memref<4112xi32, #tpu.memory_space<vmem>>, vector<16xi32>, vector<16xi1>
        %convert_element_type3A = arith.extui %and3A_433 : vector<16xi1> to vector<16xi32>
        %reduce_sum3A = arith.constant true
        %reduce_sum3A_438 = vector.broadcast %reduce_sum3A : i1 to vector<16xi1>
        %reduce_sum3A_439 = tpu.scan <sum>, %convert_element_type3A masked %reduce_sum3A_438 : vector<16xi32>, vector<16xi1> -> vector<16xi32>
        %reduce_sum3A_440 = vector.extract %reduce_sum3A_439[15] : i32 from vector<16xi32>
        %add3A_441 = arith.addi %while3A_414, %reduce_sum3A_440 : i32
        scf.yield %add3A_441 : i32
      }
      %sub3A_176 = arith.subi %sub3A_77, %scan3A_133 : i32
      %scan3A_177 = arith.constant 0 : i32
      %scan3A_178 = arith.constant 0 : i32
      %scan3A_179 = arith.constant 34 : i32
      %scan3A_180 = arith.addi %scan3A_178, %scan3A_179 : i32
      %scan3A_181 = arith.constant 1 : i32
      scf.for %scan3A_413 = %scan3A_178 to %scan3A_180 step %scan3A_181  : i32 {
        %mul3A_414 = arith.constant 8 : i32
        %mul3A_415 = arith.muli %scan3A_413, %mul3A_414 : i32
        %add3A_416 = arith.constant 0 : i32
        %add3A_417 = arith.addi %mul3A_415, %add3A_416 : i32
        %mul3A_418 = arith.constant 16 : i32
        %mul3A_419 = arith.muli %add3A_417, %mul3A_418 : i32
        %swap3A_420 = arith.index_cast %mul3A_419 : i32 to index
        %swap3A_421 = tpu.vector_load %arg13[%swap3A_420] {strides = array<i32>} : memref<4352xi32, #tpu.memory_space<vmem>>, vector<16xi32>,
        tpu.vector_store %arg13[%swap3A_420], %broadcast_in_dim3A_4 {strides = array<i32>} : memref<4352xi32, #tpu.memory_space<vmem>>, vector<16xi32>,
        %mul3A_422 = arith.constant 8 : i32
        %mul3A_423 = arith.muli %scan3A_413, %mul3A_422 : i32
        %add3A_424 = arith.constant 1 : i32
        %add3A_425 = arith.addi %mul3A_423, %add3A_424 : i32
        %mul3A_426 = arith.constant 16 : i32
        %mul3A_427 = arith.muli %add3A_425, %mul3A_426 : i32
        %swap3A_428 = arith.index_cast %mul3A_427 : i32 to index
        %swap3A_429 = tpu.vector_load %arg13[%swap3A_428] {strides = array<i32>} : memref<4352xi32, #tpu.memory_space<vmem>>, vector<16xi32>,
        tpu.vector_store %arg13[%swap3A_428], %broadcast_in_dim3A_4 {strides = array<i32>} : memref<4352xi32, #tpu.memory_space<vmem>>, vector<16xi32>,
        %mul3A_430 = arith.constant 8 : i32
        %mul3A_431 = arith.muli %scan3A_413, %mul3A_430 : i32
        %add3A_432 = arith.constant 2 : i32
        %add3A_433 = arith.addi %mul3A_431, %add3A_432 : i32
        %mul3A_434 = arith.constant 16 : i32
        %mul3A_435 = arith.muli %add3A_433, %mul3A_434 : i32
        %swap3A_436 = arith.index_cast %mul3A_435 : i32 to index
        %swap3A_437 = tpu.vector_load %arg13[%swap3A_436] {strides = array<i32>} : memref<4352xi32, #tpu.memory_space<vmem>>, vector<16xi32>,
        tpu.vector_store %arg13[%swap3A_436], %broadcast_in_dim3A_4 {strides = array<i32>} : memref<4352xi32, #tpu.memory_space<vmem>>, vector<16xi32>,
        %mul3A_438 = arith.constant 8 : i32
        %mul3A_439 = arith.muli %scan3A_413, %mul3A_438 : i32
        %add3A_440 = arith.constant 3 : i32
        %add3A_441 = arith.addi %mul3A_439, %add3A_440 : i32
        %mul3A_442 = arith.constant 16 : i32
        %mul3A_443 = arith.muli %add3A_441, %mul3A_442 : i32
        %swap3A_444 = arith.index_cast %mul3A_443 : i32 to index
        %swap3A_445 = tpu.vector_load %arg13[%swap3A_444] {strides = array<i32>} : memref<4352xi32, #tpu.memory_space<vmem>>, vector<16xi32>,
        tpu.vector_store %arg13[%swap3A_444], %broadcast_in_dim3A_4 {strides = array<i32>} : memref<4352xi32, #tpu.memory_space<vmem>>, vector<16xi32>,
        %mul3A_446 = arith.constant 8 : i32
        %mul3A_447 = arith.muli %scan3A_413, %mul3A_446 : i32
        %add3A_448 = arith.constant 4 : i32
        %add3A_449 = arith.addi %mul3A_447, %add3A_448 : i32
        %mul3A_450 = arith.constant 16 : i32
        %mul3A_451 = arith.muli %add3A_449, %mul3A_450 : i32
        %swap3A_452 = arith.index_cast %mul3A_451 : i32 to index
        %swap3A_453 = tpu.vector_load %arg13[%swap3A_452] {strides = array<i32>} : memref<4352xi32, #tpu.memory_space<vmem>>, vector<16xi32>,
        tpu.vector_store %arg13[%swap3A_452], %broadcast_in_dim3A_4 {strides = array<i32>} : memref<4352xi32, #tpu.memory_space<vmem>>, vector<16xi32>,
        %mul3A_454 = arith.constant 8 : i32
        %mul3A_455 = arith.muli %scan3A_413, %mul3A_454 : i32
        %add3A_456 = arith.constant 5 : i32
        %add3A_457 = arith.addi %mul3A_455, %add3A_456 : i32
        %mul3A_458 = arith.constant 16 : i32
        %mul3A_459 = arith.muli %add3A_457, %mul3A_458 : i32
        %swap3A_460 = arith.index_cast %mul3A_459 : i32 to index
        %swap3A_461 = tpu.vector_load %arg13[%swap3A_460] {strides = array<i32>} : memref<4352xi32, #tpu.memory_space<vmem>>, vector<16xi32>,
        tpu.vector_store %arg13[%swap3A_460], %broadcast_in_dim3A_4 {strides = array<i32>} : memref<4352xi32, #tpu.memory_space<vmem>>, vector<16xi32>,
        %mul3A_462 = arith.constant 8 : i32
        %mul3A_463 = arith.muli %scan3A_413, %mul3A_462 : i32
        %add3A_464 = arith.constant 6 : i32
        %add3A_465 = arith.addi %mul3A_463, %add3A_464 : i32
        %mul3A_466 = arith.constant 16 : i32
        %mul3A_467 = arith.muli %add3A_465, %mul3A_466 : i32
        %swap3A_468 = arith.index_cast %mul3A_467 : i32 to index
        %swap3A_469 = tpu.vector_load %arg13[%swap3A_468] {strides = array<i32>} : memref<4352xi32, #tpu.memory_space<vmem>>, vector<16xi32>,
        tpu.vector_store %arg13[%swap3A_468], %broadcast_in_dim3A_4 {strides = array<i32>} : memref<4352xi32, #tpu.memory_space<vmem>>, vector<16xi32>,
        %mul3A_470 = arith.constant 8 : i32
        %mul3A_471 = arith.muli %scan3A_413, %mul3A_470 : i32
        %add3A_472 = arith.constant 7 : i32
        %add3A_473 = arith.addi %mul3A_471, %add3A_472 : i32
        %mul3A_474 = arith.constant 16 : i32
        %mul3A_475 = arith.muli %add3A_473, %mul3A_474 : i32
        %swap3A_476 = arith.index_cast %mul3A_475 : i32 to index
        %swap3A_477 = tpu.vector_load %arg13[%swap3A_476] {strides = array<i32>} : memref<4352xi32, #tpu.memory_space<vmem>>, vector<16xi32>,
        tpu.vector_store %arg13[%swap3A_476], %broadcast_in_dim3A_4 {strides = array<i32>} : memref<4352xi32, #tpu.memory_space<vmem>>, vector<16xi32>,
      }
      %scan3A_182 = arith.constant 34 : i32
      %add3A_183 = arith.constant 65535 : i32
      %add3A_184 = arith.addi %add3A_137, %add3A_183 : i32
      %add3A_185 = arith.constant 15 : i32
      %add3A_186 = arith.addi %while3A_175, %add3A_185 : i32
      %jit3A_187 = arith.constant 16 : i32
      %div3A_188 = arith.divsi %add3A_186, %jit3A_187 : i32
      %sign3A_189 = arith.constant 0 : i32
      %sign3A_190 = arith.cmpi sgt, %add3A_186, %sign3A_189 : i32
      %sign3A_191 = arith.extui %sign3A_190 : i1 to i32
      %sign3A_192 = arith.constant 0 : i32
      %sign3A_193 = arith.cmpi slt, %add3A_186, %sign3A_192 : i32
      %sign3A_194 = arith.extui %sign3A_193 : i1 to i32
      %sign3A_195 = arith.subi %sign3A_191, %sign3A_194 : i32
      %sign3A_196 = arith.constant 0 : i32
      %sign3A_197 = arith.cmpi sgt, %jit3A_187, %sign3A_196 : i32
      %sign3A_198 = arith.extui %sign3A_197 : i1 to i32
      %sign3A_199 = arith.constant 0 : i32
      %sign3A_200 = arith.cmpi slt, %jit3A_187, %sign3A_199 : i32
      %sign3A_201 = arith.extui %sign3A_200 : i1 to i32
      %sign3A_202 = arith.subi %sign3A_198, %sign3A_201 : i32
      %ne3A_203 = arith.cmpi ne, %sign3A_195, %sign3A_202 : i32
      %rem3A_204 = arith.remsi %add3A_186, %jit3A_187 : i32
      %ne3A_205 = arith.constant 0 : i32
      %ne3A_206 = arith.cmpi ne, %rem3A_204, %ne3A_205 : i32
      %and3A_207 = arith.andi %ne3A_203, %ne3A_206 : i1
      %sub3A_208 = arith.constant 1 : i32
      %sub3A_209 = arith.subi %div3A_188, %sub3A_208 : i32
      %select_n3A_210 = arith.select %and3A_207, %sub3A_209, %div3A_188 : i32
      %while3A_211 = arith.constant 0 : i32
      %while3A_212 = arith.constant 0 : i32
      %while3A_213 = arith.subi %select_n3A_210, %while3A_212 : i32
      %while3A_214 = arith.addi %while3A_212, %while3A_213 : i32
      %while3A_215 = arith.constant 1 : i32
      %while3A_216 = arith.divsi %while3A_213, %while3A_215 : i32
      %while3A_217 = arith.muli %while3A_216, %while3A_215 : i32
      %while3A_218 = arith.addi %while3A_212, %while3A_217 : i32
      %while3A_219 = arith.constant 1 : i32
      scf.for %while3A_413 = %while3A_212 to %while3A_218 step %while3A_219  : i32 {
        %mul3A_414 = arith.constant 16 : i32
        %mul3A_415 = arith.muli %while3A_413, %mul3A_414 : i32
        %get3A_416 = arith.index_cast %mul3A_415 : i32 to index
        %get3A_417 = tpu.vector_load %arg11[%get3A_416] {strides = array<i32>} : memref<4112xi32, #tpu.memory_space<vmem>>, vector<16xi32>,
        %le3A = vector.broadcast %add3A_184 : i32 to vector<16xi32>
        %le3A_418 = arith.cmpi sle, %get3A_417, %le3A : vector<16xi32>
        %mul3A_419 = arith.constant 16 : i32
        %mul3A_420 = arith.muli %while3A_413, %mul3A_419 : i32
        %add3A_421 = vector.broadcast %mul3A_420 : i32 to vector<16xi32>
        %add3A_422 = arith.addi %add3A_421, %iota3A : vector<16xi32>
        %lt3A = vector.broadcast %while3A_175 : i32 to vector<16xi32>
        %lt3A_423 = arith.cmpi slt, %add3A_422, %lt3A : vector<16xi32>
        %and3A_424 = arith.andi %le3A_418, %lt3A_423 : vector<16xi1>
        %shift_right_arithmetic3A = arith.constant 8 : i32
        %shift_right_arithmetic3A_425 = vector.broadcast %shift_right_arithmetic3A : i32 to vector<16xi32>
        %shift_right_arithmetic3A_426 = arith.shrsi %get3A_417, %shift_right_arithmetic3A_425 : vector<16xi32>
        %and3A_427 = arith.constant 255 : i32
        %and3A_428 = vector.broadcast %and3A_427 : i32 to vector<16xi32>
        %and3A_429 = arith.andi %shift_right_arithmetic3A_426, %and3A_428 : vector<16xi32>
        %mul3A_430 = arith.constant 17 : i32
        %mul3A_431 = vector.broadcast %mul3A_430 : i32 to vector<16xi32>
        %mul3A_432 = arith.muli %and3A_429, %mul3A_431 : vector<16xi32>
        %add3A_433 = arith.addi %mul3A_432, %iota3A : vector<16xi32>
        tpu.vector_store_idx %arg13[%add3A_433], %broadcast_in_dim3A_6 masked %and3A_424 {add = true} : memref<4352xi32, #tpu.memory_space<vmem>>[vector<16xi32>], vector<16xi32>, vector<16xi1>
      }
      %while3A_220 = arith.constant 1 : i32
      scf.for %while3A_413 = %while3A_218 to %while3A_214 step %while3A_220  : i32 {
        %mul3A_414 = arith.constant 16 : i32
        %mul3A_415 = arith.muli %while3A_413, %mul3A_414 : i32
        %get3A_416 = arith.index_cast %mul3A_415 : i32 to index
        %get3A_417 = tpu.vector_load %arg11[%get3A_416] {strides = array<i32>} : memref<4112xi32, #tpu.memory_space<vmem>>, vector<16xi32>,
        %le3A = vector.broadcast %add3A_184 : i32 to vector<16xi32>
        %le3A_418 = arith.cmpi sle, %get3A_417, %le3A : vector<16xi32>
        %mul3A_419 = arith.constant 16 : i32
        %mul3A_420 = arith.muli %while3A_413, %mul3A_419 : i32
        %add3A_421 = vector.broadcast %mul3A_420 : i32 to vector<16xi32>
        %add3A_422 = arith.addi %add3A_421, %iota3A : vector<16xi32>
        %lt3A = vector.broadcast %while3A_175 : i32 to vector<16xi32>
        %lt3A_423 = arith.cmpi slt, %add3A_422, %lt3A : vector<16xi32>
        %and3A_424 = arith.andi %le3A_418, %lt3A_423 : vector<16xi1>
        %shift_right_arithmetic3A = arith.constant 8 : i32
        %shift_right_arithmetic3A_425 = vector.broadcast %shift_right_arithmetic3A : i32 to vector<16xi32>
        %shift_right_arithmetic3A_426 = arith.shrsi %get3A_417, %shift_right_arithmetic3A_425 : vector<16xi32>
        %and3A_427 = arith.constant 255 : i32
        %and3A_428 = vector.broadcast %and3A_427 : i32 to vector<16xi32>
        %and3A_429 = arith.andi %shift_right_arithmetic3A_426, %and3A_428 : vector<16xi32>
        %mul3A_430 = arith.constant 17 : i32
        %mul3A_431 = vector.broadcast %mul3A_430 : i32 to vector<16xi32>
        %mul3A_432 = arith.muli %and3A_429, %mul3A_431 : vector<16xi32>
        %add3A_433 = arith.addi %mul3A_432, %iota3A : vector<16xi32>
        tpu.vector_store_idx %arg13[%add3A_433], %broadcast_in_dim3A_6 masked %and3A_424 {add = true} : memref<4352xi32, #tpu.memory_space<vmem>>[vector<16xi32>], vector<16xi32>, vector<16xi1>
      }
      %scan3A_221 = arith.constant 0 : i32
      %scan3A_222 = arith.constant 0 : i32
      %scan3A_223 = arith.constant 16 : i32
      %scan3A_224 = arith.addi %scan3A_222, %scan3A_223 : i32
      %scan3A_225 = arith.constant 1 : i32
      scf.for %scan3A_413 = %scan3A_222 to %scan3A_224 step %scan3A_225  : i32 {
        %mul3A_414 = arith.constant 272 : i32
        %mul3A_415 = arith.muli %scan3A_413, %mul3A_414 : i32
        %add3A_416 = vector.broadcast %mul3A_415 : i32 to vector<16xi32>
        %add3A_417 = arith.addi %add3A_416, %mul3A_3 : vector<16xi32>
        %add3A_418 = arith.constant 0 : i32
        %add3A_419 = vector.broadcast %add3A_418 : i32 to vector<16xi32>
        %add3A_420 = arith.addi %add3A_417, %add3A_419 : vector<16xi32>
        %gather3A = tpu.vector_load_idx %arg13[%add3A_420] : memref<4352xi32, #tpu.memory_space<vmem>>[vector<16xi32>], vector<16xi32>,
        %add3A_421 = arith.addi %broadcast_in_dim3A_4, %gather3A : vector<16xi32>
        %add3A_422 = arith.constant 1 : i32
        %add3A_423 = vector.broadcast %add3A_422 : i32 to vector<16xi32>
        %add3A_424 = arith.addi %add3A_417, %add3A_423 : vector<16xi32>
        %gather3A_425 = tpu.vector_load_idx %arg13[%add3A_424] : memref<4352xi32, #tpu.memory_space<vmem>>[vector<16xi32>], vector<16xi32>,
        %add3A_426 = arith.addi %add3A_421, %gather3A_425 : vector<16xi32>
        %add3A_427 = arith.constant 2 : i32
        %add3A_428 = vector.broadcast %add3A_427 : i32 to vector<16xi32>
        %add3A_429 = arith.addi %add3A_417, %add3A_428 : vector<16xi32>
        %gather3A_430 = tpu.vector_load_idx %arg13[%add3A_429] : memref<4352xi32, #tpu.memory_space<vmem>>[vector<16xi32>], vector<16xi32>,
        %add3A_431 = arith.addi %add3A_426, %gather3A_430 : vector<16xi32>
        %add3A_432 = arith.constant 3 : i32
        %add3A_433 = vector.broadcast %add3A_432 : i32 to vector<16xi32>
        %add3A_434 = arith.addi %add3A_417, %add3A_433 : vector<16xi32>
        %gather3A_435 = tpu.vector_load_idx %arg13[%add3A_434] : memref<4352xi32, #tpu.memory_space<vmem>>[vector<16xi32>], vector<16xi32>,
        %add3A_436 = arith.addi %add3A_431, %gather3A_435 : vector<16xi32>
        %add3A_437 = arith.constant 4 : i32
        %add3A_438 = vector.broadcast %add3A_437 : i32 to vector<16xi32>
        %add3A_439 = arith.addi %add3A_417, %add3A_438 : vector<16xi32>
        %gather3A_440 = tpu.vector_load_idx %arg13[%add3A_439] : memref<4352xi32, #tpu.memory_space<vmem>>[vector<16xi32>], vector<16xi32>,
        %add3A_441 = arith.addi %add3A_436, %gather3A_440 : vector<16xi32>
        %add3A_442 = arith.constant 5 : i32
        %add3A_443 = vector.broadcast %add3A_442 : i32 to vector<16xi32>
        %add3A_444 = arith.addi %add3A_417, %add3A_443 : vector<16xi32>
        %gather3A_445 = tpu.vector_load_idx %arg13[%add3A_444] : memref<4352xi32, #tpu.memory_space<vmem>>[vector<16xi32>], vector<16xi32>,
        %add3A_446 = arith.addi %add3A_441, %gather3A_445 : vector<16xi32>
        %add3A_447 = arith.constant 6 : i32
        %add3A_448 = vector.broadcast %add3A_447 : i32 to vector<16xi32>
        %add3A_449 = arith.addi %add3A_417, %add3A_448 : vector<16xi32>
        %gather3A_450 = tpu.vector_load_idx %arg13[%add3A_449] : memref<4352xi32, #tpu.memory_space<vmem>>[vector<16xi32>], vector<16xi32>,
        %add3A_451 = arith.addi %add3A_446, %gather3A_450 : vector<16xi32>
        %add3A_452 = arith.constant 7 : i32
        %add3A_453 = vector.broadcast %add3A_452 : i32 to vector<16xi32>
        %add3A_454 = arith.addi %add3A_417, %add3A_453 : vector<16xi32>
        %gather3A_455 = tpu.vector_load_idx %arg13[%add3A_454] : memref<4352xi32, #tpu.memory_space<vmem>>[vector<16xi32>], vector<16xi32>,
        %add3A_456 = arith.addi %add3A_451, %gather3A_455 : vector<16xi32>
        %add3A_457 = arith.constant 8 : i32
        %add3A_458 = vector.broadcast %add3A_457 : i32 to vector<16xi32>
        %add3A_459 = arith.addi %add3A_417, %add3A_458 : vector<16xi32>
        %gather3A_460 = tpu.vector_load_idx %arg13[%add3A_459] : memref<4352xi32, #tpu.memory_space<vmem>>[vector<16xi32>], vector<16xi32>,
        %add3A_461 = arith.addi %add3A_456, %gather3A_460 : vector<16xi32>
        %add3A_462 = arith.constant 9 : i32
        %add3A_463 = vector.broadcast %add3A_462 : i32 to vector<16xi32>
        %add3A_464 = arith.addi %add3A_417, %add3A_463 : vector<16xi32>
        %gather3A_465 = tpu.vector_load_idx %arg13[%add3A_464] : memref<4352xi32, #tpu.memory_space<vmem>>[vector<16xi32>], vector<16xi32>,
        %add3A_466 = arith.addi %add3A_461, %gather3A_465 : vector<16xi32>
        %add3A_467 = arith.constant 10 : i32
        %add3A_468 = vector.broadcast %add3A_467 : i32 to vector<16xi32>
        %add3A_469 = arith.addi %add3A_417, %add3A_468 : vector<16xi32>
        %gather3A_470 = tpu.vector_load_idx %arg13[%add3A_469] : memref<4352xi32, #tpu.memory_space<vmem>>[vector<16xi32>], vector<16xi32>,
        %add3A_471 = arith.addi %add3A_466, %gather3A_470 : vector<16xi32>
        %add3A_472 = arith.constant 11 : i32
        %add3A_473 = vector.broadcast %add3A_472 : i32 to vector<16xi32>
        %add3A_474 = arith.addi %add3A_417, %add3A_473 : vector<16xi32>
        %gather3A_475 = tpu.vector_load_idx %arg13[%add3A_474] : memref<4352xi32, #tpu.memory_space<vmem>>[vector<16xi32>], vector<16xi32>,
        %add3A_476 = arith.addi %add3A_471, %gather3A_475 : vector<16xi32>
        %add3A_477 = arith.constant 12 : i32
        %add3A_478 = vector.broadcast %add3A_477 : i32 to vector<16xi32>
        %add3A_479 = arith.addi %add3A_417, %add3A_478 : vector<16xi32>
        %gather3A_480 = tpu.vector_load_idx %arg13[%add3A_479] : memref<4352xi32, #tpu.memory_space<vmem>>[vector<16xi32>], vector<16xi32>,
        %add3A_481 = arith.addi %add3A_476, %gather3A_480 : vector<16xi32>
        %add3A_482 = arith.constant 13 : i32
        %add3A_483 = vector.broadcast %add3A_482 : i32 to vector<16xi32>
        %add3A_484 = arith.addi %add3A_417, %add3A_483 : vector<16xi32>
        %gather3A_485 = tpu.vector_load_idx %arg13[%add3A_484] : memref<4352xi32, #tpu.memory_space<vmem>>[vector<16xi32>], vector<16xi32>,
        %add3A_486 = arith.addi %add3A_481, %gather3A_485 : vector<16xi32>
        %add3A_487 = arith.constant 14 : i32
        %add3A_488 = vector.broadcast %add3A_487 : i32 to vector<16xi32>
        %add3A_489 = arith.addi %add3A_417, %add3A_488 : vector<16xi32>
        %gather3A_490 = tpu.vector_load_idx %arg13[%add3A_489] : memref<4352xi32, #tpu.memory_space<vmem>>[vector<16xi32>], vector<16xi32>,
        %add3A_491 = arith.addi %add3A_486, %gather3A_490 : vector<16xi32>
        %add3A_492 = arith.constant 15 : i32
        %add3A_493 = vector.broadcast %add3A_492 : i32 to vector<16xi32>
        %add3A_494 = arith.addi %add3A_417, %add3A_493 : vector<16xi32>
        %gather3A_495 = tpu.vector_load_idx %arg13[%add3A_494] : memref<4352xi32, #tpu.memory_space<vmem>>[vector<16xi32>], vector<16xi32>,
        %add3A_496 = arith.addi %add3A_491, %gather3A_495 : vector<16xi32>
        %mul3A_497 = arith.constant 16 : i32
        %mul3A_498 = arith.muli %scan3A_413, %mul3A_497 : i32
        %swap3A_499 = arith.index_cast %mul3A_498 : i32 to index
        %swap3A_500 = tpu.vector_load %arg14[%swap3A_499] {strides = array<i32>} : memref<256xi32, #tpu.memory_space<vmem>>, vector<16xi32>,
        tpu.vector_store %arg14[%swap3A_499], %add3A_496 {strides = array<i32>} : memref<256xi32, #tpu.memory_space<vmem>>, vector<16xi32>,
      }
      %scan3A_226 = arith.constant 16 : i32
      %scan3A_227 = arith.constant -1 : i32
      %scan3A_228 = arith.constant 0 : i32
      %scan3A_229 = arith.constant 0 : i32
      %scan3A_230 = arith.constant 16 : i32
      %scan3A_231 = arith.addi %scan3A_229, %scan3A_230 : i32
      %scan3A_232 = arith.constant 1 : i32
      %scan3A_233:2 = scf.for %scan3A_413 = %scan3A_229 to %scan3A_231 step %scan3A_232 iter_args(%scan3A_414 = %scan3A_227, %scan3A_415 = %scan3A_228) -> (i32, i32)  : i32 {
        %sub3A_416 = arith.constant 15 : i32
        %sub3A_417 = arith.subi %sub3A_416, %scan3A_413 : i32
        %mul3A_418 = arith.constant 16 : i32
        %mul3A_419 = arith.muli %sub3A_417, %mul3A_418 : i32
        %get3A_420 = arith.index_cast %mul3A_419 : i32 to index
        %get3A_421 = tpu.vector_load %arg14[%get3A_420] {strides = array<i32>} : memref<256xi32, #tpu.memory_space<vmem>>, vector<16xi32>,
        %rev3A = arith.constant 15 : i32
        %rev3A_422 = vector.broadcast %rev3A : i32 to vector<16xi32>
        %rev3A_423 = tpu.iota {dimensions = array<i32: 0>} : vector<16xi32>
        %rev3A_424 = arith.subi %rev3A_422, %rev3A_423 : vector<16xi32>
        %rev3A_425 = tpu.dynamic_gather %get3A_421[%rev3A_424] in [0] : vector<16xi32>, vector<16xi32> -> vector<16xi32>
        %broadcast_in_dim3A_426 = arith.constant true
        %broadcast_in_dim3A_427 = vector.broadcast %broadcast_in_dim3A_426 : i1 to vector<16xi1>
        %masked_cumsum3A = tpu.scan <sum>, %rev3A_425 masked %broadcast_in_dim3A_427 : vector<16xi32>, vector<16xi1> -> vector<16xi32>
        %rev3A_428 = arith.constant 15 : i32
        %rev3A_429 = vector.broadcast %rev3A_428 : i32 to vector<16xi32>
        %rev3A_430 = tpu.iota {dimensions = array<i32: 0>} : vector<16xi32>
        %rev3A_431 = arith.subi %rev3A_429, %rev3A_430 : vector<16xi32>
        %rev3A_432 = tpu.dynamic_gather %masked_cumsum3A[%rev3A_431] in [0] : vector<16xi32>, vector<16xi32> -> vector<16xi32>
        %add3A_433 = vector.broadcast %scan3A_415 : i32 to vector<16xi32>
        %add3A_434 = arith.addi %add3A_433, %rev3A_432 : vector<16xi32>
        %ge3A = vector.broadcast %sub3A_176 : i32 to vector<16xi32>
        %ge3A_435 = arith.cmpi sge, %add3A_434, %ge3A : vector<16xi32>
        %mul3A_436 = arith.constant 16 : i32
        %mul3A_437 = arith.muli %sub3A_417, %mul3A_436 : i32
        %add3A_438 = vector.broadcast %mul3A_437 : i32 to vector<16xi32>
        %add3A_439 = arith.addi %add3A_438, %iota3A : vector<16xi32>
        %jit3A_440 = arith.constant -1 : i32
        %broadcast_in_dim3A_441 = vector.broadcast %jit3A_440 : i32 to vector<16xi32>
        %select_n3A_442 = arith.select %ge3A_435, %add3A_439, %broadcast_in_dim3A_441 : vector<16xi1>, vector<16xi32>
        %reduce_max3A = arith.constant true
        %reduce_max3A_443 = vector.broadcast %reduce_max3A : i1 to vector<16xi1>
        %reduce_max3A_444 = arith.constant -2147483648 : i32
        %reduce_max3A_445 = vector.broadcast %reduce_max3A_444 : i32 to vector<16xi32>
        %reduce_max3A_446 = arith.xori %select_n3A_442, %reduce_max3A_445 : vector<16xi32>
        %reduce_max3A_447 = tpu.scan <max>, %reduce_max3A_446 masked %reduce_max3A_443 : vector<16xi32>, vector<16xi1> -> vector<16xi32>
        %reduce_max3A_448 = arith.xori %reduce_max3A_447, %reduce_max3A_445 : vector<16xi32>
        %reduce_max3A_449 = vector.extract %reduce_max3A_448[15] : i32 from vector<16xi32>
        %max3A = arith.maxsi %scan3A_414, %reduce_max3A_449 : i32
        %reduce_sum3A = arith.constant true
        %reduce_sum3A_450 = vector.broadcast %reduce_sum3A : i1 to vector<16xi1>
        %reduce_sum3A_451 = tpu.scan <sum>, %get3A_421 masked %reduce_sum3A_450 : vector<16xi32>, vector<16xi1> -> vector<16xi32>
        %reduce_sum3A_452 = vector.extract %reduce_sum3A_451[15] : i32 from vector<16xi32>
        %add3A_453 = arith.addi %scan3A_415, %reduce_sum3A_452 : i32
        scf.yield %max3A, %add3A_453 : i32, i32
      }
      %scan3A_234 = arith.constant 16 : i32
      %scan3A_235 = arith.constant 0 : i32
      %scan3A_236 = arith.constant 0 : i32
      %scan3A_237 = arith.constant 16 : i32
      %scan3A_238 = arith.addi %scan3A_236, %scan3A_237 : i32
      %scan3A_239 = arith.constant 1 : i32
      %scan3A_240 = scf.for %scan3A_413 = %scan3A_236 to %scan3A_238 step %scan3A_239 iter_args(%scan3A_414 = %scan3A_235) -> (i32)  : i32 {
        %mul3A_415 = arith.constant 16 : i32
        %mul3A_416 = arith.muli %scan3A_413, %mul3A_415 : i32
        %get3A_417 = arith.index_cast %mul3A_416 : i32 to index
        %get3A_418 = tpu.vector_load %arg14[%get3A_417] {strides = array<i32>} : memref<256xi32, #tpu.memory_space<vmem>>, vector<16xi32>,
        %mul3A_419 = arith.constant 16 : i32
        %mul3A_420 = arith.muli %scan3A_413, %mul3A_419 : i32
        %add3A_421 = vector.broadcast %mul3A_420 : i32 to vector<16xi32>
        %add3A_422 = arith.addi %add3A_421, %iota3A : vector<16xi32>
        %gt3A = vector.broadcast %scan3A_233#0 : i32 to vector<16xi32>
        %gt3A_423 = arith.cmpi sgt, %add3A_422, %gt3A : vector<16xi32>
        %jit3A_424 = arith.constant 0 : i32
        %broadcast_in_dim3A_425 = vector.broadcast %jit3A_424 : i32 to vector<16xi32>
        %select_n3A_426 = arith.select %gt3A_423, %get3A_418, %broadcast_in_dim3A_425 : vector<16xi1>, vector<16xi32>
        %reduce_sum3A = arith.constant true
        %reduce_sum3A_427 = vector.broadcast %reduce_sum3A : i1 to vector<16xi1>
        %reduce_sum3A_428 = tpu.scan <sum>, %select_n3A_426 masked %reduce_sum3A_427 : vector<16xi32>, vector<16xi1> -> vector<16xi32>
        %reduce_sum3A_429 = vector.extract %reduce_sum3A_428[15] : i32 from vector<16xi32>
        %add3A_430 = arith.addi %scan3A_414, %reduce_sum3A_429 : i32
        scf.yield %add3A_430 : i32
      }
      %scan3A_241 = arith.constant 16 : i32
      %shift_left3A_242 = arith.constant 8 : i32
      %shift_left3A_243 = arith.shli %scan3A_233#0, %shift_left3A_242 : i32
      %add3A_244 = arith.addi %add3A_137, %shift_left3A_243 : i32
      %add3A_245 = arith.constant 15 : i32
      %add3A_246 = arith.addi %while3A_175, %add3A_245 : i32
      %jit3A_247 = arith.constant 16 : i32
      %div3A_248 = arith.divsi %add3A_246, %jit3A_247 : i32
      %sign3A_249 = arith.constant 0 : i32
      %sign3A_250 = arith.cmpi sgt, %add3A_246, %sign3A_249 : i32
      %sign3A_251 = arith.extui %sign3A_250 : i1 to i32
      %sign3A_252 = arith.constant 0 : i32
      %sign3A_253 = arith.cmpi slt, %add3A_246, %sign3A_252 : i32
      %sign3A_254 = arith.extui %sign3A_253 : i1 to i32
      %sign3A_255 = arith.subi %sign3A_251, %sign3A_254 : i32
      %sign3A_256 = arith.constant 0 : i32
      %sign3A_257 = arith.cmpi sgt, %jit3A_247, %sign3A_256 : i32
      %sign3A_258 = arith.extui %sign3A_257 : i1 to i32
      %sign3A_259 = arith.constant 0 : i32
      %sign3A_260 = arith.cmpi slt, %jit3A_247, %sign3A_259 : i32
      %sign3A_261 = arith.extui %sign3A_260 : i1 to i32
      %sign3A_262 = arith.subi %sign3A_258, %sign3A_261 : i32
      %ne3A_263 = arith.cmpi ne, %sign3A_255, %sign3A_262 : i32
      %rem3A_264 = arith.remsi %add3A_246, %jit3A_247 : i32
      %ne3A_265 = arith.constant 0 : i32
      %ne3A_266 = arith.cmpi ne, %rem3A_264, %ne3A_265 : i32
      %and3A_267 = arith.andi %ne3A_263, %ne3A_266 : i1
      %sub3A_268 = arith.constant 1 : i32
      %sub3A_269 = arith.subi %div3A_248, %sub3A_268 : i32
      %select_n3A_270 = arith.select %and3A_267, %sub3A_269, %div3A_248 : i32
      %while3A_271 = arith.constant 0 : i32
      %while3A_272 = arith.constant 0 : i32
      %while3A_273 = arith.subi %select_n3A_270, %while3A_271 : i32
      %while3A_274 = arith.addi %while3A_271, %while3A_273 : i32
      %while3A_275 = arith.constant 1 : i32
      %while3A_276 = arith.divsi %while3A_273, %while3A_275 : i32
      %while3A_277 = arith.muli %while3A_276, %while3A_275 : i32
      %while3A_278 = arith.addi %while3A_271, %while3A_277 : i32
      %while3A_279 = arith.constant 1 : i32
      %while3A_280 = scf.for %while3A_413 = %while3A_271 to %while3A_278 step %while3A_279 iter_args(%while3A_414 = %while3A_272) -> (i32)  : i32 {
        %mul3A_415 = arith.constant 16 : i32
        %mul3A_416 = arith.muli %while3A_413, %mul3A_415 : i32
        %get3A_417 = arith.index_cast %mul3A_416 : i32 to index
        %get3A_418 = tpu.vector_load %arg11[%get3A_417] {strides = array<i32>} : memref<4112xi32, #tpu.memory_space<vmem>>, vector<16xi32>,
        %mul3A_419 = arith.constant 16 : i32
        %mul3A_420 = arith.muli %while3A_413, %mul3A_419 : i32
        %get3A_421 = arith.index_cast %mul3A_420 : i32 to index
        %get3A_422 = tpu.vector_load %arg12[%get3A_421] {strides = array<i32>} : memref<4112xi32, #tpu.memory_space<vmem>>, vector<16xi32>,
        %ge3A = vector.broadcast %add3A_244 : i32 to vector<16xi32>
        %ge3A_423 = arith.cmpi sge, %get3A_418, %ge3A : vector<16xi32>
        %mul3A_424 = arith.constant 16 : i32
        %mul3A_425 = arith.muli %while3A_413, %mul3A_424 : i32
        %add3A_426 = vector.broadcast %mul3A_425 : i32 to vector<16xi32>
        %add3A_427 = arith.addi %add3A_426, %iota3A : vector<16xi32>
        %lt3A = vector.broadcast %while3A_175 : i32 to vector<16xi32>
        %lt3A_428 = arith.cmpi slt, %add3A_427, %lt3A : vector<16xi32>
        %and3A_429 = arith.andi %ge3A_423, %lt3A_428 : vector<16xi1>
        %lt3A_430 = arith.constant 8192 : i32
        %lt3A_431 = arith.cmpi slt, %while3A_414, %lt3A_430 : i32
        %and3A_432 = vector.broadcast %lt3A_431 : i1 to vector<16xi1>
        %and3A_433 = arith.andi %and3A_429, %and3A_432 : vector<16xi1>
        %swap3A_434 = arith.index_cast %while3A_414 : i32 to index
        %swap3A_435 = tpu.vector_load %arg9[%swap3A_434] masked %and3A_433 {strides = array<i32>} : memref<8208xi32, #tpu.memory_space<vmem>>, vector<16xi32>, vector<16xi1>
        tpu.vector_store %arg9[%swap3A_434], %get3A_418 masked %and3A_433 {strides = array<i32>} : memref<8208xi32, #tpu.memory_space<vmem>>, vector<16xi32>, vector<16xi1>
        %swap3A_436 = arith.index_cast %while3A_414 : i32 to index
        %swap3A_437 = tpu.vector_load %arg10[%swap3A_436] masked %and3A_433 {strides = array<i32>} : memref<8208xi32, #tpu.memory_space<vmem>>, vector<16xi32>, vector<16xi1>
        tpu.vector_store %arg10[%swap3A_436], %get3A_422 masked %and3A_433 {strides = array<i32>} : memref<8208xi32, #tpu.memory_space<vmem>>, vector<16xi32>, vector<16xi1>
        %convert_element_type3A = arith.extui %and3A_433 : vector<16xi1> to vector<16xi32>
        %reduce_sum3A = arith.constant true
        %reduce_sum3A_438 = vector.broadcast %reduce_sum3A : i1 to vector<16xi1>
        %reduce_sum3A_439 = tpu.scan <sum>, %convert_element_type3A masked %reduce_sum3A_438 : vector<16xi32>, vector<16xi1> -> vector<16xi32>
        %reduce_sum3A_440 = vector.extract %reduce_sum3A_439[15] : i32 from vector<16xi32>
        %add3A_441 = arith.addi %while3A_414, %reduce_sum3A_440 : i32
        scf.yield %add3A_441 : i32
      }
      %while3A_281 = arith.constant 1 : i32
      %while3A_282 = scf.for %while3A_413 = %while3A_278 to %while3A_274 step %while3A_281 iter_args(%while3A_414 = %while3A_280) -> (i32)  : i32 {
        %mul3A_415 = arith.constant 16 : i32
        %mul3A_416 = arith.muli %while3A_413, %mul3A_415 : i32
        %get3A_417 = arith.index_cast %mul3A_416 : i32 to index
        %get3A_418 = tpu.vector_load %arg11[%get3A_417] {strides = array<i32>} : memref<4112xi32, #tpu.memory_space<vmem>>, vector<16xi32>,
        %mul3A_419 = arith.constant 16 : i32
        %mul3A_420 = arith.muli %while3A_413, %mul3A_419 : i32
        %get3A_421 = arith.index_cast %mul3A_420 : i32 to index
        %get3A_422 = tpu.vector_load %arg12[%get3A_421] {strides = array<i32>} : memref<4112xi32, #tpu.memory_space<vmem>>, vector<16xi32>,
        %ge3A = vector.broadcast %add3A_244 : i32 to vector<16xi32>
        %ge3A_423 = arith.cmpi sge, %get3A_418, %ge3A : vector<16xi32>
        %mul3A_424 = arith.constant 16 : i32
        %mul3A_425 = arith.muli %while3A_413, %mul3A_424 : i32
        %add3A_426 = vector.broadcast %mul3A_425 : i32 to vector<16xi32>
        %add3A_427 = arith.addi %add3A_426, %iota3A : vector<16xi32>
        %lt3A = vector.broadcast %while3A_175 : i32 to vector<16xi32>
        %lt3A_428 = arith.cmpi slt, %add3A_427, %lt3A : vector<16xi32>
        %and3A_429 = arith.andi %ge3A_423, %lt3A_428 : vector<16xi1>
        %lt3A_430 = arith.constant 8192 : i32
        %lt3A_431 = arith.cmpi slt, %while3A_414, %lt3A_430 : i32
        %and3A_432 = vector.broadcast %lt3A_431 : i1 to vector<16xi1>
        %and3A_433 = arith.andi %and3A_429, %and3A_432 : vector<16xi1>
        %swap3A_434 = arith.index_cast %while3A_414 : i32 to index
        %swap3A_435 = tpu.vector_load %arg9[%swap3A_434] masked %and3A_433 {strides = array<i32>} : memref<8208xi32, #tpu.memory_space<vmem>>, vector<16xi32>, vector<16xi1>
        tpu.vector_store %arg9[%swap3A_434], %get3A_418 masked %and3A_433 {strides = array<i32>} : memref<8208xi32, #tpu.memory_space<vmem>>, vector<16xi32>, vector<16xi1>
        %swap3A_436 = arith.index_cast %while3A_414 : i32 to index
        %swap3A_437 = tpu.vector_load %arg10[%swap3A_436] masked %and3A_433 {strides = array<i32>} : memref<8208xi32, #tpu.memory_space<vmem>>, vector<16xi32>, vector<16xi1>
        tpu.vector_store %arg10[%swap3A_436], %get3A_422 masked %and3A_433 {strides = array<i32>} : memref<8208xi32, #tpu.memory_space<vmem>>, vector<16xi32>, vector<16xi1>
        %convert_element_type3A = arith.extui %and3A_433 : vector<16xi1> to vector<16xi32>
        %reduce_sum3A = arith.constant true
        %reduce_sum3A_438 = vector.broadcast %reduce_sum3A : i1 to vector<16xi1>
        %reduce_sum3A_439 = tpu.scan <sum>, %convert_element_type3A masked %reduce_sum3A_438 : vector<16xi32>, vector<16xi1> -> vector<16xi32>
        %reduce_sum3A_440 = vector.extract %reduce_sum3A_439[15] : i32 from vector<16xi32>
        %add3A_441 = arith.addi %while3A_414, %reduce_sum3A_440 : i32
        scf.yield %add3A_441 : i32
      }
      %sub3A_283 = arith.subi %sub3A_176, %scan3A_240 : i32
      %scan3A_284 = arith.constant 0 : i32
      %scan3A_285 = arith.constant 0 : i32
      %scan3A_286 = arith.constant 34 : i32
      %scan3A_287 = arith.addi %scan3A_285, %scan3A_286 : i32
      %scan3A_288 = arith.constant 1 : i32
      scf.for %scan3A_413 = %scan3A_285 to %scan3A_287 step %scan3A_288  : i32 {
        %mul3A_414 = arith.constant 8 : i32
        %mul3A_415 = arith.muli %scan3A_413, %mul3A_414 : i32
        %add3A_416 = arith.constant 0 : i32
        %add3A_417 = arith.addi %mul3A_415, %add3A_416 : i32
        %mul3A_418 = arith.constant 16 : i32
        %mul3A_419 = arith.muli %add3A_417, %mul3A_418 : i32
        %swap3A_420 = arith.index_cast %mul3A_419 : i32 to index
        %swap3A_421 = tpu.vector_load %arg13[%swap3A_420] {strides = array<i32>} : memref<4352xi32, #tpu.memory_space<vmem>>, vector<16xi32>,
        tpu.vector_store %arg13[%swap3A_420], %broadcast_in_dim3A_4 {strides = array<i32>} : memref<4352xi32, #tpu.memory_space<vmem>>, vector<16xi32>,
        %mul3A_422 = arith.constant 8 : i32
        %mul3A_423 = arith.muli %scan3A_413, %mul3A_422 : i32
        %add3A_424 = arith.constant 1 : i32
        %add3A_425 = arith.addi %mul3A_423, %add3A_424 : i32
        %mul3A_426 = arith.constant 16 : i32
        %mul3A_427 = arith.muli %add3A_425, %mul3A_426 : i32
        %swap3A_428 = arith.index_cast %mul3A_427 : i32 to index
        %swap3A_429 = tpu.vector_load %arg13[%swap3A_428] {strides = array<i32>} : memref<4352xi32, #tpu.memory_space<vmem>>, vector<16xi32>,
        tpu.vector_store %arg13[%swap3A_428], %broadcast_in_dim3A_4 {strides = array<i32>} : memref<4352xi32, #tpu.memory_space<vmem>>, vector<16xi32>,
        %mul3A_430 = arith.constant 8 : i32
        %mul3A_431 = arith.muli %scan3A_413, %mul3A_430 : i32
        %add3A_432 = arith.constant 2 : i32
        %add3A_433 = arith.addi %mul3A_431, %add3A_432 : i32
        %mul3A_434 = arith.constant 16 : i32
        %mul3A_435 = arith.muli %add3A_433, %mul3A_434 : i32
        %swap3A_436 = arith.index_cast %mul3A_435 : i32 to index
        %swap3A_437 = tpu.vector_load %arg13[%swap3A_436] {strides = array<i32>} : memref<4352xi32, #tpu.memory_space<vmem>>, vector<16xi32>,
        tpu.vector_store %arg13[%swap3A_436], %broadcast_in_dim3A_4 {strides = array<i32>} : memref<4352xi32, #tpu.memory_space<vmem>>, vector<16xi32>,
        %mul3A_438 = arith.constant 8 : i32
        %mul3A_439 = arith.muli %scan3A_413, %mul3A_438 : i32
        %add3A_440 = arith.constant 3 : i32
        %add3A_441 = arith.addi %mul3A_439, %add3A_440 : i32
        %mul3A_442 = arith.constant 16 : i32
        %mul3A_443 = arith.muli %add3A_441, %mul3A_442 : i32
        %swap3A_444 = arith.index_cast %mul3A_443 : i32 to index
        %swap3A_445 = tpu.vector_load %arg13[%swap3A_444] {strides = array<i32>} : memref<4352xi32, #tpu.memory_space<vmem>>, vector<16xi32>,
        tpu.vector_store %arg13[%swap3A_444], %broadcast_in_dim3A_4 {strides = array<i32>} : memref<4352xi32, #tpu.memory_space<vmem>>, vector<16xi32>,
        %mul3A_446 = arith.constant 8 : i32
        %mul3A_447 = arith.muli %scan3A_413, %mul3A_446 : i32
        %add3A_448 = arith.constant 4 : i32
        %add3A_449 = arith.addi %mul3A_447, %add3A_448 : i32
        %mul3A_450 = arith.constant 16 : i32
        %mul3A_451 = arith.muli %add3A_449, %mul3A_450 : i32
        %swap3A_452 = arith.index_cast %mul3A_451 : i32 to index
        %swap3A_453 = tpu.vector_load %arg13[%swap3A_452] {strides = array<i32>} : memref<4352xi32, #tpu.memory_space<vmem>>, vector<16xi32>,
        tpu.vector_store %arg13[%swap3A_452], %broadcast_in_dim3A_4 {strides = array<i32>} : memref<4352xi32, #tpu.memory_space<vmem>>, vector<16xi32>,
        %mul3A_454 = arith.constant 8 : i32
        %mul3A_455 = arith.muli %scan3A_413, %mul3A_454 : i32
        %add3A_456 = arith.constant 5 : i32
        %add3A_457 = arith.addi %mul3A_455, %add3A_456 : i32
        %mul3A_458 = arith.constant 16 : i32
        %mul3A_459 = arith.muli %add3A_457, %mul3A_458 : i32
        %swap3A_460 = arith.index_cast %mul3A_459 : i32 to index
        %swap3A_461 = tpu.vector_load %arg13[%swap3A_460] {strides = array<i32>} : memref<4352xi32, #tpu.memory_space<vmem>>, vector<16xi32>,
        tpu.vector_store %arg13[%swap3A_460], %broadcast_in_dim3A_4 {strides = array<i32>} : memref<4352xi32, #tpu.memory_space<vmem>>, vector<16xi32>,
        %mul3A_462 = arith.constant 8 : i32
        %mul3A_463 = arith.muli %scan3A_413, %mul3A_462 : i32
        %add3A_464 = arith.constant 6 : i32
        %add3A_465 = arith.addi %mul3A_463, %add3A_464 : i32
        %mul3A_466 = arith.constant 16 : i32
        %mul3A_467 = arith.muli %add3A_465, %mul3A_466 : i32
        %swap3A_468 = arith.index_cast %mul3A_467 : i32 to index
        %swap3A_469 = tpu.vector_load %arg13[%swap3A_468] {strides = array<i32>} : memref<4352xi32, #tpu.memory_space<vmem>>, vector<16xi32>,
        tpu.vector_store %arg13[%swap3A_468], %broadcast_in_dim3A_4 {strides = array<i32>} : memref<4352xi32, #tpu.memory_space<vmem>>, vector<16xi32>,
        %mul3A_470 = arith.constant 8 : i32
        %mul3A_471 = arith.muli %scan3A_413, %mul3A_470 : i32
        %add3A_472 = arith.constant 7 : i32
        %add3A_473 = arith.addi %mul3A_471, %add3A_472 : i32
        %mul3A_474 = arith.constant 16 : i32
        %mul3A_475 = arith.muli %add3A_473, %mul3A_474 : i32
        %swap3A_476 = arith.index_cast %mul3A_475 : i32 to index
        %swap3A_477 = tpu.vector_load %arg13[%swap3A_476] {strides = array<i32>} : memref<4352xi32, #tpu.memory_space<vmem>>, vector<16xi32>,
        tpu.vector_store %arg13[%swap3A_476], %broadcast_in_dim3A_4 {strides = array<i32>} : memref<4352xi32, #tpu.memory_space<vmem>>, vector<16xi32>,
      }
      %scan3A_289 = arith.constant 34 : i32
      %add3A_290 = arith.constant 255 : i32
      %add3A_291 = arith.addi %add3A_244, %add3A_290 : i32
      %add3A_292 = arith.constant 15 : i32
      %add3A_293 = arith.addi %while3A_282, %add3A_292 : i32
      %jit3A_294 = arith.constant 16 : i32
      %div3A_295 = arith.divsi %add3A_293, %jit3A_294 : i32
      %sign3A_296 = arith.constant 0 : i32
      %sign3A_297 = arith.cmpi sgt, %add3A_293, %sign3A_296 : i32
      %sign3A_298 = arith.extui %sign3A_297 : i1 to i32
      %sign3A_299 = arith.constant 0 : i32
      %sign3A_300 = arith.cmpi slt, %add3A_293, %sign3A_299 : i32
      %sign3A_301 = arith.extui %sign3A_300 : i1 to i32
      %sign3A_302 = arith.subi %sign3A_298, %sign3A_301 : i32
      %sign3A_303 = arith.constant 0 : i32
      %sign3A_304 = arith.cmpi sgt, %jit3A_294, %sign3A_303 : i32
      %sign3A_305 = arith.extui %sign3A_304 : i1 to i32
      %sign3A_306 = arith.constant 0 : i32
      %sign3A_307 = arith.cmpi slt, %jit3A_294, %sign3A_306 : i32
      %sign3A_308 = arith.extui %sign3A_307 : i1 to i32
      %sign3A_309 = arith.subi %sign3A_305, %sign3A_308 : i32
      %ne3A_310 = arith.cmpi ne, %sign3A_302, %sign3A_309 : i32
      %rem3A_311 = arith.remsi %add3A_293, %jit3A_294 : i32
      %ne3A_312 = arith.constant 0 : i32
      %ne3A_313 = arith.cmpi ne, %rem3A_311, %ne3A_312 : i32
      %and3A_314 = arith.andi %ne3A_310, %ne3A_313 : i1
      %sub3A_315 = arith.constant 1 : i32
      %sub3A_316 = arith.subi %div3A_295, %sub3A_315 : i32
      %select_n3A_317 = arith.select %and3A_314, %sub3A_316, %div3A_295 : i32
      %while3A_318 = arith.constant 0 : i32
      %while3A_319 = arith.constant 0 : i32
      %while3A_320 = arith.subi %select_n3A_317, %while3A_319 : i32
      %while3A_321 = arith.addi %while3A_319, %while3A_320 : i32
      %while3A_322 = arith.constant 1 : i32
      %while3A_323 = arith.divsi %while3A_320, %while3A_322 : i32
      %while3A_324 = arith.muli %while3A_323, %while3A_322 : i32
      %while3A_325 = arith.addi %while3A_319, %while3A_324 : i32
      %while3A_326 = arith.constant 1 : i32
      scf.for %while3A_413 = %while3A_319 to %while3A_325 step %while3A_326  : i32 {
        %mul3A_414 = arith.constant 16 : i32
        %mul3A_415 = arith.muli %while3A_413, %mul3A_414 : i32
        %get3A_416 = arith.index_cast %mul3A_415 : i32 to index
        %get3A_417 = tpu.vector_load %arg9[%get3A_416] {strides = array<i32>} : memref<8208xi32, #tpu.memory_space<vmem>>, vector<16xi32>,
        %le3A = vector.broadcast %add3A_291 : i32 to vector<16xi32>
        %le3A_418 = arith.cmpi sle, %get3A_417, %le3A : vector<16xi32>
        %mul3A_419 = arith.constant 16 : i32
        %mul3A_420 = arith.muli %while3A_413, %mul3A_419 : i32
        %add3A_421 = vector.broadcast %mul3A_420 : i32 to vector<16xi32>
        %add3A_422 = arith.addi %add3A_421, %iota3A : vector<16xi32>
        %lt3A = vector.broadcast %while3A_282 : i32 to vector<16xi32>
        %lt3A_423 = arith.cmpi slt, %add3A_422, %lt3A : vector<16xi32>
        %and3A_424 = arith.andi %le3A_418, %lt3A_423 : vector<16xi1>
        %shift_right_arithmetic3A = arith.constant 0 : i32
        %shift_right_arithmetic3A_425 = vector.broadcast %shift_right_arithmetic3A : i32 to vector<16xi32>
        %shift_right_arithmetic3A_426 = arith.shrsi %get3A_417, %shift_right_arithmetic3A_425 : vector<16xi32>
        %and3A_427 = arith.constant 255 : i32
        %and3A_428 = vector.broadcast %and3A_427 : i32 to vector<16xi32>
        %and3A_429 = arith.andi %shift_right_arithmetic3A_426, %and3A_428 : vector<16xi32>
        %mul3A_430 = arith.constant 17 : i32
        %mul3A_431 = vector.broadcast %mul3A_430 : i32 to vector<16xi32>
        %mul3A_432 = arith.muli %and3A_429, %mul3A_431 : vector<16xi32>
        %add3A_433 = arith.addi %mul3A_432, %iota3A : vector<16xi32>
        tpu.vector_store_idx %arg13[%add3A_433], %broadcast_in_dim3A_6 masked %and3A_424 {add = true} : memref<4352xi32, #tpu.memory_space<vmem>>[vector<16xi32>], vector<16xi32>, vector<16xi1>
      }
      %while3A_327 = arith.constant 1 : i32
      scf.for %while3A_413 = %while3A_325 to %while3A_321 step %while3A_327  : i32 {
        %mul3A_414 = arith.constant 16 : i32
        %mul3A_415 = arith.muli %while3A_413, %mul3A_414 : i32
        %get3A_416 = arith.index_cast %mul3A_415 : i32 to index
        %get3A_417 = tpu.vector_load %arg9[%get3A_416] {strides = array<i32>} : memref<8208xi32, #tpu.memory_space<vmem>>, vector<16xi32>,
        %le3A = vector.broadcast %add3A_291 : i32 to vector<16xi32>
        %le3A_418 = arith.cmpi sle, %get3A_417, %le3A : vector<16xi32>
        %mul3A_419 = arith.constant 16 : i32
        %mul3A_420 = arith.muli %while3A_413, %mul3A_419 : i32
        %add3A_421 = vector.broadcast %mul3A_420 : i32 to vector<16xi32>
        %add3A_422 = arith.addi %add3A_421, %iota3A : vector<16xi32>
        %lt3A = vector.broadcast %while3A_282 : i32 to vector<16xi32>
        %lt3A_423 = arith.cmpi slt, %add3A_422, %lt3A : vector<16xi32>
        %and3A_424 = arith.andi %le3A_418, %lt3A_423 : vector<16xi1>
        %shift_right_arithmetic3A = arith.constant 0 : i32
        %shift_right_arithmetic3A_425 = vector.broadcast %shift_right_arithmetic3A : i32 to vector<16xi32>
        %shift_right_arithmetic3A_426 = arith.shrsi %get3A_417, %shift_right_arithmetic3A_425 : vector<16xi32>
        %and3A_427 = arith.constant 255 : i32
        %and3A_428 = vector.broadcast %and3A_427 : i32 to vector<16xi32>
        %and3A_429 = arith.andi %shift_right_arithmetic3A_426, %and3A_428 : vector<16xi32>
        %mul3A_430 = arith.constant 17 : i32
        %mul3A_431 = vector.broadcast %mul3A_430 : i32 to vector<16xi32>
        %mul3A_432 = arith.muli %and3A_429, %mul3A_431 : vector<16xi32>
        %add3A_433 = arith.addi %mul3A_432, %iota3A : vector<16xi32>
        tpu.vector_store_idx %arg13[%add3A_433], %broadcast_in_dim3A_6 masked %and3A_424 {add = true} : memref<4352xi32, #tpu.memory_space<vmem>>[vector<16xi32>], vector<16xi32>, vector<16xi1>
      }
      %scan3A_328 = arith.constant 0 : i32
      %scan3A_329 = arith.constant 0 : i32
      %scan3A_330 = arith.constant 16 : i32
      %scan3A_331 = arith.addi %scan3A_329, %scan3A_330 : i32
      %scan3A_332 = arith.constant 1 : i32
      scf.for %scan3A_413 = %scan3A_329 to %scan3A_331 step %scan3A_332  : i32 {
        %mul3A_414 = arith.constant 272 : i32
        %mul3A_415 = arith.muli %scan3A_413, %mul3A_414 : i32
        %add3A_416 = vector.broadcast %mul3A_415 : i32 to vector<16xi32>
        %add3A_417 = arith.addi %add3A_416, %mul3A_3 : vector<16xi32>
        %add3A_418 = arith.constant 0 : i32
        %add3A_419 = vector.broadcast %add3A_418 : i32 to vector<16xi32>
        %add3A_420 = arith.addi %add3A_417, %add3A_419 : vector<16xi32>
        %gather3A = tpu.vector_load_idx %arg13[%add3A_420] : memref<4352xi32, #tpu.memory_space<vmem>>[vector<16xi32>], vector<16xi32>,
        %add3A_421 = arith.addi %broadcast_in_dim3A_4, %gather3A : vector<16xi32>
        %add3A_422 = arith.constant 1 : i32
        %add3A_423 = vector.broadcast %add3A_422 : i32 to vector<16xi32>
        %add3A_424 = arith.addi %add3A_417, %add3A_423 : vector<16xi32>
        %gather3A_425 = tpu.vector_load_idx %arg13[%add3A_424] : memref<4352xi32, #tpu.memory_space<vmem>>[vector<16xi32>], vector<16xi32>,
        %add3A_426 = arith.addi %add3A_421, %gather3A_425 : vector<16xi32>
        %add3A_427 = arith.constant 2 : i32
        %add3A_428 = vector.broadcast %add3A_427 : i32 to vector<16xi32>
        %add3A_429 = arith.addi %add3A_417, %add3A_428 : vector<16xi32>
        %gather3A_430 = tpu.vector_load_idx %arg13[%add3A_429] : memref<4352xi32, #tpu.memory_space<vmem>>[vector<16xi32>], vector<16xi32>,
        %add3A_431 = arith.addi %add3A_426, %gather3A_430 : vector<16xi32>
        %add3A_432 = arith.constant 3 : i32
        %add3A_433 = vector.broadcast %add3A_432 : i32 to vector<16xi32>
        %add3A_434 = arith.addi %add3A_417, %add3A_433 : vector<16xi32>
        %gather3A_435 = tpu.vector_load_idx %arg13[%add3A_434] : memref<4352xi32, #tpu.memory_space<vmem>>[vector<16xi32>], vector<16xi32>,
        %add3A_436 = arith.addi %add3A_431, %gather3A_435 : vector<16xi32>
        %add3A_437 = arith.constant 4 : i32
        %add3A_438 = vector.broadcast %add3A_437 : i32 to vector<16xi32>
        %add3A_439 = arith.addi %add3A_417, %add3A_438 : vector<16xi32>
        %gather3A_440 = tpu.vector_load_idx %arg13[%add3A_439] : memref<4352xi32, #tpu.memory_space<vmem>>[vector<16xi32>], vector<16xi32>,
        %add3A_441 = arith.addi %add3A_436, %gather3A_440 : vector<16xi32>
        %add3A_442 = arith.constant 5 : i32
        %add3A_443 = vector.broadcast %add3A_442 : i32 to vector<16xi32>
        %add3A_444 = arith.addi %add3A_417, %add3A_443 : vector<16xi32>
        %gather3A_445 = tpu.vector_load_idx %arg13[%add3A_444] : memref<4352xi32, #tpu.memory_space<vmem>>[vector<16xi32>], vector<16xi32>,
        %add3A_446 = arith.addi %add3A_441, %gather3A_445 : vector<16xi32>
        %add3A_447 = arith.constant 6 : i32
        %add3A_448 = vector.broadcast %add3A_447 : i32 to vector<16xi32>
        %add3A_449 = arith.addi %add3A_417, %add3A_448 : vector<16xi32>
        %gather3A_450 = tpu.vector_load_idx %arg13[%add3A_449] : memref<4352xi32, #tpu.memory_space<vmem>>[vector<16xi32>], vector<16xi32>,
        %add3A_451 = arith.addi %add3A_446, %gather3A_450 : vector<16xi32>
        %add3A_452 = arith.constant 7 : i32
        %add3A_453 = vector.broadcast %add3A_452 : i32 to vector<16xi32>
        %add3A_454 = arith.addi %add3A_417, %add3A_453 : vector<16xi32>
        %gather3A_455 = tpu.vector_load_idx %arg13[%add3A_454] : memref<4352xi32, #tpu.memory_space<vmem>>[vector<16xi32>], vector<16xi32>,
        %add3A_456 = arith.addi %add3A_451, %gather3A_455 : vector<16xi32>
        %add3A_457 = arith.constant 8 : i32
        %add3A_458 = vector.broadcast %add3A_457 : i32 to vector<16xi32>
        %add3A_459 = arith.addi %add3A_417, %add3A_458 : vector<16xi32>
        %gather3A_460 = tpu.vector_load_idx %arg13[%add3A_459] : memref<4352xi32, #tpu.memory_space<vmem>>[vector<16xi32>], vector<16xi32>,
        %add3A_461 = arith.addi %add3A_456, %gather3A_460 : vector<16xi32>
        %add3A_462 = arith.constant 9 : i32
        %add3A_463 = vector.broadcast %add3A_462 : i32 to vector<16xi32>
        %add3A_464 = arith.addi %add3A_417, %add3A_463 : vector<16xi32>
        %gather3A_465 = tpu.vector_load_idx %arg13[%add3A_464] : memref<4352xi32, #tpu.memory_space<vmem>>[vector<16xi32>], vector<16xi32>,
        %add3A_466 = arith.addi %add3A_461, %gather3A_465 : vector<16xi32>
        %add3A_467 = arith.constant 10 : i32
        %add3A_468 = vector.broadcast %add3A_467 : i32 to vector<16xi32>
        %add3A_469 = arith.addi %add3A_417, %add3A_468 : vector<16xi32>
        %gather3A_470 = tpu.vector_load_idx %arg13[%add3A_469] : memref<4352xi32, #tpu.memory_space<vmem>>[vector<16xi32>], vector<16xi32>,
        %add3A_471 = arith.addi %add3A_466, %gather3A_470 : vector<16xi32>
        %add3A_472 = arith.constant 11 : i32
        %add3A_473 = vector.broadcast %add3A_472 : i32 to vector<16xi32>
        %add3A_474 = arith.addi %add3A_417, %add3A_473 : vector<16xi32>
        %gather3A_475 = tpu.vector_load_idx %arg13[%add3A_474] : memref<4352xi32, #tpu.memory_space<vmem>>[vector<16xi32>], vector<16xi32>,
        %add3A_476 = arith.addi %add3A_471, %gather3A_475 : vector<16xi32>
        %add3A_477 = arith.constant 12 : i32
        %add3A_478 = vector.broadcast %add3A_477 : i32 to vector<16xi32>
        %add3A_479 = arith.addi %add3A_417, %add3A_478 : vector<16xi32>
        %gather3A_480 = tpu.vector_load_idx %arg13[%add3A_479] : memref<4352xi32, #tpu.memory_space<vmem>>[vector<16xi32>], vector<16xi32>,
        %add3A_481 = arith.addi %add3A_476, %gather3A_480 : vector<16xi32>
        %add3A_482 = arith.constant 13 : i32
        %add3A_483 = vector.broadcast %add3A_482 : i32 to vector<16xi32>
        %add3A_484 = arith.addi %add3A_417, %add3A_483 : vector<16xi32>
        %gather3A_485 = tpu.vector_load_idx %arg13[%add3A_484] : memref<4352xi32, #tpu.memory_space<vmem>>[vector<16xi32>], vector<16xi32>,
        %add3A_486 = arith.addi %add3A_481, %gather3A_485 : vector<16xi32>
        %add3A_487 = arith.constant 14 : i32
        %add3A_488 = vector.broadcast %add3A_487 : i32 to vector<16xi32>
        %add3A_489 = arith.addi %add3A_417, %add3A_488 : vector<16xi32>
        %gather3A_490 = tpu.vector_load_idx %arg13[%add3A_489] : memref<4352xi32, #tpu.memory_space<vmem>>[vector<16xi32>], vector<16xi32>,
        %add3A_491 = arith.addi %add3A_486, %gather3A_490 : vector<16xi32>
        %add3A_492 = arith.constant 15 : i32
        %add3A_493 = vector.broadcast %add3A_492 : i32 to vector<16xi32>
        %add3A_494 = arith.addi %add3A_417, %add3A_493 : vector<16xi32>
        %gather3A_495 = tpu.vector_load_idx %arg13[%add3A_494] : memref<4352xi32, #tpu.memory_space<vmem>>[vector<16xi32>], vector<16xi32>,
        %add3A_496 = arith.addi %add3A_491, %gather3A_495 : vector<16xi32>
        %mul3A_497 = arith.constant 16 : i32
        %mul3A_498 = arith.muli %scan3A_413, %mul3A_497 : i32
        %swap3A_499 = arith.index_cast %mul3A_498 : i32 to index
        %swap3A_500 = tpu.vector_load %arg14[%swap3A_499] {strides = array<i32>} : memref<256xi32, #tpu.memory_space<vmem>>, vector<16xi32>,
        tpu.vector_store %arg14[%swap3A_499], %add3A_496 {strides = array<i32>} : memref<256xi32, #tpu.memory_space<vmem>>, vector<16xi32>,
      }
      %scan3A_333 = arith.constant 16 : i32
      %scan3A_334 = arith.constant -1 : i32
      %scan3A_335 = arith.constant 0 : i32
      %scan3A_336 = arith.constant 0 : i32
      %scan3A_337 = arith.constant 16 : i32
      %scan3A_338 = arith.addi %scan3A_336, %scan3A_337 : i32
      %scan3A_339 = arith.constant 1 : i32
      %scan3A_340:2 = scf.for %scan3A_413 = %scan3A_336 to %scan3A_338 step %scan3A_339 iter_args(%scan3A_414 = %scan3A_334, %scan3A_415 = %scan3A_335) -> (i32, i32)  : i32 {
        %sub3A_416 = arith.constant 15 : i32
        %sub3A_417 = arith.subi %sub3A_416, %scan3A_413 : i32
        %mul3A_418 = arith.constant 16 : i32
        %mul3A_419 = arith.muli %sub3A_417, %mul3A_418 : i32
        %get3A_420 = arith.index_cast %mul3A_419 : i32 to index
        %get3A_421 = tpu.vector_load %arg14[%get3A_420] {strides = array<i32>} : memref<256xi32, #tpu.memory_space<vmem>>, vector<16xi32>,
        %rev3A = arith.constant 15 : i32
        %rev3A_422 = vector.broadcast %rev3A : i32 to vector<16xi32>
        %rev3A_423 = tpu.iota {dimensions = array<i32: 0>} : vector<16xi32>
        %rev3A_424 = arith.subi %rev3A_422, %rev3A_423 : vector<16xi32>
        %rev3A_425 = tpu.dynamic_gather %get3A_421[%rev3A_424] in [0] : vector<16xi32>, vector<16xi32> -> vector<16xi32>
        %broadcast_in_dim3A_426 = arith.constant true
        %broadcast_in_dim3A_427 = vector.broadcast %broadcast_in_dim3A_426 : i1 to vector<16xi1>
        %masked_cumsum3A = tpu.scan <sum>, %rev3A_425 masked %broadcast_in_dim3A_427 : vector<16xi32>, vector<16xi1> -> vector<16xi32>
        %rev3A_428 = arith.constant 15 : i32
        %rev3A_429 = vector.broadcast %rev3A_428 : i32 to vector<16xi32>
        %rev3A_430 = tpu.iota {dimensions = array<i32: 0>} : vector<16xi32>
        %rev3A_431 = arith.subi %rev3A_429, %rev3A_430 : vector<16xi32>
        %rev3A_432 = tpu.dynamic_gather %masked_cumsum3A[%rev3A_431] in [0] : vector<16xi32>, vector<16xi32> -> vector<16xi32>
        %add3A_433 = vector.broadcast %scan3A_415 : i32 to vector<16xi32>
        %add3A_434 = arith.addi %add3A_433, %rev3A_432 : vector<16xi32>
        %ge3A = vector.broadcast %sub3A_283 : i32 to vector<16xi32>
        %ge3A_435 = arith.cmpi sge, %add3A_434, %ge3A : vector<16xi32>
        %mul3A_436 = arith.constant 16 : i32
        %mul3A_437 = arith.muli %sub3A_417, %mul3A_436 : i32
        %add3A_438 = vector.broadcast %mul3A_437 : i32 to vector<16xi32>
        %add3A_439 = arith.addi %add3A_438, %iota3A : vector<16xi32>
        %jit3A_440 = arith.constant -1 : i32
        %broadcast_in_dim3A_441 = vector.broadcast %jit3A_440 : i32 to vector<16xi32>
        %select_n3A_442 = arith.select %ge3A_435, %add3A_439, %broadcast_in_dim3A_441 : vector<16xi1>, vector<16xi32>
        %reduce_max3A = arith.constant true
        %reduce_max3A_443 = vector.broadcast %reduce_max3A : i1 to vector<16xi1>
        %reduce_max3A_444 = arith.constant -2147483648 : i32
        %reduce_max3A_445 = vector.broadcast %reduce_max3A_444 : i32 to vector<16xi32>
        %reduce_max3A_446 = arith.xori %select_n3A_442, %reduce_max3A_445 : vector<16xi32>
        %reduce_max3A_447 = tpu.scan <max>, %reduce_max3A_446 masked %reduce_max3A_443 : vector<16xi32>, vector<16xi1> -> vector<16xi32>
        %reduce_max3A_448 = arith.xori %reduce_max3A_447, %reduce_max3A_445 : vector<16xi32>
        %reduce_max3A_449 = vector.extract %reduce_max3A_448[15] : i32 from vector<16xi32>
        %max3A = arith.maxsi %scan3A_414, %reduce_max3A_449 : i32
        %reduce_sum3A = arith.constant true
        %reduce_sum3A_450 = vector.broadcast %reduce_sum3A : i1 to vector<16xi1>
        %reduce_sum3A_451 = tpu.scan <sum>, %get3A_421 masked %reduce_sum3A_450 : vector<16xi32>, vector<16xi1> -> vector<16xi32>
        %reduce_sum3A_452 = vector.extract %reduce_sum3A_451[15] : i32 from vector<16xi32>
        %add3A_453 = arith.addi %scan3A_415, %reduce_sum3A_452 : i32
        scf.yield %max3A, %add3A_453 : i32, i32
      }
      %scan3A_341 = arith.constant 16 : i32
      %scan3A_342 = arith.constant 0 : i32
      %scan3A_343 = arith.constant 0 : i32
      %scan3A_344 = arith.constant 16 : i32
      %scan3A_345 = arith.addi %scan3A_343, %scan3A_344 : i32
      %scan3A_346 = arith.constant 1 : i32
      %scan3A_347 = scf.for %scan3A_413 = %scan3A_343 to %scan3A_345 step %scan3A_346 iter_args(%scan3A_414 = %scan3A_342) -> (i32)  : i32 {
        %mul3A_415 = arith.constant 16 : i32
        %mul3A_416 = arith.muli %scan3A_413, %mul3A_415 : i32
        %get3A_417 = arith.index_cast %mul3A_416 : i32 to index
        %get3A_418 = tpu.vector_load %arg14[%get3A_417] {strides = array<i32>} : memref<256xi32, #tpu.memory_space<vmem>>, vector<16xi32>,
        %mul3A_419 = arith.constant 16 : i32
        %mul3A_420 = arith.muli %scan3A_413, %mul3A_419 : i32
        %add3A_421 = vector.broadcast %mul3A_420 : i32 to vector<16xi32>
        %add3A_422 = arith.addi %add3A_421, %iota3A : vector<16xi32>
        %gt3A = vector.broadcast %scan3A_340#0 : i32 to vector<16xi32>
        %gt3A_423 = arith.cmpi sgt, %add3A_422, %gt3A : vector<16xi32>
        %jit3A_424 = arith.constant 0 : i32
        %broadcast_in_dim3A_425 = vector.broadcast %jit3A_424 : i32 to vector<16xi32>
        %select_n3A_426 = arith.select %gt3A_423, %get3A_418, %broadcast_in_dim3A_425 : vector<16xi1>, vector<16xi32>
        %reduce_sum3A = arith.constant true
        %reduce_sum3A_427 = vector.broadcast %reduce_sum3A : i1 to vector<16xi1>
        %reduce_sum3A_428 = tpu.scan <sum>, %select_n3A_426 masked %reduce_sum3A_427 : vector<16xi32>, vector<16xi1> -> vector<16xi32>
        %reduce_sum3A_429 = vector.extract %reduce_sum3A_428[15] : i32 from vector<16xi32>
        %add3A_430 = arith.addi %scan3A_414, %reduce_sum3A_429 : i32
        scf.yield %add3A_430 : i32
      }
      %scan3A_348 = arith.constant 16 : i32
      %shift_left3A_349 = arith.constant 0 : i32
      %shift_left3A_350 = arith.shli %scan3A_340#0, %shift_left3A_349 : i32
      %add3A_351 = arith.addi %add3A_244, %shift_left3A_350 : i32
      %sub3A_352 = arith.subi %sub3A_283, %scan3A_347 : i32
      %add3A_353 = arith.constant 15 : i32
      %add3A_354 = arith.addi %while3A_282, %add3A_353 : i32
      %jit3A_355 = arith.constant 16 : i32
      %div3A_356 = arith.divsi %add3A_354, %jit3A_355 : i32
      %sign3A_357 = arith.constant 0 : i32
      %sign3A_358 = arith.cmpi sgt, %add3A_354, %sign3A_357 : i32
      %sign3A_359 = arith.extui %sign3A_358 : i1 to i32
      %sign3A_360 = arith.constant 0 : i32
      %sign3A_361 = arith.cmpi slt, %add3A_354, %sign3A_360 : i32
      %sign3A_362 = arith.extui %sign3A_361 : i1 to i32
      %sign3A_363 = arith.subi %sign3A_359, %sign3A_362 : i32
      %sign3A_364 = arith.constant 0 : i32
      %sign3A_365 = arith.cmpi sgt, %jit3A_355, %sign3A_364 : i32
      %sign3A_366 = arith.extui %sign3A_365 : i1 to i32
      %sign3A_367 = arith.constant 0 : i32
      %sign3A_368 = arith.cmpi slt, %jit3A_355, %sign3A_367 : i32
      %sign3A_369 = arith.extui %sign3A_368 : i1 to i32
      %sign3A_370 = arith.subi %sign3A_366, %sign3A_369 : i32
      %ne3A_371 = arith.cmpi ne, %sign3A_363, %sign3A_370 : i32
      %rem3A_372 = arith.remsi %add3A_354, %jit3A_355 : i32
      %ne3A_373 = arith.constant 0 : i32
      %ne3A_374 = arith.cmpi ne, %rem3A_372, %ne3A_373 : i32
      %and3A_375 = arith.andi %ne3A_371, %ne3A_374 : i1
      %sub3A_376 = arith.constant 1 : i32
      %sub3A_377 = arith.subi %div3A_356, %sub3A_376 : i32
      %select_n3A_378 = arith.select %and3A_375, %sub3A_377, %div3A_356 : i32
      %while3A_379 = arith.constant 0 : i32
      %while3A_380 = arith.constant 0 : i32
      %while3A_381 = arith.constant 0 : i32
      %while3A_382 = arith.subi %select_n3A_378, %while3A_379 : i32
      %while3A_383 = arith.addi %while3A_379, %while3A_382 : i32
      %while3A_384 = arith.constant 1 : i32
      %while3A_385 = arith.divsi %while3A_382, %while3A_384 : i32
      %while3A_386 = arith.muli %while3A_385, %while3A_384 : i32
      %while3A_387 = arith.addi %while3A_379, %while3A_386 : i32
      %while3A_388 = arith.constant 1 : i32
      %while3A_389:2 = scf.for %while3A_413 = %while3A_379 to %while3A_387 step %while3A_388 iter_args(%while3A_414 = %while3A_380, %while3A_415 = %while3A_381) -> (i32, i32)  : i32 {
        %mul3A_416 = arith.constant 16 : i32
        %mul3A_417 = arith.muli %while3A_413, %mul3A_416 : i32
        %get3A_418 = arith.index_cast %mul3A_417 : i32 to index
        %get3A_419 = tpu.vector_load %arg9[%get3A_418] {strides = array<i32>} : memref<8208xi32, #tpu.memory_space<vmem>>, vector<16xi32>,
        %mul3A_420 = arith.constant 16 : i32
        %mul3A_421 = arith.muli %while3A_413, %mul3A_420 : i32
        %get3A_422 = arith.index_cast %mul3A_421 : i32 to index
        %get3A_423 = tpu.vector_load %arg10[%get3A_422] {strides = array<i32>} : memref<8208xi32, #tpu.memory_space<vmem>>, vector<16xi32>,
        %mul3A_424 = arith.constant 16 : i32
        %mul3A_425 = arith.muli %while3A_413, %mul3A_424 : i32
        %add3A_426 = vector.broadcast %mul3A_425 : i32 to vector<16xi32>
        %add3A_427 = arith.addi %add3A_426, %iota3A : vector<16xi32>
        %lt3A = vector.broadcast %while3A_282 : i32 to vector<16xi32>
        %lt3A_428 = arith.cmpi slt, %add3A_427, %lt3A : vector<16xi32>
        %gt3A = vector.broadcast %add3A_351 : i32 to vector<16xi32>
        %gt3A_429 = arith.cmpi sgt, %get3A_419, %gt3A : vector<16xi32>
        %and3A_430 = arith.andi %gt3A_429, %lt3A_428 : vector<16xi1>
        %swap3A_431 = arith.index_cast %while3A_414 : i32 to index
        %swap3A_432 = tpu.vector_load %arg15[%swap3A_431] masked %and3A_430 {strides = array<i32>} : memref<160xi32, #tpu.memory_space<vmem>>, vector<16xi32>, vector<16xi1>
        tpu.vector_store %arg15[%swap3A_431], %get3A_419 masked %and3A_430 {strides = array<i32>} : memref<160xi32, #tpu.memory_space<vmem>>, vector<16xi32>, vector<16xi1>
        %swap3A_433 = arith.index_cast %while3A_414 : i32 to index
        %swap3A_434 = tpu.vector_load %arg16[%swap3A_433] masked %and3A_430 {strides = array<i32>} : memref<160xi32, #tpu.memory_space<vmem>>, vector<16xi32>, vector<16xi1>
        tpu.vector_store %arg16[%swap3A_433], %get3A_423 masked %and3A_430 {strides = array<i32>} : memref<160xi32, #tpu.memory_space<vmem>>, vector<16xi32>, vector<16xi1>
        %convert_element_type3A = arith.extui %and3A_430 : vector<16xi1> to vector<16xi32>
        %reduce_sum3A = arith.constant true
        %reduce_sum3A_435 = vector.broadcast %reduce_sum3A : i1 to vector<16xi1>
        %reduce_sum3A_436 = tpu.scan <sum>, %convert_element_type3A masked %reduce_sum3A_435 : vector<16xi32>, vector<16xi1> -> vector<16xi32>
        %reduce_sum3A_437 = vector.extract %reduce_sum3A_436[15] : i32 from vector<16xi32>
        %add3A_438 = arith.addi %while3A_414, %reduce_sum3A_437 : i32
        %eq3A = vector.broadcast %add3A_351 : i32 to vector<16xi32>
        %eq3A_439 = arith.cmpi eq, %get3A_419, %eq3A : vector<16xi32>
        %and3A_440 = arith.andi %eq3A_439, %lt3A_428 : vector<16xi1>
        %convert_element_type3A_441 = arith.extui %and3A_440 : vector<16xi1> to vector<16xi32>
        %broadcast_in_dim3A_442 = arith.constant true
        %broadcast_in_dim3A_443 = vector.broadcast %broadcast_in_dim3A_442 : i1 to vector<16xi1>
        %masked_cumsum3A = tpu.scan <sum>, %convert_element_type3A_441 masked %broadcast_in_dim3A_443 : vector<16xi32>, vector<16xi1> -> vector<16xi32>
        %add3A_444 = vector.broadcast %while3A_415 : i32 to vector<16xi32>
        %add3A_445 = arith.addi %add3A_444, %masked_cumsum3A : vector<16xi32>
        %sub3A_446 = arith.constant 1 : i32
        %sub3A_447 = vector.broadcast %sub3A_446 : i32 to vector<16xi32>
        %sub3A_448 = arith.subi %add3A_445, %sub3A_447 : vector<16xi32>
        %lt3A_449 = vector.broadcast %sub3A_352 : i32 to vector<16xi32>
        %lt3A_450 = arith.cmpi slt, %sub3A_448, %lt3A_449 : vector<16xi32>
        %and3A_451 = arith.andi %and3A_440, %lt3A_450 : vector<16xi1>
        %swap3A_452 = arith.index_cast %add3A_438 : i32 to index
        %swap3A_453 = tpu.vector_load %arg15[%swap3A_452] masked %and3A_451 {strides = array<i32>} : memref<160xi32, #tpu.memory_space<vmem>>, vector<16xi32>, vector<16xi1>
        tpu.vector_store %arg15[%swap3A_452], %get3A_419 masked %and3A_451 {strides = array<i32>} : memref<160xi32, #tpu.memory_space<vmem>>, vector<16xi32>, vector<16xi1>
        %swap3A_454 = arith.index_cast %add3A_438 : i32 to index
        %swap3A_455 = tpu.vector_load %arg16[%swap3A_454] masked %and3A_451 {strides = array<i32>} : memref<160xi32, #tpu.memory_space<vmem>>, vector<16xi32>, vector<16xi1>
        tpu.vector_store %arg16[%swap3A_454], %get3A_423 masked %and3A_451 {strides = array<i32>} : memref<160xi32, #tpu.memory_space<vmem>>, vector<16xi32>, vector<16xi1>
        %convert_element_type3A_456 = arith.extui %and3A_451 : vector<16xi1> to vector<16xi32>
        %reduce_sum3A_457 = arith.constant true
        %reduce_sum3A_458 = vector.broadcast %reduce_sum3A_457 : i1 to vector<16xi1>
        %reduce_sum3A_459 = tpu.scan <sum>, %convert_element_type3A_456 masked %reduce_sum3A_458 : vector<16xi32>, vector<16xi1> -> vector<16xi32>
        %reduce_sum3A_460 = vector.extract %reduce_sum3A_459[15] : i32 from vector<16xi32>
        %add3A_461 = arith.addi %add3A_438, %reduce_sum3A_460 : i32
        %convert_element_type3A_462 = arith.extui %and3A_440 : vector<16xi1> to vector<16xi32>
        %reduce_sum3A_463 = arith.constant true
        %reduce_sum3A_464 = vector.broadcast %reduce_sum3A_463 : i1 to vector<16xi1>
        %reduce_sum3A_465 = tpu.scan <sum>, %convert_element_type3A_462 masked %reduce_sum3A_464 : vector<16xi32>, vector<16xi1> -> vector<16xi32>
        %reduce_sum3A_466 = vector.extract %reduce_sum3A_465[15] : i32 from vector<16xi32>
        %add3A_467 = arith.addi %while3A_415, %reduce_sum3A_466 : i32
        scf.yield %add3A_461, %add3A_467 : i32, i32
      }
      %while3A_390 = arith.constant 1 : i32
      %while3A_391:2 = scf.for %while3A_413 = %while3A_387 to %while3A_383 step %while3A_390 iter_args(%while3A_414 = %while3A_389#0, %while3A_415 = %while3A_389#1) -> (i32, i32)  : i32 {
        %mul3A_416 = arith.constant 16 : i32
        %mul3A_417 = arith.muli %while3A_413, %mul3A_416 : i32
        %get3A_418 = arith.index_cast %mul3A_417 : i32 to index
        %get3A_419 = tpu.vector_load %arg9[%get3A_418] {strides = array<i32>} : memref<8208xi32, #tpu.memory_space<vmem>>, vector<16xi32>,
        %mul3A_420 = arith.constant 16 : i32
        %mul3A_421 = arith.muli %while3A_413, %mul3A_420 : i32
        %get3A_422 = arith.index_cast %mul3A_421 : i32 to index
        %get3A_423 = tpu.vector_load %arg10[%get3A_422] {strides = array<i32>} : memref<8208xi32, #tpu.memory_space<vmem>>, vector<16xi32>,
        %mul3A_424 = arith.constant 16 : i32
        %mul3A_425 = arith.muli %while3A_413, %mul3A_424 : i32
        %add3A_426 = vector.broadcast %mul3A_425 : i32 to vector<16xi32>
        %add3A_427 = arith.addi %add3A_426, %iota3A : vector<16xi32>
        %lt3A = vector.broadcast %while3A_282 : i32 to vector<16xi32>
        %lt3A_428 = arith.cmpi slt, %add3A_427, %lt3A : vector<16xi32>
        %gt3A = vector.broadcast %add3A_351 : i32 to vector<16xi32>
        %gt3A_429 = arith.cmpi sgt, %get3A_419, %gt3A : vector<16xi32>
        %and3A_430 = arith.andi %gt3A_429, %lt3A_428 : vector<16xi1>
        %swap3A_431 = arith.index_cast %while3A_414 : i32 to index
        %swap3A_432 = tpu.vector_load %arg15[%swap3A_431] masked %and3A_430 {strides = array<i32>} : memref<160xi32, #tpu.memory_space<vmem>>, vector<16xi32>, vector<16xi1>
        tpu.vector_store %arg15[%swap3A_431], %get3A_419 masked %and3A_430 {strides = array<i32>} : memref<160xi32, #tpu.memory_space<vmem>>, vector<16xi32>, vector<16xi1>
        %swap3A_433 = arith.index_cast %while3A_414 : i32 to index
        %swap3A_434 = tpu.vector_load %arg16[%swap3A_433] masked %and3A_430 {strides = array<i32>} : memref<160xi32, #tpu.memory_space<vmem>>, vector<16xi32>, vector<16xi1>
        tpu.vector_store %arg16[%swap3A_433], %get3A_423 masked %and3A_430 {strides = array<i32>} : memref<160xi32, #tpu.memory_space<vmem>>, vector<16xi32>, vector<16xi1>
        %convert_element_type3A = arith.extui %and3A_430 : vector<16xi1> to vector<16xi32>
        %reduce_sum3A = arith.constant true
        %reduce_sum3A_435 = vector.broadcast %reduce_sum3A : i1 to vector<16xi1>
        %reduce_sum3A_436 = tpu.scan <sum>, %convert_element_type3A masked %reduce_sum3A_435 : vector<16xi32>, vector<16xi1> -> vector<16xi32>
        %reduce_sum3A_437 = vector.extract %reduce_sum3A_436[15] : i32 from vector<16xi32>
        %add3A_438 = arith.addi %while3A_414, %reduce_sum3A_437 : i32
        %eq3A = vector.broadcast %add3A_351 : i32 to vector<16xi32>
        %eq3A_439 = arith.cmpi eq, %get3A_419, %eq3A : vector<16xi32>
        %and3A_440 = arith.andi %eq3A_439, %lt3A_428 : vector<16xi1>
        %convert_element_type3A_441 = arith.extui %and3A_440 : vector<16xi1> to vector<16xi32>
        %broadcast_in_dim3A_442 = arith.constant true
        %broadcast_in_dim3A_443 = vector.broadcast %broadcast_in_dim3A_442 : i1 to vector<16xi1>
        %masked_cumsum3A = tpu.scan <sum>, %convert_element_type3A_441 masked %broadcast_in_dim3A_443 : vector<16xi32>, vector<16xi1> -> vector<16xi32>
        %add3A_444 = vector.broadcast %while3A_415 : i32 to vector<16xi32>
        %add3A_445 = arith.addi %add3A_444, %masked_cumsum3A : vector<16xi32>
        %sub3A_446 = arith.constant 1 : i32
        %sub3A_447 = vector.broadcast %sub3A_446 : i32 to vector<16xi32>
        %sub3A_448 = arith.subi %add3A_445, %sub3A_447 : vector<16xi32>
        %lt3A_449 = vector.broadcast %sub3A_352 : i32 to vector<16xi32>
        %lt3A_450 = arith.cmpi slt, %sub3A_448, %lt3A_449 : vector<16xi32>
        %and3A_451 = arith.andi %and3A_440, %lt3A_450 : vector<16xi1>
        %swap3A_452 = arith.index_cast %add3A_438 : i32 to index
        %swap3A_453 = tpu.vector_load %arg15[%swap3A_452] masked %and3A_451 {strides = array<i32>} : memref<160xi32, #tpu.memory_space<vmem>>, vector<16xi32>, vector<16xi1>
        tpu.vector_store %arg15[%swap3A_452], %get3A_419 masked %and3A_451 {strides = array<i32>} : memref<160xi32, #tpu.memory_space<vmem>>, vector<16xi32>, vector<16xi1>
        %swap3A_454 = arith.index_cast %add3A_438 : i32 to index
        %swap3A_455 = tpu.vector_load %arg16[%swap3A_454] masked %and3A_451 {strides = array<i32>} : memref<160xi32, #tpu.memory_space<vmem>>, vector<16xi32>, vector<16xi1>
        tpu.vector_store %arg16[%swap3A_454], %get3A_423 masked %and3A_451 {strides = array<i32>} : memref<160xi32, #tpu.memory_space<vmem>>, vector<16xi32>, vector<16xi1>
        %convert_element_type3A_456 = arith.extui %and3A_451 : vector<16xi1> to vector<16xi32>
        %reduce_sum3A_457 = arith.constant true
        %reduce_sum3A_458 = vector.broadcast %reduce_sum3A_457 : i1 to vector<16xi1>
        %reduce_sum3A_459 = tpu.scan <sum>, %convert_element_type3A_456 masked %reduce_sum3A_458 : vector<16xi32>, vector<16xi1> -> vector<16xi32>
        %reduce_sum3A_460 = vector.extract %reduce_sum3A_459[15] : i32 from vector<16xi32>
        %add3A_461 = arith.addi %add3A_438, %reduce_sum3A_460 : i32
        %convert_element_type3A_462 = arith.extui %and3A_440 : vector<16xi1> to vector<16xi32>
        %reduce_sum3A_463 = arith.constant true
        %reduce_sum3A_464 = vector.broadcast %reduce_sum3A_463 : i1 to vector<16xi1>
        %reduce_sum3A_465 = tpu.scan <sum>, %convert_element_type3A_462 masked %reduce_sum3A_464 : vector<16xi32>, vector<16xi1> -> vector<16xi32>
        %reduce_sum3A_466 = vector.extract %reduce_sum3A_465[15] : i32 from vector<16xi32>
        %add3A_467 = arith.addi %while3A_415, %reduce_sum3A_466 : i32
        scf.yield %add3A_461, %add3A_467 : i32, i32
      }
      %scan3A_392 = arith.constant 0 : i32
      %scan3A_393 = arith.constant 0 : i32
      %scan3A_394 = arith.constant 8 : i32
      %scan3A_395 = arith.addi %scan3A_393, %scan3A_394 : i32
      %scan3A_396 = arith.constant 1 : i32
      scf.for %scan3A_413 = %scan3A_393 to %scan3A_395 step %scan3A_396  : i32 {
        %mul3A_414 = arith.constant 16 : i32
        %mul3A_415 = arith.muli %scan3A_413, %mul3A_414 : i32
        %get3A_416 = arith.index_cast %mul3A_415 : i32 to index
        %get3A_417 = tpu.vector_load %arg15[%get3A_416] {strides = array<i32>} : memref<160xi32, #tpu.memory_space<vmem>>, vector<16xi32>,
        %mul3A_418 = arith.constant 16 : i32
        %mul3A_419 = arith.muli %scan3A_413, %mul3A_418 : i32
        %get3A_420 = arith.index_cast %mul3A_419 : i32 to index
        %get3A_421 = tpu.vector_load %arg16[%get3A_420] {strides = array<i32>} : memref<160xi32, #tpu.memory_space<vmem>>, vector<16xi32>,
        %scan3A_422 = arith.constant 0 : i32
        %scan3A_423 = arith.constant 32 : i32
        %scan3A_424 = arith.addi %scan3A_422, %scan3A_423 : i32
        %scan3A_425 = arith.constant 1 : i32
        %scan3A_426 = scf.for %scan3A_428 = %scan3A_422 to %scan3A_424 step %scan3A_425 iter_args(%scan3A_429 = %broadcast_in_dim3A_4) -> (vector<16xi32>)  : i32 {
          %mul3A_430 = arith.constant 4 : i32
          %mul3A_431 = arith.muli %scan3A_428, %mul3A_430 : i32
          %add3A_432 = arith.constant 0 : i32
          %add3A_433 = arith.addi %mul3A_431, %add3A_432 : i32
          %shift_right_arithmetic3A = arith.constant 4 : i32
          %shift_right_arithmetic3A_434 = arith.shrsi %add3A_433, %shift_right_arithmetic3A : i32
          %shift_left3A_435 = arith.constant 4 : i32
          %shift_left3A_436 = arith.shli %shift_right_arithmetic3A_434, %shift_left3A_435 : i32
          %add3A_437 = vector.broadcast %add3A_433 : i32 to vector<16xi32>
          %add3A_438 = arith.addi %iota3A, %add3A_437 : vector<16xi32>
          %and3A_439 = arith.constant 15 : i32
          %and3A_440 = vector.broadcast %and3A_439 : i32 to vector<16xi32>
          %and3A_441 = arith.andi %add3A_438, %and3A_440 : vector<16xi32>
          %add3A_442 = vector.broadcast %shift_left3A_436 : i32 to vector<16xi32>
          %add3A_443 = arith.addi %add3A_442, %and3A_441 : vector<16xi32>
          %gather3A = tpu.vector_load_idx %arg15[%add3A_443] : memref<160xi32, #tpu.memory_space<vmem>>[vector<16xi32>], vector<16xi32>,
          %gather3A_444 = tpu.vector_load_idx %arg16[%add3A_443] : memref<160xi32, #tpu.memory_space<vmem>>[vector<16xi32>], vector<16xi32>,
          %gt3A = arith.cmpi sgt, %gather3A, %get3A_417 : vector<16xi32>
          %eq3A = arith.cmpi eq, %gather3A, %get3A_417 : vector<16xi32>
          %lt3A = arith.cmpi slt, %gather3A_444, %get3A_421 : vector<16xi32>
          %and3A_445 = arith.andi %eq3A, %lt3A : vector<16xi1>
          %or3A = arith.ori %gt3A, %and3A_445 : vector<16xi1>
          %convert_element_type3A = arith.extui %or3A : vector<16xi1> to vector<16xi32>
          %add3A_446 = arith.addi %scan3A_429, %convert_element_type3A : vector<16xi32>
          %mul3A_447 = arith.constant 4 : i32
          %mul3A_448 = arith.muli %scan3A_428, %mul3A_447 : i32
          %add3A_449 = arith.constant 1 : i32
          %add3A_450 = arith.addi %mul3A_448, %add3A_449 : i32
          %shift_right_arithmetic3A_451 = arith.constant 4 : i32
          %shift_right_arithmetic3A_452 = arith.shrsi %add3A_450, %shift_right_arithmetic3A_451 : i32
          %shift_left3A_453 = arith.constant 4 : i32
          %shift_left3A_454 = arith.shli %shift_right_arithmetic3A_452, %shift_left3A_453 : i32
          %add3A_455 = vector.broadcast %add3A_450 : i32 to vector<16xi32>
          %add3A_456 = arith.addi %iota3A, %add3A_455 : vector<16xi32>
          %and3A_457 = arith.constant 15 : i32
          %and3A_458 = vector.broadcast %and3A_457 : i32 to vector<16xi32>
          %and3A_459 = arith.andi %add3A_456, %and3A_458 : vector<16xi32>
          %add3A_460 = vector.broadcast %shift_left3A_454 : i32 to vector<16xi32>
          %add3A_461 = arith.addi %add3A_460, %and3A_459 : vector<16xi32>
          %gather3A_462 = tpu.vector_load_idx %arg15[%add3A_461] : memref<160xi32, #tpu.memory_space<vmem>>[vector<16xi32>], vector<16xi32>,
          %gather3A_463 = tpu.vector_load_idx %arg16[%add3A_461] : memref<160xi32, #tpu.memory_space<vmem>>[vector<16xi32>], vector<16xi32>,
          %gt3A_464 = arith.cmpi sgt, %gather3A_462, %get3A_417 : vector<16xi32>
          %eq3A_465 = arith.cmpi eq, %gather3A_462, %get3A_417 : vector<16xi32>
          %lt3A_466 = arith.cmpi slt, %gather3A_463, %get3A_421 : vector<16xi32>
          %and3A_467 = arith.andi %eq3A_465, %lt3A_466 : vector<16xi1>
          %or3A_468 = arith.ori %gt3A_464, %and3A_467 : vector<16xi1>
          %convert_element_type3A_469 = arith.extui %or3A_468 : vector<16xi1> to vector<16xi32>
          %add3A_470 = arith.addi %add3A_446, %convert_element_type3A_469 : vector<16xi32>
          %mul3A_471 = arith.constant 4 : i32
          %mul3A_472 = arith.muli %scan3A_428, %mul3A_471 : i32
          %add3A_473 = arith.constant 2 : i32
          %add3A_474 = arith.addi %mul3A_472, %add3A_473 : i32
          %shift_right_arithmetic3A_475 = arith.constant 4 : i32
          %shift_right_arithmetic3A_476 = arith.shrsi %add3A_474, %shift_right_arithmetic3A_475 : i32
          %shift_left3A_477 = arith.constant 4 : i32
          %shift_left3A_478 = arith.shli %shift_right_arithmetic3A_476, %shift_left3A_477 : i32
          %add3A_479 = vector.broadcast %add3A_474 : i32 to vector<16xi32>
          %add3A_480 = arith.addi %iota3A, %add3A_479 : vector<16xi32>
          %and3A_481 = arith.constant 15 : i32
          %and3A_482 = vector.broadcast %and3A_481 : i32 to vector<16xi32>
          %and3A_483 = arith.andi %add3A_480, %and3A_482 : vector<16xi32>
          %add3A_484 = vector.broadcast %shift_left3A_478 : i32 to vector<16xi32>
          %add3A_485 = arith.addi %add3A_484, %and3A_483 : vector<16xi32>
          %gather3A_486 = tpu.vector_load_idx %arg15[%add3A_485] : memref<160xi32, #tpu.memory_space<vmem>>[vector<16xi32>], vector<16xi32>,
          %gather3A_487 = tpu.vector_load_idx %arg16[%add3A_485] : memref<160xi32, #tpu.memory_space<vmem>>[vector<16xi32>], vector<16xi32>,
          %gt3A_488 = arith.cmpi sgt, %gather3A_486, %get3A_417 : vector<16xi32>
          %eq3A_489 = arith.cmpi eq, %gather3A_486, %get3A_417 : vector<16xi32>
          %lt3A_490 = arith.cmpi slt, %gather3A_487, %get3A_421 : vector<16xi32>
          %and3A_491 = arith.andi %eq3A_489, %lt3A_490 : vector<16xi1>
          %or3A_492 = arith.ori %gt3A_488, %and3A_491 : vector<16xi1>
          %convert_element_type3A_493 = arith.extui %or3A_492 : vector<16xi1> to vector<16xi32>
          %add3A_494 = arith.addi %add3A_470, %convert_element_type3A_493 : vector<16xi32>
          %mul3A_495 = arith.constant 4 : i32
          %mul3A_496 = arith.muli %scan3A_428, %mul3A_495 : i32
          %add3A_497 = arith.constant 3 : i32
          %add3A_498 = arith.addi %mul3A_496, %add3A_497 : i32
          %shift_right_arithmetic3A_499 = arith.constant 4 : i32
          %shift_right_arithmetic3A_500 = arith.shrsi %add3A_498, %shift_right_arithmetic3A_499 : i32
          %shift_left3A_501 = arith.constant 4 : i32
          %shift_left3A_502 = arith.shli %shift_right_arithmetic3A_500, %shift_left3A_501 : i32
          %add3A_503 = vector.broadcast %add3A_498 : i32 to vector<16xi32>
          %add3A_504 = arith.addi %iota3A, %add3A_503 : vector<16xi32>
          %and3A_505 = arith.constant 15 : i32
          %and3A_506 = vector.broadcast %and3A_505 : i32 to vector<16xi32>
          %and3A_507 = arith.andi %add3A_504, %and3A_506 : vector<16xi32>
          %add3A_508 = vector.broadcast %shift_left3A_502 : i32 to vector<16xi32>
          %add3A_509 = arith.addi %add3A_508, %and3A_507 : vector<16xi32>
          %gather3A_510 = tpu.vector_load_idx %arg15[%add3A_509] : memref<160xi32, #tpu.memory_space<vmem>>[vector<16xi32>], vector<16xi32>,
          %gather3A_511 = tpu.vector_load_idx %arg16[%add3A_509] : memref<160xi32, #tpu.memory_space<vmem>>[vector<16xi32>], vector<16xi32>,
          %gt3A_512 = arith.cmpi sgt, %gather3A_510, %get3A_417 : vector<16xi32>
          %eq3A_513 = arith.cmpi eq, %gather3A_510, %get3A_417 : vector<16xi32>
          %lt3A_514 = arith.cmpi slt, %gather3A_511, %get3A_421 : vector<16xi32>
          %and3A_515 = arith.andi %eq3A_513, %lt3A_514 : vector<16xi1>
          %or3A_516 = arith.ori %gt3A_512, %and3A_515 : vector<16xi1>
          %convert_element_type3A_517 = arith.extui %or3A_516 : vector<16xi1> to vector<16xi32>
          %add3A_518 = arith.addi %add3A_494, %convert_element_type3A_517 : vector<16xi32>
          scf.yield %add3A_518 : vector<16xi32>
        }
        %scan3A_427 = arith.constant 32 : i32
        tpu.vector_store_idx %arg17[%scan3A_426], %get3A_417 : memref<128xi32, #tpu.memory_space<vmem>>[vector<16xi32>], vector<16xi32>,
        tpu.vector_store_idx %arg18[%scan3A_426], %get3A_421 : memref<128xi32, #tpu.memory_space<vmem>>[vector<16xi32>], vector<16xi32>,
      }
      %scan3A_397 = arith.constant 8 : i32
      %get3A = arith.constant 0 : index
      %get3A_398 = tpu.vector_load %arg20[%get3A] {strides = array<i32>} : memref<32xf32, #tpu.memory_space<vmem>>, vector<16xf32>,
      %get3A_399 = arith.constant 16 : index
      %get3A_400 = tpu.vector_load %arg20[%get3A_399] {strides = array<i32>} : memref<32xf32, #tpu.memory_space<vmem>>, vector<16xf32>,
      %scan3A_401 = arith.constant 0 : i32
      %scan3A_402 = arith.constant 0 : i32
      %scan3A_403 = arith.constant 8 : i32
      %scan3A_404 = arith.addi %scan3A_402, %scan3A_403 : i32
      %scan3A_405 = arith.constant 1 : i32
      scf.for %scan3A_413 = %scan3A_402 to %scan3A_404 step %scan3A_405  : i32 {
        %mul3A_414 = arith.constant 16 : i32
        %mul3A_415 = arith.muli %scan3A_413, %mul3A_414 : i32
        %get3A_416 = arith.index_cast %mul3A_415 : i32 to index
        %get3A_417 = tpu.vector_load %arg17[%get3A_416] {strides = array<i32>} : memref<128xi32, #tpu.memory_space<vmem>>, vector<16xi32>,
        %mul3A_418 = arith.constant 16 : i32
        %mul3A_419 = arith.muli %scan3A_413, %mul3A_418 : i32
        %get3A_420 = arith.index_cast %mul3A_419 : i32 to index
        %get3A_421 = tpu.vector_load %arg18[%get3A_420] {strides = array<i32>} : memref<128xi32, #tpu.memory_space<vmem>>, vector<16xi32>,
        %ge3A = arith.constant 0 : i32
        %ge3A_422 = vector.broadcast %ge3A : i32 to vector<16xi32>
        %ge3A_423 = arith.cmpi sge, %get3A_417, %ge3A_422 : vector<16xi32>
        %xor3A = arith.constant 2147483647 : i32
        %xor3A_424 = vector.broadcast %xor3A : i32 to vector<16xi32>
        %xor3A_425 = arith.xori %get3A_417, %xor3A_424 : vector<16xi32>
        %select_n3A_426 = arith.select %ge3A_423, %get3A_417, %xor3A_425 : vector<16xi1>, vector<16xi32>
        %bitcast3A = vector.bitcast %select_n3A_426 : vector<16xi32> to vector<16xf32>
        %neg3A = arith.constant 0.000000e+00 : f32
        %neg3A_427 = vector.broadcast %neg3A : f32 to vector<16xf32>
        %neg3A_428 = arith.subf %neg3A_427, %bitcast3A : vector<16xf32>
        %exp3A = math.exp %neg3A_428 : vector<16xf32>
        %add3A_429 = arith.constant 1.000000e+00 : f32
        %add3A_430 = vector.broadcast %add3A_429 : f32 to vector<16xf32>
        %add3A_431 = arith.addf %add3A_430, %exp3A : vector<16xf32>
        %div3A_432 = arith.constant 1.000000e+00 : f32
        %div3A_433 = vector.broadcast %div3A_432 : f32 to vector<16xf32>
        %div3A_434 = arith.divf %div3A_433, %add3A_431 : vector<16xf32>
        %mul3A_435 = arith.constant 16 : i32
        %mul3A_436 = arith.muli %scan3A_413, %mul3A_435 : i32
        %swap3A_437 = arith.index_cast %mul3A_436 : i32 to index
        %swap3A_438 = tpu.vector_load %arg22[%swap3A_437] {strides = array<i32>} : memref<128xf32, #tpu.memory_space<vmem>>, vector<16xf32>,
        tpu.vector_store %arg22[%swap3A_437], %div3A_434 {strides = array<i32>} : memref<128xf32, #tpu.memory_space<vmem>>, vector<16xf32>,
        %jit3A_439 = arith.constant 91 : i32
        %eq3A = arith.constant 0 : i32
        %eq3A_440 = arith.cmpi eq, %jit3A_439, %eq3A : i32
        %jit3A_441 = arith.constant 1 : i32
        %select_n3A_442 = arith.select %eq3A_440, %jit3A_441, %jit3A_439 : i32
        %rem3A_443 = vector.broadcast %select_n3A_442 : i32 to vector<16xi32>
        %rem3A_444 = arith.remsi %get3A_421, %rem3A_443 : vector<16xi32>
        %ne3A_445 = arith.constant 0 : i32
        %ne3A_446 = vector.broadcast %ne3A_445 : i32 to vector<16xi32>
        %ne3A_447 = arith.cmpi ne, %rem3A_444, %ne3A_446 : vector<16xi32>
        %lt3A = arith.constant 0 : i32
        %lt3A_448 = vector.broadcast %lt3A : i32 to vector<16xi32>
        %lt3A_449 = arith.cmpi slt, %rem3A_444, %lt3A_448 : vector<16xi32>
        %lt3A_450 = arith.constant 0 : i32
        %lt3A_451 = arith.cmpi slt, %select_n3A_442, %lt3A_450 : i32
        %ne3A_452 = vector.broadcast %lt3A_451 : i1 to vector<16xi1>
        %ne3A_453 = vector.broadcast %ne3A_452 : vector<16xi1> to vector<16xi1>
        %ne3A_454 = arith.xori %lt3A_449, %ne3A_453 : vector<16xi1>
        %and3A_455 = arith.andi %ne3A_454, %ne3A_447 : vector<16xi1>
        %add3A_456 = vector.broadcast %select_n3A_442 : i32 to vector<16xi32>
        %add3A_457 = arith.addi %rem3A_444, %add3A_456 : vector<16xi32>
        %select_n3A_458 = arith.select %and3A_455, %add3A_457, %rem3A_444 : vector<16xi1>, vector<16xi32>
        %mul3A_459 = arith.constant 16 : i32
        %mul3A_460 = arith.muli %scan3A_413, %mul3A_459 : i32
        %swap3A_461 = arith.index_cast %mul3A_460 : i32 to index
        %swap3A_462 = tpu.vector_load %arg23[%swap3A_461] {strides = array<i32>} : memref<128xi32, #tpu.memory_space<vmem>>, vector<16xi32>,
        tpu.vector_store %arg23[%swap3A_461], %select_n3A_458 {strides = array<i32>} : memref<128xi32, #tpu.memory_space<vmem>>, vector<16xi32>,
        %jit3A_463 = arith.constant 91 : i32
        %div3A_464 = vector.broadcast %jit3A_463 : i32 to vector<16xi32>
        %div3A_465 = arith.divsi %get3A_421, %div3A_464 : vector<16xi32>
        %sign3A_466 = arith.constant 0 : i32
        %sign3A_467 = vector.broadcast %sign3A_466 : i32 to vector<16xi32>
        %sign3A_468 = arith.cmpi sgt, %get3A_421, %sign3A_467 : vector<16xi32>
        %sign3A_469 = arith.extui %sign3A_468 : vector<16xi1> to vector<16xi32>
        %sign3A_470 = arith.constant 0 : i32
        %sign3A_471 = vector.broadcast %sign3A_470 : i32 to vector<16xi32>
        %sign3A_472 = arith.cmpi slt, %get3A_421, %sign3A_471 : vector<16xi32>
        %sign3A_473 = arith.extui %sign3A_472 : vector<16xi1> to vector<16xi32>
        %sign3A_474 = arith.subi %sign3A_469, %sign3A_473 : vector<16xi32>
        %sign3A_475 = arith.constant 0 : i32
        %sign3A_476 = arith.cmpi sgt, %jit3A_463, %sign3A_475 : i32
        %sign3A_477 = arith.extui %sign3A_476 : i1 to i32
        %sign3A_478 = arith.constant 0 : i32
        %sign3A_479 = arith.cmpi slt, %jit3A_463, %sign3A_478 : i32
        %sign3A_480 = arith.extui %sign3A_479 : i1 to i32
        %sign3A_481 = arith.subi %sign3A_477, %sign3A_480 : i32
        %ne3A_482 = vector.broadcast %sign3A_481 : i32 to vector<16xi32>
        %ne3A_483 = arith.cmpi ne, %sign3A_474, %ne3A_482 : vector<16xi32>
        %rem3A_484 = vector.broadcast %jit3A_463 : i32 to vector<16xi32>
        %rem3A_485 = arith.remsi %get3A_421, %rem3A_484 : vector<16xi32>
        %ne3A_486 = arith.constant 0 : i32
        %ne3A_487 = vector.broadcast %ne3A_486 : i32 to vector<16xi32>
        %ne3A_488 = arith.cmpi ne, %rem3A_485, %ne3A_487 : vector<16xi32>
        %and3A_489 = arith.andi %ne3A_483, %ne3A_488 : vector<16xi1>
        %sub3A_490 = arith.constant 1 : i32
        %sub3A_491 = vector.broadcast %sub3A_490 : i32 to vector<16xi32>
        %sub3A_492 = arith.subi %div3A_465, %sub3A_491 : vector<16xi32>
        %select_n3A_493 = arith.select %and3A_489, %sub3A_492, %div3A_465 : vector<16xi1>, vector<16xi32>
        %min3A_494 = arith.constant 899 : i32
        %min3A_495 = vector.broadcast %min3A_494 : i32 to vector<16xi32>
        %min3A_496 = arith.minsi %select_n3A_493, %min3A_495 : vector<16xi32>
        %mul3A_497 = arith.constant 4 : i32
        %mul3A_498 = vector.broadcast %mul3A_497 : i32 to vector<16xi32>
        %mul3A_499 = arith.muli %min3A_496, %mul3A_498 : vector<16xi32>
        %gather3A = tpu.vector_load_idx %arg19[%mul3A_499] : memref<3616xf32, #tpu.memory_space<vmem>>[vector<16xi32>], vector<16xf32>,
        %add3A_500 = arith.constant 1 : i32
        %add3A_501 = vector.broadcast %add3A_500 : i32 to vector<16xi32>
        %add3A_502 = arith.addi %mul3A_499, %add3A_501 : vector<16xi32>
        %gather3A_503 = tpu.vector_load_idx %arg19[%add3A_502] : memref<3616xf32, #tpu.memory_space<vmem>>[vector<16xi32>], vector<16xf32>,
        %add3A_504 = arith.constant 2 : i32
        %add3A_505 = vector.broadcast %add3A_504 : i32 to vector<16xi32>
        %add3A_506 = arith.addi %mul3A_499, %add3A_505 : vector<16xi32>
        %gather3A_507 = tpu.vector_load_idx %arg19[%add3A_506] : memref<3616xf32, #tpu.memory_space<vmem>>[vector<16xi32>], vector<16xf32>,
        %add3A_508 = arith.constant 3 : i32
        %add3A_509 = vector.broadcast %add3A_508 : i32 to vector<16xi32>
        %add3A_510 = arith.addi %mul3A_499, %add3A_509 : vector<16xi32>
        %gather3A_511 = tpu.vector_load_idx %arg19[%add3A_510] : memref<3616xf32, #tpu.memory_space<vmem>>[vector<16xi32>], vector<16xf32>,
        %mul3A_512 = arith.constant 5.000000e-01 : f32
        %mul3A_513 = vector.broadcast %mul3A_512 : f32 to vector<16xf32>
        %mul3A_514 = arith.mulf %mul3A_513, %gather3A_507 : vector<16xf32>
        %sub3A_515 = arith.subf %gather3A, %mul3A_514 : vector<16xf32>
        %mul3A_516 = arith.mulf %sub3A_515, %get3A_398 : vector<16xf32>
        %mul3A_517 = arith.constant 16 : i32
        %mul3A_518 = arith.muli %scan3A_413, %mul3A_517 : i32
        %swap3A_519 = arith.index_cast %mul3A_518 : i32 to index
        %swap3A_520 = tpu.vector_load %arg24[%swap3A_519] {strides = array<i32>} : memref<512xf32, #tpu.memory_space<vmem>>, vector<16xf32>,
        tpu.vector_store %arg24[%swap3A_519], %mul3A_516 {strides = array<i32>} : memref<512xf32, #tpu.memory_space<vmem>>, vector<16xf32>,
        %mul3A_521 = arith.constant 5.000000e-01 : f32
        %mul3A_522 = vector.broadcast %mul3A_521 : f32 to vector<16xf32>
        %mul3A_523 = arith.mulf %mul3A_522, %gather3A_511 : vector<16xf32>
        %sub3A_524 = arith.subf %gather3A_503, %mul3A_523 : vector<16xf32>
        %mul3A_525 = arith.mulf %sub3A_524, %get3A_400 : vector<16xf32>
        %mul3A_526 = arith.constant 16 : i32
        %mul3A_527 = arith.muli %scan3A_413, %mul3A_526 : i32
        %add3A_528 = arith.constant 128 : i32
        %add3A_529 = arith.addi %add3A_528, %mul3A_527 : i32
        %swap3A_530 = arith.index_cast %add3A_529 : i32 to index
        %swap3A_531 = tpu.vector_load %arg24[%swap3A_530] {strides = array<i32>} : memref<512xf32, #tpu.memory_space<vmem>>, vector<16xf32>,
        tpu.vector_store %arg24[%swap3A_530], %mul3A_525 {strides = array<i32>} : memref<512xf32, #tpu.memory_space<vmem>>, vector<16xf32>,
        %mul3A_532 = arith.constant 5.000000e-01 : f32
        %mul3A_533 = vector.broadcast %mul3A_532 : f32 to vector<16xf32>
        %mul3A_534 = arith.mulf %mul3A_533, %gather3A_507 : vector<16xf32>
        %add3A_535 = arith.addf %gather3A, %mul3A_534 : vector<16xf32>
        %mul3A_536 = arith.mulf %add3A_535, %get3A_398 : vector<16xf32>
        %mul3A_537 = arith.constant 16 : i32
        %mul3A_538 = arith.muli %scan3A_413, %mul3A_537 : i32
        %add3A_539 = arith.constant 256 : i32
        %add3A_540 = arith.addi %add3A_539, %mul3A_538 : i32
        %swap3A_541 = arith.index_cast %add3A_540 : i32 to index
        %swap3A_542 = tpu.vector_load %arg24[%swap3A_541] {strides = array<i32>} : memref<512xf32, #tpu.memory_space<vmem>>, vector<16xf32>,
        tpu.vector_store %arg24[%swap3A_541], %mul3A_536 {strides = array<i32>} : memref<512xf32, #tpu.memory_space<vmem>>, vector<16xf32>,
        %mul3A_543 = arith.constant 5.000000e-01 : f32
        %mul3A_544 = vector.broadcast %mul3A_543 : f32 to vector<16xf32>
        %mul3A_545 = arith.mulf %mul3A_544, %gather3A_511 : vector<16xf32>
        %add3A_546 = arith.addf %gather3A_503, %mul3A_545 : vector<16xf32>
        %mul3A_547 = arith.mulf %add3A_546, %get3A_400 : vector<16xf32>
        %mul3A_548 = arith.constant 16 : i32
        %mul3A_549 = arith.muli %scan3A_413, %mul3A_548 : i32
        %add3A_550 = arith.constant 384 : i32
        %add3A_551 = arith.addi %add3A_550, %mul3A_549 : i32
        %swap3A_552 = arith.index_cast %add3A_551 : i32 to index
        %swap3A_553 = tpu.vector_load %arg24[%swap3A_552] {strides = array<i32>} : memref<512xf32, #tpu.memory_space<vmem>>, vector<16xf32>,
        tpu.vector_store %arg24[%swap3A_552], %mul3A_547 {strides = array<i32>} : memref<512xf32, #tpu.memory_space<vmem>>, vector<16xf32>,
      }
      %scan3A_406 = arith.constant 8 : i32
      %mul3A_407 = arith.constant 128 : i32
      %mul3A_408 = arith.muli %add3A_15, %mul3A_407 : i32
      "tpu.region"() ({
        %run_scoped3A = tpu.sem_alloc : memref<!tpu.dma_semaphore, #tpu.memory_space<semaphore_mem>>
        %dma_start3A = tpu.memref_slice %arg5[%mul3A_408] : memref<16384xf32, #tpu.memory_space<hbm>> -> memref<128xf32, #tpu.memory_space<hbm>>
        %dma_start3A_413 = tpu.memref_slice %arg5[%mul3A_408] : memref<16384xf32, #tpu.memory_space<hbm>> -> memref<128xf32, #tpu.memory_space<hbm>>
        tpu.enqueue_dma source(%arg22 : memref<128xf32, #tpu.memory_space<vmem>>) target(%dma_start3A_413 : memref<128xf32, #tpu.memory_space<hbm>>) target_semaphore(%run_scoped3A : memref<!tpu.dma_semaphore, #tpu.memory_space<semaphore_mem>>)
        %dma_wait3A = tpu.memref_slice %arg5[%mul3A_408] : memref<16384xf32, #tpu.memory_space<hbm>> -> memref<128xf32, #tpu.memory_space<hbm>>
        %dma_wait3A_414 = tpu.memref_slice %arg5[%mul3A_408] : memref<16384xf32, #tpu.memory_space<hbm>> -> memref<128xf32, #tpu.memory_space<hbm>>
        tpu.wait_dma2 semaphore(%run_scoped3A : memref<!tpu.dma_semaphore, #tpu.memory_space<semaphore_mem>>) src(%arg22 : memref<128xf32, #tpu.memory_space<vmem>>) dst(%dma_wait3A_414 : memref<128xf32, #tpu.memory_space<hbm>>)
        tpu.yield
      }) : () -> ()
      %mul3A_409 = arith.constant 128 : i32
      %mul3A_410 = arith.muli %add3A_15, %mul3A_409 : i32
      "tpu.region"() ({
        %run_scoped3A = tpu.sem_alloc : memref<!tpu.dma_semaphore, #tpu.memory_space<semaphore_mem>>
        %dma_start3A = tpu.memref_slice %arg6[%mul3A_410] : memref<16384xi32, #tpu.memory_space<hbm>> -> memref<128xi32, #tpu.memory_space<hbm>>
        %dma_start3A_413 = tpu.memref_slice %arg6[%mul3A_410] : memref<16384xi32, #tpu.memory_space<hbm>> -> memref<128xi32, #tpu.memory_space<hbm>>
        tpu.enqueue_dma source(%arg23 : memref<128xi32, #tpu.memory_space<vmem>>) target(%dma_start3A_413 : memref<128xi32, #tpu.memory_space<hbm>>) target_semaphore(%run_scoped3A : memref<!tpu.dma_semaphore, #tpu.memory_space<semaphore_mem>>)
        %dma_wait3A = tpu.memref_slice %arg6[%mul3A_410] : memref<16384xi32, #tpu.memory_space<hbm>> -> memref<128xi32, #tpu.memory_space<hbm>>
        %dma_wait3A_414 = tpu.memref_slice %arg6[%mul3A_410] : memref<16384xi32, #tpu.memory_space<hbm>> -> memref<128xi32, #tpu.memory_space<hbm>>
        tpu.wait_dma2 semaphore(%run_scoped3A : memref<!tpu.dma_semaphore, #tpu.memory_space<semaphore_mem>>) src(%arg23 : memref<128xi32, #tpu.memory_space<vmem>>) dst(%dma_wait3A_414 : memref<128xi32, #tpu.memory_space<hbm>>)
        tpu.yield
      }) : () -> ()
      %mul3A_411 = arith.constant 512 : i32
      %mul3A_412 = arith.muli %add3A_15, %mul3A_411 : i32
      "tpu.region"() ({
        %run_scoped3A = tpu.sem_alloc : memref<!tpu.dma_semaphore, #tpu.memory_space<semaphore_mem>>
        %dma_start3A = tpu.memref_slice %arg7[%mul3A_412] : memref<65536xf32, #tpu.memory_space<hbm>> -> memref<512xf32, #tpu.memory_space<hbm>>
        %dma_start3A_413 = tpu.memref_slice %arg7[%mul3A_412] : memref<65536xf32, #tpu.memory_space<hbm>> -> memref<512xf32, #tpu.memory_space<hbm>>
        tpu.enqueue_dma source(%arg24 : memref<512xf32, #tpu.memory_space<vmem>>) target(%dma_start3A_413 : memref<512xf32, #tpu.memory_space<hbm>>) target_semaphore(%run_scoped3A : memref<!tpu.dma_semaphore, #tpu.memory_space<semaphore_mem>>)
        %dma_wait3A = tpu.memref_slice %arg7[%mul3A_412] : memref<65536xf32, #tpu.memory_space<hbm>> -> memref<512xf32, #tpu.memory_space<hbm>>
        %dma_wait3A_414 = tpu.memref_slice %arg7[%mul3A_412] : memref<65536xf32, #tpu.memory_space<hbm>> -> memref<512xf32, #tpu.memory_space<hbm>>
        tpu.wait_dma2 semaphore(%run_scoped3A : memref<!tpu.dma_semaphore, #tpu.memory_space<semaphore_mem>>) src(%arg24 : memref<512xf32, #tpu.memory_space<vmem>>) dst(%dma_wait3A_414 : memref<512xf32, #tpu.memory_space<hbm>>)
        tpu.yield
      }) : () -> ()
    }
    %scan3A_11 = arith.constant 4 : i32
    return
  }
}

</mosaic_0001>

<sc_bundles>
// kernel: _post_process_sc.3.cloned.1.call-start
scs
__scs_entry_jumppad:
0x0: {  	(pc) =	sbr.rel $0x88, $3  }
0x1: {  	(tag) =	ssettag $0x0;
	lr =	simm.s32 $0x1  }
0x2: {  	[smem:$0x3F9E] =	sst lr;
	_ =	strace $0xD0000000  }
0x3: {  	_ = 	snop  }
0x4: {  	_ = 	snop  }
0x5: {  	_ = 	snop  }
0x6: {  	_ = 	snop  }
0x7: {  	_ = 	snop  }
__scs_overlays_trampoline_lowered:
0x8: {  	[smem:$0x3FAD] =	sst s0  }
0x9: {  	[smem:$0x3FAE] =	sst s1  }
0xa: {  	[smem:$0x3FAF] =	sst s2  }
0xb: {  	[smem:$0x3FB0] =	sst s3  }
0xc: {  	[smem:$0x3FB1] =	sst s4  }
0xd: {  	[smem:$0x3FB2] =	sst s5  }
0xe: {  	[smem:$0x3FB3] =	sst s6  }
0xf: {  	[smem:$0x3FB4] =	sst s7  }
0x10: {  	[smem:$0x3FB5] =	sst s8  }
0x11: {  	[smem:$0x3FB6] =	sst s9;
	s0 =	simm.s32 @!p0 $0x0  }
0x12: {  	s1 =	sld [smem:$0x3F9C];
	s0 =	simm.s32 @p0 $0x1  }
0x13: {  	[smem:$0x3FB7] =	sst s0;
	s0 =	simm.s32 @!p1 $0x0  }
0x14: {  	s2 =	sld [smem:$0x3F9B];
	s0 =	simm.s32 @p1 $0x1  }
0x15: {  	[smem:$0x3FB8] =	sst s0;
	s0 =	simm.s32 @!p2 $0x0  }
0x16: {  	s3 =	sld [smem:$0x3FDB];
	s0 =	simm.s32 @p2 $0x1  }
0x17: {  	s4 =	simm.s32 $0x1BF5;
	[smem:$0x3FBA] =	sst s0  }
0x18: {  	s0 =	sld [smem:$0x3F9D];
	_ =	swait.ge [sflag:s4], $0x0  }
0x19: {  	s7 =	sld [smem:$0x3F9E]  }
0x1a: {  	s8 =	sadd.s32 $0xFFFFE003, lr  }
0x1b: {  	s9 =	sadd.s32 $0xFFFFFEF7, lr;
	s5 =	simm.s32 $0xFFFFFFFF;
	p2 =	slt.u32 s8, $0xFFFFF086  }
0x1c: {  	p1 =	slt.u32 s9, $0xF7A;
	s5 =	simm.s32 @!p2 $0x0  }
0x1d: {  	s5 =	simm.s32 @p1 $0x1;
	p0 =	seq.s32 s7, s2  }
0x1e: {  	s7 =	smul.u32 @!p0 $0xF7A, s2;
	p2 =	seq.s32 @!p0 s5, $0x0  }
0x1f: {  	s9 =	smul.u32 $0xF7A, s1;
	s8 =	simm.s32 @!p0 $0x1BF5;
	p2 =	por !p2, p0  }
0x20: {  	[sflag:s8] =	ssyncset.s32 @!p0 $0xFFFFF086;
	s6 =	sadd.s32 @!p0 s3, s7;
	s7 =	simm.s32 @!p0 $0x108  }
0x21: {  	s3 =	sadd.s32 s3, s9;
	s6 =	sadd.s32 @!p0 $0x88, s6;
	s7 =	simm.s32 @p2 $0x1082  }
0x22: {  	[simem:s7], [sflag:s8] =	dma.local @!p0 [hbm:s6], $0xF7A  }
0x23: {  	s9 =	sor.u32 $0xD0000000, s2;
	s6 =	simm.s32 $0x108;
	_ =	swait.ge @!p0 [sflag:s8], $0x0  }
0x24: {  	s3 =	sadd.s32 $0x88, s3;
	s6 =	simm.s32 @!p1 $0x1082;
	[sflag:s4] =	ssyncset.s32 $0xFFFFF086  }
0x25: {  	[simem:s6], [sflag:s4] =	dma.local [hbm:s3], $0xF7A  }
0x26: {  	[smem:$0x3F9E] =	sst s1;
	(tag) =	ssettag s2;
	_ =	strace s9  }
0x27: {  	s1 =	sld [smem:$0x3FAE]  }
0x28: {  	s2 =	sld [smem:$0x3FAF]  }
0x29: {  	s4 =	sld [smem:$0x3FB1]  }
0x2a: {  	p0 =	seq.s32 s5, $0x0;
	s5 =	sld [smem:$0x3FB2]  }
0x2b: {  	s6 =	sld [smem:$0x3FB3]  }
0x2c: {  	s7 =	sld [smem:$0x3FB4]  }
0x2d: {  	s3 =	simm.s32 $0x108;
	s8 =	sld [smem:$0x3FB5]  }
0x2e: {  	s3 =	simm.s32 @!p0 $0x1082;
	s9 =	sld [smem:$0x3FB6]  }
0x2f: {  	lr =	sadd.s32 s0, s3;
	s0 =	sld [smem:$0x3FAD]  }
0x30: {  	s3 =	sld [smem:$0x3FB0]  }
0x31: {  	[smem:$0x3FB9] =	sst s10  }
0x32: {  	s10 =	sld [smem:$0x3FB7];
	_ =	sdelay $0x3  }
0x33: {  	p0 =	seq.s32 s10, $0x1;
	s10 =	sld [smem:$0x3FB9];
	_ =	sdelay $0x3  }
0x34: {  	[smem:$0x3FB9] =	sst s10  }
0x35: {  	s10 =	sld [smem:$0x3FB8];
	_ =	sdelay $0x3  }
0x36: {  	p1 =	seq.s32 s10, $0x1;
	s10 =	sld [smem:$0x3FB9];
	_ =	sdelay $0x3  }
0x37: {  	[smem:$0x3FB9] =	sst s10  }
0x38: {  	s10 =	sld [smem:$0x3FBA]  }
0x39: {  	_ = 	snop;
	(pc) =	sbr.ind lr, $3  }
0x3a: {  	_ = 	snop  }
0x3b: {  	_ = 	snop  }
0x3c: {  	p2 =	seq.s32 s10, $0x1;
	s10 =	sld [smem:$0x3FB9]  }
0x3d: {  	_ =	shalt  }
0x3e: {  	_ =	shalt  }
0x3f: {  	_ =	shalt  }
0x40: {  	_ =	shalt  }
0x41: {  	_ =	shalt  }
0x42: {  	_ =	shalt  }
0x43: {  	_ =	shalt  }
0x44: {  	_ =	shalt  }
0x45: {  	_ =	shalt  }
0x46: {  	_ =	shalt  }
0x47: {  	_ =	shalt  }
0x48: {  	_ =	shalt  }
0x49: {  	_ =	shalt  }
0x4a: {  	_ =	shalt  }
0x4b: {  	_ =	shalt  }
0x4c: {  	_ =	shalt  }
0x4d: {  	_ =	shalt  }
0x4e: {  	_ =	shalt  }
0x4f: {  	_ =	shalt  }
0x50: {  	_ =	shalt  }
0x51: {  	_ =	shalt  }
0x52: {  	_ =	shalt  }
0x53: {  	_ =	shalt  }
0x54: {  	_ =	shalt  }
0x55: {  	_ =	shalt  }
0x56: {  	_ =	shalt  }
0x57: {  	_ =	shalt  }
0x58: {  	_ =	shalt  }
0x59: {  	_ =	shalt  }
0x5a: {  	_ =	shalt  }
0x5b: {  	_ =	shalt  }
0x5c: {  	_ =	shalt  }
0x5d: {  	_ =	shalt  }
0x5e: {  	_ =	shalt  }
0x5f: {  	_ =	shalt  }
0x60: {  	_ =	shalt  }
0x61: {  	_ =	shalt  }
0x62: {  	_ =	shalt  }
0x63: {  	_ =	shalt  }
0x64: {  	_ =	shalt  }
0x65: {  	_ =	shalt  }
0x66: {  	_ =	shalt  }
0x67: {  	_ =	shalt  }
0x68: {  	_ =	shalt  }
0x69: {  	_ =	shalt  }
0x6a: {  	_ =	shalt  }
0x6b: {  	_ =	shalt  }
0x6c: {  	_ =	shalt  }
0x6d: {  	_ =	shalt  }
0x6e: {  	_ =	shalt  }
0x6f: {  	_ =	shalt  }
0x70: {  	_ =	shalt  }
0x71: {  	_ =	shalt  }
0x72: {  	_ =	shalt  }
0x73: {  	_ =	shalt  }
0x74: {  	_ =	shalt  }
0x75: {  	_ =	shalt  }
0x76: {  	_ =	shalt  }
0x77: {  	_ =	shalt  }
0x78: {  	_ =	shalt  }
0x79: {  	_ =	shalt  }
0x7a: {  	_ =	shalt  }
0x7b: {  	_ =	shalt  }
0x7c: {  	_ =	shalt  }
0x7d: {  	_ =	shalt  }
0x7e: {  	_ =	shalt  }
0x7f: {  	_ =	shalt  }
0x80: {  	_ =	shalt  }
0x81: {  	_ =	shalt  }
0x82: {  	_ =	shalt  }
0x83: {  	_ =	shalt  }
0x84: {  	_ =	shalt  }
0x85: {  	_ =	shalt  }
0x86: {  	_ =	shalt  }
0x87: {  	_ =	shalt  }
.Lfunc_end0:
.L_simem_size_0:
called_computation_lowered:
.L_overlay_start_0:
0x88: {  	s2 =	sld [smem:$0x3FD9]  }
0x89: {  	s3 =	sld [smem:$0x3FFE];
	_ =	sdelay $0x1  }
0x8a: {  	s1 =	srdreg.scid  }
0x8b: {  	s0 =	sand.u32 $0x1, s1  }
0x8c: {  	s15 =	sshll.u32 s0, $0xA;
	s2 =	sadd.s32 s3, s2  }
0x8d: {  	s2 =	sadd.s32 s2, s15  }
0x8e: {  	[smem:$0x3FC5] =	sst s2  }
0x8f: {  	_ = 	snop  }
0x90: {  	s2 =	sld [smem:$0x3FD0]  }
0x91: {  	s16 =	sld [smem:$0x3FC9]  }
0x92: {  	s4 =	sld [smem:$0x3FC8]  }
0x93: {  	s6 =	simm.s32 $0xA;
	s7 =	simm.s32 $0x10;
	s5 =	sld [smem:$0x3FC7]  }
0x94: {  	[smem:s7], [sflag:s6] =	dma.local [hbm:s2], $0x1  }
0x95: {  	_ =	swait.eq [sflag:s6], $0x1  }
0x96: {  	s17 =	sld [smem:$0x10];
	[sflag:s6] =	ssyncset.done $0x0  }
0x97: {  	s18 =	sld [smem:$0x11];
	[sflag:s6] =	ssyncadd.s32 $0xFFFFFFFF  }
0x98: {  	s19 =	sld [smem:$0x12];
	(tm) =	ssettm $0x1  }
0x99: {  	s8 =	sld [smem:$0x3FFB];
	_ =	sdelay $0x3  }
0x9a: {  	_ =	strace s8  }
0x9b: {  	s8 =	sld [smem:$0x3FFC];
	_ =	sdelay $0x3  }
0x9c: {  	_ =	strace s8  }
0x9d: {  	s8 =	sld [smem:$0x3FFD];
	_ =	sdelay $0x3  }
0x9e: {  	_ =	strace s8  }
0x9f: {  	_ =	strace $0x8FFFFFFF  }
0xa0: {  	s20 =	sld [smem:$0x3FDB];
	_ =	sdelay $0x1  }
0xa1: {  	s9 =	simm.s32 $_scs_section_size  }
0xa2: {  	s10 =	simm.s32 $_size__tile_overlayer_lowered;
	s11 =	simm.s32 $_tile_overlayer_lowered  }
0xa3: {  	s23 =	simm.s32 $0x1BFF;
	s22 =	sshll.u32 s11, $0x1;
	s8 =	sadd.s32 s9, s20  }
0xa4: {  	s12 =	simm.s32 $0x0;
	s21 =	sshll.u32 s10, $0x1;
	s10 =	sadd.s32 s22, s8  }
0xa5: {  	[timem:s12], [sflag:s23] =	dma.local [hbm:s10], s21  }
0xa6: {  	_ =	swait.ge [sflag:s23], s21  }
0xa7: {  	s9 =	ssub.s32 $0x0, s21;
	[sflag:s23] =	ssyncset.done $0x0  }
0xa8: {  	[sflag:s23] =	ssyncadd.s32 s9;
	_ =	sdelay $0x1  }
0xa9: {  	s24 =	simm.s32 $0x1B8B  }
0xaa: {  	_ =	swait.ge [sflag:s24], $0x1  }
0xab: {  	[sflag:s24] =	ssyncset.done $0x0  }
0xac: {  	s25 =	simm.s32 $0x1B8E;
	[sflag:s24] =	ssyncadd.s32 $0xFFFFFFFF  }
0xad: {  	s26 =	simm.s32 $execute0_lowered;
	[smem:$0x3FD2] =	sst s25  }
0xae: {  	s9 =	sshll.u32 s26, $0x1;
	_ =	strace $0x80000046;
	[dreg:$0x1] =	wrdreg $0xFFFFFFFF  }
0xaf: {  	s28 =	simm.s32 $_size_execute0_lowered;
	s8 =	sadd.s32 s8, s9;
	[dreg:$0x0] =	wrdreg $0x0  }
0xb0: {  	s9 =	sshll.u32 s28, $0x1;
	[dreg:$0x2] =	wrdreg s8  }
0xb1: {  	[dreg:$0x3] =	wrdreg s9  }
0xb2: {  	[dreg:$0x4] =	wrdreg $0xC0  }
0xb3: {  	_ =	task [dreg:s12], $0x5FFFF  }
0xb4: {  	[dreg:$0x1] =	wrdreg $0xFFFFFFFF  }
0xb5: {  	[dreg:$0x0] =	wrdreg $0x60  }
0xb6: {  	[dreg:$0x2] =	wrdreg s16  }
0xb7: {  	[dreg:$0x3] =	wrdreg s4  }
0xb8: {  	[dreg:$0x4] =	wrdreg s5  }
0xb9: {  	[dreg:$0x5] =	wrdreg s17  }
0xba: {  	[dreg:$0x6] =	wrdreg s18  }
0xbb: {  	[dreg:$0x7] =	wrdreg s19  }
0xbc: {  	[dreg:$0x8] =	wrdreg $0x9  }
0xbd: {  	_ =	task.clear_ibuf [dreg:s12], $0x9FFFF;
	_ =	strace $0x90000046  }
0xbe: {  	s29 =	simm.s32 $0x9;
	_ =	strace $0x80000048  }
0xbf: {  	_ =	swait.ge [sflag:s29], $0x1  }
0xc0: {  	[sflag:s29] =	ssyncadd.s32 $0xFFFFFFFF  }
0xc1: {  	_ =	strace $0x90000048  }
0xc2: {  	_ =	sfence  }
0xc3: {  	s30 =	sld [smem:$0x0];
	_ =	sdelay $0x2  }
0xc4: {  	s31 =	sshll.u32 s1, $0xD;
	s1 =	sshrl.u32 s1, $0x2  }
0xc5: {  	s3 =	sand.u32 $0x4000, s31;
	s1 =	sadd.s32 s1, s30  }
0xc6: {  	s0 =	sor.u32 s3, s0;
	s1 =	sshll.u32 s1, $0x11  }
0xc7: {  	s0 =	sor.u32 s1, s0  }
0xc8: {  	s0 =	sadd.s32 $0x8F2B, s0  }
0xc9: {  	[sflag:s0] =	ssyncadd.remote.s32 $0x1  }
0xca: {  	_ =	sfence.sel $0xFFFF  }
0xcb: {  	[dreg:$0x0] =	wrdreg $0xFFFFFFFF;
	(pc) =	sbr.abs _section_cstart, $3  }
0xcc: {  	[dreg:$0x1] =	wrdreg $0xFFFFFFFF  }
0xcd: {  	_ =	task.clear_ibuf [dreg:s12], $0x2FFFF;
	_ =	strace $0x9FFFFFFF  }
0xce: {  	(tm) =	ssettm $0x7FFFFFFF  }
0xcf: {  	_ =	shalt  }
tec
execute0_lowered:
.L_overlay_start_1:
0x0: {  	(tag) =	ssettag $0x1  }
0x1: {  	v0 =	vlaneseq.u32;
	v1 =	vimm.s32 $0x80000000;
	v4 =	vimm.s32 $0x0  }
0x2: {  	v6 =	vimm.s32 $0x1;
	v24 =	vimm.s32 $0xECA86420;
	vm5 =	vmxor vm5, vm5  }
0x3: {  	s0 =	srdreg.scid;
	vm1 =	vcmask $0xB08;
	vm2 =	vcmask $0x1310;
	vm3 =	vcmask $0x1B18  }
0x4: {  	s1 =	simm.s32 $0x0;
	s3 =	stileid.u32;
	s4 =	simm.s32 $0x1B700;
	vm8 =	vcmask $0x3B38;
	v2 =	vor.u32 $0x14000, v0;
	v3 =	vmul.u32 $0x11, v0  }
0x5: {  	s17 =	simm.s32 $0x1A200;
	s12 =	simm.s32 $0x1C600;
	s18 =	simm.s32 $0x1B400;
	v5 =	vor.u32 $0x880, v0;
	v22 =	vmul.u32 $0xFFFFFFFF, v0;
	v23 =	vor.u32 $0x80000000, v0  }
0x6: {  	s19 =	simm.s32 $0x1B500;
	s20 =	simm.s32 $0x1B600;
	s0 =	sand.u32 $0x1, s0;
	v24 =	vunpack.c.l.s4.s8 v24;
	v7 =	vadd.s32 $0x1, v3;
	v8 =	vadd.s32 $0x2, v3  }
.Ltmp0:
0x7: {  	s21 =	simm.s32 $0x1B680;
	s29 =	ssub.s32 $0x2, s0;
	v9 =	vadd.s32 $0x3, v3;
	v10 =	vadd.s32 $0x4, v3;
	v11 =	vadd.s32 $0x5, v3;
	(pc) =	sbr.rel .LBB2_1-.Ltmp0, $4  }
0x8: {  	s30 =	sshll.u32 s3, $0x3;
	s0 =	sshll.u32 s0, $0x2;
	v12 =	vadd.s32 $0x6, v3;
	v13 =	vadd.s32 $0x7, v3;
	v14 =	vadd.s32 $0x8, v3;
	s2 =	sshrl.u32 s29, $0x1  }
0x9: {  	[smem:$0x7FF] =	sst s1;
	v15 =	vadd.s32 $0x9, v3;
	v16 =	vadd.s32 $0xA, v3;
	v17 =	vadd.s32 $0xB, v3;
	s0 =	sor.u32 s0, s30;
	s1 =	ssub.s32 s29, s2  }
0xa: {  	_ =	strace $0x80000047;
	v18 =	vadd.s32 $0xC, v3;
	v19 =	vadd.s32 $0xD, v3;
	v20 =	vadd.s32 $0xE, v3;
	[smem:$0x7FC] =	sst s0;
	s31 =	smax.u32 s1, $0x1  }
0xb: {  	s3 =	simm.s32 $0x1;
	v21 =	vadd.s32 $0xF, v3;
	v22 =	vadd.s32 $0xF, v22;
	v24 =	vunpack.c.0.s8.s32 v24;
	s1 =	simm.s32 $0x0;
	[smem:$0x7FD] =	sst s31  }
.LBB2_97:
0xc: {  	s1 =	sld [smem:$0x7FB]  }
0xd: {  	s0 =	sld [smem:$0x7FD];
	_ =	sdelay $0x1  }
0xe: {  	s1 =	sadd.s32 $0x1, s1  }
0xf: {  	p0 =	sne.s32 s1, s0  }
.Ltmp1:
0x10: {  	_ = 	snop;
	(pc) =	sbr.rel @!p0 .LBB2_98-.Ltmp1, $1  }
0x11: {  	_ =	sdelay $0x3  }
.LBB2_1:
0x12: {  	[smem:$0x7FB] =	sst s1;
	s1 =	simm.s32 $0x0  }
.LBB2_2:
0x13: {  	s0 =	sld [smem:$0x7FC];
	_ =	sdelay $0x2  }
0x14: {  	s5 =	sadd.s32 s0, s1  }
0x15: {  	s0 =	smul.u32 $0x2800, s5  }
0x16: {  	s25 =	rddreg [dreg:$0x0]  }
0x17: {  	[smem:$0x7F9] =	sst s1;
	s26 =	simm.s32 $0x0;
	s0 =	sadd.s32 s25, s0  }
0x18: {  	[tilespmem:s26], [sflag:$0x1] =	stream.linear.gather [hbm4b:s0+s26], $0x14000, $0x38;
	[tilespmem:$0x1DD80] =	vst v63  }
0x19: {  	_ =	swait.ge [sflag:s3], $0x14000  }
0x1a: {  	[sflag:s3] =	ssyncset.done $0x0  }
0x1b: {  	s28 =	smul.u32 $0x1C2, s5;
	[sflag:s3] =	ssyncadd.s32 $0xFFFEC000  }
0x1c: {  	s2 =	rddreg [dreg:$0x1]  }
0x1d: {  	s0 =	sadd.s32 s2, s28  }
0x1e: {  	[tilespmem:s4], [sflag:$0x1] =	stream.linear.gather [hbm4b:s0+s26], $0xE10, $0x38;
	[tilespmem:$0x1DD80] =	vst v63  }
0x1f: {  	_ =	swait.ge [sflag:s3], $0xE10  }
0x20: {  	[sflag:s3] =	ssyncset.done $0x0  }
0x21: {  	[sflag:s3] =	ssyncadd.s32 $0xFFFFF1F0  }
0x22: {  	s29 =	sshll.u32 s5, $0x2;
	s30 =	rddreg [dreg:$0x2]  }
0x23: {  	s31 =	simm.s32 $0x1C580;
	[smem:$0x7FA] =	sst s5;
	s0 =	sadd.s32 s30, s29  }
0x24: {  	[tilespmem:s31], [sflag:$0x1] =	stream.linear.gather [hbm4b:s0+s26], $0x20, $0x38;
	[tilespmem:$0x1DD80] =	vst v63  }
0x25: {  	_ =	swait.ge [sflag:s3], $0x20  }
0x26: {  	[sflag:s3] =	ssyncset.done $0x0  }
0x27: {  	[sflag:s3] =	ssyncadd.s32 $0xFFFFFFE0  }
0x28: {  	[tilespmem:$0x1B470] =	vst v1  }
0x29: {  	s1 =	simm.s32 $0x200;
	s0 =	simm.s32 $0x0;
	[tilespmem:$0x1B570] =	vst v2  }
.LBB2_3:
0x2a: {  	p0 =	sne.s32 s1, $0x4200;
	[tilespmem:s0+$0x1A270] =	vst v4  }
0x2b: {  	[tilespmem:s0+$0x1A200] =	vst v4  }
0x2c: {  	[tilespmem:s0+$0x1A210] =	vst v4  }
.Ltmp2:
0x2d: {  	[tilespmem:s0+$0x1A220] =	vst v4;
	(pc) =	sbr.rel @p0 .LBB2_3-.Ltmp2, $4  }
0x2e: {  	[tilespmem:s0+$0x1A230] =	vst v4  }
0x2f: {  	[tilespmem:s0+$0x1A240] =	vst v4  }
0x30: {  	[tilespmem:s0+$0x1A250] =	vst v4  }
0x31: {  	[tilespmem:s0+$0x1A260] =	vst v4;
	s0 =	sshra.s32 s1, $0x2;
	s1 =	sadd.s32 $0x200, s1  }
0x32: {  	[tilespmem:s0+$0x1A270] =	vst v4  }
0x33: {  	[tilespmem:s0+$0x1A200] =	vst v4  }
0x34: {  	[tilespmem:s0+$0x1A210] =	vst v4  }
0x35: {  	[tilespmem:s0+$0x1A220] =	vst v4  }
0x36: {  	[tilespmem:s0+$0x1A230] =	vst v4  }
0x37: {  	[tilespmem:s0+$0x1A240] =	vst v4  }
0x38: {  	[tilespmem:s0+$0x1A250] =	vst v4  }
0x39: {  	[tilespmem:s0+$0x1A260] =	vst v4;
	s31 =	simm.s32 $0x40  }
0x3a: {  	v25 =	vld [tilespmem:s31+$0x30]  }
0x3b: {  	v26 =	vld [tilespmem:s31+$0xFFFFFFD0]  }
0x3c: {  	v27 =	vld [tilespmem:s31+$0xFFFFFFE0]  }
0x3d: {  	v28 =	vld [tilespmem:s31+$0xFFFFFFF0]  }
0x3e: {  	v29 =	vld [tilespmem:s31+$0x0]  }
0x3f: {  	v30 =	vld [tilespmem:s31+$0x10];
	v25 =	vshra.s32 v25, $0x18  }
0x40: {  	v31 =	vld [tilespmem:s31+$0x20];
	v26 =	vshra.s32 v26, $0x18;
	v25 =	vmul.u32 $0x11, v25  }
0x41: {  	v32 =	vld [tilespmem:s31+$0xFFFFFFC0];
	v27 =	vshra.s32 v27, $0x18;
	v26 =	vmul.u32 $0x11, v26  }
0x42: {  	v27 =	vmul.u32 $0x11, v27;
	v33 =	vadd.s32 v5, v25  }
0x43: {  	v34 =	vadd.s32 v5, v26  }
0x44: {  	v25 =	vshra.s32 v28, $0x18;
	v26 =	vshra.s32 v29, $0x18;
	v35 =	vadd.s32 v5, v27  }
0x45: {  	v27 =	vshra.s32 v30, $0x18;
	v28 =	vshra.s32 v31, $0x18;
	v25 =	vmul.u32 $0x11, v25  }
0x46: {  	v29 =	vshra.s32 v32, $0x18;
	v26 =	vmul.u32 $0x11, v26;
	v27 =	vmul.u32 $0x11, v27  }
0x47: {  	v28 =	vmul.u32 $0x11, v28;
	v29 =	vmul.u32 $0x11, v29;
	v25 =	vadd.s32 v5, v25;
	[tilespmem:v33+s17+$0x0] =	vst.idx.add.s32.msk $0xffff, v6  }
0x48: {  	v26 =	vadd.s32 v5, v26;
	v27 =	vadd.s32 v5, v27;
	[tilespmem:v34+s17+$0x0] =	vst.idx.add.s32.msk $0xffff, v6  }
0x49: {  	s2 =	simm.s32 $0x0;
	s0 =	simm.s32 $0x1B300;
	s3 =	simm.s32 $0xC0;
	v28 =	vadd.s32 v5, v28;
	v29 =	vadd.s32 v5, v29;
	[tilespmem:v35+s17+$0x0] =	vst.idx.add.s32.msk $0xffff, v6  }
.LBB2_5:
0x4a: {  	v30 =	vld [tilespmem:s3+$0x30];
	s2 =	sadd.s32 $0x8, s2  }
0x4b: {  	v31 =	vld [tilespmem:s3+$0xFFFFFFD0];
	p0 =	slt.u32 s2, $0x13F8  }
0x4c: {  	v32 =	vld [tilespmem:s3+$0xFFFFFFE0]  }
0x4d: {  	v33 =	vld [tilespmem:s3+$0xFFFFFFF0]  }
0x4e: {  	v34 =	vld [tilespmem:s3+$0x0]  }
0x4f: {  	v35 =	vld [tilespmem:s3+$0x10];
	v30 =	vshra.s32 v30, $0x18  }
0x50: {  	v31 =	vshra.s32 v31, $0x18;
	v36 =	vld [tilespmem:s3+$0x20];
	v30 =	vmul.u32 $0x11, v30  }
0x51: {  	v37 =	vld [tilespmem:s3+$0xFFFFFFC0];
	v31 =	vmul.u32 $0x11, v31;
	v32 =	vshra.s32 v32, $0x18  }
0x52: {  	v32 =	vmul.u32 $0x11, v32;
	v33 =	vshra.s32 v33, $0x18;
	v30 =	vadd.s32 v5, v30;
	[tilespmem:v29+s17+$0x0] =	vst.idx.add.s32.msk $0xffff, v6  }
0x53: {  	v29 =	vadd.s32 v5, v31;
	v31 =	vmul.u32 $0x11, v33;
	v33 =	vshra.s32 v34, $0x18;
	[tilespmem:v25+s17+$0x0] =	vst.idx.add.s32.msk $0xffff, v6  }
0x54: {  	v32 =	vadd.s32 v5, v32;
	v33 =	vmul.u32 $0x11, v33;
	v34 =	vshra.s32 v35, $0x18;
	[tilespmem:v26+s17+$0x0] =	vst.idx.add.s32.msk $0xffff, v6  }
.Ltmp3:
0x55: {  	v25 =	vadd.s32 v5, v31;
	v31 =	vmul.u32 $0x11, v34;
	v34 =	vshra.s32 v36, $0x18;
	[tilespmem:v27+s17+$0x0] =	vst.idx.add.s32.msk $0xffff, v6;
	(pc) =	sbr.rel @p0 .LBB2_5-.Ltmp3, $4  }
0x56: {  	v27 =	vshra.s32 v37, $0x18;
	v26 =	vadd.s32 v5, v33;
	v33 =	vmul.u32 $0x11, v34;
	[tilespmem:v28+s17+$0x0] =	vst.idx.add.s32.msk $0xffff, v6  }
0x57: {  	s1 =	simm.s32 $0x0;
	v34 =	vmul.u32 $0x11, v27;
	v27 =	vadd.s32 v5, v31;
	[tilespmem:v30+s17+$0x0] =	vst.idx.add.s32.msk $0xffff, v6  }
0x58: {  	[tilespmem:v29+s17+$0x0] =	vst.idx.add.s32.msk $0xffff, v6;
	v28 =	vadd.s32 v5, v33  }
0x59: {  	s3 =	sadd.s32 $0x80, s3;
	v29 =	vadd.s32 v5, v34;
	[tilespmem:v32+s17+$0x0] =	vst.idx.add.s32.msk $0xffff, v6  }
0x5a: {  	_ =	sdelay $0x2  }
0x5b: {  	p2 =	por $0x0, $0x0  }
.Ltmp4:
0x5c: {  	[tilespmem:v29+s17+$0x0] =	vst.idx.add.s32.msk $0xffff, v6;
	(pc) =	sbr.rel @p2 .LBB2_7-.Ltmp4, $4  }
0x5d: {  	[tilespmem:v25+s17+$0x0] =	vst.idx.add.s32.msk $0xffff, v6  }
0x5e: {  	[tilespmem:v26+s17+$0x0] =	vst.idx.add.s32.msk $0xffff, v6  }
0x5f: {  	[tilespmem:v27+s17+$0x0] =	vst.idx.add.s32.msk $0xffff, v6  }
0x60: {  	[tilespmem:v28+s17+$0x0] =	vst.idx.add.s32.msk $0xffff, v6;
	v26 =	vadd.s32 s1, v7;
	v25 =	vadd.s32 s1, v3;
	s2 =	simm.s32 $0x110;
	p0 =	por $0x0, $0x0;
	p1 =	por $0x0, $0x0  }
0x61: {  	_ = 	snop  }
0x62: {  	v27 =	vadd.s32 s1, v8  }
0x63: {  	v28 =	vadd.s32 s1, v9  }
0x64: {  	v29 =	vadd.s32 s1, v10  }
0x65: {  	v26 =	vld.idx.msk [tilespmem:v26+s17+$0x0], $0xffff;
	v30 =	vadd.s32 s1, v11  }
0x66: {  	v25 =	vld.idx.msk [tilespmem:v25+s17+$0x0], $0xffff;
	v31 =	vadd.s32 s1, v12  }
0x67: {  	v32 =	vadd.s32 s1, v13;
	v27 =	vld.idx.msk [tilespmem:v27+s17+$0x0], $0xffff  }
0x68: {  	v33 =	vadd.s32 s1, v14;
	v28 =	vld.idx.msk [tilespmem:v28+s17+$0x0], $0xffff  }
0x69: {  	v34 =	vadd.s32 s1, v15;
	v29 =	vld.idx.msk [tilespmem:v29+s17+$0x0], $0xffff  }
0x6a: {  	v35 =	vadd.s32 s1, v16;
	v30 =	vld.idx.msk [tilespmem:v30+s17+$0x0], $0xffff  }
0x6b: {  	v36 =	vadd.s32 s1, v17;
	v31 =	vld.idx.msk [tilespmem:v31+s17+$0x0], $0xffff;
	v25 =	vadd.s32 v25, v26  }
0x6c: {  	v62 =	vadd.s32 s1, v18;
	v26 =	vld.idx.msk [tilespmem:v32+s17+$0x0], $0xffff;
	v25 =	vadd.s32 v27, v25  }
0x6d: {  	v63 =	vadd.s32 s1, v19;
	v27 =	vld.idx.msk [tilespmem:v33+s17+$0x0], $0xffff;
	v25 =	vadd.s32 v28, v25  }
0x6e: {  	v28 =	vld.idx.msk [tilespmem:v34+s17+$0x0], $0xffff;
	v25 =	vadd.s32 v29, v25  }
0x6f: {  	v29 =	vld.idx.msk [tilespmem:v35+s17+$0x0], $0xffff;
	v25 =	vadd.s32 v30, v25  }
0x70: {  	v30 =	vld.idx.msk [tilespmem:v36+s17+$0x0], $0xffff;
	v25 =	vadd.s32 v31, v25  }
0x71: {  	v32 =	vld.idx.msk [tilespmem:v62+s17+$0x0], $0xffff;
	v31 =	vadd.s32 s1, v20;
	v25 =	vadd.s32 v26, v25  }
0x72: {  	p2 =	por $0x0, $0x0;
	v33 =	vld.idx.msk [tilespmem:v63+s17+$0x0], $0xffff;
	v26 =	vadd.s32 s1, v21;
	v25 =	vadd.s32 v27, v25  }
.Ltmp5:
0x73: {  	v25 =	vadd.s32 v28, v25;
	(pc) =	sbr.rel @p2 .LBB2_9-.Ltmp5, $4  }
0x74: {  	v25 =	vadd.s32 v29, v25  }
0x75: {  	v25 =	vadd.s32 v30, v25  }
0x76: {  	v28 =	vld.idx.msk [tilespmem:v31+s17+$0x0], $0xffff;
	v29 =	vadd.s32 v32, v25  }
0x77: {  	s3 =	simm.s32 $0x220;
	p0 =	por $0x1, $0x1;
	v27 =	vld.idx.msk [tilespmem:v26+s17+$0x0], $0xffff;
	v26 =	vadd.s32 s2, v7;
	v25 =	vadd.s32 s2, v3;
	v29 =	vadd.s32 v33, v29  }
0x78: {  	_ =	sdelay $0x2  }
0x79: {  	v30 =	vadd.s32 s2, v8;
	v28 =	vadd.s32 v28, v29  }
0x7a: {  	v29 =	vadd.s32 s2, v9;
	v27 =	vadd.s32 v27, v28  }
0x7b: {  	v28 =	vadd.s32 s2, v10;
	[tilespmem:s0+$0x0] =	vst v27  }
0x7c: {  	v27 =	vadd.s32 s2, v11;
	v26 =	vld.idx.msk [tilespmem:v26+s17+$0x0], $0xffff  }
0x7d: {  	v31 =	vadd.s32 s2, v12;
	v25 =	vld.idx.msk [tilespmem:v25+s17+$0x0], $0xffff  }
0x7e: {  	v32 =	vadd.s32 s2, v13;
	v30 =	vld.idx.msk [tilespmem:v30+s17+$0x0], $0xffff  }
0x7f: {  	v29 =	vld.idx.msk [tilespmem:v29+s17+$0x0], $0xffff  }
0x80: {  	v33 =	vadd.s32 s2, v14;
	v28 =	vld.idx.msk [tilespmem:v28+s17+$0x0], $0xffff  }
0x81: {  	v34 =	vadd.s32 s2, v15;
	v27 =	vld.idx.msk [tilespmem:v27+s17+$0x0], $0xffff  }
0x82: {  	v35 =	vadd.s32 s2, v16;
	v31 =	vld.idx.msk [tilespmem:v31+s17+$0x0], $0xffff;
	v25 =	vadd.s32 v25, v26  }
0x83: {  	v36 =	vadd.s32 s2, v17;
	v26 =	vld.idx.msk [tilespmem:v32+s17+$0x0], $0xffff;
	v25 =	vadd.s32 v30, v25  }
0x84: {  	v25 =	vadd.s32 v29, v25  }
0x85: {  	v62 =	vadd.s32 s2, v18;
	v30 =	vld.idx.msk [tilespmem:v33+s17+$0x0], $0xffff;
	v25 =	vadd.s32 v28, v25  }
0x86: {  	v63 =	vadd.s32 s2, v19;
	v29 =	vld.idx.msk [tilespmem:v34+s17+$0x0], $0xffff;
	v25 =	vadd.s32 v27, v25  }
0x87: {  	v28 =	vld.idx.msk [tilespmem:v35+s17+$0x0], $0xffff;
	v25 =	vadd.s32 v31, v25;
	v31 =	vadd.s32 s2, v20  }
0x88: {  	v27 =	vld.idx.msk [tilespmem:v36+s17+$0x0], $0xffff;
	v25 =	vadd.s32 v26, v25;
	v26 =	vadd.s32 s2, v21;
	_ =	sdelay $0x1  }
0x89: {  	v32 =	vld.idx.msk [tilespmem:v62+s17+$0x0], $0xffff;
	v25 =	vadd.s32 v30, v25  }
0x8a: {  	p2 =	por $0x0, $0x0;
	v33 =	vld.idx.msk [tilespmem:v63+s17+$0x0], $0xffff;
	v25 =	vadd.s32 v29, v25  }
.Ltmp6:
0x8b: {  	v25 =	vadd.s32 v28, v25;
	v28 =	vld.idx.msk [tilespmem:v31+s17+$0x0], $0xffff;
	(pc) =	sbr.rel @p2 .LBB2_11-.Ltmp6, $3  }
0x8c: {  	v25 =	vadd.s32 v27, v25;
	v27 =	vld.idx.msk [tilespmem:v26+s17+$0x0], $0xffff;
	_ =	sdelay $0x1  }
0x8d: {  	v29 =	vadd.s32 v32, v25;
	v26 =	vadd.s32 s3, v7  }
0x8e: {  	p1 =	por $0x1, $0x1;
	s4 =	simm.s32 $0x1B300;
	s2 =	simm.s32 $0x330;
	v25 =	vadd.s32 s3, v3;
	v29 =	vadd.s32 v33, v29  }
.LBB2_12:
0x8f: {  	p2 =	seq.s32 s2, $0xFF0;
	v30 =	vadd.s32 s3, v8;
	v28 =	vadd.s32 v28, v29  }
0x90: {  	v29 =	vadd.s32 s3, v9;
	s4 =	sadd.s32 $0x10, s4;
	v27 =	vadd.s32 v27, v28  }
0x91: {  	v28 =	vadd.s32 s3, v10;
	[tilespmem:s4+$0x0] =	vst v27  }
0x92: {  	v27 =	vadd.s32 s3, v11;
	v26 =	vld.idx.msk [tilespmem:v26+s17+$0x0], $0xffff  }
0x93: {  	v31 =	vadd.s32 s3, v12;
	v25 =	vld.idx.msk [tilespmem:v25+s17+$0x0], $0xffff  }
0x94: {  	v32 =	vadd.s32 s3, v13;
	v30 =	vld.idx.msk [tilespmem:v30+s17+$0x0], $0xffff  }
0x95: {  	v33 =	vadd.s32 s3, v14;
	v29 =	vld.idx.msk [tilespmem:v29+s17+$0x0], $0xffff  }
0x96: {  	v34 =	vadd.s32 s3, v15;
	v28 =	vld.idx.msk [tilespmem:v28+s17+$0x0], $0xffff  }
0x97: {  	v35 =	vadd.s32 s3, v16;
	v27 =	vld.idx.msk [tilespmem:v27+s17+$0x0], $0xffff  }
0x98: {  	v36 =	vadd.s32 s3, v17;
	v31 =	vld.idx.msk [tilespmem:v31+s17+$0x0], $0xffff  }
0x99: {  	v25 =	vadd.s32 v25, v26;
	v26 =	vld.idx.msk [tilespmem:v32+s17+$0x0], $0xffff;
	v32 =	vadd.s32 s3, v18  }
0x9a: {  	v25 =	vadd.s32 v30, v25;
	v30 =	vld.idx.msk [tilespmem:v33+s17+$0x0], $0xffff;
	v33 =	vadd.s32 s3, v19  }
0x9b: {  	v25 =	vadd.s32 v29, v25;
	v29 =	vld.idx.msk [tilespmem:v34+s17+$0x0], $0xffff;
	v34 =	vadd.s32 s3, v20  }
0x9c: {  	v37 =	vadd.s32 s3, v21;
	v25 =	vadd.s32 v28, v25;
	s3 =	smov.u32 s2;
	v35 =	vld.idx.msk [tilespmem:v35+s17+$0x0], $0xffff  }
0x9d: {  	v25 =	vadd.s32 v27, v25;
	v36 =	vld.idx.msk [tilespmem:v36+s17+$0x0], $0xffff  }
0x9e: {  	v25 =	vadd.s32 v31, v25;
	v31 =	vld.idx.msk [tilespmem:v32+s17+$0x0], $0xffff  }
0x9f: {  	v25 =	vadd.s32 v26, v25;
	v32 =	vld.idx.msk [tilespmem:v33+s17+$0x0], $0xffff  }
0xa0: {  	v25 =	vadd.s32 v30, v25;
	v28 =	vld.idx.msk [tilespmem:v34+s17+$0x0], $0xffff  }
.Ltmp7:
0xa1: {  	v25 =	vadd.s32 v29, v25;
	v27 =	vld.idx.msk [tilespmem:v37+s17+$0x0], $0xffff;
	(pc) =	sbr.rel @!p2 .LBB2_12-.Ltmp7, $4  }
0xa2: {  	v25 =	vadd.s32 v35, v25  }
0xa3: {  	v25 =	vadd.s32 v36, v25  }
0xa4: {  	v26 =	vadd.s32 s2, v7;
	v29 =	vadd.s32 v31, v25  }
0xa5: {  	s2 =	sadd.s32 $0x110, s2;
	v25 =	vadd.s32 s3, v3;
	v29 =	vadd.s32 v32, v29  }
0xa6: {  	s2 =	smov.u32 s3  }
.LBB2_14:
0xa7: {  	_ = 	snop  }
0xa8: {  	v30 =	vadd.s32 s2, v8;
	v28 =	vadd.s32 @p0 v28, v29;
	s3 =	sadd.s32 @p1 $0x10, s4;
	s4 =	simm.s32 $0x1B300  }
0xa9: {  	v29 =	vadd.s32 s2, v9;
	v27 =	vadd.s32 @p0 v27, v28;
	s4 =	smov.u32 @p1 s3  }
0xaa: {  	v28 =	vadd.s32 s2, v10;
	[tilespmem:s4+$0x0] =	vst @p0 v27  }
0xab: {  	v27 =	vadd.s32 s2, v11;
	v26 =	vld.idx.msk [tilespmem:v26+s17+$0x0], $0xffff  }
0xac: {  	v31 =	vadd.s32 s2, v12;
	v25 =	vld.idx.msk [tilespmem:v25+s17+$0x0], $0xffff  }
0xad: {  	v32 =	vadd.s32 s2, v13;
	v30 =	vld.idx.msk [tilespmem:v30+s17+$0x0], $0xffff  }
0xae: {  	v33 =	vadd.s32 s2, v14;
	v29 =	vld.idx.msk [tilespmem:v29+s17+$0x0], $0xffff  }
0xaf: {  	v34 =	vadd.s32 s2, v15;
	v28 =	vld.idx.msk [tilespmem:v28+s17+$0x0], $0xffff  }
0xb0: {  	v35 =	vadd.s32 s2, v16;
	v27 =	vld.idx.msk [tilespmem:v27+s17+$0x0], $0xffff  }
0xb1: {  	v36 =	vadd.s32 s2, v17;
	v31 =	vld.idx.msk [tilespmem:v31+s17+$0x0], $0xffff;
	v25 =	vadd.s32 v25, v26  }
0xb2: {  	v60 =	vadd.s32 s2, v18;
	v26 =	vld.idx.msk [tilespmem:v32+s17+$0x0], $0xffff;
	v25 =	vadd.s32 v30, v25  }
0xb3: {  	v61 =	vadd.s32 s2, v19;
	v30 =	vld.idx.msk [tilespmem:v33+s17+$0x0], $0xffff;
	v25 =	vadd.s32 v29, v25  }
0xb4: {  	v62 =	vadd.s32 s2, v20;
	v29 =	vld.idx.msk [tilespmem:v34+s17+$0x0], $0xffff;
	v25 =	vadd.s32 v28, v25  }
0xb5: {  	v63 =	vadd.s32 s2, v21;
	v28 =	vld.idx.msk [tilespmem:v35+s17+$0x0], $0xffff;
	v25 =	vadd.s32 v27, v25  }
0xb6: {  	v27 =	vld.idx.msk [tilespmem:v36+s17+$0x0], $0xffff;
	v25 =	vadd.s32 v31, v25  }
0xb7: {  	v31 =	vld.idx.msk [tilespmem:v60+s17+$0x0], $0xffff;
	v25 =	vadd.s32 v26, v25  }
0xb8: {  	v26 =	vld.idx.msk [tilespmem:v61+s17+$0x0], $0xffff;
	v25 =	vadd.s32 v30, v25  }
0xb9: {  	v30 =	vld.idx.msk [tilespmem:v62+s17+$0x0], $0xffff;
	v25 =	vadd.s32 v29, v25  }
0xba: {  	v29 =	vld.idx.msk [tilespmem:v63+s17+$0x0], $0xffff;
	v25 =	vadd.s32 v28, v25  }
0xbb: {  	v25 =	vadd.s32 v27, v25  }
0xbc: {  	v25 =	vadd.s32 v31, v25  }
0xbd: {  	v25 =	vadd.s32 v26, v25  }
0xbe: {  	s2 =	sadd.s32 @p0 $0x10, s4;
	v25 =	vadd.s32 v30, v25  }
0xbf: {  	s0 =	smov.u32 @p0 s2;
	v25 =	vadd.s32 v29, v25  }
0xc0: {  	s7 =	simm.s32 $0x1B3F0;
	[tilespmem:s0+$0x0] =	vst v25  }
0xc1: {  	v25 =	vld [tilespmem:s7+$0x0];
	_ =	sdelay $0x1  }
0xc2: {  	s8 =	simm.s32 $0x1B3E0  }
0xc3: {  	v26 =	vld [tilespmem:s8+$0x0];
	_ =	sdelay $0x1  }
0xc4: {  	s9 =	simm.s32 $0x1B3D0;
	v27 =	vperm.xlane v25, v22;
	(xrf0) =	vadd.scan.msk.s32 $0xffff, v25  }
0xc5: {  	v25 =	vld [tilespmem:s9+$0x0]  }
0xc6: {  	(xrf0) =	vadd.scan.msk.s32 $0xffff, v27  }
0xc7: {  	v27 =	vperm.xlane v26, v22;
	(xrf0) =	vadd.scan.msk.s32 $0xffff, v26;
	_ =	sdelay $0x1  }
0xc8: {  	(xrf0) =	vadd.scan.msk.s32 $0xffff, v27  }
0xc9: {  	s10 =	simm.s32 $0x1B3C0;
	(xrf0) =	vadd.scan.msk.s32 $0xffff, v25;
	v26, _, _ =	vpop (xrf0)  }
0xca: {  	v25 =	vperm.xlane v25, v22;
	(v2sf) =	vpush v26, $0xF;
	v26 =	vld [tilespmem:s10+$0x0]  }
0xcb: {  	v27, _, _ =	vpop (xrf0)  }
0xcc: {  	v28, _, _ =	vpop (xrf0)  }
0xcd: {  	(v2sf) =	vpush v28, $0xF  }
0xce: {  	(xrf0) =	vadd.scan.msk.s32 $0xffff, v25;
	v25, _, _ =	vpop (xrf0)  }
0xcf: {  	v27 =	vperm.xlane v27, v22;
	v28 =	vperm.xlane v26, v22;
	(xrf0) =	vadd.scan.msk.s32 $0xffff, v26;
	v26, _, _ =	vpop (xrf0)  }
0xd0: {  	(v2sf) =	vpush v26, $0xF  }
0xd1: {  	s6 =	simm.s32 $0xF0;
	v27 =	vadd.s32 s1, v27  }
0xd2: {  	vm0 =	vgt.s32 v27, $0x77;
	v26 =	vor.u32 s6, v23  }
0xd3: {  	(xrf0) =	vadd.scan.msk.s32 $0xffff, v28;
	v26 =	vnsel vm0, $0x7FFFFFFF, v26  }
0xd4: {  	(xrf0) =	vmax.scan.msk.u32 $0xffff, v26  }
0xd5: {  	s11 =	simm.s32 $0x1B3B0  }
0xd6: {  	v28 =	vld [tilespmem:s11+$0x0]  }
0xd7: {  	v26, _, _ =	vpop (xrf0)  }
0xd8: {  	s13 =	simm.s32 $0x1B3A0;
	v27, _, _ =	vpop (xrf0)  }
0xd9: {  	v30 =	vld [tilespmem:s13+$0x0];
	v25 =	vperm.xlane v25, v22;
	(v2sf) =	vpush v27, $0xF;
	v27, _, _ =	vpop (xrf0);
	s14 =	spop (v2sf)  }
0xda: {  	v29, _, _ =	vpop (xrf0);
	s15 =	sadd.s32 $0x0, s14  }
0xdb: {  	s16 =	simm.s32 $0xE0;
	s22 =	simm.s32 $0x1B390;
	(v2sf) =	vpush v29, $0xF;
	v29 =	vperm.xlane v28, v22;
	v25 =	vadd.s32 s15, v25  }
0xdc: {  	v26 =	vperm.xlane v26, v22;
	(xrf0) =	vadd.scan.msk.s32 $0xffff, v28;
	v28 =	vld [tilespmem:s22+$0x0];
	vm0 =	vgt.s32 v25, $0x77;
	v25 =	vor.u32 s16, v23;
	s23 =	spop (v2sf)  }
0xdd: {  	(xrf0) =	vadd.scan.msk.s32 $0xffff, v29;
	v25 =	vnsel vm0, $0x7FFFFFFF, v25;
	s1 =	sadd.s32 s15, s23  }
0xde: {  	s24 =	simm.s32 $0xD0;
	(xrf0) =	vmax.scan.msk.u32 $0xffff, v25;
	v25 =	vperm.xlane v30, v22;
	v26 =	vadd.s32 s1, v26  }
0xdf: {  	v27 =	vperm.xlane v27, v22;
	(xrf0) =	vadd.scan.msk.s32 $0xffff, v30;
	vm0 =	vgt.s32 v26, $0x77;
	v26 =	vor.u32 s24, v23;
	s25 =	spop (v2sf)  }
0xe0: {  	(xrf0) =	vadd.scan.msk.s32 $0xffff, v25;
	v25 =	vnsel vm0, $0x7FFFFFFF, v26;
	s1 =	sadd.s32 s1, s25  }
0xe1: {  	s26 =	simm.s32 $0xC0;
	(xrf0) =	vmax.scan.msk.u32 $0xffff, v25;
	v25 =	vperm.xlane v28, v22;
	v26 =	vadd.s32 s1, v27  }
0xe2: {  	(xrf0) =	vadd.scan.msk.s32 $0xffff, v28;
	vm0 =	vgt.s32 v26, $0x77;
	v26 =	vor.u32 s26, v23  }
0xe3: {  	v27, _, _ =	vpop (xrf0);
	(xrf0) =	vadd.scan.msk.s32 $0xffff, v25;
	v25 =	vnsel vm0, $0x7FFFFFFF, v26  }
0xe4: {  	v29, _, _ =	vpop (xrf0)  }
0xe5: {  	v26, _, _ =	vpop (xrf0)  }
0xe6: {  	(v2sf) =	vpush v27, $0xF;
	(xrf0) =	vmax.scan.msk.u32 $0xffff, v25;
	v25, _, _ =	vpop (xrf0)  }
0xe7: {  	s28 =	simm.s32 $0x1B380;
	(v2sf) =	vpush v26, $0xF;
	v30, _, _ =	vpop (xrf0)  }
0xe8: {  	v28 =	vld [tilespmem:s28+$0x0];
	(v2sf) =	vpush v25, $0xF;
	v26, _, _ =	vpop (xrf0)  }
0xe9: {  	s29 =	spop (v2sf);
	(v2sf) =	vpush v26, $0xF;
	_ =	sdelay $0x3  }
0xea: {  	v27 =	vperm.xlane v28, v22;
	(xrf0) =	vadd.scan.msk.s32 $0xffff, v28;
	v28, _, _ =	vpop (xrf0)  }
0xeb: {  	s31 =	spop (v2sf);
	(v2sf) =	vpush v28, $0xF;
	_ =	sdelay $0x1  }
0xec: {  	v29 =	vperm.xlane v29, v22  }
0xed: {  	s5 =	sadd.s32 s1, s29  }
0xee: {  	s30 =	simm.s32 $0xB0;
	v29 =	vadd.s32 s5, v29  }
0xef: {  	s3 =	simm.s32 $0x80;
	s2 =	simm.s32 $0x90;
	s0 =	simm.s32 $0xFFFFFFFF;
	v25 =	vor.u32 s30, v23;
	vm0 =	vgt.s32 v29, $0x77  }
0xf0: {  	s7 =	simm.s32 $0x1B370;
	s8 =	simm.s32 $0x60;
	(xrf0) =	vadd.scan.msk.s32 $0xffff, v27;
	v29 =	vnsel vm0, $0x7FFFFFFF, v25;
	s4 =	sxor.u32 $0x80000000, s31;
	v26, _, _ =	vpop (xrf0)  }
0xf1: {  	s6 =	simm.s32 $0xA0;
	s1 =	simm.s32 $0x70;
	v25 =	vperm.xlane v30, v22;
	v27 =	vld [tilespmem:s7+$0x0];
	(xrf0) =	vmax.scan.msk.u32 $0xffff, v29;
	p0 =	slt.s32 s4, $0xFFFFFFFF;
	v26 =	vperm.xlane v26, v22;
	v28, _, _ =	vpop (xrf0)  }
.LBB2_15:
0xf2: {  	s9 =	smov.u32 s0  }
0xf3: {  	s0 =	smov.u32 s4;
	s11 =	sadd.s32 $0xFFFFFFF0, s8;
	p1 =	seq.s32 s8, $0x0  }
0xf4: {  	s10 =	spop (v2sf);
	(v2sf) =	vpush v28, $0xF;
	s0 =	smov.u32 @p0 s9;
	s9 =	smov.u32 s8  }
.Ltmp8:
0xf5: {  	s5 =	sadd.s32 s5, s10;
	(pc) =	sbr.rel @!p1 .LBB2_15-.Ltmp8, $4  }
0xf6: {  	s7 =	sadd.s32 $0xFFFFFFF0, s7;
	v31 =	vperm.xlane v27, v22;
	(xrf0) =	vadd.scan.msk.s32 $0xffff, v27;
	v29, _, _ =	vpop (xrf0);
	v30 =	vadd.s32 s5, v25;
	v25 =	vmov v26  }
0xf7: {  	v26 =	vor.u32 s6, v23;
	s6 =	smov.u32 s2;
	s2 =	smov.u32 s3;
	v27 =	vld [tilespmem:s7+$0x0];
	(v2sf) =	vpush v29, $0xF;
	vm0 =	vgt.s32 v30, $0x77;
	s4 =	spop (v2sf)  }
0xf8: {  	s3 =	smov.u32 s1;
	s1 =	smov.u32 s9;
	(xrf0) =	vadd.scan.msk.s32 $0xffff, v31;
	v28, _, _ =	vpop (xrf0);
	v29 =	vnsel vm0, $0x7FFFFFFF, v26;
	s4 =	sxor.u32 $0x80000000, s4  }
0xf9: {  	s8 =	smov.u32 s11;
	v26 =	vperm.xlane v28, v22;
	(xrf0) =	vmax.scan.msk.u32 $0xffff, v29;
	v28, _, _ =	vpop (xrf0);
	p0 =	sgt.s32 s0, s4  }
0xfa: {  	_ =	sdelay $0x1  }
0xfb: {  	(v2sf) =	vpush v28, $0xF;
	v55, _, _ =	vpop (xrf0)  }
0xfc: {  	(v2sf) =	vpush v55, $0xF;
	_ =	sdelay $0x5  }
0xfd: {  	v56 =	vperm.xlane v27, v22  }
0xfe: {  	s7 =	spop (v2sf);
	(xrf0) =	vadd.scan.msk.s32 $0xffff, v27  }
0xff: {  	s30 =	spop (v2sf);
	(xrf0) =	vadd.scan.msk.s32 $0xffff, v56  }
0x100: {  	s5 =	sadd.s32 s5, s7;
	s8 =	spop (v2sf)  }
0x101: {  	v25 =	vadd.s32 s5, v25;
	s5 =	sadd.s32 s5, s8  }
0x102: {  	v27, _, _ =	vpop (xrf0);
	v26 =	vadd.s32 s5, v26  }
0x103: {  	vm0 =	vgt.s32 v25, $0x77;
	v25 =	vor.u32 s6, v23;
	v57, _, _ =	vpop (xrf0);
	s31 =	spop (v2sf)  }
0x104: {  	v25 =	vnsel vm0, $0x7FFFFFFF, v25;
	v27 =	vperm.xlane v27, v22;
	v29, _, _ =	vpop (xrf0);
	s9 =	spop (v2sf)  }
0x105: {  	vm0 =	vgt.s32 v26, $0x77;
	(xrf0) =	vmax.scan.msk.u32 $0xffff, v25;
	v25 =	vor.u32 s2, v23;
	v26, _, _ =	vpop (xrf0);
	s10 =	sadd.s32 s5, s9;
	s11 =	spop (v2sf)  }
0x106: {  	v25 =	vnsel vm0, $0x7FFFFFFF, v25;
	v26 =	vperm.xlane v26, v22;
	v27 =	vadd.s32 s10, v27;
	s13 =	spop (v2sf)  }
0x107: {  	v30 =	vor.u32 s3, v23;
	(xrf0) =	vmax.scan.msk.u32 $0xffff, v25;
	vm0 =	vgt.s32 v27, $0x77;
	s2 =	sadd.s32 s10, s13  }
0x108: {  	v25 =	vnsel vm0, $0x7FFFFFFF, v30;
	v26 =	vadd.s32 s2, v26  }
0x109: {  	(xrf0) =	vmax.scan.msk.u32 $0xffff, v25;
	v25 =	vor.u32 s1, v23;
	vm0 =	vgt.s32 v26, $0x77  }
0x10a: {  	(v2sf) =	vpush v57, $0xF;
	v25 =	vnsel vm0, $0x7FFFFFFF, v25  }
0x10b: {  	(v2sf) =	vpush v29, $0xF;
	v26, _, _ =	vpop (xrf0);
	(xrf0) =	vmax.scan.msk.u32 $0xffff, v25  }
0x10c: {  	(v2sf) =	vpush v26, $0xF  }
0x10d: {  	v25, _, _ =	vpop (xrf0)  }
0x10e: {  	(v2sf) =	vpush v25, $0xF  }
0x10f: {  	v25, _, _ =	vpop (xrf0)  }
0x110: {  	(v2sf) =	vpush v25, $0xF  }
0x111: {  	v25, _, _ =	vpop (xrf0)  }
0x112: {  	(v2sf) =	vpush v25, $0xF;
	_ =	sdelay $0x1  }
0x113: {  	s4 =	smov.u32 @p0 s0;
	s0 =	sxor.u32 $0x80000000, s30  }
0x114: {  	p0 =	sgt.s32 s4, s0  }
0x115: {  	s0 =	smov.u32 @p0 s4;
	s1 =	sxor.u32 $0x80000000, s31  }
0x116: {  	p0 =	sgt.s32 s0, s1  }
0x117: {  	s1 =	smov.u32 @p0 s0;
	s0 =	sxor.u32 $0x80000000, s11  }
0x118: {  	p0 =	sgt.s32 s1, s0;
	s14 =	spop (v2sf)  }
0x119: {  	s0 =	smov.u32 @p0 s1;
	s1 =	sxor.u32 $0x80000000, s14;
	s15 =	spop (v2sf)  }
0x11a: {  	p0 =	sgt.s32 s0, s1;
	s2 =	spop (v2sf)  }
0x11b: {  	s1 =	smov.u32 @p0 s0;
	s0 =	sxor.u32 $0x80000000, s2  }
0x11c: {  	p0 =	sgt.s32 s1, s0;
	s16 =	spop (v2sf)  }
0x11d: {  	s0 =	smov.u32 @p0 s1;
	s1 =	sxor.u32 $0x80000000, s16  }
0x11e: {  	s22 =	spop (v2sf);
	p0 =	sgt.s32 s0, s1  }
0x11f: {  	s2 =	sxor.u32 $0x80000000, s22;
	s1 =	smov.u32 @p0 s0  }
0x120: {  	s24 =	simm.s32 $0x1B300;
	p0 =	sgt.s32 s1, s2;
	s23 =	spop (v2sf)  }
0x121: {  	s25 =	simm.s32 $0x1B310;
	v26 =	vld [tilespmem:s24+$0x0];
	s2 =	smov.u32 @p0 s1;
	s0 =	sxor.u32 $0x80000000, s23  }
0x122: {  	v27 =	vld [tilespmem:s25+$0x0];
	p0 =	sgt.s32 s2, s0  }
0x123: {  	s1 =	simm.s32 $0x0;
	s0 =	smov.u32 @p0 s2  }
0x124: {  	s26 =	simm.s32 $0x10;
	v58 =	vor.u32 s1, v0;
	v25 =	vmov s0  }
0x125: {  	v59 =	vor.u32 s26, v0;
	vm0 =	vgt.s32 v58, v25  }
0x126: {  	v26 =	vnsel vm0, $0x0, v26;
	vm0 =	vgt.s32 v59, v25  }
0x127: {  	(xrf0) =	vadd.scan.msk.s32 $0xffff, v26;
	v26 =	vnsel vm0, $0x0, v27  }
0x128: {  	(xrf0) =	vadd.scan.msk.s32 $0xffff, v26;
	_ =	sdelay $0x3  }
0x129: {  	s28 =	simm.s32 $0x1B320  }
0x12a: {  	v26 =	vld [tilespmem:s28+$0x0];
	v61, _, _ =	vpop (xrf0)  }
0x12b: {  	(v2sf) =	vpush v61, $0xF;
	v63, _, _ =	vpop (xrf0)  }
0x12c: {  	s30 =	simm.s32 $0x20;
	(v2sf) =	vpush v63, $0xF  }
0x12d: {  	v60 =	vor.u32 s30, v0  }
0x12e: {  	vm0 =	vgt.s32 v60, v25  }
0x12f: {  	s29 =	simm.s32 $0x1B330;
	v26 =	vnsel vm0, $0x0, v26  }
0x130: {  	v27 =	vld [tilespmem:s29+$0x0];
	(xrf0) =	vadd.scan.msk.s32 $0xffff, v26;
	_ =	sdelay $0x1  }
0x131: {  	s31 =	simm.s32 $0x30  }
0x132: {  	v62 =	vor.u32 s31, v0  }
0x133: {  	vm0 =	vgt.s32 v62, v25  }
0x134: {  	s3 =	simm.s32 $0x1B340;
	s2 =	simm.s32 $0x40;
	v26 =	vnsel vm0, $0x0, v27  }
.LBB2_17:
0x135: {  	v27 =	vld [tilespmem:s3+$0x0];
	p0 =	sne.s32 s2, $0xF0;
	(xrf0) =	vadd.scan.msk.s32 $0xffff, v26;
	v26, _, _ =	vpop (xrf0);
	s4 =	smov.u32 s2;
	s2 =	sadd.s32 $0x10, s2  }
.Ltmp9:
0x136: {  	(v2sf) =	vpush v26, $0xF;
	(pc) =	sbr.rel @p0 .LBB2_17-.Ltmp9, $4  }
0x137: {  	_ = 	snop  }
0x138: {  	v26 =	vor.u32 s4, v0  }
0x139: {  	vm0 =	vgt.s32 v26, v25;
	s4 =	spop (v2sf)  }
0x13a: {  	s3 =	sadd.s32 $0x10, s3;
	v26 =	vnsel vm0, $0x0, v27;
	s1 =	sadd.s32 s1, s4  }
0x13b: {  	(xrf0) =	vadd.scan.msk.s32 $0xffff, v26;
	_ =	sdelay $0x4  }
0x13c: {  	v25, _, _ =	vpop (xrf0)  }
0x13d: {  	(v2sf) =	vpush v25, $0xF;
	v25, _, _ =	vpop (xrf0)  }
0x13e: {  	(v2sf) =	vpush v25, $0xF  }
0x13f: {  	s30 =	sshll.u32 s0, $0x18  }
0x140: {  	s0 =	simm.s32 $0x0;
	s2 =	simm.s32 $0x40;
	s3 =	simm.s32 $0x7  }
0x141: {  	s4 =	simm.s32 $0x6;
	s5 =	simm.s32 $0x1;
	s14 =	simm.s32 $0x2;
	v27 =	vmov s0;
	v26 =	vmov s3  }
0x142: {  	s15 =	simm.s32 $0x3;
	s22 =	simm.s32 $0x5;
	v28 =	vld [tilespmem:s2+$0x20];
	v29 =	vmov s4;
	v30 =	vmov s5;
	v32 =	vmov s14  }
0x143: {  	v31 =	vld [tilespmem:s2+$0xFFFFFFD0];
	v33 =	vmov s15;
	v37 =	vmov s22;
	v29 =	vand.u32 $0xFFFFFFFE, v29  }
0x144: {  	s16 =	simm.s32 $0x4;
	v34 =	vld [tilespmem:s2+$0xFFFFFFE0];
	v30 =	vand.u32 $0xFFFFFFF9, v30;
	v32 =	vand.u32 $0xFFFFFFFA, v32;
	v35 =	vbroadcast v29, $0x0  }
0x145: {  	s26 =	sxor.u32 $0x80000000, s30;
	v36 =	vld [tilespmem:s2+$0xFFFFFFF0];
	v33 =	vand.u32 $0xFFFFFFFB, v33;
	v29 =	vmov s16;
	v30 =	vbroadcast v30, $0x0  }
0x146: {  	v38 =	vld [tilespmem:s2+$0x0];
	v32 =	vbroadcast v32, $0x0;
	v29 =	vand.u32 $0xFFFFFFFC, v29;
	v25 =	vmov s26  }
0x147: {  	v39 =	vld [tilespmem:s2+$0x10];
	v33 =	vbroadcast v33, $0x0;
	v40 =	vbroadcast v29, $0x0;
	vm0 =	vge.s32 v28, v25  }
0x148: {  	v41 =	vld [tilespmem:s2+$0x30];
	v29 =	vand.u32 $0xFFFFFFFD, v37;
	vm4 =	vge.s32 v31, v25;
	v28 =	vmpcnt.ones.xlane vm0  }
0x149: {  	v62 =	vld [tilespmem:s2+$0xFFFFFFC0];
	v29 =	vbroadcast v29, $0x0;
	v31 =	vmpcnt.ones.xlane vm4;
	vm0 =	vge.s32 v34, v25  }
0x14a: {  	s23 =	spop (v2sf);
	s31 =	simm.s32 $0xF;
	v27 =	vand.u32 $0xFFFFFFF8, v27;
	v34 =	vmpcnt.ones.xlane vm0;
	vm0 =	vge.s32 v36, v25;
	[tilespmem:v35+s12+$0x0] =	vst.idx.msk $0x1, v28  }
0x14b: {  	s1 =	sadd.s32 s1, s23;
	s2 =	simm.s32 $0x8;
	s24 =	spop (v2sf);
	[tilespmem:v30+s12+$0x0] =	vst.idx.msk $0x1, v31;
	v30 =	vmpcnt.ones.xlane vm0;
	vm0 =	vge.s32 v38, v25;
	v28 =	vbroadcast v27, $0x0  }
0x14c: {  	s4 =	simm.s32 $0x9;
	s1 =	sadd.s32 s1, s24;
	[tilespmem:v32+s12+$0x0] =	vst.idx.msk $0x1, v34;
	v63 =	vmpcnt.ones.xlane vm0;
	vm0 =	vge.s32 v39, v25;
	s25 =	spop (v2sf)  }
0x14d: {  	s5 =	simm.s32 $0xE;
	vm4 =	vge.s32 v41, v25;
	v27 =	vmov s2;
	[tilespmem:v33+s12+$0x0] =	vst.idx.msk $0x1, v30;
	v31 =	vmpcnt.ones.xlane vm0;
	s1 =	sadd.s32 s1, s25;
	s29 =	spop (v2sf)  }
0x14e: {  	s3 =	simm.s32 $0x10;
	v32 =	vmpcnt.ones.xlane vm4;
	v30 =	vmov s31;
	vm0 =	vge.s32 v62, v25;
	[tilespmem:v40+s12+$0x0] =	vst.idx.msk $0x1, v63;
	s28 =	sadd.s32 s1, s29;
	s1 =	simm.s32 $0xC0  }
.LBB2_19:
0x14f: {  	p0 =	slt.u32 s3, $0x13F8;
	v33 =	vmov s4;
	s4 =	sadd.s32 $0x2, s2;
	s6 =	sadd.s32 $0x3, s2;
	v34 =	vld [tilespmem:s1+$0x20];
	v35 =	vmov s5;
	v36 =	vmpcnt.ones.xlane vm0;
	[tilespmem:v29+s12+$0x0] =	vst.idx.msk $0x1, v31  }
0x150: {  	v29 =	vld [tilespmem:s1+$0xFFFFFFD0];
	v31 =	vmov s4;
	v37 =	vmov s6;
	s4 =	sadd.s32 $0x4, s2;
	v35 =	vand.u32 $0xFFFFFFFE, v35;
	[tilespmem:v26+s12+$0x0] =	vst.idx.msk $0x1, v32;
	v26 =	vmovc v30  }
0x151: {  	v30 =	vand.u32 $0xFFFFFFF9, v33;
	v32 =	vld [tilespmem:s1+$0xFFFFFFE0];
	v33 =	vmov s4;
	s4 =	sadd.s32 $0x5, s2;
	v35 =	vbroadcast v35, $0x0;
	[tilespmem:v28+s12+$0x0] =	vst.idx.msk $0x1, v36;
	s2 =	smov.u32 s3  }
0x152: {  	v30 =	vbroadcast v30, $0x0;
	v28 =	vand.u32 $0xFFFFFFFA, v31;
	v31 =	vld [tilespmem:s1+$0xFFFFFFF0];
	v36 =	vmov s4  }
0x153: {  	v38 =	vbroadcast v28, $0x0;
	v28 =	vand.u32 $0xFFFFFFFB, v37;
	v33 =	vand.u32 $0xFFFFFFFC, v33;
	v37 =	vld [tilespmem:s1+$0x0]  }
0x154: {  	v39 =	vbroadcast v28, $0x0;
	v28 =	vand.u32 $0xFFFFFFFD, v36;
	v40 =	vld [tilespmem:s1+$0x10];
	vm0 =	vge.s32 v34, v25  }
0x155: {  	v33 =	vbroadcast v33, $0x0;
	vm4 =	vge.s32 v29, v25;
	v34 =	vmpcnt.ones.xlane vm0;
	v36 =	vld [tilespmem:s1+$0x30]  }
0x156: {  	v29 =	vbroadcast v28, $0x0;
	v41 =	vld [tilespmem:s1+$0xFFFFFFC0];
	v42 =	vmpcnt.ones.xlane vm4;
	vm0 =	vge.s32 v32, v25  }
.Ltmp10:
0x157: {  	v27 =	vand.u32 $0xFFFFFFF8, v27;
	v32 =	vmpcnt.ones.xlane vm0;
	vm0 =	vge.s32 v31, v25;
	[tilespmem:v35+s12+$0x0] =	vst.idx.msk $0x1, v34;
	(pc) =	sbr.rel @p0 .LBB2_19-.Ltmp10, $4  }
0x158: {  	v28 =	vbroadcast v27, $0x0;
	[tilespmem:v30+s12+$0x0] =	vst.idx.msk $0x1, v42;
	v30 =	vmpcnt.ones.xlane vm0;
	vm0 =	vge.s32 v37, v25  }
0x159: {  	[tilespmem:v38+s12+$0x0] =	vst.idx.msk $0x1, v32;
	v32 =	vmpcnt.ones.xlane vm0;
	vm0 =	vge.s32 v40, v25  }
0x15a: {  	s6 =	sadd.s32 $0x7, s3;
	s4 =	sadd.s32 $0x1, s3;
	v27 =	vmov s3;
	[tilespmem:v39+s12+$0x0] =	vst.idx.msk $0x1, v30;
	v31 =	vmpcnt.ones.xlane vm0;
	vm4 =	vge.s32 v36, v25  }
0x15b: {  	s5 =	sadd.s32 $0x6, s2;
	s3 =	sadd.s32 $0x8, s3;
	s1 =	sadd.s32 $0x80, s1;
	v30 =	vmov s6;
	vm0 =	vge.s32 v41, v25;
	[tilespmem:v33+s12+$0x0] =	vst.idx.msk $0x1, v32;
	v32 =	vmpcnt.ones.xlane vm4  }
0x15c: {  	v33 =	vmov s4  }
0x15d: {  	s3 =	sadd.s32 $0x2, s2;
	s24 =	sadd.s32 $0x3, s2;
	v34 =	vld [tilespmem:s1+$0x20];
	v35 =	vmov s5;
	v36 =	vmpcnt.ones.xlane vm0;
	v27 =	vand.u32 $0xFFFFFFF8, v27  }
0x15e: {  	v37 =	vld [tilespmem:s1+$0xFFFFFFD0];
	s25 =	sadd.s32 $0x4, s2;
	v38 =	vmov s3;
	v39 =	vmov s24;
	v35 =	vand.u32 $0xFFFFFFFE, v35  }
0x15f: {  	v40 =	vld [tilespmem:s1+$0xFFFFFFE0];
	s29 =	sadd.s32 $0x5, s2;
	v33 =	vand.u32 $0xFFFFFFF9, v33;
	v41 =	vmov s25;
	v35 =	vbroadcast v35, $0x0  }
0x160: {  	v58 =	vld [tilespmem:s1+$0xFFFFFFC0];
	v43 =	vmov s29;
	v33 =	vbroadcast v33, $0x0;
	v38 =	vand.u32 $0xFFFFFFFA, v38  }
0x161: {  	v42 =	vld [tilespmem:s1+$0xFFFFFFF0];
	v27 =	vbroadcast v27, $0x0;
	v39 =	vand.u32 $0xFFFFFFFB, v39;
	v38 =	vbroadcast v38, $0x0  }
0x162: {  	v44 =	vld [tilespmem:s1+$0x0];
	[tilespmem:v29+s12+$0x0] =	vst.idx.msk $0x1, v31;
	v41 =	vand.u32 $0xFFFFFFFC, v41;
	v55 =	vand.u32 $0xFFFFFFFD, v43;
	vm0 =	vge.s32 v34, v25  }
0x163: {  	v54 =	vld [tilespmem:s1+$0x10];
	[tilespmem:v26+s12+$0x0] =	vst.idx.msk $0x1, v32;
	v53 =	vbroadcast v39, $0x0;
	vm4 =	vge.s32 v37, v25;
	v56 =	vmpcnt.ones.xlane vm0  }
0x164: {  	v57 =	vld [tilespmem:s1+$0x30];
	[tilespmem:v28+s12+$0x0] =	vst.idx.msk $0x1, v36;
	v26 =	vbroadcast v41, $0x0;
	v59 =	vmpcnt.ones.xlane vm4;
	vm0 =	vge.s32 v40, v25  }
0x165: {  	v34 =	vbroadcast v55, $0x0;
	vm4 =	vge.s32 v58, v25;
	v60 =	vmpcnt.ones.xlane vm0;
	[tilespmem:v35+s12+$0x0] =	vst.idx.msk $0x1, v56  }
0x166: {  	vm0 =	vge.s32 v42, v25;
	v28 =	vmpcnt.ones.xlane vm4;
	[tilespmem:v33+s12+$0x0] =	vst.idx.msk $0x1, v59  }
0x167: {  	v61 =	vmpcnt.ones.xlane vm0;
	vm0 =	vge.s32 v44, v25;
	[tilespmem:v38+s12+$0x0] =	vst.idx.msk $0x1, v60  }
0x168: {  	v62 =	vmpcnt.ones.xlane vm0;
	vm0 =	vge.s32 v54, v25;
	[tilespmem:v27+s12+$0x0] =	vst.idx.msk $0x1, v28  }
0x169: {  	[tilespmem:v53+s12+$0x0] =	vst.idx.msk $0x1, v61;
	v63 =	vmpcnt.ones.xlane vm0;
	vm0 =	vge.s32 v57, v25  }
0x16a: {  	[tilespmem:v26+s12+$0x0] =	vst.idx.msk $0x1, v62;
	v26 =	vmpcnt.ones.xlane vm0  }
0x16b: {  	[tilespmem:v34+s12+$0x0] =	vst.idx.msk $0x1, v63  }
0x16c: {  	s31 =	simm.s32 $0x0;
	[tilespmem:v30+s12+$0x0] =	vst.idx.msk $0x1, v26  }
0x16d: {  	v26 =	vld [tilespmem:s31+$0x1C600];
	_ =	sdelay $0x4  }
0x16e: {  	(xrf0) =	vadd.scan.msk.s32 $0xffff, v26;
	_ =	sdelay $0x5  }
0x16f: {  	v27, _, _ =	vpop (xrf0)  }
0x170: {  	(v2sf) =	vpush v27, $0xF  }
0x171: {  	v26 =	vsub.s32 s0, v26  }
0x172: {  	v26 =	vadd.s32 v27, v26  }
0x173: {  	s1 =	simm.s32 $0x10;
	s2 =	simm.s32 $0x80;
	[tilespmem:s31+$0x1C600] =	vst v26  }
.LBB2_21:
0x174: {  	p0 =	sne.s32 s2, $0x4FC0;
	v26 =	vld [tilespmem:s1+$0x1C600];
	_ =	sdelay $0x4  }
0x175: {  	(xrf0) =	vadd.scan.msk.s32 $0xffff, v26;
	_ =	sdelay $0x5  }
.Ltmp11:
0x176: {  	v27, _, _ =	vpop (xrf0);
	s3 =	spop (v2sf);
	(pc) =	sbr.rel @p0 .LBB2_21-.Ltmp11, $4  }
0x177: {  	(v2sf) =	vpush v27, $0xF;
	s0 =	sadd.s32 s0, s3  }
0x178: {  	v26 =	vsub.s32 s0, v26  }
0x179: {  	v26 =	vadd.s32 v27, v26  }
0x17a: {  	[tilespmem:s1+$0x1C600] =	vst v26;
	s1 =	sshra.s32 s2, $0x2;
	s2 =	sadd.s32 $0x40, s2  }
0x17b: {  	_ =	sdelay $0x1  }
0x17c: {  	v26 =	vld [tilespmem:s1+$0x1C600];
	_ =	sdelay $0x4  }
0x17d: {  	(xrf0) =	vadd.scan.msk.s32 $0xffff, v26;
	_ =	sdelay $0x3  }
0x17e: {  	s2 =	spop (v2sf)  }
0x17f: {  	s0 =	sadd.s32 s0, s2  }
0x180: {  	v27, _, _ =	vpop (xrf0);
	v26 =	vsub.s32 s0, v26  }
0x181: {  	v26 =	vadd.s32 v27, v26  }
0x182: {  	s22 =	simm.s32 $0x1C604;
	[tilespmem:s1+$0x1C600] =	vst v26  }
0x183: {  	v26 =	vld [tilespmem:s22+$0x3]  }
0x184: {  	v28 =	vld [tilespmem:s22+$0xFFFFFFFC]  }
0x185: {  	v29 =	vld [tilespmem:s22+$0xFFFFFFFD]  }
0x186: {  	v30 =	vld [tilespmem:s22+$0xFFFFFFFE]  }
0x187: {  	(v2sf) =	vpush v27, $0xF;
	v27 =	vld [tilespmem:s22+$0xFFFFFFFF]  }
0x188: {  	(v2sf) =	vpush v26, $0x0;
	v26 =	vld [tilespmem:s22+$0x0]  }
0x189: {  	v31 =	vld [tilespmem:s22+$0x1];
	(v2sf) =	vpush v28, $0x0  }
0x18a: {  	v28 =	vld [tilespmem:s22+$0x2];
	(v2sf) =	vpush v29, $0x0  }
0x18b: {  	(v2sf) =	vpush v30, $0x0  }
0x18c: {  	(v2sf) =	vpush v27, $0x0  }
0x18d: {  	(v2sf) =	vpush v26, $0x0  }
0x18e: {  	(v2sf) =	vpush v31, $0x0  }
0x18f: {  	(v2sf) =	vpush v28, $0x0  }
0x190: {  	s3 =	simm.s32 $0x1C60C  }
0x191: {  	v26 =	vld [tilespmem:s3+$0x3]  }
0x192: {  	v29 =	vld [tilespmem:s3+$0xFFFFFFFD]  }
0x193: {  	s2 =	simm.s32 $0x40;
	v28 =	vld [tilespmem:s3+$0xFFFFFFFC]  }
0x194: {  	vm4 =	vmmov vm5;
	v27 =	vld [tilespmem:s2+$0x30]  }
0x195: {  	vm9 =	vmmov vm5;
	vm11 =	vmmov vm5;
	vm12 =	vmmov vm5;
	v36 =	vld [tilespmem:s2+$0xFFFFFFD0]  }
0x196: {  	s4 =	simm.s32 $0x70;
	s23 =	simm.s32 $0x10;
	vm10 =	vmmov vm5;
	vm13 =	vmmov vm5;
	v30 =	vld [tilespmem:s3+$0xFFFFFFFE];
	s10 =	spop (v2sf);
	(v2sf) =	vpush v26, $0x0  }
0x197: {  	s24 =	simm.s32 $0x20;
	s25 =	simm.s32 $0x30;
	vm14 =	vmmov vm5;
	v40 =	vor.u32 s4, v0;
	v33 =	vor.u32 s23, v0;
	v31 =	vld [tilespmem:s3+$0xFFFFFFFF];
	s11 =	spop (v2sf)  }
0x198: {  	v38 =	vor.u32 s24, v0;
	v34 =	vor.u32 s25, v0;
	v32 =	vld [tilespmem:s3+$0x0];
	(v2sf) =	vpush v28, $0x0;
	p0 =	slt.s32 s11, $0x2000;
	s6 =	spop (v2sf)  }
0x199: {  	v39 =	vld [tilespmem:s3+$0x1];
	vm0 =	vge.s32 v27, v25;
	(v2sf) =	vpush v29, $0x0;
	vm4 =	vmneg @p0 vm4;
	p0 =	slt.s32 s6, $0x2000;
	s7 =	spop (v2sf)  }
0x19a: {  	v28 =	vld [tilespmem:s3+$0x2];
	vm0 =	vmand vm0, vm4;
	vm9 =	vmneg @p0 vm9;
	p0 =	slt.s32 s7, $0x2000;
	s9 =	spop (v2sf);
	vm4 =	vmmov vm5  }
0x19b: {  	s1 =	simm.s32 $0x0;
	v35 =	vld [tilespmem:s2+$0xFFFFFFE0];
	vm6 =	vge.s32 v36, v25;
	(v2sf) =	vpush v30, $0x0;
	vm4 =	vmneg @p0 vm4;
	p0 =	slt.s32 s9, $0x2000;
	s8 =	spop (v2sf)  }
0x19c: {  	s29 =	simm.s32 $0x50;
	v37 =	vld [tilespmem:s2+$0xFFFFFFF0];
	v26 =	vor.u32 s1, v0;
	(v2sf) =	vpush v31, $0x0;
	vm11 =	vmneg @p0 vm11;
	p0 =	slt.s32 s8, $0x2000;
	s5 =	spop (v2sf)  }
0x19d: {  	s12 =	simm.s32 $0x40;
	v29 =	vor.u32 s29, v0;
	(v2sf) =	vpush v32, $0x0;
	v32 =	vld [tilespmem:s2+$0x0];
	vm12 =	vmneg @p0 vm12;
	p0 =	slt.s32 s5, $0x2000;
	s4 =	spop (v2sf)  }
0x19e: {  	s31 =	simm.s32 $0x60;
	v30 =	vld [tilespmem:s2+$0x10];
	v31 =	vor.u32 s12, v0;
	(v2sf) =	vpush v39, $0x0;
	vm10 =	vmneg @p0 vm10;
	p0 =	slt.s32 s4, $0x2000;
	s3 =	spop (v2sf)  }
0x19f: {  	[tilespmem:s11+$0x14000] =	vst.msk vm0, v27;
	v27 =	vor.u32 s31, v0;
	(v2sf) =	vpush v28, $0x0;
	v28 =	vld [tilespmem:s2+$0x20];
	vm13 =	vmneg @p0 vm13;
	p0 =	slt.s32 s3, $0x2000  }
0x1a0: {  	s0 =	sadd.s32 s0, s10;
	s10 =	simm.s32 $0x8;
	[tilespmem:s11+$0x16080] =	vst.msk vm0, v40;
	s11 =	simm.s32 $0x1C614;
	vm0 =	vmand vm6, vm4;
	vm4 =	vge.s32 v35, v25;
	v39 =	vld [tilespmem:s2+$0xFFFFFFC0];
	vm14 =	vmneg @p0 vm14  }
.LBB2_23:
0x1a1: {  	v40 =	vld [tilespmem:s11+$0x3];
	[tilespmem:s7+$0x14000] =	vst.msk vm0, v36;
	vm4 =	vmand vm4, vm11;
	vm6 =	vge.s32 v37, v25;
	s2 =	sadd.s32 $0x80, s2  }
0x1a2: {  	s10 =	sadd.s32 $0x8, s10;
	v36 =	vld [tilespmem:s2+$0x30];
	[tilespmem:s7+$0x16080] =	vst.msk vm0, v33;
	vm0 =	vmand vm6, vm12;
	vm6 =	vge.s32 v32, v25  }
0x1a3: {  	p0 =	slt.u32 s10, $0x13F8;
	v33 =	vld [tilespmem:s11+$0xFFFFFFFC];
	[tilespmem:s9+$0x14000] =	vst.msk vm4, v35;
	vm10 =	vmand vm6, vm10;
	vm6 =	vge.s32 v30, v25  }
0x1a4: {  	v35 =	vld [tilespmem:s11+$0xFFFFFFFD];
	[tilespmem:s9+$0x16080] =	vst.msk vm4, v38;
	vm4 =	vmand vm6, vm13;
	vm6 =	vge.s32 v28, v25  }
0x1a5: {  	v38 =	vld [tilespmem:s11+$0xFFFFFFFE];
	s13 =	spop (v2sf);
	vm7 =	vge.s32 v39, v25;
	[tilespmem:s8+$0x14000] =	vst.msk vm0, v37;
	vm15 =	vmand vm6, vm14  }
0x1a6: {  	v37 =	vld [tilespmem:s11+$0xFFFFFFFF];
	(v2sf) =	vpush v40, $0x0;
	p1 =	slt.s32 s13, $0x2000;
	vm6 =	vmand vm7, vm9;
	[tilespmem:s8+$0x16080] =	vst.msk vm0, v34;
	vm7 =	vmmov vm5  }
0x1a7: {  	s1 =	sadd.s32 $0x80, s1;
	vm11 =	vmmov vm5;
	v34 =	vld [tilespmem:s11+$0x0];
	vm0 =	vge.s32 v36, v25;
	vm7 =	vmneg @p1 vm7;
	s12 =	spop (v2sf);
	[tilespmem:s6+$0x14000] =	vst.msk vm6, v39  }
0x1a8: {  	vm12 =	vmmov vm5;
	vm9 =	vmmov vm5;
	(v2sf) =	vpush v33, $0x0  }
0x1a9: {  	s8 =	sadd.s32 $0x70, s1;
	v39 =	vld [tilespmem:s11+$0x1];
	p1 =	slt.s32 s12, $0x2000;
	vm7 =	vmand vm0, vm7;
	s7 =	spop (v2sf);
	[tilespmem:s6+$0x16080] =	vst.msk vm6, v26;
	v26 =	vor.u32 s1, v0;
	vm0 =	vmmov vm5  }
0x1aa: {  	s6 =	sadd.s32 $0x10, s1;
	v40 =	vld [tilespmem:s11+$0x2];
	(v2sf) =	vpush v35, $0x0;
	vm9 =	vmneg @p1 vm9;
	p1 =	slt.s32 s7, $0x2000;
	[tilespmem:s13+$0x14000] =	vst.msk vm7, v36;
	v35 =	vor.u32 s8, v0;
	s9 =	spop (v2sf)  }
0x1ab: {  	v33 =	vor.u32 s6, v0;
	s6 =	sadd.s32 $0x20, s1;
	(v2sf) =	vpush v38, $0x0;
	v36 =	vld [tilespmem:s2+$0xFFFFFFD0];
	vm0 =	vmneg @p1 vm0;
	p1 =	slt.s32 s9, $0x2000;
	[tilespmem:s13+$0x16080] =	vst.msk vm7, v35;
	s8 =	spop (v2sf)  }
0x1ac: {  	v38 =	vor.u32 s6, v0;
	s6 =	sadd.s32 $0x30, s1;
	(v2sf) =	vpush v37, $0x0;
	v35 =	vld [tilespmem:s2+$0xFFFFFFE0];
	vm11 =	vmneg @p1 vm11;
	p1 =	slt.s32 s8, $0x2000;
	s13 =	spop (v2sf);
	[tilespmem:s5+$0x14000] =	vst.msk vm10, v32  }
0x1ad: {  	vm13 =	vmmov vm5;
	(v2sf) =	vpush v34, $0x0;
	v34 =	vor.u32 s6, v0;
	s6 =	sadd.s32 $0x40, s1  }
.Ltmp12:
0x1ae: {  	vm14 =	vmmov vm5;
	v37 =	vld [tilespmem:s2+$0xFFFFFFF0];
	vm12 =	vmneg @p1 vm12;
	p1 =	slt.s32 s13, $0x2000;
	s14 =	spop (v2sf);
	[tilespmem:s5+$0x16080] =	vst.msk vm10, v31;
	vm10 =	vmmov vm5;
	(pc) =	sbr.rel @p0 .LBB2_23-.Ltmp12, $4  }
0x1af: {  	s5 =	sadd.s32 $0x50, s1;
	(v2sf) =	vpush v39, $0x0;
	v32 =	vld [tilespmem:s2+$0x0];
	vm10 =	vmneg @p1 vm10;
	v31 =	vor.u32 s6, v0;
	p1 =	slt.s32 s14, $0x2000;
	s15 =	spop (v2sf);
	[tilespmem:s4+$0x14000] =	vst.msk vm4, v30  }
0x1b0: {  	s16 =	sadd.s32 $0x60, s1;
	s6 =	smov.u32 s12;
	(v2sf) =	vpush v40, $0x0;
	v30 =	vld [tilespmem:s2+$0x10];
	vm13 =	vmneg @p1 vm13;
	p1 =	slt.s32 s15, $0x2000;
	[tilespmem:s4+$0x16080] =	vst.msk vm4, v29;
	v29 =	vor.u32 s5, v0  }
0x1b1: {  	v40 =	vor.u32 s16, v0;
	s5 =	smov.u32 s13;
	s4 =	smov.u32 s14;
	vm4 =	vge.s32 v36, v25;
	vm14 =	vmneg @p1 vm14;
	[tilespmem:s3+$0x14000] =	vst.msk vm15, v28;
	v28 =	vld [tilespmem:s2+$0x20]  }
0x1b2: {  	s11 =	sadd.s32 $0x8, s11;
	v39 =	vld [tilespmem:s2+$0xFFFFFFC0];
	vm0 =	vmand vm4, vm0;
	vm4 =	vge.s32 v35, v25;
	[tilespmem:s3+$0x16080] =	vst.msk vm15, v27;
	v27 =	vmov v40;
	s3 =	smov.u32 s15  }
0x1b3: {  	[tilespmem:s7+$0x14000] =	vst.msk vm0, v36;
	s2 =	sadd.s32 $0x80, s2  }
0x1b4: {  	vm4 =	vmand vm4, vm11;
	v58 =	vld [tilespmem:s2+$0x30];
	[tilespmem:s7+$0x16080] =	vst.msk vm0, v33  }
0x1b5: {  	vm0 =	vge.s32 v37, v25;
	[tilespmem:s9+$0x14000] =	vst.msk vm4, v35  }
0x1b6: {  	vm0 =	vmand vm0, vm12;
	[tilespmem:s9+$0x16080] =	vst.msk vm4, v38  }
0x1b7: {  	s9 =	spop (v2sf);
	[tilespmem:s8+$0x14000] =	vst.msk vm0, v37;
	vm4 =	vge.s32 v39, v25  }
0x1b8: {  	p0 =	slt.s32 s9, $0x2000;
	[tilespmem:s8+$0x16080] =	vst.msk vm0, v34;
	vm0 =	vmmov vm5;
	vm4 =	vmand vm4, vm9  }
0x1b9: {  	s1 =	sadd.s32 $0x80, s1;
	vm0 =	vmneg @p0 vm0;
	vm6 =	vge.s32 v58, v25;
	[tilespmem:s6+$0x14000] =	vst.msk vm4, v39  }
0x1ba: {  	s10 =	sadd.s32 $0x70, s1;
	vm0 =	vmand vm6, vm0;
	[tilespmem:s6+$0x16080] =	vst.msk vm4, v26  }
0x1bb: {  	vm4 =	vge.s32 v32, v25;
	v26 =	vor.u32 s10, v0;
	[tilespmem:s9+$0x14000] =	vst.msk vm0, v58  }
0x1bc: {  	v59 =	vld [tilespmem:s2+$0xFFFFFFD0];
	vm4 =	vmand vm4, vm10;
	[tilespmem:s9+$0x16080] =	vst.msk vm0, v26  }
0x1bd: {  	vm0 =	vge.s32 v30, v25;
	[tilespmem:s5+$0x14000] =	vst.msk vm4, v32  }
0x1be: {  	s11 =	spop (v2sf);
	v26 =	vld [tilespmem:s2+$0xFFFFFFE0];
	vm0 =	vmand vm0, vm13;
	[tilespmem:s5+$0x16080] =	vst.msk vm4, v31  }
0x1bf: {  	s12 =	spop (v2sf);
	vm4 =	vge.s32 v28, v25;
	[tilespmem:s4+$0x14000] =	vst.msk vm0, v30  }
0x1c0: {  	v60 =	vld [tilespmem:s2+$0xFFFFFFF0];
	p0 =	slt.s32 s12, $0x2000;
	vm6 =	vmmov vm5;
	s13 =	spop (v2sf);
	vm4 =	vmand vm4, vm14;
	[tilespmem:s4+$0x16080] =	vst.msk vm0, v29  }
0x1c1: {  	vm7 =	vmmov vm5;
	vm6 =	vmneg @p0 vm6;
	p0 =	slt.s32 s13, $0x2000;
	vm0 =	vge.s32 v59, v25;
	[tilespmem:s3+$0x14000] =	vst.msk vm4, v28  }
0x1c2: {  	s14 =	sadd.s32 $0x10, s1;
	v61 =	vld [tilespmem:s2+$0xFFFFFFC0];
	s15 =	spop (v2sf);
	vm7 =	vmneg @p0 vm7;
	vm0 =	vmand vm0, vm6;
	[tilespmem:s3+$0x16080] =	vst.msk vm4, v27  }
0x1c3: {  	p0 =	slt.s32 s15, $0x2000;
	v27 =	vor.u32 s14, v0;
	vm6 =	vmmov vm5;
	vm4 =	vge.s32 v26, v25;
	[tilespmem:s12+$0x14000] =	vst.msk vm0, v59  }
0x1c4: {  	s16 =	sadd.s32 $0x20, s1;
	v62 =	vld [tilespmem:s2+$0x0];
	vm6 =	vmneg @p0 vm6;
	vm4 =	vmand vm4, vm7;
	[tilespmem:s12+$0x16080] =	vst.msk vm0, v27  }
0x1c5: {  	p0 =	slt.s32 s11, $0x2000;
	v27 =	vor.u32 s16, v0;
	vm0 =	vge.s32 v60, v25;
	vm7 =	vmmov vm5;
	[tilespmem:s13+$0x14000] =	vst.msk vm4, v26  }
0x1c6: {  	s22 =	sadd.s32 $0x30, s1;
	s23 =	spop (v2sf);
	v26 =	vld [tilespmem:s2+$0x10];
	vm0 =	vmand vm0, vm6;
	vm7 =	vmneg @p0 vm7;
	[tilespmem:s13+$0x16080] =	vst.msk vm4, v27  }
0x1c7: {  	v63 =	vld [tilespmem:s2+$0x20];
	p0 =	slt.s32 s23, $0x2000;
	vm6 =	vmmov vm5;
	v27 =	vor.u32 s22, v0;
	vm4 =	vge.s32 v61, v25;
	[tilespmem:s15+$0x14000] =	vst.msk vm0, v60  }
0x1c8: {  	s24 =	spop (v2sf);
	vm6 =	vmneg @p0 vm6;
	vm4 =	vmand vm4, vm7;
	[tilespmem:s15+$0x16080] =	vst.msk vm0, v27  }
0x1c9: {  	p0 =	slt.s32 s24, $0x2000;
	v27 =	vor.u32 s1, v0;
	vm0 =	vge.s32 v62, v25;
	vm7 =	vmmov vm5;
	[tilespmem:s11+$0x14000] =	vst.msk vm4, v61  }
0x1ca: {  	s25 =	sadd.s32 $0x40, s1;
	s29 =	spop (v2sf);
	vm0 =	vmand vm0, vm6;
	vm7 =	vmneg @p0 vm7;
	[tilespmem:s11+$0x16080] =	vst.msk vm4, v27  }
0x1cb: {  	p0 =	slt.s32 s29, $0x2000;
	vm6 =	vmmov vm5;
	v27 =	vor.u32 s25, v0;
	[tilespmem:s23+$0x14000] =	vst.msk vm0, v62;
	vm4 =	vge.s32 v26, v25  }
0x1cc: {  	vm6 =	vmneg @p0 vm6;
	[tilespmem:s23+$0x16080] =	vst.msk vm0, v27;
	vm0 =	vge.s32 v63, v25;
	vm4 =	vmand vm4, vm7  }
0x1cd: {  	s31 =	sadd.s32 $0x50, s1;
	vm0 =	vmand vm0, vm6;
	[tilespmem:s24+$0x14000] =	vst.msk vm4, v26  }
0x1ce: {  	s1 =	sadd.s32 $0x60, s1;
	v27 =	vor.u32 s31, v0;
	[tilespmem:s29+$0x14000] =	vst.msk vm0, v63  }
0x1cf: {  	v25 =	vor.u32 s1, v0;
	[tilespmem:s24+$0x16080] =	vst.msk vm4, v27  }
0x1d0: {  	s2 =	simm.s32 $0x200;
	s1 =	simm.s32 $0x0;
	[tilespmem:s29+$0x16080] =	vst.msk vm0, v25  }
.LBB2_25:
0x1d1: {  	p0 =	sne.s32 s2, $0x4200;
	[tilespmem:s1+$0x1A270] =	vst v4  }
0x1d2: {  	[tilespmem:s1+$0x1A200] =	vst v4  }
0x1d3: {  	[tilespmem:s1+$0x1A210] =	vst v4  }
.Ltmp13:
0x1d4: {  	[tilespmem:s1+$0x1A220] =	vst v4;
	(pc) =	sbr.rel @p0 .LBB2_25-.Ltmp13, $4  }
0x1d5: {  	[tilespmem:s1+$0x1A230] =	vst v4  }
0x1d6: {  	[tilespmem:s1+$0x1A240] =	vst v4  }
0x1d7: {  	[tilespmem:s1+$0x1A250] =	vst v4  }
0x1d8: {  	[tilespmem:s1+$0x1A260] =	vst v4;
	s1 =	sshra.s32 s2, $0x2;
	s2 =	sadd.s32 $0x200, s2  }
0x1d9: {  	p0 =	slt.s32 s0, $0x2000  }
0x1da: {  	p1 =	slt.s32 s0, $0xFFFFFFF2;
	s0 =	simm.s32 @!p0 $0x2000  }
0x1db: {  	s2 =	sadd.s32 $0xF, s0  }
0x1dc: {  	s3 =	sand.u32 $0xF, s2  }
0x1dd: {  	s31 =	sshra.s32 s2, $0x1F;
	p6 =	sne.s32 s3, $0x0  }
0x1de: {  	s3 =	sshrl.u32 s31, $0x1C;
	p0 =	por !p1, !p6  }
0x1df: {  	s2 =	sadd.s32 s3, s2;
	s3 =	simm.s32 $0x1;
	p0 =	por !p0, !p0  }
0x1e0: {  	[tilespmem:s1+$0x1A270] =	vst v4;
	s2 =	sshra.s32 s2, $0x4;
	s3 =	simm.s32 @!p0 $0x0  }
0x1e1: {  	[tilespmem:s1+$0x1A200] =	vst v4;
	s29 =	ssub.s32 s2, s3  }
0x1e2: {  	[tilespmem:s1+$0x1A210] =	vst v4;
	p0 =	sgt.s32 s29, $0x0  }
.Ltmp14:
0x1e3: {  	[tilespmem:s1+$0x1A220] =	vst v4;
	(pc) =	sbr.rel @!p0 .LBB2_27-.Ltmp14, $4  }
0x1e4: {  	[tilespmem:s1+$0x1A230] =	vst v4  }
0x1e5: {  	[tilespmem:s1+$0x1A240] =	vst v4  }
0x1e6: {  	[tilespmem:s1+$0x1A250] =	vst v4  }
0x1e7: {  	[tilespmem:s1+$0x1A260] =	vst v4;
	v25 =	vmov s0  }
0x1e8: {  	p1 =	seq.s32 s29, $0x1  }
.Ltmp15:
0x1e9: {  	_ = 	snop;
	(pc) =	sbr.rel @p1 .LBB2_37-.Ltmp15, $3  }
0x1ea: {  	_ =	sdelay $0x1  }
0x1eb: {  	s0 =	sadd.s32 $0x80FFFFFF, s30;
	s1 =	simm.s32 $0x14000  }
0x1ec: {  	p0 =	por $0x0, $0x0;
	v26 =	vmov s0;
	s0 =	simm.s32 $0x0;
	v27 =	vld [tilespmem:s1+$0x0];
	s1 =	sadd.s32 $0xFFFFFFFF, s29  }
0x1ed: {  	_ =	sdelay $0x3  }
0x1ee: {  	v28 =	vshrl.u32 v27, $0x10  }
0x1ef: {  	v29 =	vor.u32 s0, v0;
	v28 =	vand.u32 $0xFF, v28  }
0x1f0: {  	vm4 =	vlt.s32 v29, v25;
	vm0 =	vle.s32 v27, v26;
	v27 =	vmul.u32 $0x11, v28  }
0x1f1: {  	vm0 =	vmand vm4, vm0  }
0x1f2: {  	v27 =	vadd.s32 v0, v27  }
0x1f3: {  	p1 =	seq.s32 s1, $0x1  }
.Ltmp16:
0x1f4: {  	_ = 	snop;
	(pc) =	sbr.rel @p1 .LBB2_39-.Ltmp16, $3  }
0x1f5: {  	_ =	sdelay $0x1  }
0x1f6: {  	s2 =	simm.s32 $0x14010;
	[tilespmem:v27+s17+$0x0] =	vst.idx.add.s32.msk vm0, v6  }
0x1f7: {  	s3 =	sadd.s32 $0xFFFFFFFF, s1;
	p0 =	por $0x1, $0x1;
	s1 =	simm.s32 $0x0;
	v27 =	vld [tilespmem:s2+$0x0]  }
.LBB2_40:
0x1f8: {  	p1 =	seq.s32 s3, $0x1;
	_ =	sdelay $0x3  }
0x1f9: {  	s1 =	sadd.s32 $0x10, s1;
	v28 =	vshrl.u32 v27, $0x10  }
0x1fa: {  	v29 =	vor.u32 s1, v0;
	v28 =	vand.u32 $0xFF, v28  }
0x1fb: {  	vm4 =	vlt.s32 v29, v25;
	vm0 =	vle.s32 v27, v26;
	v27 =	vmul.u32 $0x11, v28  }
0x1fc: {  	vm0 =	vmand vm4, vm0  }
0x1fd: {  	v27 =	vadd.s32 v0, v27;
	_ =	sdelay $0x1  }
.Ltmp17:
0x1fe: {  	(pc) =	sbr.rel @!p1 .LBB2_40-.Ltmp17, $3  }
0x1ff: {  	_ =	sdelay $0x1  }
0x200: {  	s2 =	sadd.s32 $0x10, s2;
	[tilespmem:v27+s17+$0x0] =	vst.idx.add.s32.msk vm0, v6  }
0x201: {  	s3 =	sadd.s32 $0xFFFFFFFF, s3;
	v27 =	vld [tilespmem:s2+$0x0]  }
.LBB2_41:
0x202: {  	_ =	sdelay $0x2  }
0x203: {  	s1 =	sadd.s32 @p0 $0x10, s1  }
0x204: {  	s0 =	smov.u32 @p0 s1;
	v28 =	vshrl.u32 v27, $0x10  }
0x205: {  	v29 =	vor.u32 s0, v0;
	v28 =	vand.u32 $0xFF, v28  }
0x206: {  	vm4 =	vlt.s32 v29, v25;
	vm0 =	vle.s32 v27, v26;
	v26 =	vmul.u32 $0x11, v28  }
0x207: {  	vm0 =	vmand vm4, vm0  }
0x208: {  	v26 =	vadd.s32 v0, v26;
	_ =	sdelay $0x4  }
0x209: {  	[tilespmem:v26+s17+$0x0] =	vst.idx.add.s32.msk vm0, v6  }
.LBB2_27:
0x20a: {  	s1 =	simm.s32 $0x0  }
0x20b: {  	v26 =	vadd.s32 s1, v7  }
0x20c: {  	v27 =	vadd.s32 s1, v3  }
0x20d: {  	v28 =	vadd.s32 s1, v8  }
0x20e: {  	v29 =	vadd.s32 s1, v9  }
0x20f: {  	v30 =	vadd.s32 s1, v10  }
0x210: {  	v31 =	vadd.s32 s1, v11;
	v26 =	vld.idx.msk [tilespmem:v26+s17+$0x0], $0xffff  }
0x211: {  	v32 =	vadd.s32 s1, v12;
	v27 =	vld.idx.msk [tilespmem:v27+s17+$0x0], $0xffff  }
0x212: {  	v33 =	vadd.s32 s1, v13;
	v28 =	vld.idx.msk [tilespmem:v28+s17+$0x0], $0xffff  }
0x213: {  	v34 =	vadd.s32 s1, v14;
	v29 =	vld.idx.msk [tilespmem:v29+s17+$0x0], $0xffff  }
0x214: {  	v35 =	vadd.s32 s1, v15;
	v30 =	vld.idx.msk [tilespmem:v30+s17+$0x0], $0xffff  }
0x215: {  	v36 =	vadd.s32 s1, v16;
	v31 =	vld.idx.msk [tilespmem:v31+s17+$0x0], $0xffff  }
0x216: {  	v37 =	vadd.s32 s1, v17;
	v32 =	vld.idx.msk [tilespmem:v32+s17+$0x0], $0xffff;
	v26 =	vadd.s32 v27, v26  }
0x217: {  	v50 =	vadd.s32 s1, v18;
	v27 =	vld.idx.msk [tilespmem:v33+s17+$0x0], $0xffff;
	v26 =	vadd.s32 v28, v26  }
0x218: {  	v51 =	vadd.s32 s1, v19;
	v28 =	vld.idx.msk [tilespmem:v34+s17+$0x0], $0xffff;
	v26 =	vadd.s32 v29, v26  }
0x219: {  	v52 =	vadd.s32 s1, v20;
	v29 =	vld.idx.msk [tilespmem:v35+s17+$0x0], $0xffff;
	v26 =	vadd.s32 v30, v26  }
0x21a: {  	v53 =	vadd.s32 s1, v21;
	v30 =	vld.idx.msk [tilespmem:v36+s17+$0x0], $0xffff;
	v26 =	vadd.s32 v31, v26  }
0x21b: {  	v31 =	vld.idx.msk [tilespmem:v37+s17+$0x0], $0xffff;
	v26 =	vadd.s32 v32, v26  }
0x21c: {  	v54 =	vld.idx.msk [tilespmem:v50+s17+$0x0], $0xffff;
	v26 =	vadd.s32 v27, v26  }
0x21d: {  	v27 =	vld.idx.msk [tilespmem:v51+s17+$0x0], $0xffff;
	v26 =	vadd.s32 v28, v26  }
0x21e: {  	v28 =	vld.idx.msk [tilespmem:v52+s17+$0x0], $0xffff;
	v26 =	vadd.s32 v29, v26  }
0x21f: {  	v29 =	vld.idx.msk [tilespmem:v53+s17+$0x0], $0xffff;
	v26 =	vadd.s32 v30, v26  }
0x220: {  	s31 =	simm.s32 $0x110;
	v26 =	vadd.s32 v31, v26  }
0x221: {  	v30 =	vadd.s32 s31, v7;
	v26 =	vadd.s32 v54, v26  }
0x222: {  	v31 =	vadd.s32 s31, v3;
	v26 =	vadd.s32 v27, v26  }
0x223: {  	v27 =	vadd.s32 s31, v8;
	v26 =	vadd.s32 v28, v26  }
0x224: {  	s0 =	simm.s32 $0x1B300;
	v28 =	vadd.s32 s31, v9;
	v26 =	vadd.s32 v29, v26  }
0x225: {  	v29 =	vadd.s32 s31, v10;
	[tilespmem:s0+$0x0] =	vst v26  }
0x226: {  	v26 =	vld.idx.msk [tilespmem:v30+s17+$0x0], $0xffff;
	v30 =	vadd.s32 s31, v11  }
0x227: {  	v55 =	vadd.s32 s31, v12;
	v31 =	vld.idx.msk [tilespmem:v31+s17+$0x0], $0xffff  }
0x228: {  	v56 =	vadd.s32 s31, v13;
	v27 =	vld.idx.msk [tilespmem:v27+s17+$0x0], $0xffff  }
0x229: {  	v28 =	vld.idx.msk [tilespmem:v28+s17+$0x0], $0xffff  }
0x22a: {  	v29 =	vld.idx.msk [tilespmem:v29+s17+$0x0], $0xffff  }
0x22b: {  	v57 =	vadd.s32 s31, v14;
	v30 =	vld.idx.msk [tilespmem:v30+s17+$0x0], $0xffff  }
0x22c: {  	v58 =	vadd.s32 s31, v15;
	v32 =	vld.idx.msk [tilespmem:v55+s17+$0x0], $0xffff;
	v26 =	vadd.s32 v31, v26  }
0x22d: {  	v59 =	vadd.s32 s31, v16;
	v31 =	vld.idx.msk [tilespmem:v56+s17+$0x0], $0xffff;
	v26 =	vadd.s32 v27, v26  }
0x22e: {  	v60 =	vadd.s32 s31, v17;
	v26 =	vadd.s32 v28, v26  }
0x22f: {  	v61 =	vadd.s32 s31, v18;
	v26 =	vadd.s32 v29, v26  }
0x230: {  	v62 =	vadd.s32 s31, v19;
	v27 =	vld.idx.msk [tilespmem:v57+s17+$0x0], $0xffff;
	v26 =	vadd.s32 v30, v26  }
0x231: {  	v63 =	vadd.s32 s31, v20;
	v28 =	vld.idx.msk [tilespmem:v58+s17+$0x0], $0xffff;
	v26 =	vadd.s32 v32, v26  }
0x232: {  	v29 =	vld.idx.msk [tilespmem:v59+s17+$0x0], $0xffff;
	v26 =	vadd.s32 v31, v26;
	v31 =	vadd.s32 s31, v21  }
0x233: {  	v30 =	vld.idx.msk [tilespmem:v60+s17+$0x0], $0xffff  }
0x234: {  	v33 =	vld.idx.msk [tilespmem:v61+s17+$0x0], $0xffff  }
0x235: {  	v34 =	vld.idx.msk [tilespmem:v62+s17+$0x0], $0xffff;
	v26 =	vadd.s32 v27, v26  }
0x236: {  	v26 =	vadd.s32 v28, v26;
	v28 =	vld.idx.msk [tilespmem:v63+s17+$0x0], $0xffff  }
0x237: {  	v26 =	vadd.s32 v29, v26;
	v29 =	vld.idx.msk [tilespmem:v31+s17+$0x0], $0xffff  }
0x238: {  	s1 =	simm.s32 $0x220;
	v26 =	vadd.s32 v30, v26  }
0x239: {  	v27 =	vadd.s32 s1, v7;
	v30 =	vadd.s32 v33, v26  }
0x23a: {  	s28 =	ssub.s32 $0x78, s28;
	s2 =	simm.s32 $0x330;
	v26 =	vadd.s32 s1, v3;
	v30 =	vadd.s32 v34, v30  }
.LBB2_28:
0x23b: {  	p0 =	seq.s32 s2, $0xFF0;
	v31 =	vadd.s32 s1, v8;
	v28 =	vadd.s32 v28, v30  }
0x23c: {  	v30 =	vadd.s32 s1, v9;
	s0 =	sadd.s32 $0x10, s0;
	v28 =	vadd.s32 v29, v28  }
0x23d: {  	v29 =	vadd.s32 s1, v10;
	[tilespmem:s0+$0x0] =	vst v28  }
0x23e: {  	v28 =	vadd.s32 s1, v11;
	v27 =	vld.idx.msk [tilespmem:v27+s17+$0x0], $0xffff  }
0x23f: {  	v32 =	vadd.s32 s1, v12;
	v26 =	vld.idx.msk [tilespmem:v26+s17+$0x0], $0xffff  }
0x240: {  	v33 =	vadd.s32 s1, v13;
	v31 =	vld.idx.msk [tilespmem:v31+s17+$0x0], $0xffff  }
0x241: {  	v34 =	vadd.s32 s1, v14;
	v30 =	vld.idx.msk [tilespmem:v30+s17+$0x0], $0xffff  }
0x242: {  	v35 =	vadd.s32 s1, v15;
	v29 =	vld.idx.msk [tilespmem:v29+s17+$0x0], $0xffff  }
0x243: {  	v36 =	vadd.s32 s1, v16;
	v28 =	vld.idx.msk [tilespmem:v28+s17+$0x0], $0xffff  }
0x244: {  	v37 =	vadd.s32 s1, v17;
	v32 =	vld.idx.msk [tilespmem:v32+s17+$0x0], $0xffff  }
0x245: {  	v26 =	vadd.s32 v26, v27;
	v27 =	vld.idx.msk [tilespmem:v33+s17+$0x0], $0xffff;
	v33 =	vadd.s32 s1, v18  }
0x246: {  	v26 =	vadd.s32 v31, v26;
	v31 =	vld.idx.msk [tilespmem:v34+s17+$0x0], $0xffff;
	v34 =	vadd.s32 s1, v19  }
0x247: {  	v26 =	vadd.s32 v30, v26;
	v30 =	vld.idx.msk [tilespmem:v35+s17+$0x0], $0xffff;
	v35 =	vadd.s32 s1, v20  }
0x248: {  	v26 =	vadd.s32 v29, v26;
	v29 =	vadd.s32 s1, v21;
	s1 =	smov.u32 s2;
	v36 =	vld.idx.msk [tilespmem:v36+s17+$0x0], $0xffff  }
0x249: {  	v26 =	vadd.s32 v28, v26;
	v37 =	vld.idx.msk [tilespmem:v37+s17+$0x0], $0xffff  }
0x24a: {  	v26 =	vadd.s32 v32, v26;
	v32 =	vld.idx.msk [tilespmem:v33+s17+$0x0], $0xffff  }
0x24b: {  	v26 =	vadd.s32 v27, v26;
	v33 =	vld.idx.msk [tilespmem:v34+s17+$0x0], $0xffff  }
0x24c: {  	v26 =	vadd.s32 v31, v26;
	v28 =	vld.idx.msk [tilespmem:v35+s17+$0x0], $0xffff  }
.Ltmp18:
0x24d: {  	v26 =	vadd.s32 v30, v26;
	v29 =	vld.idx.msk [tilespmem:v29+s17+$0x0], $0xffff;
	(pc) =	sbr.rel @!p0 .LBB2_28-.Ltmp18, $4  }
0x24e: {  	v26 =	vadd.s32 v36, v26  }
0x24f: {  	v26 =	vadd.s32 v37, v26  }
0x250: {  	v27 =	vadd.s32 s2, v7;
	v30 =	vadd.s32 v32, v26  }
0x251: {  	s2 =	sadd.s32 $0x110, s2;
	v26 =	vadd.s32 s1, v3;
	v30 =	vadd.s32 v33, v30  }
0x252: {  	_ = 	snop  }
0x253: {  	v31 =	vadd.s32 s1, v8;
	v28 =	vadd.s32 v28, v30  }
0x254: {  	v30 =	vadd.s32 s1, v9;
	s0 =	sadd.s32 $0x10, s0;
	v28 =	vadd.s32 v29, v28  }
0x255: {  	v29 =	vadd.s32 s1, v10;
	[tilespmem:s0+$0x0] =	vst v28  }
0x256: {  	v28 =	vadd.s32 s1, v11;
	v27 =	vld.idx.msk [tilespmem:v27+s17+$0x0], $0xffff  }
0x257: {  	v32 =	vadd.s32 s1, v12;
	v26 =	vld.idx.msk [tilespmem:v26+s17+$0x0], $0xffff  }
0x258: {  	v33 =	vadd.s32 s1, v13;
	v31 =	vld.idx.msk [tilespmem:v31+s17+$0x0], $0xffff  }
0x259: {  	v34 =	vadd.s32 s1, v14;
	v30 =	vld.idx.msk [tilespmem:v30+s17+$0x0], $0xffff  }
0x25a: {  	v35 =	vadd.s32 s1, v15;
	v29 =	vld.idx.msk [tilespmem:v29+s17+$0x0], $0xffff  }
0x25b: {  	v36 =	vadd.s32 s1, v16;
	v28 =	vld.idx.msk [tilespmem:v28+s17+$0x0], $0xffff  }
0x25c: {  	v37 =	vadd.s32 s1, v17;
	v32 =	vld.idx.msk [tilespmem:v32+s17+$0x0], $0xffff;
	v26 =	vadd.s32 v26, v27  }
0x25d: {  	v57 =	vadd.s32 s1, v18;
	v27 =	vld.idx.msk [tilespmem:v33+s17+$0x0], $0xffff;
	v26 =	vadd.s32 v31, v26  }
0x25e: {  	v58 =	vadd.s32 s1, v19;
	v31 =	vld.idx.msk [tilespmem:v34+s17+$0x0], $0xffff;
	v26 =	vadd.s32 v30, v26  }
0x25f: {  	v59 =	vadd.s32 s1, v20;
	v30 =	vld.idx.msk [tilespmem:v35+s17+$0x0], $0xffff;
	v26 =	vadd.s32 v29, v26  }
0x260: {  	v60 =	vadd.s32 s1, v21;
	v29 =	vld.idx.msk [tilespmem:v36+s17+$0x0], $0xffff;
	v26 =	vadd.s32 v28, v26  }
0x261: {  	v28 =	vld.idx.msk [tilespmem:v37+s17+$0x0], $0xffff;
	v26 =	vadd.s32 v32, v26  }
0x262: {  	v61 =	vld.idx.msk [tilespmem:v57+s17+$0x0], $0xffff;
	v26 =	vadd.s32 v27, v26  }
0x263: {  	v27 =	vld.idx.msk [tilespmem:v58+s17+$0x0], $0xffff;
	v26 =	vadd.s32 v31, v26  }
0x264: {  	v31 =	vld.idx.msk [tilespmem:v59+s17+$0x0], $0xffff;
	v26 =	vadd.s32 v30, v26  }
0x265: {  	v30 =	vld.idx.msk [tilespmem:v60+s17+$0x0], $0xffff;
	v26 =	vadd.s32 v29, v26  }
0x266: {  	v26 =	vadd.s32 v28, v26  }
0x267: {  	v26 =	vadd.s32 v61, v26  }
0x268: {  	v26 =	vadd.s32 v27, v26  }
0x269: {  	v26 =	vadd.s32 v31, v26  }
0x26a: {  	s0 =	sadd.s32 $0x10, s0;
	v26 =	vadd.s32 v30, v26  }
0x26b: {  	s3 =	simm.s32 $0x1B3F0;
	[tilespmem:s0+$0x0] =	vst v26  }
0x26c: {  	v27 =	vld [tilespmem:s3+$0x0];
	_ =	sdelay $0x1  }
0x26d: {  	s6 =	simm.s32 $0x1B3E0  }
0x26e: {  	v28 =	vld [tilespmem:s6+$0x0];
	_ =	sdelay $0x1  }
0x26f: {  	s7 =	simm.s32 $0x1B3D0;
	v29 =	vperm.xlane v27, v22;
	(xrf0) =	vadd.scan.msk.s32 $0xffff, v27  }
0x270: {  	v27 =	vld [tilespmem:s7+$0x0]  }
0x271: {  	(xrf0) =	vadd.scan.msk.s32 $0xffff, v29  }
0x272: {  	v29 =	vperm.xlane v28, v22;
	(xrf0) =	vadd.scan.msk.s32 $0xffff, v28;
	_ =	sdelay $0x1  }
0x273: {  	(xrf0) =	vadd.scan.msk.s32 $0xffff, v29  }
0x274: {  	s8 =	simm.s32 $0x1B3C0;
	(xrf0) =	vadd.scan.msk.s32 $0xffff, v27;
	v28, _, _ =	vpop (xrf0)  }
0x275: {  	v27 =	vperm.xlane v27, v22;
	(v2sf) =	vpush v28, $0xF;
	v28 =	vld [tilespmem:s8+$0x0]  }
0x276: {  	v29, _, _ =	vpop (xrf0)  }
0x277: {  	v30, _, _ =	vpop (xrf0)  }
0x278: {  	(v2sf) =	vpush v30, $0xF  }
0x279: {  	(xrf0) =	vadd.scan.msk.s32 $0xffff, v27;
	v27, _, _ =	vpop (xrf0)  }
0x27a: {  	v29 =	vperm.xlane v29, v22;
	v30 =	vperm.xlane v28, v22;
	(xrf0) =	vadd.scan.msk.s32 $0xffff, v28;
	v28, _, _ =	vpop (xrf0)  }
0x27b: {  	s2 =	simm.s32 $0x0;
	(v2sf) =	vpush v28, $0xF  }
0x27c: {  	s5 =	simm.s32 $0xF0;
	v26 =	vmov s28;
	v29 =	vadd.s32 s2, v29  }
0x27d: {  	vm0 =	vlt.s32 v29, v26;
	v28 =	vor.u32 s5, v23  }
0x27e: {  	(xrf0) =	vadd.scan.msk.s32 $0xffff, v30;
	v28 =	vsel vm0, $0x7FFFFFFF, v28  }
0x27f: {  	(xrf0) =	vmax.scan.msk.u32 $0xffff, v28  }
0x280: {  	s9 =	simm.s32 $0x1B3B0  }
0x281: {  	v30 =	vld [tilespmem:s9+$0x0]  }
0x282: {  	v28, _, _ =	vpop (xrf0)  }
0x283: {  	s10 =	simm.s32 $0x1B3A0;
	v29, _, _ =	vpop (xrf0)  }
0x284: {  	v62 =	vld [tilespmem:s10+$0x0];
	v27 =	vperm.xlane v27, v22;
	(v2sf) =	vpush v29, $0xF;
	v29, _, _ =	vpop (xrf0);
	s11 =	spop (v2sf)  }
0x285: {  	v31, _, _ =	vpop (xrf0);
	s12 =	sadd.s32 $0x0, s11  }
0x286: {  	s13 =	simm.s32 $0xE0;
	s14 =	simm.s32 $0x1B390;
	(v2sf) =	vpush v31, $0xF;
	v31 =	vperm.xlane v30, v22;
	v27 =	vadd.s32 s12, v27  }
0x287: {  	v28 =	vperm.xlane v28, v22;
	(xrf0) =	vadd.scan.msk.s32 $0xffff, v30;
	v30 =	vld [tilespmem:s14+$0x0];
	vm0 =	vlt.s32 v27, v26;
	v27 =	vor.u32 s13, v23;
	s15 =	spop (v2sf)  }
0x288: {  	(xrf0) =	vadd.scan.msk.s32 $0xffff, v31;
	v27 =	vsel vm0, $0x7FFFFFFF, v27;
	s1 =	sadd.s32 s12, s15  }
0x289: {  	s16 =	simm.s32 $0xD0;
	(xrf0) =	vmax.scan.msk.u32 $0xffff, v27;
	v27 =	vperm.xlane v62, v22;
	v28 =	vadd.s32 s1, v28  }
0x28a: {  	v29 =	vperm.xlane v29, v22;
	(xrf0) =	vadd.scan.msk.s32 $0xffff, v62;
	vm0 =	vlt.s32 v28, v26;
	v28 =	vor.u32 s16, v23;
	s22 =	spop (v2sf)  }
0x28b: {  	(xrf0) =	vadd.scan.msk.s32 $0xffff, v27;
	v27 =	vsel vm0, $0x7FFFFFFF, v28;
	s1 =	sadd.s32 s1, s22  }
0x28c: {  	s23 =	simm.s32 $0xC0;
	(xrf0) =	vmax.scan.msk.u32 $0xffff, v27;
	v27 =	vperm.xlane v30, v22;
	v28 =	vadd.s32 s1, v29  }
0x28d: {  	(xrf0) =	vadd.scan.msk.s32 $0xffff, v30;
	vm0 =	vlt.s32 v28, v26;
	v28 =	vor.u32 s23, v23  }
0x28e: {  	v29, _, _ =	vpop (xrf0);
	(xrf0) =	vadd.scan.msk.s32 $0xffff, v27;
	v27 =	vsel vm0, $0x7FFFFFFF, v28  }
0x28f: {  	v31, _, _ =	vpop (xrf0)  }
0x290: {  	v28, _, _ =	vpop (xrf0)  }
0x291: {  	(v2sf) =	vpush v29, $0xF;
	(xrf0) =	vmax.scan.msk.u32 $0xffff, v27;
	v27, _, _ =	vpop (xrf0)  }
0x292: {  	s24 =	simm.s32 $0x1B380;
	(v2sf) =	vpush v28, $0xF;
	v63, _, _ =	vpop (xrf0)  }
0x293: {  	v30 =	vld [tilespmem:s24+$0x0];
	(v2sf) =	vpush v27, $0xF;
	v28, _, _ =	vpop (xrf0)  }
0x294: {  	s25 =	spop (v2sf);
	(v2sf) =	vpush v28, $0xF;
	_ =	sdelay $0x3  }
0x295: {  	v29 =	vperm.xlane v30, v22;
	(xrf0) =	vadd.scan.msk.s32 $0xffff, v30;
	v30, _, _ =	vpop (xrf0)  }
0x296: {  	s31 =	spop (v2sf);
	(v2sf) =	vpush v30, $0xF;
	_ =	sdelay $0x1  }
0x297: {  	v31 =	vperm.xlane v31, v22  }
0x298: {  	s5 =	sadd.s32 s1, s25  }
0x299: {  	s30 =	simm.s32 $0xB0;
	v31 =	vadd.s32 s5, v31  }
0x29a: {  	s0 =	simm.s32 $0xFFFFFFFF;
	s6 =	simm.s32 $0xA0;
	s3 =	simm.s32 $0x80;
	v27 =	vor.u32 s30, v23;
	vm0 =	vlt.s32 v31, v26  }
0x29b: {  	s7 =	simm.s32 $0x1B370;
	s8 =	simm.s32 $0x60;
	(xrf0) =	vadd.scan.msk.s32 $0xffff, v29;
	v31 =	vsel vm0, $0x7FFFFFFF, v27;
	s4 =	sxor.u32 $0x80000000, s31;
	v28, _, _ =	vpop (xrf0)  }
0x29c: {  	s2 =	simm.s32 $0x90;
	s1 =	simm.s32 $0x70;
	v27 =	vperm.xlane v63, v22;
	v29 =	vld [tilespmem:s7+$0x0];
	(xrf0) =	vmax.scan.msk.u32 $0xffff, v31;
	p0 =	slt.s32 s4, $0xFFFFFFFF;
	v28 =	vperm.xlane v28, v22;
	v30, _, _ =	vpop (xrf0)  }
.LBB2_30:
0x29d: {  	s9 =	smov.u32 s0  }
0x29e: {  	s0 =	smov.u32 s4;
	s11 =	sadd.s32 $0xFFFFFFF0, s8;
	p1 =	seq.s32 s8, $0x0  }
0x29f: {  	s10 =	spop (v2sf);
	(v2sf) =	vpush v30, $0xF;
	s0 =	smov.u32 @p0 s9;
	s9 =	smov.u32 s8  }
.Ltmp19:
0x2a0: {  	s5 =	sadd.s32 s5, s10;
	(pc) =	sbr.rel @!p1 .LBB2_30-.Ltmp19, $4  }
0x2a1: {  	s7 =	sadd.s32 $0xFFFFFFF0, s7;
	v33 =	vperm.xlane v29, v22;
	(xrf0) =	vadd.scan.msk.s32 $0xffff, v29;
	v31, _, _ =	vpop (xrf0);
	v32 =	vadd.s32 s5, v27;
	v27 =	vmov v28  }
0x2a2: {  	v28 =	vor.u32 s6, v23;
	s6 =	smov.u32 s2;
	s2 =	smov.u32 s3;
	v29 =	vld [tilespmem:s7+$0x0];
	(v2sf) =	vpush v31, $0xF;
	vm0 =	vlt.s32 v32, v26;
	s4 =	spop (v2sf)  }
0x2a3: {  	s3 =	smov.u32 s1;
	s1 =	smov.u32 s9;
	(xrf0) =	vadd.scan.msk.s32 $0xffff, v33;
	v30, _, _ =	vpop (xrf0);
	v31 =	vsel vm0, $0x7FFFFFFF, v28;
	s4 =	sxor.u32 $0x80000000, s4  }
0x2a4: {  	s8 =	smov.u32 s11;
	v28 =	vperm.xlane v30, v22;
	(xrf0) =	vmax.scan.msk.u32 $0xffff, v31;
	v30, _, _ =	vpop (xrf0);
	p0 =	sgt.s32 s0, s4  }
0x2a5: {  	_ =	sdelay $0x1  }
0x2a6: {  	(v2sf) =	vpush v30, $0xF;
	v60, _, _ =	vpop (xrf0)  }
0x2a7: {  	(v2sf) =	vpush v60, $0xF;
	_ =	sdelay $0x5  }
0x2a8: {  	v61 =	vperm.xlane v29, v22  }
0x2a9: {  	s7 =	spop (v2sf);
	(xrf0) =	vadd.scan.msk.s32 $0xffff, v29  }
0x2aa: {  	s25 =	spop (v2sf);
	(xrf0) =	vadd.scan.msk.s32 $0xffff, v61  }
0x2ab: {  	s5 =	sadd.s32 s5, s7;
	s8 =	spop (v2sf)  }
0x2ac: {  	v27 =	vadd.s32 s5, v27;
	s5 =	sadd.s32 s5, s8  }
0x2ad: {  	v29, _, _ =	vpop (xrf0);
	v28 =	vadd.s32 s5, v28  }
0x2ae: {  	vm0 =	vlt.s32 v27, v26;
	v27 =	vor.u32 s6, v23;
	v62, _, _ =	vpop (xrf0);
	s30 =	spop (v2sf)  }
0x2af: {  	v27 =	vsel vm0, $0x7FFFFFFF, v27;
	v29 =	vperm.xlane v29, v22;
	v31, _, _ =	vpop (xrf0);
	s31 =	spop (v2sf)  }
0x2b0: {  	vm0 =	vlt.s32 v28, v26;
	(xrf0) =	vmax.scan.msk.u32 $0xffff, v27;
	v27 =	vor.u32 s2, v23;
	v28, _, _ =	vpop (xrf0);
	s8 =	sadd.s32 s5, s31;
	s9 =	spop (v2sf)  }
0x2b1: {  	v27 =	vsel vm0, $0x7FFFFFFF, v27;
	v28 =	vperm.xlane v28, v22;
	v29 =	vadd.s32 s8, v29;
	s10 =	spop (v2sf)  }
0x2b2: {  	v32 =	vor.u32 s3, v23;
	(xrf0) =	vmax.scan.msk.u32 $0xffff, v27;
	vm0 =	vlt.s32 v29, v26;
	s2 =	sadd.s32 s8, s10  }
0x2b3: {  	v27 =	vsel vm0, $0x7FFFFFFF, v32;
	v28 =	vadd.s32 s2, v28  }
0x2b4: {  	(xrf0) =	vmax.scan.msk.u32 $0xffff, v27;
	vm0 =	vlt.s32 v28, v26;
	v26 =	vor.u32 s1, v23  }
0x2b5: {  	(v2sf) =	vpush v62, $0xF;
	v26 =	vsel vm0, $0x7FFFFFFF, v26  }
0x2b6: {  	(v2sf) =	vpush v31, $0xF;
	v27, _, _ =	vpop (xrf0);
	(xrf0) =	vmax.scan.msk.u32 $0xffff, v26  }
0x2b7: {  	(v2sf) =	vpush v27, $0xF  }
0x2b8: {  	v26, _, _ =	vpop (xrf0)  }
0x2b9: {  	(v2sf) =	vpush v26, $0xF  }
0x2ba: {  	v26, _, _ =	vpop (xrf0)  }
0x2bb: {  	(v2sf) =	vpush v26, $0xF  }
0x2bc: {  	v26, _, _ =	vpop (xrf0)  }
0x2bd: {  	(v2sf) =	vpush v26, $0xF;
	_ =	sdelay $0x1  }
0x2be: {  	s4 =	smov.u32 @p0 s0;
	s0 =	sxor.u32 $0x80000000, s25  }
0x2bf: {  	p0 =	sgt.s32 s4, s0  }
0x2c0: {  	s0 =	smov.u32 @p0 s4;
	s1 =	sxor.u32 $0x80000000, s30  }
0x2c1: {  	p0 =	sgt.s32 s0, s1  }
0x2c2: {  	s1 =	smov.u32 @p0 s0;
	s0 =	sxor.u32 $0x80000000, s9  }
0x2c3: {  	s11 =	spop (v2sf);
	p0 =	sgt.s32 s1, s0  }
0x2c4: {  	s12 =	spop (v2sf);
	s0 =	smov.u32 @p0 s1;
	s1 =	sxor.u32 $0x80000000, s11  }
0x2c5: {  	p0 =	sgt.s32 s0, s1;
	s2 =	spop (v2sf)  }
0x2c6: {  	s1 =	smov.u32 @p0 s0;
	s0 =	sxor.u32 $0x80000000, s2  }
0x2c7: {  	p0 =	sgt.s32 s1, s0;
	s13 =	spop (v2sf)  }
0x2c8: {  	s0 =	smov.u32 @p0 s1;
	s1 =	sxor.u32 $0x80000000, s13  }
0x2c9: {  	s14 =	spop (v2sf);
	p0 =	sgt.s32 s0, s1  }
0x2ca: {  	s2 =	sxor.u32 $0x80000000, s14;
	s1 =	smov.u32 @p0 s0  }
0x2cb: {  	s16 =	simm.s32 $0x1B300;
	p0 =	sgt.s32 s1, s2;
	s15 =	spop (v2sf)  }
0x2cc: {  	s22 =	simm.s32 $0x1B310;
	v27 =	vld [tilespmem:s16+$0x0];
	s2 =	smov.u32 @p0 s1;
	s0 =	sxor.u32 $0x80000000, s15  }
0x2cd: {  	v28 =	vld [tilespmem:s22+$0x0];
	p0 =	sgt.s32 s2, s0  }
0x2ce: {  	s1 =	simm.s32 $0x0;
	s0 =	smov.u32 @p0 s2  }
0x2cf: {  	s23 =	simm.s32 $0x10;
	v29 =	vor.u32 s1, v0;
	v26 =	vmov s0  }
0x2d0: {  	vm0 =	vgt.s32 v29, v26;
	v29 =	vor.u32 s23, v0  }
0x2d1: {  	v27 =	vnsel vm0, $0x0, v27;
	vm0 =	vgt.s32 v29, v26  }
0x2d2: {  	(xrf0) =	vadd.scan.msk.s32 $0xffff, v27;
	v27 =	vnsel vm0, $0x0, v28  }
0x2d3: {  	s24 =	simm.s32 $0x1B320;
	(xrf0) =	vadd.scan.msk.s32 $0xffff, v27  }
0x2d4: {  	s30 =	simm.s32 $0x20;
	v27 =	vld [tilespmem:s24+$0x0]  }
0x2d5: {  	s31 =	simm.s32 $0x30;
	v29 =	vor.u32 s30, v0  }
0x2d6: {  	vm0 =	vgt.s32 v29, v26;
	v29 =	vor.u32 s31, v0;
	_ =	sdelay $0x1  }
0x2d7: {  	v63, _, _ =	vpop (xrf0)  }
0x2d8: {  	v27 =	vnsel vm0, $0x0, v27;
	vm0 =	vgt.s32 v29, v26;
	(v2sf) =	vpush v63, $0xF;
	v29, _, _ =	vpop (xrf0)  }
0x2d9: {  	(v2sf) =	vpush v29, $0xF;
	_ =	sdelay $0x2  }
0x2da: {  	s25 =	simm.s32 $0x1B330  }
0x2db: {  	v28 =	vld [tilespmem:s25+$0x0];
	(xrf0) =	vadd.scan.msk.s32 $0xffff, v27;
	_ =	sdelay $0x4  }
0x2dc: {  	s3 =	simm.s32 $0x1B340;
	s2 =	simm.s32 $0x40;
	v27 =	vnsel vm0, $0x0, v28  }
.LBB2_32:
0x2dd: {  	v28 =	vld [tilespmem:s3+$0x0];
	p0 =	sne.s32 s2, $0xF0;
	(xrf0) =	vadd.scan.msk.s32 $0xffff, v27;
	v27, _, _ =	vpop (xrf0);
	s4 =	smov.u32 s2;
	s2 =	sadd.s32 $0x10, s2  }
.Ltmp20:
0x2de: {  	(v2sf) =	vpush v27, $0xF;
	(pc) =	sbr.rel @p0 .LBB2_32-.Ltmp20, $4  }
0x2df: {  	_ = 	snop  }
0x2e0: {  	v27 =	vor.u32 s4, v0  }
0x2e1: {  	vm0 =	vgt.s32 v27, v26;
	s4 =	spop (v2sf)  }
0x2e2: {  	s3 =	sadd.s32 $0x10, s3;
	v27 =	vnsel vm0, $0x0, v28;
	s1 =	sadd.s32 s1, s4  }
0x2e3: {  	(xrf0) =	vadd.scan.msk.s32 $0xffff, v27;
	_ =	sdelay $0x4  }
0x2e4: {  	v26, _, _ =	vpop (xrf0)  }
0x2e5: {  	(v2sf) =	vpush v26, $0xF;
	v26, _, _ =	vpop (xrf0)  }
0x2e6: {  	(v2sf) =	vpush v26, $0xF;
	_ =	sdelay $0xa  }
0x2e7: {  	p0 =	slt.s32 s29, $0x1  }
.Ltmp21:
0x2e8: {  	s2 =	spop (v2sf);
	(pc) =	sbr.rel @p0 .LBB2_46-.Ltmp21, $4  }
0x2e9: {  	s1 =	sadd.s32 s1, s2;
	s25 =	spop (v2sf)  }
0x2ea: {  	s1 =	sadd.s32 s1, s25;
	s30 =	spop (v2sf)  }
0x2eb: {  	s3 =	sshll.u32 s0, $0x10;
	s1 =	sadd.s32 s1, s30;
	s31 =	spop (v2sf)  }
0x2ec: {  	s26 =	sadd.s32 s26, s3;
	s0 =	sadd.s32 s1, s31;
	s1 =	simm.s32 $0x0  }
0x2ed: {  	p1 =	sne.s32 s29, $0x1  }
.Ltmp22:
0x2ee: {  	_ = 	snop;
	(pc) =	sbr.rel @!p1 .LBB2_35-.Ltmp22, $4  }
0x2ef: {  	_ = 	snop  }
0x2f0: {  	s1 =	simm.s32 $0x16080  }
0x2f1: {  	s3 =	simm.s32 $0x14000;
	v26 =	vld [tilespmem:s1+$0x0]  }
0x2f2: {  	v27 =	vmov s26;
	s2 =	sadd.s32 $0xFFFFFFFF, s29;
	p0 =	por $0x0, $0x0;
	s1 =	simm.s32 $0x0;
	v28 =	vld [tilespmem:s3+$0x0]  }
0x2f3: {  	_ =	sdelay $0x2  }
0x2f4: {  	v29 =	vor.u32 s1, v0  }
0x2f5: {  	p0 =	por $0x1, $0x1;
	vm6 =	vmmov vm5;
	vm4 =	vlt.s32 v29, v25;
	vm0 =	vge.s32 v28, v27  }
0x2f6: {  	vm6 =	vmneg @p0 vm6;
	vm0 =	vmand vm4, vm0  }
0x2f7: {  	vm0 =	vmand vm6, vm0  }
0x2f8: {  	v29 =	vsel vm0, $0x1, v4  }
0x2f9: {  	(xrf0) =	vadd.scan.msk.s32 $0xffff, v29;
	_ =	sdelay $0x5  }
0x2fa: {  	v29, _, _ =	vpop (xrf0)  }
0x2fb: {  	(v2sf) =	vpush v29, $0xF;
	_ =	sdelay $0x9  }
0x2fc: {  	p1 =	sne.s32 s2, $0x1;
	[tilespmem:s1+$0x18100] =	vst.msk vm0, v28  }
.Ltmp23:
0x2fd: {  	s6 =	simm.s32 $0x14010;
	[tilespmem:s1+$0x19180] =	vst.msk vm0, v26;
	(pc) =	sbr.rel @!p1 .LBB2_43-.Ltmp23, $3  }
0x2fe: {  	v28 =	vld [tilespmem:s6+$0x0];
	_ =	sdelay $0x1  }
0x2ff: {  	s3 =	simm.s32 $0x16090;
	s4 =	sadd.s32 $0xFFFFFFFF, s2;
	s2 =	simm.s32 $0x10  }
0x300: {  	s5 =	simm.s32 $0x0;
	p0 =	por $0x1, $0x1;
	v26 =	vld [tilespmem:s3+$0x0];
	s7 =	spop (v2sf)  }
.LBB2_44:
0x301: {  	v29 =	vor.u32 s2, v0  }
0x302: {  	p1 =	sne.s32 s4, $0x1;
	s4 =	sadd.s32 $0xFFFFFFFF, s4;
	s5 =	sadd.s32 s5, s7;
	vm0 =	vge.s32 v28, v27;
	vm4 =	vlt.s32 v29, v25  }
0x303: {  	p2 =	slt.s32 s5, $0x1000;
	vm0 =	vmand vm4, vm0;
	vm4 =	vmmov vm5  }
0x304: {  	vm4 =	vmneg @p2 vm4  }
0x305: {  	vm0 =	vmand vm4, vm0  }
0x306: {  	[tilespmem:s5+$0x18100] =	vst.msk vm0, v28;
	v28 =	vsel vm0, $0x1, v4  }
0x307: {  	s3 =	sadd.s32 $0x10, s3;
	[tilespmem:s5+$0x19180] =	vst.msk vm0, v26;
	(xrf0) =	vadd.scan.msk.s32 $0xffff, v28  }
0x308: {  	v26 =	vld [tilespmem:s3+$0x0];
	_ =	sdelay $0x4  }
0x309: {  	v28, _, _ =	vpop (xrf0)  }
0x30a: {  	(v2sf) =	vpush v28, $0xF;
	_ =	sdelay $0xa  }
.Ltmp24:
0x30b: {  	s6 =	sadd.s32 $0x10, s6;
	(pc) =	sbr.rel @p1 .LBB2_44-.Ltmp24, $2  }
0x30c: {  	v28 =	vld [tilespmem:s6+$0x0];
	_ =	sdelay $0x2  }
0x30d: {  	s2 =	sadd.s32 $0x10, s2;
	s7 =	spop (v2sf)  }
.LBB2_45:
0x30e: {  	s3 =	sadd.s32 @p0 s5, s7  }
0x30f: {  	v29 =	vor.u32 s2, v0;
	s1 =	smov.u32 @p0 s3  }
0x310: {  	vm6 =	vmmov vm5;
	vm0 =	vge.s32 v28, v27;
	vm4 =	vlt.s32 v29, v25;
	p0 =	slt.s32 s1, $0x1000  }
0x311: {  	vm0 =	vmand vm4, vm0;
	vm6 =	vmneg @p0 vm6  }
0x312: {  	vm0 =	vmand vm6, vm0  }
0x313: {  	v25 =	vsel vm0, $0x1, v4  }
0x314: {  	(xrf0) =	vadd.scan.msk.s32 $0xffff, v25;
	_ =	sdelay $0x5  }
0x315: {  	v25, _, _ =	vpop (xrf0)  }
0x316: {  	(v2sf) =	vpush v25, $0xF;
	_ =	sdelay $0xe  }
0x317: {  	[tilespmem:s1+$0x18100] =	vst.msk vm0, v28;
	s31 =	spop (v2sf)  }
0x318: {  	[tilespmem:s1+$0x19180] =	vst.msk vm0, v26;
	s1 =	sadd.s32 s1, s31  }
.LBB2_46:
0x319: {  	s2 =	simm.s32 $0x0;
	s3 =	simm.s32 $0x200  }
.LBB2_47:
0x31a: {  	p0 =	sne.s32 s3, $0x4200;
	[tilespmem:s2+$0x1A270] =	vst v4  }
0x31b: {  	[tilespmem:s2+$0x1A200] =	vst v4  }
0x31c: {  	[tilespmem:s2+$0x1A210] =	vst v4  }
.Ltmp25:
0x31d: {  	[tilespmem:s2+$0x1A220] =	vst v4;
	(pc) =	sbr.rel @p0 .LBB2_47-.Ltmp25, $4  }
0x31e: {  	[tilespmem:s2+$0x1A230] =	vst v4  }
0x31f: {  	[tilespmem:s2+$0x1A240] =	vst v4  }
0x320: {  	[tilespmem:s2+$0x1A250] =	vst v4  }
0x321: {  	[tilespmem:s2+$0x1A260] =	vst v4;
	s2 =	sshra.s32 s3, $0x2;
	s3 =	sadd.s32 $0x200, s3  }
0x322: {  	s3 =	sadd.s32 $0xF, s1  }
0x323: {  	s4 =	sand.u32 $0xF, s3  }
0x324: {  	s31 =	sshra.s32 s3, $0x1F;
	p1 =	slt.s32 s3, $0x1;
	p0 =	sne.s32 s4, $0x0  }
0x325: {  	s4 =	sshrl.u32 s31, $0x1C;
	p0 =	por !p1, !p0  }
0x326: {  	s3 =	sadd.s32 s4, s3;
	s4 =	simm.s32 $0x1;
	p0 =	por !p0, !p0  }
0x327: {  	[tilespmem:s2+$0x1A270] =	vst v4;
	s3 =	sshra.s32 s3, $0x4;
	s4 =	simm.s32 @!p0 $0x0  }
0x328: {  	[tilespmem:s2+$0x1A200] =	vst v4;
	s29 =	ssub.s32 s3, s4  }
0x329: {  	[tilespmem:s2+$0x1A210] =	vst v4;
	p0 =	sgt.s32 s29, $0x0  }
.Ltmp26:
0x32a: {  	[tilespmem:s2+$0x1A220] =	vst v4;
	(pc) =	sbr.rel @!p0 .LBB2_49-.Ltmp26, $4  }
0x32b: {  	[tilespmem:s2+$0x1A230] =	vst v4  }
0x32c: {  	[tilespmem:s2+$0x1A240] =	vst v4  }
0x32d: {  	[tilespmem:s2+$0x1A250] =	vst v4  }
0x32e: {  	[tilespmem:s2+$0x1A260] =	vst v4;
	v25 =	vmov s1  }
0x32f: {  	p1 =	seq.s32 s29, $0x1  }
.Ltmp27:
0x330: {  	_ = 	snop;
	(pc) =	sbr.rel @p1 .LBB2_59-.Ltmp27, $3  }
0x331: {  	_ =	sdelay $0x1  }
0x332: {  	s1 =	sor.u32 $0xFFFF, s26;
	s2 =	simm.s32 $0x18100  }
0x333: {  	p0 =	por $0x0, $0x0;
	v26 =	vmov s1;
	s1 =	simm.s32 $0x0;
	v27 =	vld [tilespmem:s2+$0x0];
	s2 =	sadd.s32 $0xFFFFFFFF, s29  }
0x334: {  	_ =	sdelay $0x3  }
0x335: {  	v28 =	vshrl.u32 v27, $0x8  }
0x336: {  	v29 =	vor.u32 s1, v0;
	v28 =	vand.u32 $0xFF, v28  }
0x337: {  	vm4 =	vlt.s32 v29, v25;
	vm0 =	vle.s32 v27, v26;
	v27 =	vmul.u32 $0x11, v28  }
0x338: {  	vm0 =	vmand vm4, vm0  }
0x339: {  	v27 =	vadd.s32 v0, v27  }
0x33a: {  	p1 =	seq.s32 s2, $0x1  }
.Ltmp28:
0x33b: {  	_ = 	snop;
	(pc) =	sbr.rel @p1 .LBB2_61-.Ltmp28, $3  }
0x33c: {  	_ =	sdelay $0x1  }
0x33d: {  	s3 =	simm.s32 $0x18110;
	[tilespmem:v27+s17+$0x0] =	vst.idx.add.s32.msk vm0, v6  }
0x33e: {  	s4 =	sadd.s32 $0xFFFFFFFF, s2;
	p0 =	por $0x1, $0x1;
	s2 =	simm.s32 $0x0;
	v27 =	vld [tilespmem:s3+$0x0]  }
.LBB2_62:
0x33f: {  	p1 =	seq.s32 s4, $0x1;
	_ =	sdelay $0x3  }
0x340: {  	s2 =	sadd.s32 $0x10, s2;
	v28 =	vshrl.u32 v27, $0x8  }
0x341: {  	v29 =	vor.u32 s2, v0;
	v28 =	vand.u32 $0xFF, v28  }
0x342: {  	vm4 =	vlt.s32 v29, v25;
	vm0 =	vle.s32 v27, v26;
	v27 =	vmul.u32 $0x11, v28  }
0x343: {  	vm0 =	vmand vm4, vm0  }
0x344: {  	v27 =	vadd.s32 v0, v27;
	_ =	sdelay $0x1  }
.Ltmp29:
0x345: {  	(pc) =	sbr.rel @!p1 .LBB2_62-.Ltmp29, $3  }
0x346: {  	_ =	sdelay $0x1  }
0x347: {  	s3 =	sadd.s32 $0x10, s3;
	[tilespmem:v27+s17+$0x0] =	vst.idx.add.s32.msk vm0, v6  }
0x348: {  	s4 =	sadd.s32 $0xFFFFFFFF, s4;
	v27 =	vld [tilespmem:s3+$0x0]  }
.LBB2_63:
0x349: {  	_ =	sdelay $0x2  }
0x34a: {  	s2 =	sadd.s32 @p0 $0x10, s2  }
0x34b: {  	s1 =	smov.u32 @p0 s2;
	v28 =	vshrl.u32 v27, $0x8  }
0x34c: {  	v29 =	vor.u32 s1, v0;
	v28 =	vand.u32 $0xFF, v28  }
0x34d: {  	vm4 =	vlt.s32 v29, v25;
	vm0 =	vle.s32 v27, v26;
	v26 =	vmul.u32 $0x11, v28  }
0x34e: {  	vm0 =	vmand vm4, vm0  }
0x34f: {  	v26 =	vadd.s32 v0, v26;
	_ =	sdelay $0x4  }
0x350: {  	[tilespmem:v26+s17+$0x0] =	vst.idx.add.s32.msk vm0, v6  }
.LBB2_49:
0x351: {  	s1 =	simm.s32 $0x0  }
0x352: {  	v26 =	vadd.s32 s1, v7  }
0x353: {  	v27 =	vadd.s32 s1, v3  }
0x354: {  	v28 =	vadd.s32 s1, v8  }
0x355: {  	v29 =	vadd.s32 s1, v9  }
0x356: {  	v30 =	vadd.s32 s1, v10  }
0x357: {  	v31 =	vadd.s32 s1, v11;
	v26 =	vld.idx.msk [tilespmem:v26+s17+$0x0], $0xffff  }
0x358: {  	v32 =	vadd.s32 s1, v12;
	v27 =	vld.idx.msk [tilespmem:v27+s17+$0x0], $0xffff  }
0x359: {  	v33 =	vadd.s32 s1, v13;
	v28 =	vld.idx.msk [tilespmem:v28+s17+$0x0], $0xffff  }
0x35a: {  	v34 =	vadd.s32 s1, v14;
	v29 =	vld.idx.msk [tilespmem:v29+s17+$0x0], $0xffff  }
0x35b: {  	v35 =	vadd.s32 s1, v15;
	v30 =	vld.idx.msk [tilespmem:v30+s17+$0x0], $0xffff  }
0x35c: {  	v36 =	vadd.s32 s1, v16;
	v31 =	vld.idx.msk [tilespmem:v31+s17+$0x0], $0xffff  }
0x35d: {  	v37 =	vadd.s32 s1, v17;
	v32 =	vld.idx.msk [tilespmem:v32+s17+$0x0], $0xffff;
	v26 =	vadd.s32 v27, v26  }
0x35e: {  	v50 =	vadd.s32 s1, v18;
	v27 =	vld.idx.msk [tilespmem:v33+s17+$0x0], $0xffff;
	v26 =	vadd.s32 v28, v26  }
0x35f: {  	v51 =	vadd.s32 s1, v19;
	v28 =	vld.idx.msk [tilespmem:v34+s17+$0x0], $0xffff;
	v26 =	vadd.s32 v29, v26  }
0x360: {  	v52 =	vadd.s32 s1, v20;
	v29 =	vld.idx.msk [tilespmem:v35+s17+$0x0], $0xffff;
	v26 =	vadd.s32 v30, v26  }
0x361: {  	v53 =	vadd.s32 s1, v21;
	v30 =	vld.idx.msk [tilespmem:v36+s17+$0x0], $0xffff;
	v26 =	vadd.s32 v31, v26  }
0x362: {  	v31 =	vld.idx.msk [tilespmem:v37+s17+$0x0], $0xffff;
	v26 =	vadd.s32 v32, v26  }
0x363: {  	v54 =	vld.idx.msk [tilespmem:v50+s17+$0x0], $0xffff;
	v26 =	vadd.s32 v27, v26  }
0x364: {  	v27 =	vld.idx.msk [tilespmem:v51+s17+$0x0], $0xffff;
	v26 =	vadd.s32 v28, v26  }
0x365: {  	v28 =	vld.idx.msk [tilespmem:v52+s17+$0x0], $0xffff;
	v26 =	vadd.s32 v29, v26  }
0x366: {  	v29 =	vld.idx.msk [tilespmem:v53+s17+$0x0], $0xffff;
	v26 =	vadd.s32 v30, v26  }
0x367: {  	s31 =	simm.s32 $0x110;
	v26 =	vadd.s32 v31, v26  }
0x368: {  	v30 =	vadd.s32 s31, v7;
	v26 =	vadd.s32 v54, v26  }
0x369: {  	v31 =	vadd.s32 s31, v3;
	v26 =	vadd.s32 v27, v26  }
0x36a: {  	v27 =	vadd.s32 s31, v8;
	v26 =	vadd.s32 v28, v26  }
0x36b: {  	s28 =	ssub.s32 s28, s0;
	s0 =	simm.s32 $0x1B300;
	v28 =	vadd.s32 s31, v9;
	v26 =	vadd.s32 v29, v26  }
0x36c: {  	v29 =	vadd.s32 s31, v10;
	[tilespmem:s0+$0x0] =	vst v26  }
0x36d: {  	v26 =	vld.idx.msk [tilespmem:v30+s17+$0x0], $0xffff;
	v30 =	vadd.s32 s31, v11  }
0x36e: {  	v55 =	vadd.s32 s31, v12;
	v31 =	vld.idx.msk [tilespmem:v31+s17+$0x0], $0xffff  }
0x36f: {  	v56 =	vadd.s32 s31, v13;
	v27 =	vld.idx.msk [tilespmem:v27+s17+$0x0], $0xffff  }
0x370: {  	v28 =	vld.idx.msk [tilespmem:v28+s17+$0x0], $0xffff  }
0x371: {  	v29 =	vld.idx.msk [tilespmem:v29+s17+$0x0], $0xffff  }
0x372: {  	v57 =	vadd.s32 s31, v14;
	v30 =	vld.idx.msk [tilespmem:v30+s17+$0x0], $0xffff  }
0x373: {  	v58 =	vadd.s32 s31, v15;
	v32 =	vld.idx.msk [tilespmem:v55+s17+$0x0], $0xffff;
	v26 =	vadd.s32 v31, v26  }
0x374: {  	v59 =	vadd.s32 s31, v16;
	v31 =	vld.idx.msk [tilespmem:v56+s17+$0x0], $0xffff;
	v26 =	vadd.s32 v27, v26  }
0x375: {  	v60 =	vadd.s32 s31, v17;
	v26 =	vadd.s32 v28, v26  }
0x376: {  	v61 =	vadd.s32 s31, v18;
	v26 =	vadd.s32 v29, v26  }
0x377: {  	v62 =	vadd.s32 s31, v19;
	v27 =	vld.idx.msk [tilespmem:v57+s17+$0x0], $0xffff;
	v26 =	vadd.s32 v30, v26  }
0x378: {  	v63 =	vadd.s32 s31, v20;
	v28 =	vld.idx.msk [tilespmem:v58+s17+$0x0], $0xffff;
	v26 =	vadd.s32 v32, v26  }
0x379: {  	v29 =	vld.idx.msk [tilespmem:v59+s17+$0x0], $0xffff;
	v26 =	vadd.s32 v31, v26;
	v31 =	vadd.s32 s31, v21  }
0x37a: {  	v30 =	vld.idx.msk [tilespmem:v60+s17+$0x0], $0xffff  }
0x37b: {  	v33 =	vld.idx.msk [tilespmem:v61+s17+$0x0], $0xffff  }
0x37c: {  	v34 =	vld.idx.msk [tilespmem:v62+s17+$0x0], $0xffff;
	v26 =	vadd.s32 v27, v26  }
0x37d: {  	v26 =	vadd.s32 v28, v26;
	v28 =	vld.idx.msk [tilespmem:v63+s17+$0x0], $0xffff  }
0x37e: {  	v26 =	vadd.s32 v29, v26;
	v29 =	vld.idx.msk [tilespmem:v31+s17+$0x0], $0xffff  }
0x37f: {  	s1 =	simm.s32 $0x220;
	v26 =	vadd.s32 v30, v26  }
0x380: {  	v27 =	vadd.s32 s1, v7;
	v30 =	vadd.s32 v33, v26  }
0x381: {  	s2 =	simm.s32 $0x330;
	v26 =	vadd.s32 s1, v3;
	v30 =	vadd.s32 v34, v30  }
.LBB2_50:
0x382: {  	p0 =	seq.s32 s2, $0xFF0;
	v31 =	vadd.s32 s1, v8;
	v28 =	vadd.s32 v28, v30  }
0x383: {  	v30 =	vadd.s32 s1, v9;
	s0 =	sadd.s32 $0x10, s0;
	v28 =	vadd.s32 v29, v28  }
0x384: {  	v29 =	vadd.s32 s1, v10;
	[tilespmem:s0+$0x0] =	vst v28  }
0x385: {  	v28 =	vadd.s32 s1, v11;
	v27 =	vld.idx.msk [tilespmem:v27+s17+$0x0], $0xffff  }
0x386: {  	v32 =	vadd.s32 s1, v12;
	v26 =	vld.idx.msk [tilespmem:v26+s17+$0x0], $0xffff  }
0x387: {  	v33 =	vadd.s32 s1, v13;
	v31 =	vld.idx.msk [tilespmem:v31+s17+$0x0], $0xffff  }
0x388: {  	v34 =	vadd.s32 s1, v14;
	v30 =	vld.idx.msk [tilespmem:v30+s17+$0x0], $0xffff  }
0x389: {  	v35 =	vadd.s32 s1, v15;
	v29 =	vld.idx.msk [tilespmem:v29+s17+$0x0], $0xffff  }
0x38a: {  	v36 =	vadd.s32 s1, v16;
	v28 =	vld.idx.msk [tilespmem:v28+s17+$0x0], $0xffff  }
0x38b: {  	v37 =	vadd.s32 s1, v17;
	v32 =	vld.idx.msk [tilespmem:v32+s17+$0x0], $0xffff  }
0x38c: {  	v26 =	vadd.s32 v26, v27;
	v27 =	vld.idx.msk [tilespmem:v33+s17+$0x0], $0xffff;
	v33 =	vadd.s32 s1, v18  }
0x38d: {  	v26 =	vadd.s32 v31, v26;
	v31 =	vld.idx.msk [tilespmem:v34+s17+$0x0], $0xffff;
	v34 =	vadd.s32 s1, v19  }
0x38e: {  	v26 =	vadd.s32 v30, v26;
	v30 =	vld.idx.msk [tilespmem:v35+s17+$0x0], $0xffff;
	v35 =	vadd.s32 s1, v20  }
0x38f: {  	v26 =	vadd.s32 v29, v26;
	v29 =	vadd.s32 s1, v21;
	s1 =	smov.u32 s2;
	v36 =	vld.idx.msk [tilespmem:v36+s17+$0x0], $0xffff  }
0x390: {  	v26 =	vadd.s32 v28, v26;
	v37 =	vld.idx.msk [tilespmem:v37+s17+$0x0], $0xffff  }
0x391: {  	v26 =	vadd.s32 v32, v26;
	v32 =	vld.idx.msk [tilespmem:v33+s17+$0x0], $0xffff  }
0x392: {  	v26 =	vadd.s32 v27, v26;
	v33 =	vld.idx.msk [tilespmem:v34+s17+$0x0], $0xffff  }
0x393: {  	v26 =	vadd.s32 v31, v26;
	v28 =	vld.idx.msk [tilespmem:v35+s17+$0x0], $0xffff  }
.Ltmp30:
0x394: {  	v26 =	vadd.s32 v30, v26;
	v29 =	vld.idx.msk [tilespmem:v29+s17+$0x0], $0xffff;
	(pc) =	sbr.rel @!p0 .LBB2_50-.Ltmp30, $4  }
0x395: {  	v26 =	vadd.s32 v36, v26  }
0x396: {  	v26 =	vadd.s32 v37, v26  }
0x397: {  	v27 =	vadd.s32 s2, v7;
	v30 =	vadd.s32 v32, v26  }
0x398: {  	s2 =	sadd.s32 $0x110, s2;
	v26 =	vadd.s32 s1, v3;
	v30 =	vadd.s32 v33, v30  }
0x399: {  	_ = 	snop  }
0x39a: {  	v31 =	vadd.s32 s1, v8;
	v28 =	vadd.s32 v28, v30  }
0x39b: {  	v30 =	vadd.s32 s1, v9;
	s0 =	sadd.s32 $0x10, s0;
	v28 =	vadd.s32 v29, v28  }
0x39c: {  	v29 =	vadd.s32 s1, v10;
	[tilespmem:s0+$0x0] =	vst v28  }
0x39d: {  	v28 =	vadd.s32 s1, v11;
	v27 =	vld.idx.msk [tilespmem:v27+s17+$0x0], $0xffff  }
0x39e: {  	v32 =	vadd.s32 s1, v12;
	v26 =	vld.idx.msk [tilespmem:v26+s17+$0x0], $0xffff  }
0x39f: {  	v33 =	vadd.s32 s1, v13;
	v31 =	vld.idx.msk [tilespmem:v31+s17+$0x0], $0xffff  }
0x3a0: {  	v34 =	vadd.s32 s1, v14;
	v30 =	vld.idx.msk [tilespmem:v30+s17+$0x0], $0xffff  }
0x3a1: {  	v35 =	vadd.s32 s1, v15;
	v29 =	vld.idx.msk [tilespmem:v29+s17+$0x0], $0xffff  }
0x3a2: {  	v36 =	vadd.s32 s1, v16;
	v28 =	vld.idx.msk [tilespmem:v28+s17+$0x0], $0xffff  }
0x3a3: {  	v37 =	vadd.s32 s1, v17;
	v32 =	vld.idx.msk [tilespmem:v32+s17+$0x0], $0xffff;
	v26 =	vadd.s32 v26, v27  }
0x3a4: {  	v57 =	vadd.s32 s1, v18;
	v27 =	vld.idx.msk [tilespmem:v33+s17+$0x0], $0xffff;
	v26 =	vadd.s32 v31, v26  }
0x3a5: {  	v58 =	vadd.s32 s1, v19;
	v31 =	vld.idx.msk [tilespmem:v34+s17+$0x0], $0xffff;
	v26 =	vadd.s32 v30, v26  }
0x3a6: {  	v59 =	vadd.s32 s1, v20;
	v30 =	vld.idx.msk [tilespmem:v35+s17+$0x0], $0xffff;
	v26 =	vadd.s32 v29, v26  }
0x3a7: {  	v60 =	vadd.s32 s1, v21;
	v29 =	vld.idx.msk [tilespmem:v36+s17+$0x0], $0xffff;
	v26 =	vadd.s32 v28, v26  }
0x3a8: {  	v28 =	vld.idx.msk [tilespmem:v37+s17+$0x0], $0xffff;
	v26 =	vadd.s32 v32, v26  }
0x3a9: {  	v61 =	vld.idx.msk [tilespmem:v57+s17+$0x0], $0xffff;
	v26 =	vadd.s32 v27, v26  }
0x3aa: {  	v27 =	vld.idx.msk [tilespmem:v58+s17+$0x0], $0xffff;
	v26 =	vadd.s32 v31, v26  }
0x3ab: {  	v31 =	vld.idx.msk [tilespmem:v59+s17+$0x0], $0xffff;
	v26 =	vadd.s32 v30, v26  }
0x3ac: {  	v30 =	vld.idx.msk [tilespmem:v60+s17+$0x0], $0xffff;
	v26 =	vadd.s32 v29, v26  }
0x3ad: {  	v26 =	vadd.s32 v28, v26  }
0x3ae: {  	v26 =	vadd.s32 v61, v26  }
0x3af: {  	v26 =	vadd.s32 v27, v26  }
0x3b0: {  	v26 =	vadd.s32 v31, v26  }
0x3b1: {  	s0 =	sadd.s32 $0x10, s0;
	v26 =	vadd.s32 v30, v26  }
0x3b2: {  	s3 =	simm.s32 $0x1B3F0;
	[tilespmem:s0+$0x0] =	vst v26  }
0x3b3: {  	v27 =	vld [tilespmem:s3+$0x0];
	_ =	sdelay $0x1  }
0x3b4: {  	s6 =	simm.s32 $0x1B3E0  }
0x3b5: {  	v28 =	vld [tilespmem:s6+$0x0];
	_ =	sdelay $0x1  }
0x3b6: {  	s7 =	simm.s32 $0x1B3D0;
	v29 =	vperm.xlane v27, v22;
	(xrf0) =	vadd.scan.msk.s32 $0xffff, v27  }
0x3b7: {  	v27 =	vld [tilespmem:s7+$0x0]  }
0x3b8: {  	(xrf0) =	vadd.scan.msk.s32 $0xffff, v29  }
0x3b9: {  	v29 =	vperm.xlane v28, v22;
	(xrf0) =	vadd.scan.msk.s32 $0xffff, v28;
	_ =	sdelay $0x1  }
0x3ba: {  	(xrf0) =	vadd.scan.msk.s32 $0xffff, v29  }
0x3bb: {  	s8 =	simm.s32 $0x1B3C0;
	(xrf0) =	vadd.scan.msk.s32 $0xffff, v27;
	v28, _, _ =	vpop (xrf0)  }
0x3bc: {  	v27 =	vperm.xlane v27, v22;
	(v2sf) =	vpush v28, $0xF;
	v28 =	vld [tilespmem:s8+$0x0]  }
0x3bd: {  	v29, _, _ =	vpop (xrf0)  }
0x3be: {  	v30, _, _ =	vpop (xrf0)  }
0x3bf: {  	(v2sf) =	vpush v30, $0xF  }
0x3c0: {  	(xrf0) =	vadd.scan.msk.s32 $0xffff, v27;
	v27, _, _ =	vpop (xrf0)  }
0x3c1: {  	v29 =	vperm.xlane v29, v22;
	v30 =	vperm.xlane v28, v22;
	(xrf0) =	vadd.scan.msk.s32 $0xffff, v28;
	v28, _, _ =	vpop (xrf0)  }
0x3c2: {  	s2 =	simm.s32 $0x0;
	(v2sf) =	vpush v28, $0xF  }
0x3c3: {  	s5 =	simm.s32 $0xF0;
	v26 =	vmov s28;
	v29 =	vadd.s32 s2, v29  }
0x3c4: {  	vm0 =	vlt.s32 v29, v26;
	v28 =	vor.u32 s5, v23  }
0x3c5: {  	(xrf0) =	vadd.scan.msk.s32 $0xffff, v30;
	v28 =	vsel vm0, $0x7FFFFFFF, v28  }
0x3c6: {  	(xrf0) =	vmax.scan.msk.u32 $0xffff, v28  }
0x3c7: {  	s9 =	simm.s32 $0x1B3B0  }
0x3c8: {  	v30 =	vld [tilespmem:s9+$0x0]  }
0x3c9: {  	v28, _, _ =	vpop (xrf0)  }
0x3ca: {  	s10 =	simm.s32 $0x1B3A0;
	v29, _, _ =	vpop (xrf0)  }
0x3cb: {  	v62 =	vld [tilespmem:s10+$0x0];
	v27 =	vperm.xlane v27, v22;
	(v2sf) =	vpush v29, $0xF;
	v29, _, _ =	vpop (xrf0);
	s11 =	spop (v2sf)  }
0x3cc: {  	v31, _, _ =	vpop (xrf0);
	s12 =	sadd.s32 $0x0, s11  }
0x3cd: {  	s13 =	simm.s32 $0xE0;
	s14 =	simm.s32 $0x1B390;
	(v2sf) =	vpush v31, $0xF;
	v31 =	vperm.xlane v30, v22;
	v27 =	vadd.s32 s12, v27  }
0x3ce: {  	v28 =	vperm.xlane v28, v22;
	(xrf0) =	vadd.scan.msk.s32 $0xffff, v30;
	v30 =	vld [tilespmem:s14+$0x0];
	vm0 =	vlt.s32 v27, v26;
	v27 =	vor.u32 s13, v23;
	s15 =	spop (v2sf)  }
0x3cf: {  	(xrf0) =	vadd.scan.msk.s32 $0xffff, v31;
	v27 =	vsel vm0, $0x7FFFFFFF, v27;
	s1 =	sadd.s32 s12, s15  }
0x3d0: {  	s16 =	simm.s32 $0xD0;
	(xrf0) =	vmax.scan.msk.u32 $0xffff, v27;
	v27 =	vperm.xlane v62, v22;
	v28 =	vadd.s32 s1, v28  }
0x3d1: {  	v29 =	vperm.xlane v29, v22;
	(xrf0) =	vadd.scan.msk.s32 $0xffff, v62;
	vm0 =	vlt.s32 v28, v26;
	v28 =	vor.u32 s16, v23;
	s22 =	spop (v2sf)  }
0x3d2: {  	(xrf0) =	vadd.scan.msk.s32 $0xffff, v27;
	v27 =	vsel vm0, $0x7FFFFFFF, v28;
	s1 =	sadd.s32 s1, s22  }
0x3d3: {  	s23 =	simm.s32 $0xC0;
	(xrf0) =	vmax.scan.msk.u32 $0xffff, v27;
	v27 =	vperm.xlane v30, v22;
	v28 =	vadd.s32 s1, v29  }
0x3d4: {  	(xrf0) =	vadd.scan.msk.s32 $0xffff, v30;
	vm0 =	vlt.s32 v28, v26;
	v28 =	vor.u32 s23, v23  }
0x3d5: {  	v29, _, _ =	vpop (xrf0);
	(xrf0) =	vadd.scan.msk.s32 $0xffff, v27;
	v27 =	vsel vm0, $0x7FFFFFFF, v28  }
0x3d6: {  	v31, _, _ =	vpop (xrf0)  }
0x3d7: {  	v28, _, _ =	vpop (xrf0)  }
0x3d8: {  	(v2sf) =	vpush v29, $0xF;
	(xrf0) =	vmax.scan.msk.u32 $0xffff, v27;
	v27, _, _ =	vpop (xrf0)  }
0x3d9: {  	s24 =	simm.s32 $0x1B380;
	(v2sf) =	vpush v28, $0xF;
	v63, _, _ =	vpop (xrf0)  }
0x3da: {  	v30 =	vld [tilespmem:s24+$0x0];
	(v2sf) =	vpush v27, $0xF;
	v28, _, _ =	vpop (xrf0)  }
0x3db: {  	s25 =	spop (v2sf);
	(v2sf) =	vpush v28, $0xF;
	_ =	sdelay $0x3  }
0x3dc: {  	v29 =	vperm.xlane v30, v22;
	(xrf0) =	vadd.scan.msk.s32 $0xffff, v30;
	v30, _, _ =	vpop (xrf0)  }
0x3dd: {  	s31 =	spop (v2sf);
	(v2sf) =	vpush v30, $0xF;
	_ =	sdelay $0x1  }
0x3de: {  	v31 =	vperm.xlane v31, v22  }
0x3df: {  	s5 =	sadd.s32 s1, s25  }
0x3e0: {  	s30 =	simm.s32 $0xB0;
	v31 =	vadd.s32 s5, v31  }
0x3e1: {  	s0 =	simm.s32 $0xFFFFFFFF;
	s6 =	simm.s32 $0xA0;
	s3 =	simm.s32 $0x80;
	v27 =	vor.u32 s30, v23;
	vm0 =	vlt.s32 v31, v26  }
0x3e2: {  	s7 =	simm.s32 $0x1B370;
	s8 =	simm.s32 $0x60;
	(xrf0) =	vadd.scan.msk.s32 $0xffff, v29;
	v31 =	vsel vm0, $0x7FFFFFFF, v27;
	s4 =	sxor.u32 $0x80000000, s31;
	v28, _, _ =	vpop (xrf0)  }
0x3e3: {  	s2 =	simm.s32 $0x90;
	s1 =	simm.s32 $0x70;
	v27 =	vperm.xlane v63, v22;
	v29 =	vld [tilespmem:s7+$0x0];
	(xrf0) =	vmax.scan.msk.u32 $0xffff, v31;
	p0 =	slt.s32 s4, $0xFFFFFFFF;
	v28 =	vperm.xlane v28, v22;
	v30, _, _ =	vpop (xrf0)  }
.LBB2_52:
0x3e4: {  	s9 =	smov.u32 s0  }
0x3e5: {  	s0 =	smov.u32 s4;
	s11 =	sadd.s32 $0xFFFFFFF0, s8;
	p1 =	seq.s32 s8, $0x0  }
0x3e6: {  	s10 =	spop (v2sf);
	(v2sf) =	vpush v30, $0xF;
	s0 =	smov.u32 @p0 s9;
	s9 =	smov.u32 s8  }
.Ltmp31:
0x3e7: {  	s5 =	sadd.s32 s5, s10;
	(pc) =	sbr.rel @!p1 .LBB2_52-.Ltmp31, $4  }
0x3e8: {  	s7 =	sadd.s32 $0xFFFFFFF0, s7;
	v33 =	vperm.xlane v29, v22;
	(xrf0) =	vadd.scan.msk.s32 $0xffff, v29;
	v31, _, _ =	vpop (xrf0);
	v32 =	vadd.s32 s5, v27;
	v27 =	vmov v28  }
0x3e9: {  	v28 =	vor.u32 s6, v23;
	s6 =	smov.u32 s2;
	s2 =	smov.u32 s3;
	v29 =	vld [tilespmem:s7+$0x0];
	(v2sf) =	vpush v31, $0xF;
	vm0 =	vlt.s32 v32, v26;
	s4 =	spop (v2sf)  }
0x3ea: {  	s3 =	smov.u32 s1;
	s1 =	smov.u32 s9;
	(xrf0) =	vadd.scan.msk.s32 $0xffff, v33;
	v30, _, _ =	vpop (xrf0);
	v31 =	vsel vm0, $0x7FFFFFFF, v28;
	s4 =	sxor.u32 $0x80000000, s4  }
0x3eb: {  	s8 =	smov.u32 s11;
	v28 =	vperm.xlane v30, v22;
	(xrf0) =	vmax.scan.msk.u32 $0xffff, v31;
	v30, _, _ =	vpop (xrf0);
	p0 =	sgt.s32 s0, s4  }
0x3ec: {  	_ =	sdelay $0x1  }
0x3ed: {  	(v2sf) =	vpush v30, $0xF;
	v60, _, _ =	vpop (xrf0)  }
0x3ee: {  	(v2sf) =	vpush v60, $0xF;
	_ =	sdelay $0x5  }
0x3ef: {  	v61 =	vperm.xlane v29, v22  }
0x3f0: {  	s7 =	spop (v2sf);
	(xrf0) =	vadd.scan.msk.s32 $0xffff, v29  }
0x3f1: {  	s25 =	spop (v2sf);
	(xrf0) =	vadd.scan.msk.s32 $0xffff, v61  }
0x3f2: {  	s5 =	sadd.s32 s5, s7;
	s8 =	spop (v2sf)  }
0x3f3: {  	v27 =	vadd.s32 s5, v27;
	s5 =	sadd.s32 s5, s8  }
0x3f4: {  	v29, _, _ =	vpop (xrf0);
	v28 =	vadd.s32 s5, v28  }
0x3f5: {  	vm0 =	vlt.s32 v27, v26;
	v27 =	vor.u32 s6, v23;
	v62, _, _ =	vpop (xrf0);
	s30 =	spop (v2sf)  }
0x3f6: {  	v27 =	vsel vm0, $0x7FFFFFFF, v27;
	v29 =	vperm.xlane v29, v22;
	v31, _, _ =	vpop (xrf0);
	s31 =	spop (v2sf)  }
0x3f7: {  	vm0 =	vlt.s32 v28, v26;
	(xrf0) =	vmax.scan.msk.u32 $0xffff, v27;
	v27 =	vor.u32 s2, v23;
	v28, _, _ =	vpop (xrf0);
	s8 =	sadd.s32 s5, s31;
	s9 =	spop (v2sf)  }
0x3f8: {  	v27 =	vsel vm0, $0x7FFFFFFF, v27;
	v28 =	vperm.xlane v28, v22;
	v29 =	vadd.s32 s8, v29;
	s10 =	spop (v2sf)  }
0x3f9: {  	v32 =	vor.u32 s3, v23;
	(xrf0) =	vmax.scan.msk.u32 $0xffff, v27;
	vm0 =	vlt.s32 v29, v26;
	s2 =	sadd.s32 s8, s10  }
0x3fa: {  	v27 =	vsel vm0, $0x7FFFFFFF, v32;
	v28 =	vadd.s32 s2, v28  }
0x3fb: {  	(xrf0) =	vmax.scan.msk.u32 $0xffff, v27;
	vm0 =	vlt.s32 v28, v26;
	v26 =	vor.u32 s1, v23  }
0x3fc: {  	(v2sf) =	vpush v62, $0xF;
	v26 =	vsel vm0, $0x7FFFFFFF, v26  }
0x3fd: {  	(v2sf) =	vpush v31, $0xF;
	v27, _, _ =	vpop (xrf0);
	(xrf0) =	vmax.scan.msk.u32 $0xffff, v26  }
0x3fe: {  	(v2sf) =	vpush v27, $0xF  }
0x3ff: {  	v26, _, _ =	vpop (xrf0)  }
0x400: {  	(v2sf) =	vpush v26, $0xF  }
0x401: {  	v26, _, _ =	vpop (xrf0)  }
0x402: {  	(v2sf) =	vpush v26, $0xF  }
0x403: {  	v26, _, _ =	vpop (xrf0)  }
0x404: {  	(v2sf) =	vpush v26, $0xF;
	_ =	sdelay $0x1  }
0x405: {  	s4 =	smov.u32 @p0 s0;
	s0 =	sxor.u32 $0x80000000, s25  }
0x406: {  	p0 =	sgt.s32 s4, s0  }
0x407: {  	s0 =	smov.u32 @p0 s4;
	s1 =	sxor.u32 $0x80000000, s30  }
0x408: {  	p0 =	sgt.s32 s0, s1  }
0x409: {  	s1 =	smov.u32 @p0 s0;
	s0 =	sxor.u32 $0x80000000, s9  }
0x40a: {  	s11 =	spop (v2sf);
	p0 =	sgt.s32 s1, s0  }
0x40b: {  	s12 =	spop (v2sf);
	s0 =	smov.u32 @p0 s1;
	s1 =	sxor.u32 $0x80000000, s11  }
0x40c: {  	p0 =	sgt.s32 s0, s1;
	s2 =	spop (v2sf)  }
0x40d: {  	s1 =	smov.u32 @p0 s0;
	s0 =	sxor.u32 $0x80000000, s2  }
0x40e: {  	p0 =	sgt.s32 s1, s0;
	s13 =	spop (v2sf)  }
0x40f: {  	s0 =	smov.u32 @p0 s1;
	s1 =	sxor.u32 $0x80000000, s13  }
0x410: {  	s14 =	spop (v2sf);
	p0 =	sgt.s32 s0, s1  }
0x411: {  	s2 =	sxor.u32 $0x80000000, s14;
	s1 =	smov.u32 @p0 s0  }
0x412: {  	s16 =	simm.s32 $0x1B300;
	p0 =	sgt.s32 s1, s2;
	s15 =	spop (v2sf)  }
0x413: {  	s22 =	simm.s32 $0x1B310;
	v27 =	vld [tilespmem:s16+$0x0];
	s2 =	smov.u32 @p0 s1;
	s0 =	sxor.u32 $0x80000000, s15  }
0x414: {  	v28 =	vld [tilespmem:s22+$0x0];
	p0 =	sgt.s32 s2, s0  }
0x415: {  	s1 =	simm.s32 $0x0;
	s0 =	smov.u32 @p0 s2  }
0x416: {  	s23 =	simm.s32 $0x10;
	v29 =	vor.u32 s1, v0;
	v26 =	vmov s0  }
0x417: {  	vm0 =	vgt.s32 v29, v26;
	v29 =	vor.u32 s23, v0  }
0x418: {  	v27 =	vnsel vm0, $0x0, v27;
	vm0 =	vgt.s32 v29, v26  }
0x419: {  	(xrf0) =	vadd.scan.msk.s32 $0xffff, v27;
	v27 =	vnsel vm0, $0x0, v28  }
0x41a: {  	s24 =	simm.s32 $0x1B320;
	(xrf0) =	vadd.scan.msk.s32 $0xffff, v27  }
0x41b: {  	s30 =	simm.s32 $0x20;
	v27 =	vld [tilespmem:s24+$0x0]  }
0x41c: {  	s31 =	simm.s32 $0x30;
	v29 =	vor.u32 s30, v0  }
0x41d: {  	vm0 =	vgt.s32 v29, v26;
	v29 =	vor.u32 s31, v0;
	_ =	sdelay $0x1  }
0x41e: {  	v63, _, _ =	vpop (xrf0)  }
0x41f: {  	v27 =	vnsel vm0, $0x0, v27;
	vm0 =	vgt.s32 v29, v26;
	(v2sf) =	vpush v63, $0xF;
	v29, _, _ =	vpop (xrf0)  }
0x420: {  	(v2sf) =	vpush v29, $0xF;
	_ =	sdelay $0x2  }
0x421: {  	s25 =	simm.s32 $0x1B330  }
0x422: {  	v28 =	vld [tilespmem:s25+$0x0];
	(xrf0) =	vadd.scan.msk.s32 $0xffff, v27;
	_ =	sdelay $0x4  }
0x423: {  	s3 =	simm.s32 $0x1B340;
	s2 =	simm.s32 $0x40;
	v27 =	vnsel vm0, $0x0, v28  }
.LBB2_54:
0x424: {  	v28 =	vld [tilespmem:s3+$0x0];
	p0 =	sne.s32 s2, $0xF0;
	(xrf0) =	vadd.scan.msk.s32 $0xffff, v27;
	v27, _, _ =	vpop (xrf0);
	s4 =	smov.u32 s2;
	s2 =	sadd.s32 $0x10, s2  }
.Ltmp32:
0x425: {  	(v2sf) =	vpush v27, $0xF;
	(pc) =	sbr.rel @p0 .LBB2_54-.Ltmp32, $4  }
0x426: {  	_ = 	snop  }
0x427: {  	v27 =	vor.u32 s4, v0  }
0x428: {  	vm0 =	vgt.s32 v27, v26;
	s4 =	spop (v2sf)  }
0x429: {  	s3 =	sadd.s32 $0x10, s3;
	v27 =	vnsel vm0, $0x0, v28;
	s1 =	sadd.s32 s1, s4  }
0x42a: {  	(xrf0) =	vadd.scan.msk.s32 $0xffff, v27;
	_ =	sdelay $0x4  }
0x42b: {  	v26, _, _ =	vpop (xrf0)  }
0x42c: {  	(v2sf) =	vpush v26, $0xF;
	v26, _, _ =	vpop (xrf0)  }
0x42d: {  	(v2sf) =	vpush v26, $0xF;
	_ =	sdelay $0xa  }
0x42e: {  	p0 =	slt.s32 s29, $0x1  }
.Ltmp33:
0x42f: {  	s2 =	spop (v2sf);
	(pc) =	sbr.rel @p0 .LBB2_68-.Ltmp33, $4  }
0x430: {  	s1 =	sadd.s32 s1, s2;
	s25 =	spop (v2sf)  }
0x431: {  	s1 =	sadd.s32 s1, s25;
	s30 =	spop (v2sf)  }
0x432: {  	s3 =	sshll.u32 s0, $0x8;
	s1 =	sadd.s32 s1, s30;
	s31 =	spop (v2sf)  }
0x433: {  	s26 =	sadd.s32 s26, s3;
	s0 =	sadd.s32 s1, s31;
	s1 =	simm.s32 $0x0  }
0x434: {  	p1 =	sne.s32 s29, $0x1  }
.Ltmp34:
0x435: {  	_ = 	snop;
	(pc) =	sbr.rel @!p1 .LBB2_57-.Ltmp34, $4  }
0x436: {  	_ = 	snop  }
0x437: {  	s1 =	simm.s32 $0x19180  }
0x438: {  	s3 =	simm.s32 $0x18100;
	v26 =	vld [tilespmem:s1+$0x0]  }
0x439: {  	v27 =	vmov s26;
	s2 =	sadd.s32 $0xFFFFFFFF, s29;
	p0 =	por $0x0, $0x0;
	s1 =	simm.s32 $0x0;
	v28 =	vld [tilespmem:s3+$0x0]  }
0x43a: {  	_ =	sdelay $0x2  }
0x43b: {  	v29 =	vor.u32 s1, v0  }
0x43c: {  	p0 =	por $0x1, $0x1;
	vm6 =	vmmov vm5;
	vm4 =	vlt.s32 v29, v25;
	vm0 =	vge.s32 v28, v27  }
0x43d: {  	vm6 =	vmneg @p0 vm6;
	vm0 =	vmand vm4, vm0  }
0x43e: {  	vm0 =	vmand vm6, vm0  }
0x43f: {  	v29 =	vsel vm0, $0x1, v4  }
0x440: {  	(xrf0) =	vadd.scan.msk.s32 $0xffff, v29;
	_ =	sdelay $0x5  }
0x441: {  	v29, _, _ =	vpop (xrf0)  }
0x442: {  	(v2sf) =	vpush v29, $0xF;
	_ =	sdelay $0x9  }
0x443: {  	p1 =	sne.s32 s2, $0x1;
	[tilespmem:s1+$0x14000] =	vst.msk vm0, v28  }
.Ltmp35:
0x444: {  	s6 =	simm.s32 $0x18110;
	[tilespmem:s1+$0x16080] =	vst.msk vm0, v26;
	(pc) =	sbr.rel @!p1 .LBB2_65-.Ltmp35, $3  }
0x445: {  	v28 =	vld [tilespmem:s6+$0x0];
	_ =	sdelay $0x1  }
0x446: {  	s3 =	simm.s32 $0x19190;
	s4 =	sadd.s32 $0xFFFFFFFF, s2;
	s2 =	simm.s32 $0x10  }
0x447: {  	s5 =	simm.s32 $0x0;
	p0 =	por $0x1, $0x1;
	v26 =	vld [tilespmem:s3+$0x0];
	s7 =	spop (v2sf)  }
.LBB2_66:
0x448: {  	v29 =	vor.u32 s2, v0  }
0x449: {  	p1 =	sne.s32 s4, $0x1;
	s4 =	sadd.s32 $0xFFFFFFFF, s4;
	s5 =	sadd.s32 s5, s7;
	vm0 =	vge.s32 v28, v27;
	vm4 =	vlt.s32 v29, v25  }
0x44a: {  	p2 =	slt.s32 s5, $0x2000;
	vm0 =	vmand vm4, vm0;
	vm4 =	vmmov vm5  }
0x44b: {  	vm4 =	vmneg @p2 vm4  }
0x44c: {  	vm0 =	vmand vm4, vm0  }
0x44d: {  	[tilespmem:s5+$0x14000] =	vst.msk vm0, v28;
	v28 =	vsel vm0, $0x1, v4  }
0x44e: {  	s3 =	sadd.s32 $0x10, s3;
	[tilespmem:s5+$0x16080] =	vst.msk vm0, v26;
	(xrf0) =	vadd.scan.msk.s32 $0xffff, v28  }
0x44f: {  	v26 =	vld [tilespmem:s3+$0x0];
	_ =	sdelay $0x4  }
0x450: {  	v28, _, _ =	vpop (xrf0)  }
0x451: {  	(v2sf) =	vpush v28, $0xF;
	_ =	sdelay $0xa  }
.Ltmp36:
0x452: {  	s6 =	sadd.s32 $0x10, s6;
	(pc) =	sbr.rel @p1 .LBB2_66-.Ltmp36, $2  }
0x453: {  	v28 =	vld [tilespmem:s6+$0x0];
	_ =	sdelay $0x2  }
0x454: {  	s2 =	sadd.s32 $0x10, s2;
	s7 =	spop (v2sf)  }
.LBB2_67:
0x455: {  	s3 =	sadd.s32 @p0 s5, s7  }
0x456: {  	v29 =	vor.u32 s2, v0;
	s1 =	smov.u32 @p0 s3  }
0x457: {  	vm6 =	vmmov vm5;
	vm0 =	vge.s32 v28, v27;
	vm4 =	vlt.s32 v29, v25;
	p0 =	slt.s32 s1, $0x2000  }
0x458: {  	vm0 =	vmand vm4, vm0;
	vm6 =	vmneg @p0 vm6  }
0x459: {  	vm0 =	vmand vm6, vm0  }
0x45a: {  	v25 =	vsel vm0, $0x1, v4  }
0x45b: {  	(xrf0) =	vadd.scan.msk.s32 $0xffff, v25;
	_ =	sdelay $0x5  }
0x45c: {  	v25, _, _ =	vpop (xrf0)  }
0x45d: {  	(v2sf) =	vpush v25, $0xF;
	_ =	sdelay $0xe  }
0x45e: {  	[tilespmem:s1+$0x14000] =	vst.msk vm0, v28;
	s31 =	spop (v2sf)  }
0x45f: {  	[tilespmem:s1+$0x16080] =	vst.msk vm0, v26;
	s1 =	sadd.s32 s1, s31  }
.LBB2_68:
0x460: {  	s2 =	simm.s32 $0x0;
	s3 =	simm.s32 $0x200  }
.LBB2_69:
0x461: {  	p0 =	sne.s32 s3, $0x4200;
	[tilespmem:s2+$0x1A270] =	vst v4  }
0x462: {  	[tilespmem:s2+$0x1A200] =	vst v4  }
0x463: {  	[tilespmem:s2+$0x1A210] =	vst v4  }
.Ltmp37:
0x464: {  	[tilespmem:s2+$0x1A220] =	vst v4;
	(pc) =	sbr.rel @p0 .LBB2_69-.Ltmp37, $4  }
0x465: {  	[tilespmem:s2+$0x1A230] =	vst v4  }
0x466: {  	[tilespmem:s2+$0x1A240] =	vst v4  }
0x467: {  	[tilespmem:s2+$0x1A250] =	vst v4  }
0x468: {  	[tilespmem:s2+$0x1A260] =	vst v4;
	s2 =	sshra.s32 s3, $0x2;
	s3 =	sadd.s32 $0x200, s3  }
0x469: {  	s3 =	sadd.s32 $0xF, s1  }
0x46a: {  	s4 =	sand.u32 $0xF, s3  }
0x46b: {  	s31 =	sshra.s32 s3, $0x1F;
	p1 =	slt.s32 s3, $0x1;
	p0 =	sne.s32 s4, $0x0  }
0x46c: {  	s4 =	sshrl.u32 s31, $0x1C;
	p0 =	por !p1, !p0  }
0x46d: {  	s3 =	sadd.s32 s4, s3;
	s4 =	simm.s32 $0x1;
	p0 =	por !p0, !p0  }
0x46e: {  	[tilespmem:s2+$0x1A270] =	vst v4;
	s3 =	sshra.s32 s3, $0x4;
	s4 =	simm.s32 @!p0 $0x0  }
0x46f: {  	[tilespmem:s2+$0x1A200] =	vst v4;
	s29 =	ssub.s32 s3, s4  }
0x470: {  	[tilespmem:s2+$0x1A210] =	vst v4;
	p0 =	sgt.s32 s29, $0x0  }
.Ltmp38:
0x471: {  	[tilespmem:s2+$0x1A220] =	vst v4;
	(pc) =	sbr.rel @!p0 .LBB2_71-.Ltmp38, $4  }
0x472: {  	[tilespmem:s2+$0x1A230] =	vst v4  }
0x473: {  	[tilespmem:s2+$0x1A240] =	vst v4  }
0x474: {  	[tilespmem:s2+$0x1A250] =	vst v4  }
0x475: {  	[tilespmem:s2+$0x1A260] =	vst v4;
	v25 =	vmov s1  }
0x476: {  	p1 =	seq.s32 s29, $0x1  }
.Ltmp39:
0x477: {  	_ = 	snop;
	(pc) =	sbr.rel @p1 .LBB2_81-.Ltmp39, $3  }
0x478: {  	_ =	sdelay $0x1  }
0x479: {  	s1 =	sor.u32 $0xFF, s26;
	s2 =	simm.s32 $0x14000  }
0x47a: {  	p0 =	por $0x0, $0x0;
	v26 =	vmov s1;
	s1 =	simm.s32 $0x0;
	v27 =	vld [tilespmem:s2+$0x0];
	s2 =	sadd.s32 $0xFFFFFFFF, s29  }
0x47b: {  	_ =	sdelay $0x3  }
0x47c: {  	v28 =	vor.u32 s1, v0;
	v29 =	vand.u32 $0xFF, v27  }
0x47d: {  	vm4 =	vlt.s32 v28, v25;
	vm0 =	vle.s32 v27, v26;
	v27 =	vmul.u32 $0x11, v29  }
0x47e: {  	vm0 =	vmand vm4, vm0  }
0x47f: {  	v27 =	vadd.s32 v0, v27  }
0x480: {  	p1 =	seq.s32 s2, $0x1  }
.Ltmp40:
0x481: {  	_ = 	snop;
	(pc) =	sbr.rel @p1 .LBB2_83-.Ltmp40, $3  }
0x482: {  	_ =	sdelay $0x1  }
0x483: {  	s3 =	simm.s32 $0x14010;
	[tilespmem:v27+s17+$0x0] =	vst.idx.add.s32.msk vm0, v6  }
0x484: {  	s4 =	sadd.s32 $0xFFFFFFFF, s2;
	p0 =	por $0x1, $0x1;
	s2 =	simm.s32 $0x0;
	v27 =	vld [tilespmem:s3+$0x0]  }
.LBB2_84:
0x485: {  	p1 =	seq.s32 s4, $0x1;
	_ =	sdelay $0x2  }
0x486: {  	s2 =	sadd.s32 $0x10, s2  }
0x487: {  	v28 =	vor.u32 s2, v0;
	v29 =	vand.u32 $0xFF, v27  }
0x488: {  	vm4 =	vlt.s32 v28, v25;
	vm0 =	vle.s32 v27, v26;
	v27 =	vmul.u32 $0x11, v29  }
0x489: {  	vm0 =	vmand vm4, vm0  }
0x48a: {  	v27 =	vadd.s32 v0, v27;
	_ =	sdelay $0x1  }
.Ltmp41:
0x48b: {  	(pc) =	sbr.rel @!p1 .LBB2_84-.Ltmp41, $3  }
0x48c: {  	_ =	sdelay $0x1  }
0x48d: {  	s3 =	sadd.s32 $0x10, s3;
	[tilespmem:v27+s17+$0x0] =	vst.idx.add.s32.msk vm0, v6  }
0x48e: {  	s4 =	sadd.s32 $0xFFFFFFFF, s4;
	v27 =	vld [tilespmem:s3+$0x0]  }
.LBB2_85:
0x48f: {  	_ =	sdelay $0x1  }
0x490: {  	s2 =	sadd.s32 @p0 $0x10, s2  }
0x491: {  	s1 =	smov.u32 @p0 s2  }
0x492: {  	v28 =	vor.u32 s1, v0;
	v29 =	vand.u32 $0xFF, v27  }
0x493: {  	vm4 =	vlt.s32 v28, v25;
	vm0 =	vle.s32 v27, v26;
	v26 =	vmul.u32 $0x11, v29  }
0x494: {  	vm0 =	vmand vm4, vm0  }
0x495: {  	v26 =	vadd.s32 v0, v26;
	_ =	sdelay $0x4  }
0x496: {  	[tilespmem:v26+s17+$0x0] =	vst.idx.add.s32.msk vm0, v6  }
.LBB2_71:
0x497: {  	s1 =	simm.s32 $0x0  }
0x498: {  	v26 =	vadd.s32 s1, v7  }
0x499: {  	v27 =	vadd.s32 s1, v3  }
0x49a: {  	v28 =	vadd.s32 s1, v8  }
0x49b: {  	v29 =	vadd.s32 s1, v9  }
0x49c: {  	v30 =	vadd.s32 s1, v10  }
0x49d: {  	v31 =	vadd.s32 s1, v11;
	v26 =	vld.idx.msk [tilespmem:v26+s17+$0x0], $0xffff  }
0x49e: {  	v32 =	vadd.s32 s1, v12;
	v27 =	vld.idx.msk [tilespmem:v27+s17+$0x0], $0xffff  }
0x49f: {  	v33 =	vadd.s32 s1, v13;
	v28 =	vld.idx.msk [tilespmem:v28+s17+$0x0], $0xffff  }
0x4a0: {  	v34 =	vadd.s32 s1, v14;
	v29 =	vld.idx.msk [tilespmem:v29+s17+$0x0], $0xffff  }
0x4a1: {  	v35 =	vadd.s32 s1, v15;
	v30 =	vld.idx.msk [tilespmem:v30+s17+$0x0], $0xffff  }
0x4a2: {  	v36 =	vadd.s32 s1, v16;
	v31 =	vld.idx.msk [tilespmem:v31+s17+$0x0], $0xffff  }
0x4a3: {  	v37 =	vadd.s32 s1, v17;
	v32 =	vld.idx.msk [tilespmem:v32+s17+$0x0], $0xffff;
	v26 =	vadd.s32 v27, v26  }
0x4a4: {  	v50 =	vadd.s32 s1, v18;
	v27 =	vld.idx.msk [tilespmem:v33+s17+$0x0], $0xffff;
	v26 =	vadd.s32 v28, v26  }
0x4a5: {  	v51 =	vadd.s32 s1, v19;
	v28 =	vld.idx.msk [tilespmem:v34+s17+$0x0], $0xffff;
	v26 =	vadd.s32 v29, v26  }
0x4a6: {  	v52 =	vadd.s32 s1, v20;
	v29 =	vld.idx.msk [tilespmem:v35+s17+$0x0], $0xffff;
	v26 =	vadd.s32 v30, v26  }
0x4a7: {  	v53 =	vadd.s32 s1, v21;
	v30 =	vld.idx.msk [tilespmem:v36+s17+$0x0], $0xffff;
	v26 =	vadd.s32 v31, v26  }
0x4a8: {  	v31 =	vld.idx.msk [tilespmem:v37+s17+$0x0], $0xffff;
	v26 =	vadd.s32 v32, v26  }
0x4a9: {  	v54 =	vld.idx.msk [tilespmem:v50+s17+$0x0], $0xffff;
	v26 =	vadd.s32 v27, v26  }
0x4aa: {  	v27 =	vld.idx.msk [tilespmem:v51+s17+$0x0], $0xffff;
	v26 =	vadd.s32 v28, v26  }
0x4ab: {  	v28 =	vld.idx.msk [tilespmem:v52+s17+$0x0], $0xffff;
	v26 =	vadd.s32 v29, v26  }
0x4ac: {  	v29 =	vld.idx.msk [tilespmem:v53+s17+$0x0], $0xffff;
	v26 =	vadd.s32 v30, v26  }
0x4ad: {  	s31 =	simm.s32 $0x110;
	v26 =	vadd.s32 v31, v26  }
0x4ae: {  	v30 =	vadd.s32 s31, v7;
	v26 =	vadd.s32 v54, v26  }
0x4af: {  	v31 =	vadd.s32 s31, v3;
	v26 =	vadd.s32 v27, v26  }
0x4b0: {  	v27 =	vadd.s32 s31, v8;
	v26 =	vadd.s32 v28, v26  }
0x4b1: {  	s28 =	ssub.s32 s28, s0;
	s0 =	simm.s32 $0x1B300;
	v28 =	vadd.s32 s31, v9;
	v26 =	vadd.s32 v29, v26  }
0x4b2: {  	v29 =	vadd.s32 s31, v10;
	[tilespmem:s0+$0x0] =	vst v26  }
0x4b3: {  	v26 =	vld.idx.msk [tilespmem:v30+s17+$0x0], $0xffff;
	v30 =	vadd.s32 s31, v11  }
0x4b4: {  	v55 =	vadd.s32 s31, v12;
	v31 =	vld.idx.msk [tilespmem:v31+s17+$0x0], $0xffff  }
0x4b5: {  	v56 =	vadd.s32 s31, v13;
	v27 =	vld.idx.msk [tilespmem:v27+s17+$0x0], $0xffff  }
0x4b6: {  	v28 =	vld.idx.msk [tilespmem:v28+s17+$0x0], $0xffff  }
0x4b7: {  	v29 =	vld.idx.msk [tilespmem:v29+s17+$0x0], $0xffff  }
0x4b8: {  	v57 =	vadd.s32 s31, v14;
	v30 =	vld.idx.msk [tilespmem:v30+s17+$0x0], $0xffff  }
0x4b9: {  	v58 =	vadd.s32 s31, v15;
	v32 =	vld.idx.msk [tilespmem:v55+s17+$0x0], $0xffff;
	v26 =	vadd.s32 v31, v26  }
0x4ba: {  	v59 =	vadd.s32 s31, v16;
	v31 =	vld.idx.msk [tilespmem:v56+s17+$0x0], $0xffff;
	v26 =	vadd.s32 v27, v26  }
0x4bb: {  	v60 =	vadd.s32 s31, v17;
	v26 =	vadd.s32 v28, v26  }
0x4bc: {  	v61 =	vadd.s32 s31, v18;
	v26 =	vadd.s32 v29, v26  }
0x4bd: {  	v62 =	vadd.s32 s31, v19;
	v27 =	vld.idx.msk [tilespmem:v57+s17+$0x0], $0xffff;
	v26 =	vadd.s32 v30, v26  }
0x4be: {  	v63 =	vadd.s32 s31, v20;
	v28 =	vld.idx.msk [tilespmem:v58+s17+$0x0], $0xffff;
	v26 =	vadd.s32 v32, v26  }
0x4bf: {  	v29 =	vld.idx.msk [tilespmem:v59+s17+$0x0], $0xffff;
	v26 =	vadd.s32 v31, v26;
	v31 =	vadd.s32 s31, v21  }
0x4c0: {  	v30 =	vld.idx.msk [tilespmem:v60+s17+$0x0], $0xffff  }
0x4c1: {  	v33 =	vld.idx.msk [tilespmem:v61+s17+$0x0], $0xffff  }
0x4c2: {  	v34 =	vld.idx.msk [tilespmem:v62+s17+$0x0], $0xffff;
	v26 =	vadd.s32 v27, v26  }
0x4c3: {  	v26 =	vadd.s32 v28, v26;
	v28 =	vld.idx.msk [tilespmem:v63+s17+$0x0], $0xffff  }
0x4c4: {  	v26 =	vadd.s32 v29, v26;
	v29 =	vld.idx.msk [tilespmem:v31+s17+$0x0], $0xffff  }
0x4c5: {  	s1 =	simm.s32 $0x220;
	v26 =	vadd.s32 v30, v26  }
0x4c6: {  	v27 =	vadd.s32 s1, v7;
	v30 =	vadd.s32 v33, v26  }
0x4c7: {  	s2 =	simm.s32 $0x330;
	v26 =	vadd.s32 s1, v3;
	v30 =	vadd.s32 v34, v30  }
.LBB2_72:
0x4c8: {  	p0 =	seq.s32 s2, $0xFF0;
	v31 =	vadd.s32 s1, v8;
	v28 =	vadd.s32 v28, v30  }
0x4c9: {  	v30 =	vadd.s32 s1, v9;
	s0 =	sadd.s32 $0x10, s0;
	v28 =	vadd.s32 v29, v28  }
0x4ca: {  	v29 =	vadd.s32 s1, v10;
	[tilespmem:s0+$0x0] =	vst v28  }
0x4cb: {  	v28 =	vadd.s32 s1, v11;
	v27 =	vld.idx.msk [tilespmem:v27+s17+$0x0], $0xffff  }
0x4cc: {  	v32 =	vadd.s32 s1, v12;
	v26 =	vld.idx.msk [tilespmem:v26+s17+$0x0], $0xffff  }
0x4cd: {  	v33 =	vadd.s32 s1, v13;
	v31 =	vld.idx.msk [tilespmem:v31+s17+$0x0], $0xffff  }
0x4ce: {  	v34 =	vadd.s32 s1, v14;
	v30 =	vld.idx.msk [tilespmem:v30+s17+$0x0], $0xffff  }
0x4cf: {  	v35 =	vadd.s32 s1, v15;
	v29 =	vld.idx.msk [tilespmem:v29+s17+$0x0], $0xffff  }
0x4d0: {  	v36 =	vadd.s32 s1, v16;
	v28 =	vld.idx.msk [tilespmem:v28+s17+$0x0], $0xffff  }
0x4d1: {  	v37 =	vadd.s32 s1, v17;
	v32 =	vld.idx.msk [tilespmem:v32+s17+$0x0], $0xffff  }
0x4d2: {  	v26 =	vadd.s32 v26, v27;
	v27 =	vld.idx.msk [tilespmem:v33+s17+$0x0], $0xffff;
	v33 =	vadd.s32 s1, v18  }
0x4d3: {  	v26 =	vadd.s32 v31, v26;
	v31 =	vld.idx.msk [tilespmem:v34+s17+$0x0], $0xffff;
	v34 =	vadd.s32 s1, v19  }
0x4d4: {  	v26 =	vadd.s32 v30, v26;
	v30 =	vld.idx.msk [tilespmem:v35+s17+$0x0], $0xffff;
	v35 =	vadd.s32 s1, v20  }
0x4d5: {  	v26 =	vadd.s32 v29, v26;
	v29 =	vadd.s32 s1, v21;
	s1 =	smov.u32 s2;
	v36 =	vld.idx.msk [tilespmem:v36+s17+$0x0], $0xffff  }
0x4d6: {  	v26 =	vadd.s32 v28, v26;
	v37 =	vld.idx.msk [tilespmem:v37+s17+$0x0], $0xffff  }
0x4d7: {  	v26 =	vadd.s32 v32, v26;
	v32 =	vld.idx.msk [tilespmem:v33+s17+$0x0], $0xffff  }
0x4d8: {  	v26 =	vadd.s32 v27, v26;
	v33 =	vld.idx.msk [tilespmem:v34+s17+$0x0], $0xffff  }
0x4d9: {  	v26 =	vadd.s32 v31, v26;
	v28 =	vld.idx.msk [tilespmem:v35+s17+$0x0], $0xffff  }
.Ltmp42:
0x4da: {  	v26 =	vadd.s32 v30, v26;
	v29 =	vld.idx.msk [tilespmem:v29+s17+$0x0], $0xffff;
	(pc) =	sbr.rel @!p0 .LBB2_72-.Ltmp42, $4  }
0x4db: {  	v26 =	vadd.s32 v36, v26  }
0x4dc: {  	v26 =	vadd.s32 v37, v26  }
0x4dd: {  	v27 =	vadd.s32 s2, v7;
	v30 =	vadd.s32 v32, v26  }
0x4de: {  	s2 =	sadd.s32 $0x110, s2;
	v26 =	vadd.s32 s1, v3;
	v30 =	vadd.s32 v33, v30  }
0x4df: {  	_ = 	snop  }
0x4e0: {  	v31 =	vadd.s32 s1, v8;
	v28 =	vadd.s32 v28, v30  }
0x4e1: {  	v30 =	vadd.s32 s1, v9;
	s0 =	sadd.s32 $0x10, s0;
	v28 =	vadd.s32 v29, v28  }
0x4e2: {  	v29 =	vadd.s32 s1, v10;
	[tilespmem:s0+$0x0] =	vst v28  }
0x4e3: {  	v28 =	vadd.s32 s1, v11;
	v27 =	vld.idx.msk [tilespmem:v27+s17+$0x0], $0xffff  }
0x4e4: {  	v32 =	vadd.s32 s1, v12;
	v26 =	vld.idx.msk [tilespmem:v26+s17+$0x0], $0xffff  }
0x4e5: {  	v33 =	vadd.s32 s1, v13;
	v31 =	vld.idx.msk [tilespmem:v31+s17+$0x0], $0xffff  }
0x4e6: {  	v34 =	vadd.s32 s1, v14;
	v30 =	vld.idx.msk [tilespmem:v30+s17+$0x0], $0xffff  }
0x4e7: {  	v35 =	vadd.s32 s1, v15;
	v29 =	vld.idx.msk [tilespmem:v29+s17+$0x0], $0xffff  }
0x4e8: {  	v36 =	vadd.s32 s1, v16;
	v28 =	vld.idx.msk [tilespmem:v28+s17+$0x0], $0xffff  }
0x4e9: {  	v37 =	vadd.s32 s1, v17;
	v32 =	vld.idx.msk [tilespmem:v32+s17+$0x0], $0xffff;
	v26 =	vadd.s32 v26, v27  }
0x4ea: {  	v57 =	vadd.s32 s1, v18;
	v27 =	vld.idx.msk [tilespmem:v33+s17+$0x0], $0xffff;
	v26 =	vadd.s32 v31, v26  }
0x4eb: {  	v58 =	vadd.s32 s1, v19;
	v31 =	vld.idx.msk [tilespmem:v34+s17+$0x0], $0xffff;
	v26 =	vadd.s32 v30, v26  }
0x4ec: {  	v59 =	vadd.s32 s1, v20;
	v30 =	vld.idx.msk [tilespmem:v35+s17+$0x0], $0xffff;
	v26 =	vadd.s32 v29, v26  }
0x4ed: {  	v60 =	vadd.s32 s1, v21;
	v29 =	vld.idx.msk [tilespmem:v36+s17+$0x0], $0xffff;
	v26 =	vadd.s32 v28, v26  }
0x4ee: {  	v28 =	vld.idx.msk [tilespmem:v37+s17+$0x0], $0xffff;
	v26 =	vadd.s32 v32, v26  }
0x4ef: {  	v61 =	vld.idx.msk [tilespmem:v57+s17+$0x0], $0xffff;
	v26 =	vadd.s32 v27, v26  }
0x4f0: {  	v27 =	vld.idx.msk [tilespmem:v58+s17+$0x0], $0xffff;
	v26 =	vadd.s32 v31, v26  }
0x4f1: {  	v31 =	vld.idx.msk [tilespmem:v59+s17+$0x0], $0xffff;
	v26 =	vadd.s32 v30, v26  }
0x4f2: {  	v30 =	vld.idx.msk [tilespmem:v60+s17+$0x0], $0xffff;
	v26 =	vadd.s32 v29, v26  }
0x4f3: {  	v26 =	vadd.s32 v28, v26  }
0x4f4: {  	v26 =	vadd.s32 v61, v26  }
0x4f5: {  	v26 =	vadd.s32 v27, v26  }
0x4f6: {  	v26 =	vadd.s32 v31, v26  }
0x4f7: {  	s0 =	sadd.s32 $0x10, s0;
	v26 =	vadd.s32 v30, v26  }
0x4f8: {  	s3 =	simm.s32 $0x1B3F0;
	[tilespmem:s0+$0x0] =	vst v26  }
0x4f9: {  	v27 =	vld [tilespmem:s3+$0x0];
	_ =	sdelay $0x1  }
0x4fa: {  	s7 =	simm.s32 $0x1B3E0  }
0x4fb: {  	v28 =	vld [tilespmem:s7+$0x0];
	_ =	sdelay $0x1  }
0x4fc: {  	s8 =	simm.s32 $0x1B3D0;
	v29 =	vperm.xlane v27, v22;
	(xrf0) =	vadd.scan.msk.s32 $0xffff, v27  }
0x4fd: {  	v27 =	vld [tilespmem:s8+$0x0]  }
0x4fe: {  	(xrf0) =	vadd.scan.msk.s32 $0xffff, v29  }
0x4ff: {  	v29 =	vperm.xlane v28, v22;
	(xrf0) =	vadd.scan.msk.s32 $0xffff, v28;
	_ =	sdelay $0x1  }
0x500: {  	(xrf0) =	vadd.scan.msk.s32 $0xffff, v29  }
0x501: {  	s9 =	simm.s32 $0x1B3C0;
	(xrf0) =	vadd.scan.msk.s32 $0xffff, v27;
	v28, _, _ =	vpop (xrf0)  }
0x502: {  	v27 =	vperm.xlane v27, v22;
	(v2sf) =	vpush v28, $0xF;
	v28 =	vld [tilespmem:s9+$0x0]  }
0x503: {  	v29, _, _ =	vpop (xrf0)  }
0x504: {  	v30, _, _ =	vpop (xrf0)  }
0x505: {  	(v2sf) =	vpush v30, $0xF  }
0x506: {  	(xrf0) =	vadd.scan.msk.s32 $0xffff, v27;
	v27, _, _ =	vpop (xrf0)  }
0x507: {  	v29 =	vperm.xlane v29, v22;
	v30 =	vperm.xlane v28, v22;
	(xrf0) =	vadd.scan.msk.s32 $0xffff, v28;
	v28, _, _ =	vpop (xrf0)  }
0x508: {  	s2 =	simm.s32 $0x0;
	(v2sf) =	vpush v28, $0xF  }
0x509: {  	s6 =	simm.s32 $0xF0;
	v26 =	vmov s28;
	v29 =	vadd.s32 s2, v29  }
0x50a: {  	vm0 =	vlt.s32 v29, v26;
	v28 =	vor.u32 s6, v23  }
0x50b: {  	(xrf0) =	vadd.scan.msk.s32 $0xffff, v30;
	v28 =	vsel vm0, $0x7FFFFFFF, v28  }
0x50c: {  	(xrf0) =	vmax.scan.msk.u32 $0xffff, v28  }
0x50d: {  	s10 =	simm.s32 $0x1B3B0  }
0x50e: {  	v30 =	vld [tilespmem:s10+$0x0]  }
0x50f: {  	v28, _, _ =	vpop (xrf0)  }
0x510: {  	s11 =	simm.s32 $0x1B3A0;
	v29, _, _ =	vpop (xrf0)  }
0x511: {  	v62 =	vld [tilespmem:s11+$0x0];
	v27 =	vperm.xlane v27, v22;
	(v2sf) =	vpush v29, $0xF;
	v29, _, _ =	vpop (xrf0);
	s12 =	spop (v2sf)  }
0x512: {  	v31, _, _ =	vpop (xrf0);
	s13 =	sadd.s32 $0x0, s12  }
0x513: {  	s14 =	simm.s32 $0xE0;
	s15 =	simm.s32 $0x1B390;
	(v2sf) =	vpush v31, $0xF;
	v31 =	vperm.xlane v30, v22;
	v27 =	vadd.s32 s13, v27  }
0x514: {  	v28 =	vperm.xlane v28, v22;
	(xrf0) =	vadd.scan.msk.s32 $0xffff, v30;
	v30 =	vld [tilespmem:s15+$0x0];
	vm0 =	vlt.s32 v27, v26;
	v27 =	vor.u32 s14, v23;
	s16 =	spop (v2sf)  }
0x515: {  	(xrf0) =	vadd.scan.msk.s32 $0xffff, v31;
	v27 =	vsel vm0, $0x7FFFFFFF, v27;
	s1 =	sadd.s32 s13, s16  }
0x516: {  	s17 =	simm.s32 $0xD0;
	(xrf0) =	vmax.scan.msk.u32 $0xffff, v27;
	v27 =	vperm.xlane v62, v22;
	v28 =	vadd.s32 s1, v28  }
0x517: {  	v29 =	vperm.xlane v29, v22;
	(xrf0) =	vadd.scan.msk.s32 $0xffff, v62;
	vm0 =	vlt.s32 v28, v26;
	v28 =	vor.u32 s17, v23;
	s22 =	spop (v2sf)  }
0x518: {  	(xrf0) =	vadd.scan.msk.s32 $0xffff, v27;
	v27 =	vsel vm0, $0x7FFFFFFF, v28;
	s1 =	sadd.s32 s1, s22  }
0x519: {  	s23 =	simm.s32 $0xC0;
	(xrf0) =	vmax.scan.msk.u32 $0xffff, v27;
	v27 =	vperm.xlane v30, v22;
	v28 =	vadd.s32 s1, v29  }
0x51a: {  	(xrf0) =	vadd.scan.msk.s32 $0xffff, v30;
	vm0 =	vlt.s32 v28, v26;
	v28 =	vor.u32 s23, v23  }
0x51b: {  	v29, _, _ =	vpop (xrf0);
	(xrf0) =	vadd.scan.msk.s32 $0xffff, v27;
	v27 =	vsel vm0, $0x7FFFFFFF, v28  }
0x51c: {  	v31, _, _ =	vpop (xrf0)  }
0x51d: {  	v28, _, _ =	vpop (xrf0)  }
0x51e: {  	(v2sf) =	vpush v29, $0xF;
	(xrf0) =	vmax.scan.msk.u32 $0xffff, v27;
	v27, _, _ =	vpop (xrf0)  }
0x51f: {  	s24 =	simm.s32 $0x1B380;
	(v2sf) =	vpush v28, $0xF;
	v63, _, _ =	vpop (xrf0)  }
0x520: {  	v30 =	vld [tilespmem:s24+$0x0];
	(v2sf) =	vpush v27, $0xF;
	v28, _, _ =	vpop (xrf0)  }
0x521: {  	s25 =	spop (v2sf);
	(v2sf) =	vpush v28, $0xF;
	_ =	sdelay $0x3  }
0x522: {  	v29 =	vperm.xlane v30, v22;
	(xrf0) =	vadd.scan.msk.s32 $0xffff, v30;
	v30, _, _ =	vpop (xrf0)  }
0x523: {  	s31 =	spop (v2sf);
	(v2sf) =	vpush v30, $0xF;
	_ =	sdelay $0x1  }
0x524: {  	v31 =	vperm.xlane v31, v22  }
0x525: {  	s5 =	sadd.s32 s1, s25  }
0x526: {  	s30 =	simm.s32 $0xB0;
	v31 =	vadd.s32 s5, v31  }
0x527: {  	s0 =	simm.s32 $0xFFFFFFFF;
	s3 =	simm.s32 $0x80;
	s7 =	simm.s32 $0x1B370;
	v27 =	vor.u32 s30, v23;
	vm0 =	vlt.s32 v31, v26  }
0x528: {  	s8 =	simm.s32 $0x60;
	s2 =	simm.s32 $0x90;
	(xrf0) =	vadd.scan.msk.s32 $0xffff, v29;
	v31 =	vsel vm0, $0x7FFFFFFF, v27;
	s4 =	sxor.u32 $0x80000000, s31;
	v28, _, _ =	vpop (xrf0)  }
0x529: {  	s6 =	simm.s32 $0xA0;
	s1 =	simm.s32 $0x70;
	v27 =	vperm.xlane v63, v22;
	v29 =	vld [tilespmem:s7+$0x0];
	(xrf0) =	vmax.scan.msk.u32 $0xffff, v31;
	p0 =	slt.s32 s4, $0xFFFFFFFF;
	v28 =	vperm.xlane v28, v22;
	v30, _, _ =	vpop (xrf0)  }
.LBB2_74:
0x52a: {  	s9 =	smov.u32 s0  }
0x52b: {  	s0 =	smov.u32 s4;
	s11 =	sadd.s32 $0xFFFFFFF0, s8;
	p1 =	seq.s32 s8, $0x0  }
0x52c: {  	s10 =	spop (v2sf);
	(v2sf) =	vpush v30, $0xF;
	s0 =	smov.u32 @p0 s9;
	s9 =	smov.u32 s8  }
.Ltmp43:
0x52d: {  	s5 =	sadd.s32 s5, s10;
	(pc) =	sbr.rel @!p1 .LBB2_74-.Ltmp43, $4  }
0x52e: {  	s7 =	sadd.s32 $0xFFFFFFF0, s7;
	v33 =	vperm.xlane v29, v22;
	(xrf0) =	vadd.scan.msk.s32 $0xffff, v29;
	v31, _, _ =	vpop (xrf0);
	v32 =	vadd.s32 s5, v27;
	v27 =	vmov v28  }
0x52f: {  	v28 =	vor.u32 s6, v23;
	s6 =	smov.u32 s2;
	s2 =	smov.u32 s3;
	v29 =	vld [tilespmem:s7+$0x0];
	(v2sf) =	vpush v31, $0xF;
	vm0 =	vlt.s32 v32, v26;
	s4 =	spop (v2sf)  }
0x530: {  	s3 =	smov.u32 s1;
	s1 =	smov.u32 s9;
	(xrf0) =	vadd.scan.msk.s32 $0xffff, v33;
	v30, _, _ =	vpop (xrf0);
	v31 =	vsel vm0, $0x7FFFFFFF, v28;
	s4 =	sxor.u32 $0x80000000, s4  }
0x531: {  	s8 =	smov.u32 s11;
	v28 =	vperm.xlane v30, v22;
	(xrf0) =	vmax.scan.msk.u32 $0xffff, v31;
	v30, _, _ =	vpop (xrf0);
	p0 =	sgt.s32 s0, s4  }
0x532: {  	_ =	sdelay $0x1  }
0x533: {  	(v2sf) =	vpush v30, $0xF;
	v60, _, _ =	vpop (xrf0)  }
0x534: {  	(v2sf) =	vpush v60, $0xF;
	_ =	sdelay $0x5  }
0x535: {  	v61 =	vperm.xlane v29, v22  }
0x536: {  	s7 =	spop (v2sf);
	(xrf0) =	vadd.scan.msk.s32 $0xffff, v29  }
0x537: {  	s25 =	spop (v2sf);
	(xrf0) =	vadd.scan.msk.s32 $0xffff, v61  }
0x538: {  	s5 =	sadd.s32 s5, s7;
	s8 =	spop (v2sf)  }
0x539: {  	v27 =	vadd.s32 s5, v27;
	s5 =	sadd.s32 s5, s8  }
0x53a: {  	v29, _, _ =	vpop (xrf0);
	v28 =	vadd.s32 s5, v28  }
0x53b: {  	vm0 =	vlt.s32 v27, v26;
	v27 =	vor.u32 s6, v23;
	v62, _, _ =	vpop (xrf0);
	s30 =	spop (v2sf)  }
0x53c: {  	v27 =	vsel vm0, $0x7FFFFFFF, v27;
	v29 =	vperm.xlane v29, v22;
	v31, _, _ =	vpop (xrf0);
	s31 =	spop (v2sf)  }
0x53d: {  	vm0 =	vlt.s32 v28, v26;
	(xrf0) =	vmax.scan.msk.u32 $0xffff, v27;
	v27 =	vor.u32 s2, v23;
	v28, _, _ =	vpop (xrf0);
	s9 =	sadd.s32 s5, s31;
	s10 =	spop (v2sf)  }
0x53e: {  	v27 =	vsel vm0, $0x7FFFFFFF, v27;
	v28 =	vperm.xlane v28, v22;
	v29 =	vadd.s32 s9, v29;
	s11 =	spop (v2sf)  }
0x53f: {  	v32 =	vor.u32 s3, v23;
	(xrf0) =	vmax.scan.msk.u32 $0xffff, v27;
	vm0 =	vlt.s32 v29, v26;
	s2 =	sadd.s32 s9, s11  }
0x540: {  	v27 =	vsel vm0, $0x7FFFFFFF, v32;
	v28 =	vadd.s32 s2, v28  }
0x541: {  	(xrf0) =	vmax.scan.msk.u32 $0xffff, v27;
	vm0 =	vlt.s32 v28, v26;
	v26 =	vor.u32 s1, v23  }
0x542: {  	(v2sf) =	vpush v62, $0xF;
	v26 =	vsel vm0, $0x7FFFFFFF, v26  }
0x543: {  	(v2sf) =	vpush v31, $0xF;
	v27, _, _ =	vpop (xrf0);
	(xrf0) =	vmax.scan.msk.u32 $0xffff, v26  }
0x544: {  	(v2sf) =	vpush v27, $0xF  }
0x545: {  	v26, _, _ =	vpop (xrf0)  }
0x546: {  	(v2sf) =	vpush v26, $0xF  }
0x547: {  	v26, _, _ =	vpop (xrf0)  }
0x548: {  	(v2sf) =	vpush v26, $0xF  }
0x549: {  	v26, _, _ =	vpop (xrf0)  }
0x54a: {  	(v2sf) =	vpush v26, $0xF;
	_ =	sdelay $0x1  }
0x54b: {  	s4 =	smov.u32 @p0 s0;
	s0 =	sxor.u32 $0x80000000, s25  }
0x54c: {  	p0 =	sgt.s32 s4, s0  }
0x54d: {  	s0 =	smov.u32 @p0 s4;
	s1 =	sxor.u32 $0x80000000, s30  }
0x54e: {  	p0 =	sgt.s32 s0, s1  }
0x54f: {  	s1 =	smov.u32 @p0 s0;
	s0 =	sxor.u32 $0x80000000, s10  }
0x550: {  	s12 =	spop (v2sf);
	p0 =	sgt.s32 s1, s0  }
0x551: {  	s13 =	spop (v2sf);
	s0 =	smov.u32 @p0 s1;
	s1 =	sxor.u32 $0x80000000, s12  }
0x552: {  	p0 =	sgt.s32 s0, s1;
	s2 =	spop (v2sf)  }
0x553: {  	s1 =	smov.u32 @p0 s0;
	s0 =	sxor.u32 $0x80000000, s2  }
0x554: {  	p0 =	sgt.s32 s1, s0;
	s14 =	spop (v2sf)  }
0x555: {  	s0 =	smov.u32 @p0 s1;
	s1 =	sxor.u32 $0x80000000, s14  }
0x556: {  	s15 =	spop (v2sf);
	p0 =	sgt.s32 s0, s1  }
0x557: {  	s2 =	sxor.u32 $0x80000000, s15;
	s1 =	smov.u32 @p0 s0  }
0x558: {  	s17 =	simm.s32 $0x1B300;
	p0 =	sgt.s32 s1, s2;
	s16 =	spop (v2sf)  }
0x559: {  	s22 =	simm.s32 $0x1B310;
	v27 =	vld [tilespmem:s17+$0x0];
	s2 =	smov.u32 @p0 s1;
	s0 =	sxor.u32 $0x80000000, s16  }
0x55a: {  	v28 =	vld [tilespmem:s22+$0x0];
	p0 =	sgt.s32 s2, s0  }
0x55b: {  	s1 =	simm.s32 $0x0;
	s0 =	smov.u32 @p0 s2  }
0x55c: {  	s23 =	simm.s32 $0x10;
	v29 =	vor.u32 s1, v0;
	v26 =	vmov s0  }
0x55d: {  	vm0 =	vgt.s32 v29, v26;
	v29 =	vor.u32 s23, v0  }
0x55e: {  	v27 =	vnsel vm0, $0x0, v27;
	vm0 =	vgt.s32 v29, v26  }
0x55f: {  	(xrf0) =	vadd.scan.msk.s32 $0xffff, v27;
	v27 =	vnsel vm0, $0x0, v28  }
0x560: {  	s24 =	simm.s32 $0x1B320;
	(xrf0) =	vadd.scan.msk.s32 $0xffff, v27  }
0x561: {  	s30 =	simm.s32 $0x20;
	v27 =	vld [tilespmem:s24+$0x0]  }
0x562: {  	s31 =	simm.s32 $0x30;
	v29 =	vor.u32 s30, v0  }
0x563: {  	vm0 =	vgt.s32 v29, v26;
	v29 =	vor.u32 s31, v0;
	_ =	sdelay $0x1  }
0x564: {  	v63, _, _ =	vpop (xrf0)  }
0x565: {  	v27 =	vnsel vm0, $0x0, v27;
	vm0 =	vgt.s32 v29, v26;
	(v2sf) =	vpush v63, $0xF;
	v29, _, _ =	vpop (xrf0)  }
0x566: {  	(v2sf) =	vpush v29, $0xF;
	_ =	sdelay $0x2  }
0x567: {  	s25 =	simm.s32 $0x1B330  }
0x568: {  	v28 =	vld [tilespmem:s25+$0x0];
	(xrf0) =	vadd.scan.msk.s32 $0xffff, v27;
	_ =	sdelay $0x4  }
0x569: {  	s3 =	simm.s32 $0x1B340;
	s2 =	simm.s32 $0x40;
	v27 =	vnsel vm0, $0x0, v28  }
.LBB2_76:
0x56a: {  	v28 =	vld [tilespmem:s3+$0x0];
	p0 =	sne.s32 s2, $0xF0;
	(xrf0) =	vadd.scan.msk.s32 $0xffff, v27;
	v27, _, _ =	vpop (xrf0);
	s4 =	smov.u32 s2;
	s2 =	sadd.s32 $0x10, s2  }
.Ltmp44:
0x56b: {  	(v2sf) =	vpush v27, $0xF;
	(pc) =	sbr.rel @p0 .LBB2_76-.Ltmp44, $4  }
0x56c: {  	_ = 	snop  }
0x56d: {  	v27 =	vor.u32 s4, v0  }
0x56e: {  	vm0 =	vgt.s32 v27, v26;
	s4 =	spop (v2sf)  }
0x56f: {  	s3 =	sadd.s32 $0x10, s3;
	v27 =	vnsel vm0, $0x0, v28;
	s1 =	sadd.s32 s1, s4  }
0x570: {  	(xrf0) =	vadd.scan.msk.s32 $0xffff, v27;
	_ =	sdelay $0x4  }
0x571: {  	v26, _, _ =	vpop (xrf0)  }
0x572: {  	(v2sf) =	vpush v26, $0xF;
	v26, _, _ =	vpop (xrf0)  }
0x573: {  	(v2sf) =	vpush v26, $0xF;
	_ =	sdelay $0xa  }
0x574: {  	p0 =	slt.s32 s29, $0x1  }
.Ltmp45:
0x575: {  	s2 =	spop (v2sf);
	(pc) =	sbr.rel @p0 .LBB2_90-.Ltmp45, $4  }
0x576: {  	s1 =	sadd.s32 s1, s2;
	s25 =	spop (v2sf)  }
0x577: {  	s1 =	sadd.s32 s1, s25;
	s30 =	spop (v2sf)  }
0x578: {  	s1 =	sadd.s32 s1, s30;
	s31 =	spop (v2sf)  }
0x579: {  	s1 =	sadd.s32 s1, s31  }
0x57a: {  	s2 =	simm.s32 $0x14000  }
0x57b: {  	v26 =	vld [tilespmem:s2+$0x0];
	_ =	sdelay $0x1  }
0x57c: {  	s1 =	ssub.s32 s28, s1;
	p1 =	sne.s32 s29, $0x1  }
.Ltmp46:
0x57d: {  	s31 =	sadd.s32 s26, s0;
	s0 =	simm.s32 $0x0;
	(pc) =	sbr.rel @!p1 .LBB2_79-.Ltmp46, $4  }
0x57e: {  	v28 =	vmov s31;
	v27 =	vmov s1;
	v29 =	vor.u32 s0, v0  }
0x57f: {  	vm0 =	vlt.s32 v29, v25;
	vm4 =	vgt.s32 v26, v28;
	vm6 =	veq.s32 v26, v28  }
0x580: {  	v29 =	vmov s0;
	vm9 =	vmand vm0, vm4;
	vm4 =	vmand vm0, vm6  }
0x581: {  	p0 =	por $0x0, $0x0;
	s1 =	simm.s32 $0x16080;
	s2 =	sadd.s32 $0xFFFFFFFF, s29;
	v29 =	vadd.s32 $0xFFFFFFFF, v29;
	v31 =	vsel vm9, $0x1, v4;
	v30 =	vsel vm4, $0x1, v4  }
0x582: {  	(xrf0) =	vadd.scan.msk.s32 $0xffff, v31;
	_ =	sdelay $0x5  }
0x583: {  	v31, _, _ =	vpop (xrf0);
	(xrf0) =	vadd.scan.msk.s32 $0xffff, v30;
	_ =	sdelay $0x2  }
0x584: {  	(v2sf) =	vpush v31, $0xF;
	_ =	sdelay $0x1  }
0x585: {  	v29 =	vbroadcast v29, $0x0  }
0x586: {  	v30, _, _ =	vpop (xrf0)  }
0x587: {  	v29 =	vadd.s32 v30, v29  }
0x588: {  	vm0 =	vlt.s32 v29, v27  }
0x589: {  	vm0 =	vmand vm4, vm0  }
0x58a: {  	v29 =	vsel vm0, $0x1, v4  }
0x58b: {  	(xrf0) =	vadd.scan.msk.s32 $0xffff, v29;
	_ =	sdelay $0x2  }
0x58c: {  	(v2sf) =	vpush v30, $0xF;
	_ =	sdelay $0x2  }
0x58d: {  	v31 =	vld [tilespmem:s1+$0x0];
	v29, _, _ =	vpop (xrf0)  }
0x58e: {  	s3 =	spop (v2sf);
	(v2sf) =	vpush v29, $0xF;
	_ =	sdelay $0x2  }
0x58f: {  	[tilespmem:s0+$0x1B400] =	vst.msk vm9, v26  }
0x590: {  	[tilespmem:s0+$0x1B500] =	vst.msk vm9, v31;
	s6 =	sadd.s32 $0x0, s3  }
0x591: {  	[tilespmem:s6+$0x1B400] =	vst.msk vm0, v26  }
0x592: {  	s3 =	simm.s32 $0x14010;
	[tilespmem:s6+$0x1B500] =	vst.msk vm0, v31  }
0x593: {  	v26 =	vld [tilespmem:s3+$0x0];
	_ =	sdelay $0x1  }
0x594: {  	p1 =	sne.s32 s2, $0x1  }
.Ltmp47:
0x595: {  	s4 =	simm.s32 $0x10;
	(pc) =	sbr.rel @!p1 .LBB2_87-.Ltmp47, $4  }
0x596: {  	v29 =	vor.u32 s4, v0;
	s5 =	spop (v2sf)  }
0x597: {  	vm0 =	vlt.s32 v29, v25;
	s5 =	sadd.s32 $0x0, s5;
	vm4 =	vgt.s32 v26, v28;
	vm6 =	veq.s32 v26, v28  }
0x598: {  	v29 =	vmov s5;
	vm9 =	vmand vm0, vm4;
	vm4 =	vmand vm0, vm6  }
0x599: {  	s7 =	sadd.s32 $0xFFFFFFFF, s2;
	p0 =	por $0x1, $0x1;
	s2 =	simm.s32 $0x16080;
	v29 =	vadd.s32 $0xFFFFFFFF, v29;
	v31 =	vsel vm9, $0x1, v4;
	v30 =	vsel vm4, $0x1, v4  }
.LBB2_88:
0x59a: {  	p1 =	sne.s32 s7, $0x1;
	(xrf0) =	vadd.scan.msk.s32 $0xffff, v31;
	s2 =	sadd.s32 $0x10, s2;
	s8 =	spop (v2sf)  }
0x59b: {  	s7 =	sadd.s32 $0xFFFFFFFF, s7;
	v31 =	vld [tilespmem:s2+$0x0];
	(xrf0) =	vadd.scan.msk.s32 $0xffff, v30;
	s6 =	sadd.s32 s6, s8  }
0x59c: {  	[tilespmem:s6+$0x1B400] =	vst.msk vm9, v26;
	_ =	sdelay $0x2  }
0x59d: {  	v29 =	vbroadcast v29, $0x0  }
0x59e: {  	[tilespmem:s6+$0x1B500] =	vst.msk vm9, v31;
	v30, _, _ =	vpop (xrf0)  }
0x59f: {  	(v2sf) =	vpush v30, $0xF;
	v30, _, _ =	vpop (xrf0)  }
0x5a0: {  	v29 =	vadd.s32 v30, v29;
	(v2sf) =	vpush v30, $0xF  }
0x5a1: {  	vm0 =	vlt.s32 v29, v27  }
0x5a2: {  	vm0 =	vmand vm4, vm0  }
0x5a3: {  	v29 =	vsel vm0, $0x1, v4  }
0x5a4: {  	(xrf0) =	vadd.scan.msk.s32 $0xffff, v29;
	_ =	sdelay $0x5  }
0x5a5: {  	v29, _, _ =	vpop (xrf0)  }
0x5a6: {  	(v2sf) =	vpush v29, $0xF;
	_ =	sdelay $0x2  }
0x5a7: {  	s8 =	spop (v2sf)  }
0x5a8: {  	s6 =	sadd.s32 s6, s8;
	s8 =	spop (v2sf)  }
0x5a9: {  	[tilespmem:s6+$0x1B400] =	vst.msk vm0, v26;
	s5 =	sadd.s32 s5, s8  }
0x5aa: {  	s3 =	sadd.s32 $0x10, s3;
	v29 =	vmov s5;
	[tilespmem:s6+$0x1B500] =	vst.msk vm0, v31  }
0x5ab: {  	v26 =	vld [tilespmem:s3+$0x0];
	v29 =	vadd.s32 $0xFFFFFFFF, v29;
	_ =	sdelay $0x2  }
.Ltmp48:
0x5ac: {  	s4 =	sadd.s32 $0x10, s4;
	(pc) =	sbr.rel @p1 .LBB2_88-.Ltmp48, $4  }
0x5ad: {  	v30 =	vor.u32 s4, v0  }
0x5ae: {  	vm0 =	vlt.s32 v30, v25;
	vm4 =	vgt.s32 v26, v28;
	vm6 =	veq.s32 v26, v28  }
0x5af: {  	vm9 =	vmand vm0, vm4;
	vm4 =	vmand vm0, vm6  }
0x5b0: {  	v31 =	vsel vm9, $0x1, v4;
	v30 =	vsel vm4, $0x1, v4  }
.LBB2_89:
0x5b1: {  	(xrf0) =	vadd.scan.msk.s32 $0xffff, v31  }
0x5b2: {  	(xrf0) =	vadd.scan.msk.s32 $0xffff, v30;
	_ =	sdelay $0x4  }
0x5b3: {  	v25 =	vbroadcast v29, $0x0;
	v28, _, _ =	vpop (xrf0)  }
0x5b4: {  	v63, _, _ =	vpop (xrf0)  }
0x5b5: {  	v25 =	vadd.s32 v63, v25  }
0x5b6: {  	vm0 =	vlt.s32 v25, v27  }
0x5b7: {  	vm0 =	vmand vm4, vm0  }
0x5b8: {  	v25 =	vsel vm0, $0x1, v4  }
0x5b9: {  	(xrf0) =	vadd.scan.msk.s32 $0xffff, v25;
	_ =	sdelay $0x3  }
0x5ba: {  	(v2sf) =	vpush v28, $0xF;
	_ =	sdelay $0x1  }
0x5bb: {  	(v2sf) =	vpush v63, $0xF;
	v25, _, _ =	vpop (xrf0)  }
0x5bc: {  	(v2sf) =	vpush v25, $0xF;
	_ =	sdelay $0x5  }
0x5bd: {  	s2 =	sadd.s32 @p0 $0x10, s2  }
0x5be: {  	s1 =	smov.u32 @p0 s2  }
0x5bf: {  	v25 =	vld [tilespmem:s1+$0x0]  }
0x5c0: {  	s1 =	spop @p0 (v2sf)  }
0x5c1: {  	s1 =	sadd.s32 @p0 s6, s1  }
0x5c2: {  	s0 =	smov.u32 @p0 s1  }
0x5c3: {  	[tilespmem:s0+$0x1B400] =	vst.msk vm9, v26;
	s29 =	spop (v2sf)  }
0x5c4: {  	[tilespmem:s0+$0x1B500] =	vst.msk vm9, v25;
	s0 =	sadd.s32 s0, s29  }
0x5c5: {  	s30 =	spop (v2sf);
	[tilespmem:s0+$0x1B400] =	vst.msk vm0, v26  }
0x5c6: {  	[tilespmem:s0+$0x1B500] =	vst.msk vm0, v25;
	s31 =	spop (v2sf)  }
.LBB2_90:
0x5c7: {  	s0 =	simm.s32 $0x0;
	s1 =	simm.s32 $0x0  }
.LBB2_91:
0x5c8: {  	v25 =	vadd.s32 s0, v0  }
0x5c9: {  	s2 =	simm.s32 $0x3;
	s3 =	sand.u32 $0x70, s0;
	v25 =	vand.u32 $0xF, v25  }
0x5ca: {  	v26 =	vadd.s32 s2, v0;
	v27 =	vor.u32 s3, v25  }
0x5cb: {  	s28 =	simm.s32 $0x1;
	v25 =	vand.u32 $0xF, v26  }
0x5cc: {  	s26 =	simm.s32 $0x2;
	s4 =	sshll.u32 s1, $0x4;
	v30 =	vadd.s32 s28, v0;
	v28 =	vor.u32 s3, v25  }
0x5cd: {  	v26 =	vadd.s32 s26, v0;
	v30 =	vand.u32 $0xF, v30;
	v25 =	vld [tilespmem:s4+$0x1B400]  }
0x5ce: {  	v29 =	vand.u32 $0xF, v26;
	v26 =	vld [tilespmem:s4+$0x1B500];
	v30 =	vor.u32 s3, v30  }
0x5cf: {  	v32 =	vld.idx.msk [tilespmem:v27+s18+$0x0], $0xffff  }
0x5d0: {  	v29 =	vor.u32 s3, v29;
	v33 =	vld.idx.msk [tilespmem:v27+s19+$0x0], $0xffff  }
0x5d1: {  	v34 =	vld.idx.msk [tilespmem:v28+s18+$0x0], $0xffff  }
0x5d2: {  	v35 =	vld.idx.msk [tilespmem:v28+s19+$0x0], $0xffff  }
0x5d3: {  	s31 =	simm.s32 $0x7;
	s5 =	simm.s32 $0x5;
	v38 =	vld.idx.msk [tilespmem:v30+s18+$0x0], $0xffff  }
0x5d4: {  	s29 =	simm.s32 $0x4;
	v31 =	vadd.s32 s31, v0;
	v39 =	vadd.s32 s5, v0;
	v41 =	vld.idx.msk [tilespmem:v30+s19+$0x0], $0xffff  }
0x5d5: {  	s30 =	simm.s32 $0x6;
	s2 =	sand.u32 $0x70, s29;
	v40 =	vand.u32 $0xF, v31;
	v27 =	vadd.s32 s29, v0;
	v28 =	vimm.s32 $0x0;
	v36 =	vld.idx.msk [tilespmem:v29+s18+$0x0], $0xffff  }
0x5d6: {  	v27 =	vand.u32 $0xF, v27;
	v30 =	vor.u32 s2, v40;
	v37 =	vld.idx.msk [tilespmem:v29+s19+$0x0], $0xffff;
	v29 =	vadd.s32 s30, v0  }
0x5d7: {  	v31 =	vor.u32 s2, v27;
	v27 =	vand.u32 $0xF, v39;
	v29 =	vand.u32 $0xF, v29  }
0x5d8: {  	v27 =	vor.u32 s2, v27;
	v29 =	vor.u32 s2, v29;
	vm9 =	vgt.s32 v32, v25  }
0x5d9: {  	vm6 =	veq.s32 v32, v25;
	vm7 =	vlt.s32 v33, v26;
	vm4 =	vgt.s32 v34, v25  }
0x5da: {  	vm12 =	veq.s32 v34, v25;
	vm14 =	vlt.s32 v35, v26;
	vm10 =	vgt.s32 v38, v25  }
0x5db: {  	vm15 =	vmand vm6, vm7;
	vm6 =	veq.s32 v38, v25;
	vm7 =	vlt.s32 v41, v26  }
0x5dc: {  	s2 =	simm.s32 $0x8;
	vm0 =	vgt.s32 v36, v25;
	vm11 =	veq.s32 v36, v25;
	vm13 =	vlt.s32 v37, v26  }
.LBB2_92:
0x5dd: {  	p0 =	sne.s32 s2, $0x7C;
	v32 =	vld.idx.msk [tilespmem:v31+s18+$0x0], $0xffff;
	vm9 =	vmor vm9, vm15;
	vm6 =	vmand vm6, vm7;
	vm7 =	vmand vm12, vm14  }
0x5de: {  	v33 =	vld.idx.msk [tilespmem:v31+s19+$0x0], $0xffff;
	v31 =	vsel vm9, $0x1, v4;
	vm6 =	vmor vm10, vm6;
	vm9 =	vmand vm11, vm13  }
0x5df: {  	v34 =	vld.idx.msk [tilespmem:v30+s18+$0x0], $0xffff;
	v28 =	vadd.s32 v31, v28;
	v31 =	vsel vm6, $0x1, v4;
	vm0 =	vmor vm0, vm9  }
0x5e0: {  	v35 =	vld.idx.msk [tilespmem:v30+s19+$0x0], $0xffff;
	v28 =	vadd.s32 v31, v28;
	v30 =	vsel vm0, $0x1, v4;
	vm0 =	vmor vm4, vm7  }
0x5e1: {  	v36 =	vld.idx.msk [tilespmem:v29+s18+$0x0], $0xffff;
	v28 =	vadd.s32 v30, v28;
	v30 =	vsel vm0, $0x1, v4  }
0x5e2: {  	s3 =	sadd.s32 $0x2, s2;
	s4 =	sadd.s32 $0x3, s2;
	v31 =	vadd.s32 s2, v0;
	v37 =	vld.idx.msk [tilespmem:v29+s19+$0x0], $0xffff;
	v28 =	vadd.s32 v30, v28  }
0x5e3: {  	s5 =	sadd.s32 $0x1, s2;
	v29 =	vand.u32 $0xF, v31;
	v30 =	vadd.s32 s3, v0;
	v31 =	vadd.s32 s4, v0;
	v38 =	vld.idx.msk [tilespmem:v27+s18+$0x0], $0xffff  }
0x5e4: {  	v39 =	vadd.s32 s5, v0;
	s3 =	sand.u32 $0x70, s2;
	v40 =	vand.u32 $0xF, v30;
	v30 =	vand.u32 $0xF, v31;
	v41 =	vld.idx.msk [tilespmem:v27+s19+$0x0], $0xffff  }
0x5e5: {  	v31 =	vor.u32 s3, v29;
	v27 =	vand.u32 $0xF, v39;
	v30 =	vor.u32 s3, v30  }
.Ltmp49:
0x5e6: {  	vm9 =	vgt.s32 v32, v25;
	v29 =	vor.u32 s3, v40;
	v27 =	vor.u32 s3, v27;
	(pc) =	sbr.rel @p0 .LBB2_92-.Ltmp49, $4  }
0x5e7: {  	vm6 =	veq.s32 v32, v25;
	vm7 =	vlt.s32 v33, v26;
	vm4 =	vgt.s32 v34, v25  }
0x5e8: {  	vm12 =	veq.s32 v34, v25;
	vm14 =	vlt.s32 v35, v26;
	vm0 =	vgt.s32 v36, v25  }
0x5e9: {  	vm11 =	veq.s32 v36, v25;
	vm13 =	vlt.s32 v37, v26;
	vm10 =	vgt.s32 v38, v25  }
0x5ea: {  	s2 =	sadd.s32 $0x4, s2;
	vm15 =	vmand vm6, vm7;
	vm6 =	veq.s32 v38, v25;
	vm7 =	vlt.s32 v41, v26  }
0x5eb: {  	_ =	sdelay $0x3  }
0x5ec: {  	v32 =	vld.idx.msk [tilespmem:v31+s18+$0x0], $0xffff  }
0x5ed: {  	v55 =	vld.idx.msk [tilespmem:v31+s19+$0x0], $0xffff  }
0x5ee: {  	v33 =	vld.idx.msk [tilespmem:v30+s18+$0x0], $0xffff  }
0x5ef: {  	vm9 =	vmor vm9, vm15;
	vm6 =	vmand vm6, vm7;
	vm7 =	vmand vm12, vm14;
	v56 =	vld.idx.msk [tilespmem:v30+s19+$0x0], $0xffff  }
0x5f0: {  	v35 =	vld.idx.msk [tilespmem:v29+s18+$0x0], $0xffff;
	v34 =	vsel vm9, $0x1, v4;
	vm6 =	vmor vm10, vm6;
	vm9 =	vmand vm11, vm13  }
0x5f1: {  	v58 =	vld.idx.msk [tilespmem:v29+s19+$0x0], $0xffff;
	v28 =	vadd.s32 v34, v28;
	v57 =	vsel vm6, $0x1, v4;
	vm0 =	vmor vm0, vm9  }
0x5f2: {  	v36 =	vld.idx.msk [tilespmem:v27+s18+$0x0], $0xffff;
	v28 =	vadd.s32 v57, v28;
	v59 =	vsel vm0, $0x1, v4;
	vm0 =	vmor vm4, vm7  }
0x5f3: {  	v27 =	vld.idx.msk [tilespmem:v27+s19+$0x0], $0xffff;
	v28 =	vadd.s32 v59, v28;
	v60 =	vsel vm0, $0x1, v4  }
0x5f4: {  	v28 =	vadd.s32 v60, v28;
	vm0 =	vgt.s32 v32, v25  }
0x5f5: {  	vm4 =	veq.s32 v32, v25;
	vm6 =	vlt.s32 v55, v26;
	vm7 =	vgt.s32 v33, v25  }
0x5f6: {  	vm9 =	vgt.s32 v35, v25;
	vm10 =	veq.s32 v33, v25;
	vm11 =	vlt.s32 v56, v26  }
0x5f7: {  	vm12 =	vgt.s32 v36, v25;
	vm13 =	veq.s32 v35, v25;
	vm14 =	vlt.s32 v58, v26  }
0x5f8: {  	vm15 =	vlt.s32 v27, v26;
	vm4 =	vmand vm4, vm6;
	vm6 =	veq.s32 v36, v25  }
0x5f9: {  	vm0 =	vmor vm0, vm4;
	vm4 =	vmand vm6, vm15;
	vm6 =	vmand vm10, vm11  }
0x5fa: {  	v27 =	vsel vm0, $0x1, v4;
	vm0 =	vmor vm12, vm4;
	vm4 =	vmand vm13, vm14  }
0x5fb: {  	v27 =	vadd.s32 v27, v28;
	v61 =	vsel vm0, $0x1, v4;
	vm0 =	vmor vm9, vm4  }
0x5fc: {  	v27 =	vadd.s32 v61, v27;
	v62 =	vsel vm0, $0x1, v4;
	vm0 =	vmor vm7, vm6  }
0x5fd: {  	v27 =	vadd.s32 v62, v27;
	v63 =	vsel vm0, $0x1, v4  }
0x5fe: {  	s1 =	sadd.s32 $0x1, s1;
	v27 =	vadd.s32 v63, v27  }
0x5ff: {  	p0 =	sne.s32 s1, $0x8  }
.Ltmp50:
0x600: {  	_ = 	snop;
	(pc) =	sbr.rel @p0 .LBB2_91-.Ltmp50, $3  }
0x601: {  	_ =	sdelay $0x1  }
0x602: {  	[tilespmem:v27+s20+$0x0] =	vst.idx.msk $0xffff, v25  }
0x603: {  	[tilespmem:v27+s21+$0x0] =	vst.idx.msk $0xffff, v26  }
0x604: {  	s0 =	simm.s32 $0x0  }
0x605: {  	v28 =	vld [tilespmem:s0+$0x1B680];
	_ =	sdelay $0x4  }
0x606: {  	(v2sf) =	vpush v28, $0x7  }
0x607: {  	(v2sf) =	vpush v28, $0x6  }
0x608: {  	(v2sf) =	vpush v28, $0x5  }
0x609: {  	(v2sf) =	vpush v28, $0x4  }
0x60a: {  	(v2sf) =	vpush v28, $0xF  }
0x60b: {  	(v2sf) =	vpush v28, $0xE  }
0x60c: {  	(v2sf) =	vpush v28, $0xA  }
0x60d: {  	(v2sf) =	vpush v28, $0x3  }
0x60e: {  	(v2sf) =	vpush v28, $0xD  }
0x60f: {  	(v2sf) =	vpush v28, $0x9  }
0x610: {  	(v2sf) =	vpush v28, $0x2  }
0x611: {  	(v2sf) =	vpush v28, $0xC  }
0x612: {  	s18 =	simm.s32 $0x10;
	(v2sf) =	vpush v28, $0x1  }
0x613: {  	v25 =	vld [tilespmem:s18+$0x1B680]  }
0x614: {  	(v2sf) =	vpush v28, $0x8  }
0x615: {  	(v2sf) =	vpush v28, $0xB;
	s18 =	spop (v2sf)  }
0x616: {  	s16 =	spop (v2sf)  }
0x617: {  	(v2sf) =	vpush v28, $0x0;
	s17 =	spop (v2sf)  }
0x618: {  	(v2sf) =	vpush v25, $0x7;
	s15 =	spop (v2sf)  }
0x619: {  	s14 =	spop (v2sf)  }
0x61a: {  	(v2sf) =	vpush v25, $0x6;
	s20 =	spop (v2sf)  }
0x61b: {  	(v2sf) =	vpush v25, $0x5;
	s25 =	spop (v2sf)  }
0x61c: {  	s28 =	spop (v2sf)  }
0x61d: {  	(v2sf) =	vpush v25, $0x4;
	s31 =	spop (v2sf)  }
0x61e: {  	s26 =	spop (v2sf)  }
0x61f: {  	(v2sf) =	vpush v25, $0xF;
	s2 =	sshra.s32 s25, $0x1F;
	s6 =	spop (v2sf)  }
0x620: {  	s19 =	smul.u32 $0xB40B40B5, s2;
	s8 =	spop (v2sf);
	s10 =	sshra.s32 s6, $0x1F  }
0x621: {  	(v2sf) =	vpush v25, $0xE;
	s5 =	spop (v2sf);
	s7 =	sshra.s32 s8, $0x1F;
	s4 =	smul.u32 $0xB40B40B5, s10  }
0x622: {  	(v2sf) =	vpush v25, $0xA;
	[smem:$0x7E2] =	sst s19;
	s21 =	sshra.s32 s5, $0x1F;
	s24 =	smul.u32 $0xB40B40B5, s7  }
0x623: {  	s9 =	spop (v2sf);
	s22 =	smul.u32 $0xB40B40B5, s21  }
0x624: {  	(v2sf) =	vpush v25, $0x3;
	s11 =	spop (v2sf);
	s23 =	sshra.s32 s9, $0x1F;
	[smem:$0x7EC] =	sst s4  }
0x625: {  	s3 =	sshra.s32 s26, $0x1F;
	[smem:$0x7E1] =	sst s24;
	s1 =	smul.u32 $0xB40B40B5, s23  }
0x626: {  	(v2sf) =	vpush v25, $0xD;
	s21 =	spop (v2sf);
	s23 =	smul.u32 $0xB40B40B5, s3  }
0x627: {  	s13 =	sshra.s32 s28, $0x1F;
	(v2sf) =	vpush v25, $0x9;
	[smem:$0x7EB] =	sst s22;
	s2 =	spop (v2sf)  }
0x628: {  	(v2sf) =	vpush v25, $0x2;
	s22 =	smul.u32 $0xB40B40B5, s13;
	[smem:$0x7E3] =	sst s1  }
0x629: {  	(v2sf) =	vpush v25, $0xC;
	[smem:$0x7F2] =	sst s2;
	s7 =	spop (v2sf)  }
0x62a: {  	(v2sf) =	vpush v25, $0x1;
	s3 =	sshra.s32 s18, $0x1F;
	[smem:$0x7F6] =	sst s7;
	s12 =	spop (v2sf)  }
0x62b: {  	[smem:$0x7E4] =	sst s22;
	s7 =	smul.u32 $0xB40B40B5, s3  }
0x62c: {  	s24 =	sshra.s32 s11, $0x1F;
	[smem:$0x7F5] =	sst s12;
	s19 =	spop (v2sf)  }
0x62d: {  	(v2sf) =	vpush v25, $0x8;
	s29 =	smul.u32 $0xB40B40B5, s24;
	[smem:$0x7F3] =	sst s19  }
0x62e: {  	s12 =	sshra.s32 s20, $0x1F;
	s1 =	spop (v2sf);
	[smem:$0x7F0] =	sst s7  }
0x62f: {  	s13 =	smul.u32 $0xB40B40B5, s12;
	s19 =	sshra.s32 s15, $0x1F;
	[smem:$0x7F4] =	sst s1  }
0x630: {  	s4 =	spop (v2sf);
	s22 =	smul.u32 $0xB40B40B5, s19  }
0x631: {  	s1 =	sshra.s32 s14, $0x1F;
	[smem:$0x7F1] =	sst s4;
	s24 =	spop (v2sf)  }
0x632: {  	s19 =	sshra.s32 s16, $0x1F;
	[smem:$0x7E5] =	sst s13;
	s3 =	smul.u32 $0xB40B40B5, s1  }
0x633: {  	s4 =	sshra.s32 s17, $0x1F;
	s19 =	smul.u32 $0xB40B40B5, s19;
	s12 =	spop (v2sf)  }
0x634: {  	[smem:$0x7E9] =	sst s22;
	s7 =	smul.u32 $0xB40B40B5, s4  }
0x635: {  	s22 =	spop (v2sf);
	[smem:$0x7E6] =	sst s3  }
0x636: {  	[smem:$0x7E8] =	sst s19;
	s13 =	spop (v2sf)  }
0x637: {  	s1 =	sshra.s32 s24, $0x1F;
	[smem:$0x7E7] =	sst s7;
	s7 =	spop (v2sf)  }
0x638: {  	s2 =	smul.u32 $0xB40B40B5, s1;
	s3 =	sshra.s32 s21, $0x1F;
	s30 =	spop (v2sf)  }
0x639: {  	s19 =	smul.u32 $0xB40B40B5, s3;
	s4 =	spop (v2sf)  }
0x63a: {  	[smem:$0x7EE] =	sst s2;
	s0 =	sshra.s32 s4, $0x1F  }
0x63b: {  	[smem:$0x7EA] =	sst s19;
	s2 =	sshra.s32 s30, $0x1F;
	s1 =	smul.u32 $0xB40B40B5, s0  }
0x63c: {  	s19 =	spop (v2sf);
	s0 =	smul.u32 $0xB40B40B5, s2  }
0x63d: {  	s3 =	sshra.s32 s19, $0x1F  }
0x63e: {  	[smem:$0x7ED] =	sst s0;
	s0 =	smul.u32 $0xB40B40B5, s3  }
0x63f: {  	s3 =	smulhi.u32 $0xB40B40B5, s31  }
0x640: {  	[dreg:$0x9] =	wrdreg s1;
	s1 =	smulhi.u32 $0xB40B40B5, s6  }
0x641: {  	[smem:$0x7EF] =	sst s0;
	s0 =	smulhi.u32 $0xB40B40B5, s5  }
0x642: {  	s6 =	ssub.s32 s1, s6;
	s1 =	ssub.s32 s3, s31;
	s3 =	smulhi.u32 $0xB40B40B5, s25  }
0x643: {  	s5 =	ssub.s32 s0, s5;
	s0 =	smulhi.u32 $0xB40B40B5, s8  }
0x644: {  	s3 =	ssub.s32 s3, s25;
	s25 =	sld [smem:$0x7E1]  }
0x645: {  	s0 =	ssub.s32 s0, s8;
	s8 =	smulhi.u32 $0xB40B40B5, s26  }
0x646: {  	s10 =	sshra.s32 s31, $0x1F  }
0x647: {  	s10 =	smul.u32 $0xB40B40B5, s10;
	s25 =	sadd.s32 s25, s0;
	s26 =	ssub.s32 s8, s26  }
0x648: {  	s0 =	smulhi.u32 $0xB40B40B5, s9;
	s31 =	sadd.s32 s23, s26;
	s26 =	sld [smem:$0x7E3]  }
0x649: {  	s2 =	smulhi.u32 $0xB40B40B5, s28  }
0x64a: {  	s0 =	ssub.s32 s0, s9;
	s23 =	smulhi.u32 $0xB40B40B5, s11  }
0x64b: {  	s8 =	smulhi.u32 $0xB40B40B5, s20;
	s0 =	sadd.s32 s26, s0;
	s26 =	sadd.s32 s10, s1  }
0x64c: {  	s1 =	ssub.s32 s23, s11;
	s23 =	sld [smem:$0x7E4];
	s10 =	smulhi.u32 $0xB40B40B5, s14  }
0x64d: {  	s2 =	ssub.s32 s2, s28;
	s28 =	sld [smem:$0x7E2];
	s9 =	smulhi.u32 $0xB40B40B5, s16  }
0x64e: {  	s11 =	smulhi.u32 $0xB40B40B5, s15;
	s10 =	ssub.s32 s10, s14  }
0x64f: {  	s14 =	sshra.s32 s7, $0x1F;
	s2 =	sadd.s32 s23, s2;
	s23 =	simm.s32 $0x20  }
0x650: {  	s28 =	sadd.s32 s28, s3;
	s14 =	smul.u32 $0xB40B40B5, s14;
	v26 =	vld [tilespmem:s23+$0x1B680];
	s23 =	sld [smem:$0x7E5]  }
0x651: {  	s3 =	ssub.s32 s8, s20;
	s8 =	smulhi.u32 $0xB40B40B5, s18;
	s20 =	sadd.s32 s29, s1  }
0x652: {  	s11 =	ssub.s32 s11, s15;
	s15 =	smulhi.u32 $0xB40B40B5, s17;
	[dreg:$0x7] =	wrdreg s14  }
0x653: {  	s14 =	ssub.s32 s8, s18;
	s18 =	sld [smem:$0x7E7];
	s1 =	sadd.s32 s23, s3  }
0x654: {  	s3 =	ssub.s32 s9, s16;
	s16 =	ssub.s32 s15, s17;
	s17 =	sld [smem:$0x7E6]  }
0x655: {  	(v2sf) =	vpush v25, $0xB;
	s15 =	smulhi.u32 $0xB40B40B5, s4;
	s23 =	sld [smem:$0x7E8]  }
0x656: {  	v32 =	vmov s25;
	s25 =	sld [smem:$0x7F4];
	s9 =	smulhi.u32 $0xB40B40B5, s21;
	s8 =	sadd.s32 s18, s16  }
0x657: {  	(v2sf) =	vpush v25, $0x0;
	s18 =	smulhi.u32 $0xB40B40B5, s7;
	s4 =	ssub.s32 s15, s4;
	s10 =	sadd.s32 s17, s10  }
0x658: {  	s3 =	sadd.s32 s23, s3;
	s17 =	sld [smem:$0x7E9];
	s23 =	smulhi.u32 $0xB40B40B5, s24  }
0x659: {  	s9 =	ssub.s32 s9, s21;
	s21 =	smulhi.u32 $0xB40B40B5, s22;
	[dreg:$0x11] =	wrdreg s4  }
0x65a: {  	s7 =	ssub.s32 s18, s7;
	s4 =	ssub.s32 s23, s24;
	s24 =	sld [smem:$0x7EB]  }
0x65b: {  	s18 =	smulhi.u32 $0xB40B40B5, s30;
	s11 =	sadd.s32 s17, s11;
	s17 =	sld [smem:$0x7EA]  }
0x65c: {  	s29 =	simm.s32 $0x0;
	[dreg:$0x13] =	wrdreg s7;
	s15 =	ssub.s32 s21, s22  }
0x65d: {  	s21 =	sld [smem:$0x7EC];
	s23 =	sshra.s32 s13, $0x1F;
	s7 =	ssub.s32 s18, s30  }
0x65e: {  	s16 =	smul.u32 $0xB40B40B5, s23;
	s5 =	sadd.s32 s24, s5;
	s9 =	sadd.s32 s17, s9  }
0x65f: {  	(v2sf) =	vpush v26, $0x7;
	s24 =	smulhi.u32 $0xB40B40B5, s13;
	v30 =	vmov s9;
	s9 =	sshra.s32 s22, $0x1F;
	s22 =	sld [smem:$0x7ED]  }
0x660: {  	vm7 =	vcmask $0x300;
	v27 =	vld [tilespmem:s29+$0x1B600];
	(v2sf) =	vpush v26, $0x6;
	s23 =	sld [smem:$0x7EE];
	s17 =	sadd.s32 s21, s6;
	s21 =	smulhi.u32 $0xB40B40B5, s19  }
0x661: {  	v29 =	vmov s0;
	s18 =	smulhi.u32 $0xB40B40B5, s12;
	s0 =	ssub.s32 s24, s13;
	s13 =	sld [smem:$0x7F0];
	v30 =	vnsel vm7, $0x0, v30  }
0x662: {  	s24 =	ssub.s32 s21, s19;
	s21 =	sld [smem:$0x7F2];
	v30 =	vsel vm1, s5, v30;
	s6 =	sadd.s32 s22, s7  }
0x663: {  	(v2sf) =	vpush v26, $0x5;
	s7 =	smul.u32 $0xB40B40B5, s9;
	s9 =	simm.s32 $0x10;
	v30 =	vsel vm2, s17, v30;
	s17 =	sld [smem:$0x7F1]  }
0x664: {  	(v2sf) =	vpush v26, $0x4;
	s22 =	spop (v2sf);
	[dreg:$0x14] =	wrdreg s6;
	s6 =	sadd.s32 s23, s4  }
0x665: {  	v31 =	vxor.u32 $0x7FFFFFFF, v27;
	vm0 =	vlt.s32 v27, $0x0;
	(v2sf) =	vpush v26, $0xF;
	s4 =	ssub.s32 s18, s12;
	s18 =	sshra.s32 s12, $0x1F;
	s23 =	sshra.s32 s22, $0x1F  }
0x666: {  	vm11 =	vcmask $0x2320;
	v27 =	vsel vm0, v31, v27;
	v31 =	vld [tilespmem:s9+$0x1B600];
	v30 =	vsel vm3, s2, v30;
	s9 =	sadd.s32 s16, s0;
	s30 =	spop (v2sf);
	s5 =	smul.u32 $0xB40B40B5, s18  }
0x667: {  	s19 =	sshra.s32 s21, $0x1F;
	s2 =	smul.u32 $0xB40B40B5, s23;
	v30 =	vsel vm11, s11, v30;
	s11 =	sld [smem:$0x7EF]  }
0x668: {  	s16 =	sadd.s32 s7, s15;
	s7 =	smul.u32 $0xB40B40B5, s19;
	s23 =	sld [smem:$0x7F3]  }
0x669: {  	[dreg:$0xa] =	wrdreg s16;
	s18 =	smulhi.u32 $0xB40B40B5, s17  }
0x66a: {  	vm12 =	vcmask $0x2B28;
	s16 =	smulhi.u32 $0xB40B40B5, s25;
	[dreg:$0x8] =	wrdreg s7;
	s4 =	sadd.s32 s5, s4  }
0x66b: {  	vm13 =	vcmask $0x3330;
	v32 =	vsel vm1, s26, v32;
	(v2sf) =	vpush v26, $0xE;
	s0 =	sadd.s32 s11, s24;
	s11 =	sadd.s32 s13, s14;
	s14 =	smulhi.u32 $0xB40B40B5, s22  }
0x66c: {  	v29 =	vsel vm1, s31, v29;
	v32 =	vsel vm2, s1, v32;
	v30 =	vsel vm12, s8, v30;
	s1 =	ssub.s32 s18, s17;
	s24 =	sshra.s32 s23, $0x1F;
	s15 =	smulhi.u32 $0xB40B40B5, s23  }
0x66d: {  	v29 =	vsel vm2, s28, v29;
	(v2sf) =	vpush v26, $0xA;
	v30 =	vsel vm13, s3, v30;
	s13 =	sshra.s32 s25, $0x1F;
	[dreg:$0xf] =	wrdreg s4;
	s7 =	smul.u32 $0xB40B40B5, s24  }
0x66e: {  	v29 =	vsel vm3, s20, v29;
	v30 =	vsel vm8, s11, v30;
	s11 =	smul.u32 $0xB40B40B5, s13;
	s13 =	spop (v2sf);
	s20 =	ssub.s32 s14, s22  }
0x66f: {  	v27 =	vsub.f32 $0.0e+00, v27;
	s22 =	sshra.s32 s17, $0x1F;
	s19 =	spop (v2sf);
	s17 =	smov.u32 s25  }
0x670: {  	s12 =	ssub.s32 s15, s23;
	s23 =	sld [smem:$0x7F6];
	s25 =	smulhi.u32 $0xB40B40B5, s21  }
0x671: {  	v27 =	vmul.f32 $1.442695020e+00, v27;
	v32 =	vsel vm3, s10, v32;
	s10 =	smul.u32 $0xB40B40B5, s22;
	s2 =	sadd.s32 s2, s20;
	s22 =	sld [smem:$0x7F5]  }
0x672: {  	s28 =	spop (v2sf);
	s3 =	ssub.s32 s16, s17;
	[dreg:$0x12] =	wrdreg s2  }
0x673: {  	(erf) = vpow2.f32 v27;
	s18 =	spop (v2sf);
	s3 =	sadd.s32 s11, s3;
	s24 =	smulhi.u32 $0xB40B40B5, s23  }
0x674: {  	v29 =	vcombine.low v29, v32;
	(v2sf) =	vpush v26, $0x3;
	s5 =	spop (v2sf);
	[dreg:$0x19] =	wrdreg s3  }
0x675: {  	v27 =	vmul.u32 $0x2, v0;
	(v2sf) =	vpush v26, $0xD;
	s1 =	sadd.s32 s10, s1;
	s16 =	sshra.s32 s23, $0x1F;
	[dreg:$0x10] =	wrdreg s18  }
0x676: {  	v29 =	vperm.xlane v29, v24;
	(v2sf) =	vpush v26, $0x9;
	s20 =	sshra.s32 s22, $0x1F;
	[dreg:$0x15] =	wrdreg s1;
	s17 =	smulhi.u32 $0xB40B40B5, s22  }
0x677: {  	v33 =	vxor.u32 $0x7FFFFFFF, v31;
	vm0 =	vlt.s32 v31, $0x0;
	v30 =	vperm.xlane v30, v27;
	s4 =	smul.u32 $0xB40B40B5, s16;
	s16 =	sshra.s32 s19, $0x1F;
	[dreg:$0xe] =	wrdreg s5  }
0x678: {  	vm9 =	vmmov $0xff;
	(v2sf) =	vpush v26, $0x2;
	v31 =	vsel vm0, v33, v31;
	s15 =	ssub.s32 s24, s23;
	s24 =	ssub.s32 s25, s21;
	[dreg:$0xc] =	wrdreg s16  }
0x679: {  	(v2sf) =	vpush v26, $0xC;
	v31 =	vsub.f32 $0.0e+00, v31;
	v29 =	vsel vm9, v30, v29;
	s14 =	smul.u32 $0xB40B40B5, s20;
	s21 =	sshra.s32 s18, $0x1F;
	[dreg:$0x16] =	wrdreg s24  }
0x67a: {  	s26 =	simm.s32 $0x20;
	v29 =	vadd.s32 v28, v29;
	s20 =	spop (v2sf);
	[dreg:$0x1c] =	wrdreg s21  }
0x67b: {  	v30 =	vmul.f32 $1.442695020e+00, v31;
	v31 =	vshrl.u32 v29, $0x1F;
	v29 =	vshra.s32 v29, $0x6;
	s25 =	ssub.s32 s17, s22;
	s11 =	sadd.s32 s4, s15;
	[dreg:$0x1a] =	wrdreg s20  }
0x67c: {  	v58 =	vpop (erf);
	v60 =	vmov s0;
	v29 =	vadd.s32 v31, v29;
	s2 =	spop (v2sf);
	s0 =	sadd.s32 s14, s25;
	[dreg:$0x1e] =	wrdreg s11  }
0x67d: {  	v59 =	vld [tilespmem:s26+$0x1B600];
	v31 =	vadd.f32 $1.000000000e+00, v58;
	(erf) = vpow2.f32 v30;
	v30 =	vmul.u32 $0xFFFFFFA5, v29;
	s15 =	smulhi.u32 $0xB40B40B5, s13;
	s14 =	sadd.s32 s7, s12;
	[dreg:$0x1d] =	wrdreg s0  }
0x67e: {  	s17 =	smulhi.u32 $0xB40B40B5, s18;
	[smem:$0x7F7] =	sst s14  }
0x67f: {  	s22 =	smulhi.u32 $0xB40B40B5, s5;
	(erf) = vrcp.f32 v31;
	v31 =	vadd.s32 v28, v30;
	[dreg:$0xb] =	wrdreg s15  }
0x680: {  	vm0 =	vlt.s32 v28, $0x1;
	(v2sf) =	vpush v26, $0x1;
	s24 =	smulhi.u32 $0xB40B40B5, s20;
	s23 =	sshra.s32 s2, $0x1F;
	[dreg:$0x1b] =	wrdreg s17;
	vm4 =	vne.s32 v31, $0x0  }
0x681: {  	(v2sf) =	vpush v26, $0x8;
	s25 =	sshra.s32 s20, $0x1F;
	s20 =	smulhi.u32 $0xB40B40B5, s2;
	[dreg:$0x18] =	wrdreg s22;
	vm0 =	vmand vm0, vm4  }
0x682: {  	s8 =	simm.s32 $0x10;
	s10 =	smul.u32 $0xB40B40B5, s23;
	v28 =	vxor.u32 $0x7FFFFFFF, v59;
	[smem:$0x7F8] =	sst s24;
	vm4 =	vlt.s32 v59, $0x0;
	v61 =	vsel vm0, $0xFFFFFFFF, v4  }
0x683: {  	s16 =	sshra.s32 s30, $0x1F;
	v30 =	vsel vm1, s9, v60;
	s9 =	smulhi.u32 $0xB40B40B5, s19;
	[dreg:$0x1f] =	wrdreg s25;
	v28 =	vsel vm4, v28, v59;
	v29 =	vadd.s32 v61, v29  }
0x684: {  	(v2sf) =	vpush v26, $0xB;
	s23 =	sshra.s32 s5, $0x1F;
	s22 =	spop (v2sf);
	s17 =	smulhi.u32 $0xB40B40B5, s30;
	v28 =	vsub.f32 $0.0e+00, v28;
	vm0 =	vlt.s32 v29, $0x383  }
0x685: {  	s0 =	simm.s32 $0xC0;
	v30 =	vsel vm2, s6, v30;
	[dreg:$0x17] =	wrdreg s23;
	v62 =	vadd.s32 $0x5B, v31;
	s18 =	spop (v2sf);
	v29 =	vnsel vm0, $0x383, v29  }
0x686: {  	s3 =	sshra.s32 s22, $0x1F;
	[dreg:$0xd] =	wrdreg s9;
	s21 =	spop (v2sf);
	vm4 =	vlt.s32 v31, $0x0;
	v63 =	vpop (erf);
	v38 =	vmul.f32 $1.442695020e+00, v28;
	v34 =	vshll.u32 v29, $0x2  }
0x687: {  	s7 =	smulhi.u32 $0xB40B40B5, s18;
	s6 =	sshra.s32 s18, $0x1F;
	v35 =	vsel vm4, v62, v31;
	v28 =	vld [tilespmem:$0x1C580];
	s11 =	spop (v2sf);
	v31 =	vadd.f32 $1.000000000e+00, v63;
	v32 =	vor.u32 $0x1, v34  }
0x688: {  	s25 =	smulhi.u32 $0xB40B40B5, s21;
	s24 =	sshra.s32 s21, $0x1F;
	v29 =	vld [tilespmem:$0x1C590];
	s31 =	spop (v2sf);
	v33 =	vpop (erf);
	v37 =	vor.u32 $0x2, v34;
	v36 =	vor.u32 $0x3, v34;
	(erf) = vpow2.f32 v38  }
.LBB2_95:
0x689: {  	_ =	sdelay $0x3  }
0x68a: {  	[smem:$0x7DB] =	sst s19;
	s15 =	smulhi.u32 $0xB40B40B5, s11  }
0x68b: {  	[smem:$0x7DC] =	sst s26;
	s16 =	smul.u32 $0xB40B40B5, s16  }
0x68c: {  	s1 =	smov.u32 s28;
	s17 =	ssub.s32 s17, s30;
	s25 =	ssub.s32 s25, s21  }
0x68d: {  	s21 =	rddreg [dreg:$0x1d];
	s5 =	sadd.s32 $0x40, s0;
	s16 =	sadd.s32 s16, s17  }
0x68e: {  	s17 =	ssub.s32 s15, s11;
	s15 =	ssub.s32 s7, s18;
	s18 =	rddreg [dreg:$0x11]  }
0x68f: {  	s23 =	smov.u32 s29;
	s4 =	smov.u32 s8;
	[smem:$0x7E0] =	sst s5  }
0x690: {  	[smem:$0x7DF] =	sst s17;
	s17 =	ssub.s32 s20, s2;
	s28 =	spop (v2sf)  }
0x691: {  	[tilespmem:s29+$0x1DA80] =	vst v33;
	s20 =	rddreg [dreg:$0x7];
	s29 =	smulhi.u32 $0xB40B40B5, s28;
	s26 =	sshra.s32 s28, $0x1F  }
0x692: {  	s17 =	sadd.s32 s10, s17;
	s10 =	sld [smem:$0x7F7];
	s26 =	smul.u32 $0xB40B40B5, s26  }
0x693: {  	s28 =	ssub.s32 s29, s28;
	s29 =	smov.u32 s4;
	s4 =	rddreg [dreg:$0x9]  }
0x694: {  	[smem:$0x7DD] =	sst s28;
	s28 =	smulhi.u32 $0xB40B40B5, s22  }
0x695: {  	s12 =	sshra.s32 s31, $0x1F;
	[smem:$0x7DE] =	sst s26;
	s26 =	smulhi.u32 $0xB40B40B5, s31  }
0x696: {  	s12 =	smul.u32 $0xB40B40B5, s12;
	v39 =	vmov s16;
	s2 =	sadd.s32 s4, s18;
	s4 =	rddreg [dreg:$0x10]  }
0x697: {  	v39 =	vnsel vm7, $0x0, v39;
	s7 =	ssub.s32 s28, s22;
	s16 =	ssub.s32 s26, s31;
	s22 =	rddreg [dreg:$0x13]  }
0x698: {  	v53 =	vpop (erf);
	(erf) = vrcp.f32 v31;
	v31 =	vsel vm1, s2, v39;
	s2 =	sadd.s32 s12, s16;
	s16 =	rddreg [dreg:$0x12]  }
0x699: {  	s3 =	smul.u32 $0xB40B40B5, s3;
	s26 =	sadd.s32 s20, s22;
	s22 =	rddreg [dreg:$0x14]  }
0x69a: {  	s19 =	smov.u32 s13;
	s20 =	smul.u32 $0xB40B40B5, s24;
	s24 =	rddreg [dreg:$0xf]  }
0x69b: {  	s13 =	simm.s32 $0x1B700;
	s11 =	sshra.s32 s11, $0x1F;
	v31 =	vsel vm2, s26, v31;
	s26 =	rddreg [dreg:$0xa]  }
0x69c: {  	[tilespmem:s23+$0x1DB00] =	vst v35;
	s12 =	smul.u32 $0xB40B40B5, s11;
	s3 =	sadd.s32 s3, s7;
	v55 =	vmov s22;
	s22 =	rddreg [dreg:$0x19]  }
0x69d: {  	v33 =	vld.idx.msk [tilespmem:v37+s13+$0x0], $0xffff;
	s5 =	spop (v2sf);
	[dreg:$0xf] =	wrdreg s3  }
0x69e: {  	s8 =	smulhi.u32 $0xB40B40B5, s5;
	s14 =	sshra.s32 s5, $0x1F;
	[dreg:$0x7] =	wrdreg s12  }
0x69f: {  	s12 =	smul.u32 $0xB40B40B5, s6;
	s6 =	sadd.s32 s20, s25;
	s20 =	rddreg [dreg:$0x15]  }
0x6a0: {  	s5 =	ssub.s32 s8, s5;
	s8 =	spop (v2sf);
	v31 =	vsel vm3, s24, v31;
	s24 =	rddreg [dreg:$0x1e]  }
0x6a1: {  	s18 =	smulhi.u32 $0xB40B40B5, s8;
	s25 =	rddreg [dreg:$0x8]  }
0x6a2: {  	v54 =	vmul.f32 $5.000000000e-01, v33;
	v30 =	vsel vm3, s16, v30;
	s16 =	sshra.s32 s8, $0x1F;
	v33 =	vsel vm1, s26, v55;
	s26 =	rddreg [dreg:$0x16]  }
0x6a3: {  	s8 =	ssub.s32 s18, s8;
	s18 =	smul.u32 $0xB40B40B5, s16;
	s16 =	rddreg [dreg:$0xd]  }
0x6a4: {  	s9 =	smov.u32 s0;
	v38 =	vld.idx.msk [tilespmem:v36+s13+$0x0], $0xffff;
	v33 =	vsel vm2, s20, v33;
	s20 =	rddreg [dreg:$0x1a]  }
0x6a5: {  	v34 =	vld.idx.msk [tilespmem:v34+s13+$0x0], $0xffff;
	s9 =	sshra.s32 s9, $0x2;
	v31 =	vsel vm11, s10, v31;
	s10 =	rddreg [dreg:$0xe]  }
0x6a6: {  	v35 =	vld [tilespmem:s9+$0x1B680];
	s11 =	sshra.s32 s19, $0x1F;
	v31 =	vsel vm12, s21, v31;
	s21 =	sld [smem:$0x7F8]  }
0x6a7: {  	v32 =	vld.idx.msk [tilespmem:v32+s13+$0x0], $0xffff;
	s13 =	sadd.s32 s25, s26;
	s26 =	sadd.s32 s18, s8;
	s8 =	rddreg [dreg:$0x1b]  }
0x6a8: {  	v33 =	vsel vm3, s22, v33;
	s22 =	smul.u32 $0xB40B40B5, s11;
	s11 =	rddreg [dreg:$0x18]  }
0x6a9: {  	s15 =	sadd.s32 s12, s15;
	s18 =	sld [smem:$0x7DB]  }
0x6aa: {  	(v2sf) =	vpush v26, $0x0;
	[dreg:$0xa] =	wrdreg s15  }
0x6ab: {  	(v2sf) =	vpush v35, $0x7;
	v31 =	vsel vm13, s24, v31;
	s24 =	rddreg [dreg:$0x1f]  }
0x6ac: {  	s14 =	smul.u32 $0xB40B40B5, s14;
	(v2sf) =	vpush v35, $0x6;
	[dreg:$0x12] =	wrdreg s26  }
0x6ad: {  	s15 =	rddreg [dreg:$0x17]  }
0x6ae: {  	s5 =	sadd.s32 s14, s5;
	s14 =	sshra.s32 s1, $0x1F;
	[dreg:$0x8] =	wrdreg s22  }
0x6af: {  	p0 =	sne.s32 s0, $0x1C0;
	v41 =	vmov s5;
	s5 =	smul.u32 $0xB40B40B5, s14;
	v31 =	vsel vm8, s13, v31;
	s13 =	rddreg [dreg:$0x1c]  }
0x6b0: {  	s3 =	ssub.s32 s8, s4;
	s25 =	smul.u32 $0xB40B40B5, s24;
	s22 =	sld [smem:$0x7DC]  }
0x6b1: {  	(v2sf) =	vpush v35, $0x5;
	s8 =	ssub.s32 s11, s10;
	s24 =	rddreg [dreg:$0xc];
	s12 =	ssub.s32 s21, s20  }
0x6b2: {  	(v2sf) =	vpush v35, $0x4;
	s4 =	smul.u32 $0xB40B40B5, s13;
	s21 =	rddreg [dreg:$0xb];
	s7 =	sadd.s32 s25, s12  }
0x6b3: {  	s20 =	smulhi.u32 $0xB40B40B5, s1;
	s11 =	ssub.s32 s21, s19;
	[dreg:$0x15] =	wrdreg s7  }
0x6b4: {  	s25 =	smul.u32 $0xB40B40B5, s24;
	s12 =	smov.u32 s2;
	[dreg:$0x16] =	wrdreg s11  }
0x6b5: {  	(v2sf) =	vpush v35, $0xF;
	s10 =	ssub.s32 s16, s18;
	s0 =	ssub.s32 s20, s1;
	[dreg:$0x14] =	wrdreg s12  }
0x6b6: {  	v59 =	vsel vm1, s6, v41;
	s18 =	sadd.s32 s4, s3;
	s6 =	sadd.s32 s25, s10;
	s10 =	sld [smem:$0x7DF]  }
0x6b7: {  	s0 =	sadd.s32 s5, s0;
	[smem:$0x7F7] =	sst s18  }
0x6b8: {  	(v2sf) =	vpush v35, $0xE;
	v30 =	vcombine.low v30, v33;
	s7 =	smul.u32 $0xB40B40B5, s15;
	[dreg:$0x1d] =	wrdreg s0  }
0x6b9: {  	s30 =	spop (v2sf);
	s0 =	sld [smem:$0x7DD]  }
0x6ba: {  	v31 =	vperm.xlane v31, v27;
	v30 =	vperm.xlane v30, v24;
	s13 =	spop (v2sf);
	s7 =	sadd.s32 s7, s8;
	[dreg:$0x1e] =	wrdreg s6  }
0x6bb: {  	v38 =	vmul.f32 $5.000000000e-01, v38;
	v40 =	vsub.f32 v34, v54;
	(v2sf) =	vpush v35, $0xA;
	s19 =	spop (v2sf);
	[dreg:$0x19] =	wrdreg s7  }
0x6bc: {  	(v2sf) =	vpush v35, $0x3;
	v30 =	vsel vm9, v31, v30;
	s16 =	smulhi.u32 $0xB40B40B5, s13;
	s7 =	sld [smem:$0x7DE];
	s15 =	sshra.s32 s19, $0x1F  }
0x6bd: {  	v56 =	vmul.f32 v40, v28;
	v31 =	vsub.f32 v32, v38;
	v30 =	vadd.s32 v25, v30;
	[dreg:$0xc] =	wrdreg s15  }
0x6be: {  	(v2sf) =	vpush v35, $0xD;
	v57 =	vshrl.u32 v30, $0x1F;
	v30 =	vshra.s32 v30, $0x6;
	s14 =	smulhi.u32 $0xB40B40B5, s19;
	s11 =	smov.u32 s10;
	[dreg:$0xb] =	wrdreg s16  }
0x6bf: {  	(v2sf) =	vpush v35, $0x9;
	v40 =	vadd.s32 v57, v30;
	v30 =	vmul.f32 v31, v29;
	[dreg:$0x13] =	wrdreg s11  }
0x6c0: {  	v52 =	vld [tilespmem:s9+$0x1B600];
	(v2sf) =	vpush v35, $0x2;
	s28 =	spop (v2sf);
	s5 =	smov.u32 s0;
	[dreg:$0xd] =	wrdreg s14  }
0x6c1: {  	(v2sf) =	vpush v35, $0xC;
	[tilespmem:s23+$0x1DC00] =	vst v30;
	v30 =	vsel vm2, s17, v59;
	s17 =	spop (v2sf);
	[dreg:$0x11] =	wrdreg s5  }
0x6c2: {  	v34 =	vadd.f32 v54, v34;
	s26 =	smov.u32 s9;
	s9 =	smov.u32 s7;
	[dreg:$0x10] =	wrdreg s17  }
0x6c3: {  	v32 =	vadd.f32 v38, v32;
	s20 =	smulhi.u32 $0xB40B40B5, s17;
	s0 =	sshra.s32 s17, $0x1F;
	[dreg:$0x9] =	wrdreg s9  }
0x6c4: {  	v34 =	vmul.f32 v34, v28;
	s21 =	spop (v2sf);
	[dreg:$0x1c] =	wrdreg s0  }
0x6c5: {  	v58 =	vxor.u32 $0x7FFFFFFF, v52;
	[tilespmem:s23+$0x1DB80] =	vst v56;
	s8 =	smov.u32 s22;
	v32 =	vmul.f32 v32, v29;
	[dreg:$0xe] =	wrdreg s21  }
0x6c6: {  	vm0 =	vlt.s32 v52, $0x0;
	[tilespmem:s23+$0x1DC80] =	vst v34;
	v31 =	vmul.u32 $0xFFFFFFA5, v40;
	s22 =	smulhi.u32 $0xB40B40B5, s21;
	s0 =	sshra.s32 s21, $0x1F;
	[dreg:$0x1b] =	wrdreg s20  }
0x6c7: {  	v36 =	vsel vm0, v58, v52;
	[tilespmem:s23+$0x1DD00] =	vst v32;
	s23 =	spop (v2sf);
	[dreg:$0x17] =	wrdreg s0  }
0x6c8: {  	v61 =	vsub.f32 $0.0e+00, v36;
	v31 =	vadd.s32 v25, v31;
	s17 =	smulhi.u32 $0xB40B40B5, s30;
	[dreg:$0x1a] =	wrdreg s23  }
0x6c9: {  	vm10 =	vlt.s32 v25, $0x1;
	vm4 =	vne.s32 v31, $0x0;
	s24 =	smulhi.u32 $0xB40B40B5, s23;
	s0 =	sshra.s32 s23, $0x1F;
	[dreg:$0x18] =	wrdreg s22  }
0x6ca: {  	v63 =	vmul.f32 $1.442695020e+00, v61;
	vm0 =	vmand vm10, vm4;
	s2 =	spop (v2sf);
	[dreg:$0x1f] =	wrdreg s0  }
0x6cb: {  	v62 =	vsel vm0, $0xFFFFFFFF, v4;
	s20 =	smulhi.u32 $0xB40B40B5, s2;
	s22 =	spop (v2sf)  }
.Ltmp51:
0x6cc: {  	v33 =	vpop (erf);
	(v2sf) =	vpush v35, $0x1;
	(erf) = vpow2.f32 v63;
	s16 =	sshra.s32 s30, $0x1F;
	s0 =	sld [smem:$0x7E0];
	v34 =	vadd.s32 v62, v40;
	(pc) =	sbr.rel @p0 .LBB2_95-.Ltmp51, $4  }
0x6cd: {  	vm6 =	vlt.s32 v31, $0x0;
	v60 =	vadd.s32 $0x5B, v31;
	s25 =	sshra.s32 s2, $0x1F;
	[smem:$0x7F8] =	sst s24;
	s18 =	spop (v2sf);
	vm0 =	vlt.s32 v34, $0x383  }
0x6ce: {  	(v2sf) =	vpush v35, $0x8;
	v25 =	vmovc v26;
	v26 =	vmovc v35;
	v35 =	vsel vm6, v60, v31;
	s10 =	smul.u32 $0xB40B40B5, s25;
	s3 =	sshra.s32 s22, $0x1F;
	s21 =	spop (v2sf);
	v34 =	vnsel vm0, $0x383, v34  }
0x6cf: {  	v31 =	vadd.f32 $1.000000000e+00, v53;
	(v2sf) =	vpush v26, $0xB;
	s7 =	smulhi.u32 $0xB40B40B5, s18;
	s6 =	sshra.s32 s18, $0x1F;
	s11 =	spop (v2sf);
	v34 =	vshll.u32 v34, $0x2  }
0x6d0: {  	s25 =	smulhi.u32 $0xB40B40B5, s21;
	s24 =	sshra.s32 s21, $0x1F;
	s31 =	spop (v2sf);
	v32 =	vor.u32 $0x1, v34;
	v37 =	vor.u32 $0x2, v34;
	v36 =	vor.u32 $0x3, v34  }
0x6d1: {  	s0 =	smul.u32 $0xB40B40B5, s16;
	s23 =	smov.u32 s8;
	s1 =	rddreg [dreg:$0x9]  }
0x6d2: {  	s9 =	ssub.s32 s17, s30;
	s12 =	smulhi.u32 $0xB40B40B5, s22;
	s4 =	rddreg [dreg:$0x11]  }
0x6d3: {  	(v2sf) =	vpush v26, $0x0;
	s8 =	ssub.s32 s7, s18;
	s18 =	sshra.s32 s31, $0x1F;
	s30 =	rddreg [dreg:$0x7]  }
0x6d4: {  	s14 =	smulhi.u32 $0xB40B40B5, s31;
	s2 =	ssub.s32 s20, s2;
	s20 =	rddreg [dreg:$0xf]  }
0x6d5: {  	s15 =	sadd.s32 s1, s4;
	s1 =	sadd.s32 s10, s2;
	s10 =	rddreg [dreg:$0x15]  }
0x6d6: {  	s17 =	smul.u32 $0xB40B40B5, s24;
	s14 =	ssub.s32 s14, s31;
	s31 =	rddreg [dreg:$0x13]  }
0x6d7: {  	s0 =	sadd.s32 s0, s9;
	s4 =	sadd.s32 s30, s31;
	s31 =	sld [smem:$0x7F7]  }
0x6d8: {  	v38 =	vmov s0;
	s0 =	smul.u32 $0xB40B40B5, s18;
	s18 =	rddreg [dreg:$0x12]  }
0x6d9: {  	s6 =	smul.u32 $0xB40B40B5, s6;
	s30 =	ssub.s32 s25, s21;
	s21 =	rddreg [dreg:$0x19]  }
0x6da: {  	s3 =	smul.u32 $0xB40B40B5, s3;
	s7 =	ssub.s32 s12, s22;
	s25 =	rddreg [dreg:$0x8];
	v38 =	vnsel vm7, $0x0, v38  }
0x6db: {  	s6 =	sadd.s32 s6, s8;
	v30 =	vsel vm3, s18, v30;
	s18 =	sld [smem:$0x7F8];
	v38 =	vsel vm1, s15, v38;
	s5 =	spop (v2sf)  }
0x6dc: {  	s3 =	sadd.s32 s3, s7;
	s15 =	rddreg [dreg:$0x14];
	v38 =	vsel vm2, s4, v38;
	s16 =	smulhi.u32 $0xB40B40B5, s5  }
0x6dd: {  	s7 =	sshra.s32 s28, $0x1F;
	s0 =	sadd.s32 s0, s14;
	v38 =	vsel vm3, s20, v38;
	s20 =	rddreg [dreg:$0x1d]  }
0x6de: {  	v38 =	vsel vm11, s31, v38;
	s31 =	smulhi.u32 $0xB40B40B5, s11;
	s12 =	spop (v2sf);
	s9 =	ssub.s32 s16, s5  }
0x6df: {  	v39 =	vmov s15;
	s22 =	sshra.s32 s12, $0x1F;
	s24 =	smulhi.u32 $0xB40B40B5, s12;
	s15 =	spop (v2sf)  }
0x6e0: {  	s5 =	sshra.s32 s5, $0x1F;
	s16 =	smul.u32 $0xB40B40B5, s22;
	s22 =	rddreg [dreg:$0xa]  }
0x6e1: {  	v39 =	vsel vm1, s22, v39;
	s2 =	ssub.s32 s24, s12;
	s12 =	sadd.s32 s17, s30;
	s30 =	rddreg [dreg:$0x16]  }
0x6e2: {  	v38 =	vsel vm12, s20, v38;
	s24 =	rddreg [dreg:$0x1e];
	v39 =	vsel vm2, s10, v39;
	s10 =	spop (v2sf);
	s17 =	sadd.s32 s25, s30  }
0x6e3: {  	v38 =	vsel vm13, s24, v38;
	s2 =	sadd.s32 s16, s2;
	s24 =	sshra.s32 s11, $0x1F;
	s25 =	smulhi.u32 $0xB40B40B5, s15;
	v39 =	vsel vm3, s21, v39  }
0x6e4: {  	s22 =	smulhi.u32 $0xB40B40B5, s10;
	s4 =	sshra.s32 s10, $0x1F;
	v38 =	vsel vm8, s17, v38;
	s17 =	rddreg [dreg:$0x1a];
	v30 =	vcombine.low v30, v39  }
0x6e5: {  	s21 =	smul.u32 $0xB40B40B5, s4;
	s14 =	ssub.s32 s25, s15;
	s25 =	rddreg [dreg:$0x10]  }
0x6e6: {  	v53 =	vmov s2;
	v38 =	vperm.xlane v38, v27;
	s10 =	ssub.s32 s22, s10;
	s22 =	ssub.s32 s31, s11;
	s31 =	smul.u32 $0xB40B40B5, s24;
	v30 =	vperm.xlane v30, v24  }
0x6e7: {  	s5 =	smul.u32 $0xB40B40B5, s5;
	s15 =	sshra.s32 s15, $0x1F;
	v54 =	vsel vm1, s12, v53;
	s12 =	rddreg [dreg:$0xe]  }
0x6e8: {  	[tilespmem:s29+$0x1DA80] =	vst v33;
	s30 =	sadd.s32 s21, s10;
	s20 =	sadd.s32 s31, s22;
	s22 =	rddreg [dreg:$0x1c];
	v30 =	vsel vm9, v38, v30  }
0x6e9: {  	[tilespmem:s29+$0x1DB00] =	vst v35;
	vm0 =	vlt.s32 v25, $0x1;
	s8 =	smul.u32 $0xB40B40B5, s15;
	s21 =	simm.s32 $0x1B700;
	v40 =	vmov s30;
	s30 =	rddreg [dreg:$0x1b];
	v30 =	vadd.s32 v25, v30  }
0x6ea: {  	(erf) = vrcp.f32 v31;
	s5 =	sadd.s32 s5, s9;
	v37 =	vld.idx.msk [tilespmem:v37+s21+$0x0], $0xffff;
	s31 =	rddreg [dreg:$0x1f];
	s24 =	smul.u32 $0xB40B40B5, s22;
	v56 =	vshrl.u32 v30, $0x1F;
	v30 =	vshra.s32 v30, $0x6  }
0x6eb: {  	v33 =	vsel vm2, s1, v54;
	s2 =	sadd.s32 s8, s14;
	v36 =	vld.idx.msk [tilespmem:v36+s21+$0x0], $0xffff;
	v55 =	vnsel vm7, $0x0, v40;
	s8 =	ssub.s32 s30, s25;
	s1 =	smul.u32 $0xB40B40B5, s31;
	v30 =	vadd.s32 v56, v30  }
0x6ec: {  	v57 =	vmov s0;
	s11 =	ssub.s32 s18, s17;
	v34 =	vld.idx.msk [tilespmem:v34+s21+$0x0], $0xffff;
	v35 =	vsel vm1, s5, v55;
	s4 =	sadd.s32 s24, s8;
	s8 =	smulhi.u32 $0xB40B40B5, s28;
	v58 =	vmul.u32 $0xFFFFFFA5, v30  }
0x6ed: {  	s0 =	smul.u32 $0xB40B40B5, s7;
	v32 =	vld.idx.msk [tilespmem:v32+s21+$0x0], $0xffff;
	v33 =	vsel vm3, s2, v33;
	v38 =	vsel vm1, s6, v57;
	v35 =	vsel vm2, s20, v35;
	s1 =	sadd.s32 s1, s11;
	s11 =	rddreg [dreg:$0x17]  }
0x6ee: {  	s14 =	rddreg [dreg:$0x18];
	v35 =	vsel vm3, s3, v35;
	v38 =	vsel vm2, s1, v38;
	s1 =	smul.u32 $0xB40B40B5, s11;
	s10 =	ssub.s32 s8, s28;
	v25 =	vadd.s32 v25, v58  }
0x6ef: {  	s3 =	ssub.s32 s14, s12;
	v35 =	vsel vm11, s4, v35;
	v59 =	vmul.f32 $5.000000000e-01, v37;
	s0 =	sadd.s32 s0, s10;
	vm4 =	vne.s32 v25, $0x0  }
0x6f0: {  	s15 =	rddreg [dreg:$0xc];
	v36 =	vmul.f32 $5.000000000e-01, v36;
	s1 =	sadd.s32 s1, s3;
	v35 =	vsel vm12, s0, v35;
	vm0 =	vmand vm0, vm4  }
0x6f1: {  	s16 =	rddreg [dreg:$0xd];
	s2 =	smul.u32 $0xB40B40B5, s15;
	v60 =	vsel vm3, s1, v38;
	v61 =	vsub.f32 v34, v59;
	v62 =	vsel vm0, $0xFFFFFFFF, v4  }
0x6f2: {  	s18 =	sshra.s32 s13, $0x1F;
	s4 =	ssub.s32 s16, s19;
	v63 =	vsub.f32 v32, v36;
	v31 =	vadd.f32 v59, v34;
	v30 =	vadd.s32 v62, v30  }
0x6f3: {  	s19 =	rddreg [dreg:$0xb];
	s17 =	sadd.s32 s2, s4;
	s0 =	smul.u32 $0xB40B40B5, s18;
	v32 =	vadd.f32 v36, v32;
	v40 =	vmul.f32 v61, v28;
	vm0 =	vlt.s32 v30, $0x383  }
0x6f4: {  	s1 =	ssub.s32 s19, s13;
	v35 =	vsel vm13, s17, v35;
	v41 =	vmul.f32 v63, v29;
	v30 =	vnsel vm0, $0x383, v30  }
0x6f5: {  	v33 =	vcombine.low v33, v60;
	s0 =	sadd.s32 s0, s1;
	v31 =	vmul.f32 v31, v28;
	[tilespmem:s29+$0x1DB80] =	vst v40;
	v30 =	vshll.u32 v30, $0x2  }
0x6f6: {  	v32 =	vmul.f32 v32, v29;
	v42 =	vsel vm8, s0, v35;
	[tilespmem:s29+$0x1DC00] =	vst v41;
	v43 =	vor.u32 $0x2, v30  }
0x6f7: {  	v44 =	vpop (erf);
	v33 =	vperm.xlane v33, v24;
	[tilespmem:s29+$0x1DC80] =	vst v31;
	v27 =	vperm.xlane v42, v27;
	v45 =	vor.u32 $0x3, v30  }
0x6f8: {  	v46 =	vpop (erf);
	v47 =	vadd.s32 $0x5B, v25;
	[tilespmem:s29+$0x1DD00] =	vst v32;
	vm0 =	vlt.s32 v25, $0x0  }
0x6f9: {  	[tilespmem:s23+$0x1DA80] =	vst v46;
	v27 =	vsel vm9, v27, v33;
	v25 =	vsel vm0, v47, v25;
	v48 =	vor.u32 $0x1, v30  }
0x6fa: {  	[tilespmem:s23+$0x1DB00] =	vst v25;
	v25 =	vadd.s32 v26, v27  }
0x6fb: {  	v49 =	vshrl.u32 v25, $0x1F;
	v25 =	vshra.s32 v25, $0x6;
	v27 =	vld.idx.msk [tilespmem:v43+s21+$0x0], $0xffff  }
0x6fc: {  	v25 =	vadd.s32 v49, v25;
	v31 =	vld.idx.msk [tilespmem:v45+s21+$0x0], $0xffff  }
0x6fd: {  	v32 =	vmul.u32 $0xFFFFFFA5, v25;
	v30 =	vld.idx.msk [tilespmem:v30+s21+$0x0], $0xffff  }
0x6fe: {  	v50 =	vadd.f32 $1.000000000e+00, v44;
	v34 =	vld.idx.msk [tilespmem:v48+s21+$0x0], $0xffff  }
0x6ff: {  	vm0 =	vlt.s32 v26, $0x1;
	v26 =	vadd.s32 v26, v32  }
0x700: {  	(erf) = vrcp.f32 v50;
	vm4 =	vne.s32 v26, $0x0;
	v27 =	vmul.f32 $5.000000000e-01, v27  }
0x701: {  	vm0 =	vmand vm0, vm4;
	v31 =	vmul.f32 $5.000000000e-01, v31  }
0x702: {  	v52 =	vsel vm0, $0xFFFFFFFF, v4;
	v51 =	vsub.f32 v30, v27  }
0x703: {  	v25 =	vadd.s32 v52, v25;
	v53 =	vsub.f32 v34, v31  }
0x704: {  	vm0 =	vlt.s32 v25, $0x383;
	v27 =	vadd.f32 v27, v30;
	v54 =	vmul.f32 v51, v28  }
0x705: {  	v25 =	vnsel vm0, $0x383, v25;
	v31 =	vadd.f32 v31, v34;
	v55 =	vmul.f32 v53, v29  }
0x706: {  	v25 =	vshll.u32 v25, $0x2;
	v27 =	vmul.f32 v27, v28;
	[tilespmem:s23+$0x1DB80] =	vst v54  }
0x707: {  	v57 =	vor.u32 $0x2, v25;
	v56 =	vmul.f32 v31, v29;
	[tilespmem:s23+$0x1DC00] =	vst v55  }
0x708: {  	[tilespmem:s23+$0x1DC80] =	vst v27  }
0x709: {  	v58 =	vpop (erf);
	v59 =	vadd.s32 $0x5B, v26;
	vm0 =	vlt.s32 v26, $0x0;
	v27 =	vor.u32 $0x3, v25;
	[tilespmem:s23+$0x1DD00] =	vst v56  }
0x70a: {  	v26 =	vsel vm0, v59, v26;
	[tilespmem:s26+$0x1DA80] =	vst v58  }
0x70b: {  	v60 =	vor.u32 $0x1, v25;
	[tilespmem:s26+$0x1DB00] =	vst v26  }
0x70c: {  	v26 =	vld.idx.msk [tilespmem:v57+s21+$0x0], $0xffff  }
0x70d: {  	v25 =	vld.idx.msk [tilespmem:v25+s21+$0x0], $0xffff  }
0x70e: {  	v27 =	vld.idx.msk [tilespmem:v27+s21+$0x0], $0xffff;
	_ =	sdelay $0x1  }
0x70f: {  	v30 =	vld.idx.msk [tilespmem:v60+s21+$0x0], $0xffff  }
0x710: {  	v26 =	vmul.f32 $5.000000000e-01, v26;
	_ =	sdelay $0x1  }
0x711: {  	v61 =	vsub.f32 v25, v26;
	v27 =	vmul.f32 $5.000000000e-01, v27  }
0x712: {  	v25 =	vadd.f32 v26, v25  }
0x713: {  	v26 =	vmul.f32 v61, v28;
	v62 =	vsub.f32 v30, v27  }
0x714: {  	s20 =	sld [smem:$0x7FA];
	v25 =	vmul.f32 v25, v28;
	v27 =	vadd.f32 v27, v30  }
0x715: {  	[tilespmem:s26+$0x1DB80] =	vst v26;
	v63 =	vmul.f32 v62, v29  }
0x716: {  	[tilespmem:s26+$0x1DC80] =	vst v25;
	v26 =	vmul.f32 v27, v29  }
0x717: {  	s22 =	rddreg [dreg:$0x3];
	s24 =	simm.s32 $0x1DA80;
	s21 =	sshll.u32 s20, $0x4;
	[tilespmem:s26+$0x1DC00] =	vst v63  }
0x718: {  	s3 =	simm.s32 $0x1;
	s23 =	simm.s32 $0x0;
	s1 =	sadd.s32 s22, s21;
	[tilespmem:s26+$0x1DD00] =	vst v26  }
0x719: {  	[hbm4b:s1+s23] =	stream.linear.scatter [tilespmem:s24], [sflag:$0x1], $0x80, $0x38;
	[tilespmem:$0x1DD80] =	vst v63  }
0x71a: {  	_ =	swait.ge [sflag:s3], $0x80  }
0x71b: {  	[sflag:s3] =	ssyncset.done $0x0  }
0x71c: {  	[sflag:s3] =	ssyncadd.s32 $0xFFFFFF80  }
0x71d: {  	s25 =	rddreg [dreg:$0x4]  }
0x71e: {  	s26 =	simm.s32 $0x1DB00;
	s0 =	sadd.s32 s25, s21  }
0x71f: {  	[hbm4b:s0+s23] =	stream.linear.scatter [tilespmem:s26], [sflag:$0x1], $0x80, $0x38;
	[tilespmem:$0x1DD80] =	vst v63  }
0x720: {  	_ =	swait.ge [sflag:s3], $0x80  }
0x721: {  	[sflag:s3] =	ssyncset.done $0x0  }
0x722: {  	[sflag:s3] =	ssyncadd.s32 $0xFFFFFF80  }
0x723: {  	s28 =	sshll.u32 s20, $0x6;
	s29 =	rddreg [dreg:$0x5]  }
0x724: {  	s30 =	simm.s32 $0x1DB80;
	s0 =	sadd.s32 s29, s28  }
0x725: {  	[hbm4b:s0+s23] =	stream.linear.scatter [tilespmem:s30], [sflag:$0x1], $0x200, $0x38;
	[tilespmem:$0x1DD80] =	vst v63  }
0x726: {  	_ =	swait.ge [sflag:s3], $0x200  }
0x727: {  	s31 =	sld [smem:$0x7F9];
	_ =	sdelay $0x2  }
0x728: {  	s1 =	sadd.s32 $0x1, s31  }
0x729: {  	p0 =	sne.s32 s1, $0x4  }
.Ltmp52:
0x72a: {  	_ = 	snop;
	(pc) =	sbr.rel @p0 .LBB2_2-.Ltmp52, $4  }
.Ltmp53:
0x72b: {  	_ = 	snop;
	(pc) =	sbr.rel @!p0 .LBB2_97-.Ltmp53, $4  }
0x72c: {  	s12 =	simm.s32 $0x1C600;
	s4 =	simm.s32 $0x1B700;
	s18 =	simm.s32 $0x1B400  }
0x72d: {  	s19 =	simm.s32 $0x1B500;
	s17 =	simm.s32 $0x1A200;
	[sflag:s3] =	ssyncset.done $0x0  }
0x72e: {  	s20 =	simm.s32 $0x1B600;
	s21 =	simm.s32 $0x1B680;
	[sflag:s3] =	ssyncadd.s32 $0xFFFFFE00  }
0x72f: {  	_ = 	snop  }
.LBB2_7:
.Ltmp54:
0x730: {  	(pc) =	sbr.rel .LBB2_14-.Ltmp54, $2  }
0x731: {  	_ =	sdelay $0x2  }
0x732: {  	s2 =	simm.s32 $0x0;
	s4 =	simm.s32 $0x1B300  }
.LBB2_9:
.Ltmp55:
0x733: {  	(pc) =	sbr.rel .LBB2_14-.Ltmp55, $2  }
0x734: {  	_ =	sdelay $0x2  }
0x735: {  	s4 =	simm.s32 $0x1B300  }
.LBB2_11:
.Ltmp56:
0x736: {  	(pc) =	sbr.rel .LBB2_14-.Ltmp56, $2  }
0x737: {  	_ =	sdelay $0x2  }
0x738: {  	s2 =	simm.s32 $0x220;
	s4 =	simm.s32 $0x1B300  }
.LBB2_37:
.Ltmp57:
0x739: {  	(pc) =	sbr.rel .LBB2_41-.Ltmp57, $2  }
0x73a: {  	_ =	sdelay $0x2  }
0x73b: {  	s1 =	simm.s32 $0x0  }
.LBB2_35:
.Ltmp58:
0x73c: {  	(pc) =	sbr.rel .LBB2_45-.Ltmp58, $2  }
0x73d: {  	_ =	sdelay $0x2  }
0x73e: {  	s2 =	simm.s32 $0x0;
	s5 =	simm.s32 $0x0  }
.LBB2_59:
.Ltmp59:
0x73f: {  	(pc) =	sbr.rel .LBB2_63-.Ltmp59, $2  }
0x740: {  	_ =	sdelay $0x2  }
0x741: {  	s2 =	simm.s32 $0x0  }
.LBB2_57:
.Ltmp60:
0x742: {  	(pc) =	sbr.rel .LBB2_67-.Ltmp60, $2  }
0x743: {  	_ =	sdelay $0x2  }
0x744: {  	s2 =	simm.s32 $0x0;
	s5 =	simm.s32 $0x0  }
.LBB2_81:
.Ltmp61:
0x745: {  	(pc) =	sbr.rel .LBB2_85-.Ltmp61, $2  }
0x746: {  	_ =	sdelay $0x2  }
0x747: {  	s2 =	simm.s32 $0x0  }
.LBB2_79:
.Ltmp62:
0x748: {  	(pc) =	sbr.rel .LBB2_89-.Ltmp62, $2  }
0x749: {  	_ =	sdelay $0x2  }
0x74a: {  	s2 =	simm.s32 $0x16080  }
.LBB2_39:
.Ltmp63:
0x74b: {  	(pc) =	sbr.rel .LBB2_41-.Ltmp63, $2  }
0x74c: {  	_ =	sdelay $0x2  }
0x74d: {  	s1 =	simm.s32 $0x0  }
.LBB2_43:
.Ltmp64:
0x74e: {  	(pc) =	sbr.rel .LBB2_45-.Ltmp64, $2  }
0x74f: {  	_ =	sdelay $0x2  }
0x750: {  	s5 =	simm.s32 $0x0  }
.LBB2_61:
.Ltmp65:
0x751: {  	(pc) =	sbr.rel .LBB2_63-.Ltmp65, $2  }
0x752: {  	_ =	sdelay $0x2  }
0x753: {  	s2 =	simm.s32 $0x0  }
.LBB2_65:
.Ltmp66:
0x754: {  	(pc) =	sbr.rel .LBB2_67-.Ltmp66, $2  }
0x755: {  	_ =	sdelay $0x2  }
0x756: {  	s5 =	simm.s32 $0x0  }
.LBB2_83:
.Ltmp67:
0x757: {  	(pc) =	sbr.rel .LBB2_85-.Ltmp67, $2  }
0x758: {  	_ =	sdelay $0x2  }
0x759: {  	s2 =	simm.s32 $0x0  }
.LBB2_87:
.Ltmp68:
0x75a: {  	(pc) =	sbr.rel .LBB2_89-.Ltmp68, $2  }
0x75b: {  	_ =	sdelay $0x2  }
0x75c: {  	s2 =	simm.s32 $0x16080  }
.LBB2_98:
0x75d: {  	_ =	sfence.sel $0x180000  }
0x75e: {  	[bflag:$0x0] =	sbarrier.arrive $0xFFFF  }
0x75f: {  	_ =	strace $0x90000047  }
0x760: {  	s0 =	stileid.u32;
	[bflag:$0x2] =	sbarrier.arrive $0xFFFF  }
0x761: {  	p0 =	sne.s32 s0, $0x0;
	s0 =	rddreg [dreg:$0x6]  }
0x762: {  	s0 =	sadd.s32 @!p0 $0x100000, s0  }
0x763: {  	[sflag:s0] =	ssyncadd.tile.s32 @!p0 $0x1;
	_ =	shalt  }
.Lfunc_end2:
_tile_overlayer_lowered:
.L_overlay_start_2:
0x764: {  	(tag) =	ssettag $0x2  }
0x765: {  	s0 =	rddreg [dreg:$0x0];
	s2 =	stileid.u32  }
0x766: {  	s1 =	rddreg [dreg:$0x1];
	p0 =	sne.s32 s2, $0x0  }
0x767: {  	s3 =	rddreg [dreg:$0x2];
	[bflag:$0x3] =	sbarrier.arrive $0xFFFF;
	s2 =	simm.s32 @!p0 $0x1C01  }
0x768: {  	[timem:s3], [sflag:s2] =	dma.local @!p0 [hbm:s0], s1  }
0x769: {  	s0 =	simm.s32 @!p0 $0x1  }
0x76a: {  	_ =	swait.ge @!p0 [sflag:s0], s1  }
0x76b: {  	s1 =	ssub.s32 @!p0 $0x0, s1;
	[sflag:s0] =	ssyncset.done @!p0 $0x0  }
0x76c: {  	[sflag:s0] =	ssyncadd.s32 @!p0 s1  }
0x76d: {  	[bflag:$0x3] =	sbarrier.arrive $0xFFFF  }
0x76e: {  	_ =	shalt  }

</sc_bundles>
